<compile_context>
chip_gen: v7x
topology: tpu7x:2x2x1
jax: 0.10.2.dev20260603
libtpu: 0.0.44.dev20260713+nightly
codegen_flags: <defaults>
</compile_context>

<pallas_src>
import functools

import jax
import jax.numpy as jnp
from jax import lax
from jax.experimental import pallas as pl
from jax.experimental.pallas import tpu as pltpu
from jax.experimental.pallas import tpu_sc as plsc

_B = 16384
_IN = 64
_HID = 128
_EMB = 32
_NU = 1000000
_NC = 2
_NS = 16
_NW = _NC * _NS
_BPW = _B // _NW
_BS = 4
_NBATCH = _BPW // _BS
_NBUF = 6


def _sc_gather_body(table_hbm, idx_hbm, out_hbm, idx_v, *scratch):
    wid = lax.axis_index("s") * _NC + lax.axis_index("c")
    base = wid * _BPW
    pltpu.sync_copy(idx_hbm.at[wid], idx_v.at[pl.ds(0, _BPW)])

    sts = scratch[:_NBUF]
    cols = scratch[_NBUF]
    sems = scratch[_NBUF + 1:]
    j16 = lax.iota(jnp.int32, 16)
    j16b = j16 + 16

    def fire(g, st, sem):
        uids = plsc.load_gather(idx_v, [g * _BS + j16])
        for m in range(_BS):
            uid = uids[m]
            cb = pl.multiple_of(uid - uid % 128, 128)
            pltpu.async_copy(
                table_hbm.at[:, pl.ds(cb, 128)],
                st.at[:, pl.ds(m * 128, 128)],
                sem,
            )

    def drain(st, sem):
        for m in range(_BS):
            pltpu.make_async_copy(
                table_hbm.at[:, pl.ds(0, 128)],
                st.at[:, pl.ds(m * 128, 128)],
                sem,
            ).wait()

    def extract(g, st):
        uids = plsc.load_gather(idx_v, [g * _BS + j16])
        for m in range(_BS):
            k = g * _BS + m
            uid = uids[m]
            col = jnp.full((16,), m * 128 + uid % 128, jnp.int32)
            dst = jnp.full((16,), k, jnp.int32)
            v0 = plsc.load_gather(st, [j16, col])
            v1 = plsc.load_gather(st, [j16b, col])
            plsc.store_scatter(cols, [j16, dst], v0)
            plsc.store_scatter(cols, [j16b, dst], v1)

    for r in range(_NBUF - 1):
        fire(r, sts[r], sems[r])

    def ring(h, carry):
        for r in range(_NBUF):
            g = _NBUF * h + r
            rn = (r + _NBUF - 1) % _NBUF

            @pl.when(g + _NBUF - 1 < _NBATCH)
            def _():
                fire(g + _NBUF - 1, sts[rn], sems[rn])

            drain(sts[r], sems[r])
            extract(g, sts[r])
        return carry

    _NFULL = _NBATCH // _NBUF
    lax.fori_loop(0, _NFULL, ring, 0)
    for g in range(_NFULL * _NBUF, _NBATCH):
        r = g % _NBUF
        drain(sts[r], sems[r])
        extract(g, sts[r])
    pltpu.sync_copy(cols, out_hbm.at[:, pl.ds(base, _BPW)])


_sc_gather = functools.partial(
    pl.kernel,
    out_type=jax.ShapeDtypeStruct((_EMB, _B), jnp.float32),
    mesh=plsc.VectorSubcoreMesh(core_axis_name="c", subcore_axis_name="s"),
    scratch_types=(
        [pltpu.VMEM((_BPW + 16,), jnp.int32)]
        + [pltpu.VMEM((_EMB, _BS * 128), jnp.float32)] * _NBUF
        + [pltpu.VMEM((_EMB, _BPW), jnp.float32)]
        + [pltpu.SemaphoreType.DMA] * _NBUF
    ),
    compiler_params=pltpu.CompilerParams(needs_layout_passes=False),
)(_sc_gather_body)


_DN0 = (((0,), (0,)), ((), ()))
_DN1 = (((1,), (1,)), ((), ()))


def _mlp_body(xt_ref, et_ref, w1x_ref, w1e_ref, b1_ref, w2_ref, b2_ref, o_ref):
    h = lax.dot_general(xt_ref[...], w1x_ref[...], _DN0,
                        preferred_element_type=jnp.float32)
    h = h + lax.dot_general(et_ref[...], w1e_ref[...], _DN0,
                            preferred_element_type=jnp.float32)
    h = jnp.maximum(h + b1_ref[...], 0.0)
    o_ref[...] = lax.dot_general(w2_ref[...], h, _DN1,
                                 preferred_element_type=jnp.float32) + b2_ref[0, 0]


def kernel(x, user_ids, emb_table, W1, b1, W2, b2):
    ids = user_ids.astype(jnp.int32).reshape(_NW, _BPW)
    table_t = emb_table.T
    et = _sc_gather(table_t, ids)

    xt = x.T
    w1t = W1.T
    w1x = w1t[:_IN]
    w1e = w1t[_IN:]

    blk = 4096
    out_t = pl.pallas_call(
        _mlp_body,
        grid=(_B // blk,),
        in_specs=[
            pl.BlockSpec((_IN, blk), lambda i: (0, i)),
            pl.BlockSpec((_EMB, blk), lambda i: (0, i)),
            pl.BlockSpec((_IN, _HID), lambda i: (0, 0)),
            pl.BlockSpec((_EMB, _HID), lambda i: (0, 0)),
            pl.BlockSpec((1, _HID), lambda i: (0, 0)),
            pl.BlockSpec((1, _HID), lambda i: (0, 0)),
            pl.BlockSpec(memory_space=pltpu.SMEM),
        ],
        out_specs=pl.BlockSpec((1, blk), lambda i: (0, i)),
        out_shape=jax.ShapeDtypeStruct((1, _B), jnp.float32),
    )(xt, et, w1x, w1e, b1.reshape(1, _HID), W2, b2.reshape(1, 1))
    return out_t.T

# --- scband reference (transcript-rebuilt; emitter-appended) ---
"""Pipeline reference for scband-neural-net-with-user-embeddings-22668837388666 (READ-ONLY COPY).

The authoritative reference and input builder live on the scoring server;
editing this copy changes nothing except your own understanding.
"""

import jax, jax.numpy as jnp
import numpy as np

B = 16384
INPUT_SIZE = 64
HIDDEN = 128
OUT = 1
NUM_USERS = 1000000
EMB = 32

def setup_inputs(seed: int = 0) -> dict:
    key = jax.random.key(seed)
    k_x, k_ids, k_tab, k_w1, k_b1, k_w2, k_b2 = jax.random.split(key, 7)
    x = jax.random.normal(k_x, (B, INPUT_SIZE), dtype=jnp.float32)
    user_ids = jax.random.randint(k_ids, (B,), 0, NUM_USERS, dtype=jnp.int64 if jax.config.jax_enable_x64 else jnp.int32)
    emb_table = jax.random.normal(k_tab, (NUM_USERS, EMB), dtype=jnp.float32)
    fan_in1 = INPUT_SIZE + EMB
    bound1 = 1.0 / np.sqrt(fan_in1)
    W1 = jax.random.uniform(k_w1, (HIDDEN, fan_in1), minval=-bound1, maxval=bound1, dtype=jnp.float32)
    b1 = jax.random.uniform(k_b1, (HIDDEN,), minval=-bound1, maxval=bound1, dtype=jnp.float32)
    bound2 = 1.0 / np.sqrt(HIDDEN)
    W2 = jax.random.uniform(k_w2, (OUT, HIDDEN), minval=-bound2, maxval=bound2, dtype=jnp.float32)
    b2 = jax.random.uniform(k_b2, (OUT,), minval=-bound2, maxval=bound2, dtype=jnp.float32)
    return {"x": x, "user_ids": user_ids, "emb_table": emb_table, "W1": W1, "b1": b1, "W2": W2, "b2": b2}

def reference(x, user_ids, emb_table, W1, b1, W2, b2):
    user_emb = jnp.take(emb_table, user_ids, axis=0)
    h = jnp.concatenate([x, user_emb], axis=1)
    h = jax.nn.relu(h @ W1.T + b1)
    out = h @ W2.T + b2
    return out

if __name__ == "__main__":
    import jax
    _d = setup_inputs()
    print(jax.jit(kernel)(*tuple(_d.values())))

</pallas_src>

<mosaic_0001>
#map = affine_map<(d0, d1) -> (0, 0)>
module attributes {stable_mosaic.version = 14 : i64} {
  func.func @_sc_gather_body(%arg0: i32, %arg1: i32, %arg2: memref<32x1000000xf32, #tpu.memory_space<hbm>>, %arg3: memref<32x512xi32, #tpu.memory_space<hbm>>, %arg4: memref<32x16384xf32, #tpu.memory_space<hbm>>, %arg5: memref<528xi32, #tpu.memory_space<vmem>>, %arg6: memref<32x512xf32, #tpu.memory_space<vmem>>, %arg7: memref<32x512xf32, #tpu.memory_space<vmem>>, %arg8: memref<32x512xf32, #tpu.memory_space<vmem>>, %arg9: memref<32x512xf32, #tpu.memory_space<vmem>>, %arg10: memref<32x512xf32, #tpu.memory_space<vmem>>, %arg11: memref<32x512xf32, #tpu.memory_space<vmem>>, %arg12: memref<32x512xf32, #tpu.memory_space<vmem>>, %arg13: memref<!tpu.dma_semaphore, #tpu.memory_space<semaphore_mem>>, %arg14: memref<!tpu.dma_semaphore, #tpu.memory_space<semaphore_mem>>, %arg15: memref<!tpu.dma_semaphore, #tpu.memory_space<semaphore_mem>>, %arg16: memref<!tpu.dma_semaphore, #tpu.memory_space<semaphore_mem>>, %arg17: memref<!tpu.dma_semaphore, #tpu.memory_space<semaphore_mem>>, %arg18: memref<!tpu.dma_semaphore, #tpu.memory_space<semaphore_mem>>) attributes {dimension_semantics = [#tpu.dimension_semantics<core_parallel>, #tpu.dimension_semantics<subcore_parallel>], iteration_bounds = array<i64: 2, 16>, scalar_prefetch = 0 : i64, scratch_operands = 14 : i64, tpu.core_type = #tpu.core_type<sc_vector_subcore>, window_params = [{transform_indices = #map}, {transform_indices = #map}, {transform_indices = #map}]} {
    %mul3A = arith.constant 2 : i32
    %mul3A_0 = arith.muli %arg1, %mul3A : i32
    %add3A = arith.addi %mul3A_0, %arg0 : i32
    %mul3A_1 = arith.constant 512 : i32
    %mul3A_2 = arith.muli %add3A, %mul3A_1 : i32
    "tpu.region"() ({
      %run_scoped3A = tpu.sem_alloc : memref<!tpu.dma_semaphore, #tpu.memory_space<semaphore_mem>>
      %dma_start3A_920 = arith.constant 0 : i32
      %dma_start3A_921 = tpu.memref_slice %arg5[%dma_start3A_920] : memref<528xi32, #tpu.memory_space<vmem>> -> memref<512xi32, #tpu.memory_space<vmem>>
      %dma_start3A_922 = arith.constant 0 : i32
      %dma_start3A_923 = tpu.memref_slice %arg3[%add3A, %dma_start3A_922] : memref<32x512xi32, #tpu.memory_space<hbm>> -> memref<1x512xi32, #tpu.memory_space<hbm>>
      %dma_start3A_924 = tpu.memref_squeeze %dma_start3A_923 : memref<1x512xi32, #tpu.memory_space<hbm>> -> memref<512xi32, #tpu.memory_space<hbm>>
      %dma_start3A_925 = arith.constant 0 : i32
      %dma_start3A_926 = tpu.memref_slice %arg5[%dma_start3A_925] : memref<528xi32, #tpu.memory_space<vmem>> -> memref<512xi32, #tpu.memory_space<vmem>>
      %dma_start3A_927 = arith.constant 0 : i32
      %dma_start3A_928 = tpu.memref_slice %arg3[%add3A, %dma_start3A_927] : memref<32x512xi32, #tpu.memory_space<hbm>> -> memref<1x512xi32, #tpu.memory_space<hbm>>
      %dma_start3A_929 = tpu.memref_squeeze %dma_start3A_928 : memref<1x512xi32, #tpu.memory_space<hbm>> -> memref<512xi32, #tpu.memory_space<hbm>>
      tpu.enqueue_dma source(%dma_start3A_929 : memref<512xi32, #tpu.memory_space<hbm>>) target(%dma_start3A_926 : memref<512xi32, #tpu.memory_space<vmem>>) target_semaphore(%run_scoped3A : memref<!tpu.dma_semaphore, #tpu.memory_space<semaphore_mem>>)
      %dma_wait3A_930 = arith.constant 0 : i32
      %dma_wait3A_931 = tpu.memref_slice %arg5[%dma_wait3A_930] : memref<528xi32, #tpu.memory_space<vmem>> -> memref<512xi32, #tpu.memory_space<vmem>>
      %dma_wait3A_932 = arith.constant 0 : i32
      %dma_wait3A_933 = tpu.memref_slice %arg3[%add3A, %dma_wait3A_932] : memref<32x512xi32, #tpu.memory_space<hbm>> -> memref<1x512xi32, #tpu.memory_space<hbm>>
      %dma_wait3A_934 = tpu.memref_squeeze %dma_wait3A_933 : memref<1x512xi32, #tpu.memory_space<hbm>> -> memref<512xi32, #tpu.memory_space<hbm>>
      %dma_wait3A_935 = arith.constant 0 : i32
      %dma_wait3A_936 = tpu.memref_slice %arg5[%dma_wait3A_935] : memref<528xi32, #tpu.memory_space<vmem>> -> memref<512xi32, #tpu.memory_space<vmem>>
      %dma_wait3A_937 = arith.constant 0 : i32
      %dma_wait3A_938 = tpu.memref_slice %arg3[%add3A, %dma_wait3A_937] : memref<32x512xi32, #tpu.memory_space<hbm>> -> memref<1x512xi32, #tpu.memory_space<hbm>>
      %dma_wait3A_939 = tpu.memref_squeeze %dma_wait3A_938 : memref<1x512xi32, #tpu.memory_space<hbm>> -> memref<512xi32, #tpu.memory_space<hbm>>
      tpu.wait_dma2 semaphore(%run_scoped3A : memref<!tpu.dma_semaphore, #tpu.memory_space<semaphore_mem>>) src(%dma_wait3A_939 : memref<512xi32, #tpu.memory_space<hbm>>) dst(%dma_wait3A_936 : memref<512xi32, #tpu.memory_space<vmem>>)
      tpu.yield
    }) : () -> ()
    %iota3A = tpu.iota {dimensions = array<i32: 0>} : vector<16xi32>
    %add3A_3 = arith.constant 16 : i32
    %add3A_4 = vector.broadcast %add3A_3 : i32 to vector<16xi32>
    %add3A_5 = arith.addi %iota3A, %add3A_4 : vector<16xi32>
    %add3A_6 = arith.constant 0 : i32
    %add3A_7 = vector.broadcast %add3A_6 : i32 to vector<16xi32>
    %add3A_8 = arith.addi %add3A_7, %iota3A : vector<16xi32>
    %gather3A = tpu.vector_load_idx %arg5[%add3A_8] : memref<528xi32, #tpu.memory_space<vmem>>[vector<16xi32>], vector<16xi32>,
    %slice3A = vector.extract_strided_slice %gather3A {offsets = [0], sizes = [1], strides = [1]} : vector<16xi32> to vector<1xi32>
    %squeeze3A = vector.extract %slice3A[0] : i32 from vector<1xi32>
    %jit3A = arith.constant 128 : i32
    %eq3A = arith.constant 0 : i32
    %eq3A_9 = arith.cmpi eq, %jit3A, %eq3A : i32
    %jit3A_10 = arith.constant 1 : i32
    %select_n3A = arith.select %eq3A_9, %jit3A_10, %jit3A : i32
    %rem3A = arith.remsi %squeeze3A, %select_n3A : i32
    %ne3A = arith.constant 0 : i32
    %ne3A_11 = arith.cmpi ne, %rem3A, %ne3A : i32
    %lt3A = arith.constant 0 : i32
    %lt3A_12 = arith.cmpi slt, %rem3A, %lt3A : i32
    %lt3A_13 = arith.constant 0 : i32
    %lt3A_14 = arith.cmpi slt, %select_n3A, %lt3A_13 : i32
    %ne3A_15 = arith.xori %lt3A_12, %lt3A_14 : i1
    %and3A = arith.andi %ne3A_15, %ne3A_11 : i1
    %add3A_16 = arith.addi %rem3A, %select_n3A : i32
    %select_n3A_17 = arith.select %and3A, %add3A_16, %rem3A : i32
    %sub3A = arith.subi %squeeze3A, %select_n3A_17 : i32
    %multiple_of3A = tpu.assume_multiple %sub3A, 128 : i32
    %dma_start3A = arith.constant 0 : i32
    %dma_start3A_18 = arith.constant 0 : i32
    %dma_start3A_19 = tpu.memref_slice %arg6[%dma_start3A, %dma_start3A_18] : memref<32x512xf32, #tpu.memory_space<vmem>> -> memref<32x128xf32, #tpu.memory_space<vmem>>
    %dma_start3A_20 = arith.constant 0 : i32
    %dma_start3A_21 = tpu.memref_slice %arg2[%dma_start3A_20, %multiple_of3A] : memref<32x1000000xf32, #tpu.memory_space<hbm>> -> memref<32x128xf32, #tpu.memory_space<hbm>>
    %dma_start3A_22 = arith.constant 0 : i32
    %dma_start3A_23 = arith.constant 0 : i32
    %dma_start3A_24 = tpu.memref_slice %arg6[%dma_start3A_22, %dma_start3A_23] : memref<32x512xf32, #tpu.memory_space<vmem>> -> memref<32x128xf32, #tpu.memory_space<vmem>>
    %dma_start3A_25 = arith.constant 0 : i32
    %dma_start3A_26 = tpu.memref_slice %arg2[%dma_start3A_25, %multiple_of3A] : memref<32x1000000xf32, #tpu.memory_space<hbm>> -> memref<32x128xf32, #tpu.memory_space<hbm>>
    tpu.enqueue_dma source(%dma_start3A_26 : memref<32x128xf32, #tpu.memory_space<hbm>>) target(%dma_start3A_24 : memref<32x128xf32, #tpu.memory_space<vmem>>) target_semaphore(%arg13 : memref<!tpu.dma_semaphore, #tpu.memory_space<semaphore_mem>>)
    %slice3A_27 = vector.extract_strided_slice %gather3A {offsets = [1], sizes = [1], strides = [1]} : vector<16xi32> to vector<1xi32>
    %squeeze3A_28 = vector.extract %slice3A_27[0] : i32 from vector<1xi32>
    %jit3A_29 = arith.constant 128 : i32
    %eq3A_30 = arith.constant 0 : i32
    %eq3A_31 = arith.cmpi eq, %jit3A_29, %eq3A_30 : i32
    %jit3A_32 = arith.constant 1 : i32
    %select_n3A_33 = arith.select %eq3A_31, %jit3A_32, %jit3A_29 : i32
    %rem3A_34 = arith.remsi %squeeze3A_28, %select_n3A_33 : i32
    %ne3A_35 = arith.constant 0 : i32
    %ne3A_36 = arith.cmpi ne, %rem3A_34, %ne3A_35 : i32
    %lt3A_37 = arith.constant 0 : i32
    %lt3A_38 = arith.cmpi slt, %rem3A_34, %lt3A_37 : i32
    %lt3A_39 = arith.constant 0 : i32
    %lt3A_40 = arith.cmpi slt, %select_n3A_33, %lt3A_39 : i32
    %ne3A_41 = arith.xori %lt3A_38, %lt3A_40 : i1
    %and3A_42 = arith.andi %ne3A_41, %ne3A_36 : i1
    %add3A_43 = arith.addi %rem3A_34, %select_n3A_33 : i32
    %select_n3A_44 = arith.select %and3A_42, %add3A_43, %rem3A_34 : i32
    %sub3A_45 = arith.subi %squeeze3A_28, %select_n3A_44 : i32
    %multiple_of3A_46 = tpu.assume_multiple %sub3A_45, 128 : i32
    %dma_start3A_47 = arith.constant 0 : i32
    %dma_start3A_48 = arith.constant 128 : i32
    %dma_start3A_49 = tpu.memref_slice %arg6[%dma_start3A_47, %dma_start3A_48] : memref<32x512xf32, #tpu.memory_space<vmem>> -> memref<32x128xf32, #tpu.memory_space<vmem>>
    %dma_start3A_50 = arith.constant 0 : i32
    %dma_start3A_51 = tpu.memref_slice %arg2[%dma_start3A_50, %multiple_of3A_46] : memref<32x1000000xf32, #tpu.memory_space<hbm>> -> memref<32x128xf32, #tpu.memory_space<hbm>>
    %dma_start3A_52 = arith.constant 0 : i32
    %dma_start3A_53 = arith.constant 128 : i32
    %dma_start3A_54 = tpu.memref_slice %arg6[%dma_start3A_52, %dma_start3A_53] : memref<32x512xf32, #tpu.memory_space<vmem>> -> memref<32x128xf32, #tpu.memory_space<vmem>>
    %dma_start3A_55 = arith.constant 0 : i32
    %dma_start3A_56 = tpu.memref_slice %arg2[%dma_start3A_55, %multiple_of3A_46] : memref<32x1000000xf32, #tpu.memory_space<hbm>> -> memref<32x128xf32, #tpu.memory_space<hbm>>
    tpu.enqueue_dma source(%dma_start3A_56 : memref<32x128xf32, #tpu.memory_space<hbm>>) target(%dma_start3A_54 : memref<32x128xf32, #tpu.memory_space<vmem>>) target_semaphore(%arg13 : memref<!tpu.dma_semaphore, #tpu.memory_space<semaphore_mem>>)
    %slice3A_57 = vector.extract_strided_slice %gather3A {offsets = [2], sizes = [1], strides = [1]} : vector<16xi32> to vector<1xi32>
    %squeeze3A_58 = vector.extract %slice3A_57[0] : i32 from vector<1xi32>
    %jit3A_59 = arith.constant 128 : i32
    %eq3A_60 = arith.constant 0 : i32
    %eq3A_61 = arith.cmpi eq, %jit3A_59, %eq3A_60 : i32
    %jit3A_62 = arith.constant 1 : i32
    %select_n3A_63 = arith.select %eq3A_61, %jit3A_62, %jit3A_59 : i32
    %rem3A_64 = arith.remsi %squeeze3A_58, %select_n3A_63 : i32
    %ne3A_65 = arith.constant 0 : i32
    %ne3A_66 = arith.cmpi ne, %rem3A_64, %ne3A_65 : i32
    %lt3A_67 = arith.constant 0 : i32
    %lt3A_68 = arith.cmpi slt, %rem3A_64, %lt3A_67 : i32
    %lt3A_69 = arith.constant 0 : i32
    %lt3A_70 = arith.cmpi slt, %select_n3A_63, %lt3A_69 : i32
    %ne3A_71 = arith.xori %lt3A_68, %lt3A_70 : i1
    %and3A_72 = arith.andi %ne3A_71, %ne3A_66 : i1
    %add3A_73 = arith.addi %rem3A_64, %select_n3A_63 : i32
    %select_n3A_74 = arith.select %and3A_72, %add3A_73, %rem3A_64 : i32
    %sub3A_75 = arith.subi %squeeze3A_58, %select_n3A_74 : i32
    %multiple_of3A_76 = tpu.assume_multiple %sub3A_75, 128 : i32
    %dma_start3A_77 = arith.constant 0 : i32
    %dma_start3A_78 = arith.constant 256 : i32
    %dma_start3A_79 = tpu.memref_slice %arg6[%dma_start3A_77, %dma_start3A_78] : memref<32x512xf32, #tpu.memory_space<vmem>> -> memref<32x128xf32, #tpu.memory_space<vmem>>
    %dma_start3A_80 = arith.constant 0 : i32
    %dma_start3A_81 = tpu.memref_slice %arg2[%dma_start3A_80, %multiple_of3A_76] : memref<32x1000000xf32, #tpu.memory_space<hbm>> -> memref<32x128xf32, #tpu.memory_space<hbm>>
    %dma_start3A_82 = arith.constant 0 : i32
    %dma_start3A_83 = arith.constant 256 : i32
    %dma_start3A_84 = tpu.memref_slice %arg6[%dma_start3A_82, %dma_start3A_83] : memref<32x512xf32, #tpu.memory_space<vmem>> -> memref<32x128xf32, #tpu.memory_space<vmem>>
    %dma_start3A_85 = arith.constant 0 : i32
    %dma_start3A_86 = tpu.memref_slice %arg2[%dma_start3A_85, %multiple_of3A_76] : memref<32x1000000xf32, #tpu.memory_space<hbm>> -> memref<32x128xf32, #tpu.memory_space<hbm>>
    tpu.enqueue_dma source(%dma_start3A_86 : memref<32x128xf32, #tpu.memory_space<hbm>>) target(%dma_start3A_84 : memref<32x128xf32, #tpu.memory_space<vmem>>) target_semaphore(%arg13 : memref<!tpu.dma_semaphore, #tpu.memory_space<semaphore_mem>>)
    %slice3A_87 = vector.extract_strided_slice %gather3A {offsets = [3], sizes = [1], strides = [1]} : vector<16xi32> to vector<1xi32>
    %squeeze3A_88 = vector.extract %slice3A_87[0] : i32 from vector<1xi32>
    %jit3A_89 = arith.constant 128 : i32
    %eq3A_90 = arith.constant 0 : i32
    %eq3A_91 = arith.cmpi eq, %jit3A_89, %eq3A_90 : i32
    %jit3A_92 = arith.constant 1 : i32
    %select_n3A_93 = arith.select %eq3A_91, %jit3A_92, %jit3A_89 : i32
    %rem3A_94 = arith.remsi %squeeze3A_88, %select_n3A_93 : i32
    %ne3A_95 = arith.constant 0 : i32
    %ne3A_96 = arith.cmpi ne, %rem3A_94, %ne3A_95 : i32
    %lt3A_97 = arith.constant 0 : i32
    %lt3A_98 = arith.cmpi slt, %rem3A_94, %lt3A_97 : i32
    %lt3A_99 = arith.constant 0 : i32
    %lt3A_100 = arith.cmpi slt, %select_n3A_93, %lt3A_99 : i32
    %ne3A_101 = arith.xori %lt3A_98, %lt3A_100 : i1
    %and3A_102 = arith.andi %ne3A_101, %ne3A_96 : i1
    %add3A_103 = arith.addi %rem3A_94, %select_n3A_93 : i32
    %select_n3A_104 = arith.select %and3A_102, %add3A_103, %rem3A_94 : i32
    %sub3A_105 = arith.subi %squeeze3A_88, %select_n3A_104 : i32
    %multiple_of3A_106 = tpu.assume_multiple %sub3A_105, 128 : i32
    %dma_start3A_107 = arith.constant 0 : i32
    %dma_start3A_108 = arith.constant 384 : i32
    %dma_start3A_109 = tpu.memref_slice %arg6[%dma_start3A_107, %dma_start3A_108] : memref<32x512xf32, #tpu.memory_space<vmem>> -> memref<32x128xf32, #tpu.memory_space<vmem>>
    %dma_start3A_110 = arith.constant 0 : i32
    %dma_start3A_111 = tpu.memref_slice %arg2[%dma_start3A_110, %multiple_of3A_106] : memref<32x1000000xf32, #tpu.memory_space<hbm>> -> memref<32x128xf32, #tpu.memory_space<hbm>>
    %dma_start3A_112 = arith.constant 0 : i32
    %dma_start3A_113 = arith.constant 384 : i32
    %dma_start3A_114 = tpu.memref_slice %arg6[%dma_start3A_112, %dma_start3A_113] : memref<32x512xf32, #tpu.memory_space<vmem>> -> memref<32x128xf32, #tpu.memory_space<vmem>>
    %dma_start3A_115 = arith.constant 0 : i32
    %dma_start3A_116 = tpu.memref_slice %arg2[%dma_start3A_115, %multiple_of3A_106] : memref<32x1000000xf32, #tpu.memory_space<hbm>> -> memref<32x128xf32, #tpu.memory_space<hbm>>
    tpu.enqueue_dma source(%dma_start3A_116 : memref<32x128xf32, #tpu.memory_space<hbm>>) target(%dma_start3A_114 : memref<32x128xf32, #tpu.memory_space<vmem>>) target_semaphore(%arg13 : memref<!tpu.dma_semaphore, #tpu.memory_space<semaphore_mem>>)
    %add3A_117 = arith.constant 4 : i32
    %add3A_118 = vector.broadcast %add3A_117 : i32 to vector<16xi32>
    %add3A_119 = arith.addi %add3A_118, %iota3A : vector<16xi32>
    %gather3A_120 = tpu.vector_load_idx %arg5[%add3A_119] : memref<528xi32, #tpu.memory_space<vmem>>[vector<16xi32>], vector<16xi32>,
    %slice3A_121 = vector.extract_strided_slice %gather3A_120 {offsets = [0], sizes = [1], strides = [1]} : vector<16xi32> to vector<1xi32>
    %squeeze3A_122 = vector.extract %slice3A_121[0] : i32 from vector<1xi32>
    %jit3A_123 = arith.constant 128 : i32
    %eq3A_124 = arith.constant 0 : i32
    %eq3A_125 = arith.cmpi eq, %jit3A_123, %eq3A_124 : i32
    %jit3A_126 = arith.constant 1 : i32
    %select_n3A_127 = arith.select %eq3A_125, %jit3A_126, %jit3A_123 : i32
    %rem3A_128 = arith.remsi %squeeze3A_122, %select_n3A_127 : i32
    %ne3A_129 = arith.constant 0 : i32
    %ne3A_130 = arith.cmpi ne, %rem3A_128, %ne3A_129 : i32
    %lt3A_131 = arith.constant 0 : i32
    %lt3A_132 = arith.cmpi slt, %rem3A_128, %lt3A_131 : i32
    %lt3A_133 = arith.constant 0 : i32
    %lt3A_134 = arith.cmpi slt, %select_n3A_127, %lt3A_133 : i32
    %ne3A_135 = arith.xori %lt3A_132, %lt3A_134 : i1
    %and3A_136 = arith.andi %ne3A_135, %ne3A_130 : i1
    %add3A_137 = arith.addi %rem3A_128, %select_n3A_127 : i32
    %select_n3A_138 = arith.select %and3A_136, %add3A_137, %rem3A_128 : i32
    %sub3A_139 = arith.subi %squeeze3A_122, %select_n3A_138 : i32
    %multiple_of3A_140 = tpu.assume_multiple %sub3A_139, 128 : i32
    %dma_start3A_141 = arith.constant 0 : i32
    %dma_start3A_142 = arith.constant 0 : i32
    %dma_start3A_143 = tpu.memref_slice %arg7[%dma_start3A_141, %dma_start3A_142] : memref<32x512xf32, #tpu.memory_space<vmem>> -> memref<32x128xf32, #tpu.memory_space<vmem>>
    %dma_start3A_144 = arith.constant 0 : i32
    %dma_start3A_145 = tpu.memref_slice %arg2[%dma_start3A_144, %multiple_of3A_140] : memref<32x1000000xf32, #tpu.memory_space<hbm>> -> memref<32x128xf32, #tpu.memory_space<hbm>>
    %dma_start3A_146 = arith.constant 0 : i32
    %dma_start3A_147 = arith.constant 0 : i32
    %dma_start3A_148 = tpu.memref_slice %arg7[%dma_start3A_146, %dma_start3A_147] : memref<32x512xf32, #tpu.memory_space<vmem>> -> memref<32x128xf32, #tpu.memory_space<vmem>>
    %dma_start3A_149 = arith.constant 0 : i32
    %dma_start3A_150 = tpu.memref_slice %arg2[%dma_start3A_149, %multiple_of3A_140] : memref<32x1000000xf32, #tpu.memory_space<hbm>> -> memref<32x128xf32, #tpu.memory_space<hbm>>
    tpu.enqueue_dma source(%dma_start3A_150 : memref<32x128xf32, #tpu.memory_space<hbm>>) target(%dma_start3A_148 : memref<32x128xf32, #tpu.memory_space<vmem>>) target_semaphore(%arg14 : memref<!tpu.dma_semaphore, #tpu.memory_space<semaphore_mem>>)
    %slice3A_151 = vector.extract_strided_slice %gather3A_120 {offsets = [1], sizes = [1], strides = [1]} : vector<16xi32> to vector<1xi32>
    %squeeze3A_152 = vector.extract %slice3A_151[0] : i32 from vector<1xi32>
    %jit3A_153 = arith.constant 128 : i32
    %eq3A_154 = arith.constant 0 : i32
    %eq3A_155 = arith.cmpi eq, %jit3A_153, %eq3A_154 : i32
    %jit3A_156 = arith.constant 1 : i32
    %select_n3A_157 = arith.select %eq3A_155, %jit3A_156, %jit3A_153 : i32
    %rem3A_158 = arith.remsi %squeeze3A_152, %select_n3A_157 : i32
    %ne3A_159 = arith.constant 0 : i32
    %ne3A_160 = arith.cmpi ne, %rem3A_158, %ne3A_159 : i32
    %lt3A_161 = arith.constant 0 : i32
    %lt3A_162 = arith.cmpi slt, %rem3A_158, %lt3A_161 : i32
    %lt3A_163 = arith.constant 0 : i32
    %lt3A_164 = arith.cmpi slt, %select_n3A_157, %lt3A_163 : i32
    %ne3A_165 = arith.xori %lt3A_162, %lt3A_164 : i1
    %and3A_166 = arith.andi %ne3A_165, %ne3A_160 : i1
    %add3A_167 = arith.addi %rem3A_158, %select_n3A_157 : i32
    %select_n3A_168 = arith.select %and3A_166, %add3A_167, %rem3A_158 : i32
    %sub3A_169 = arith.subi %squeeze3A_152, %select_n3A_168 : i32
    %multiple_of3A_170 = tpu.assume_multiple %sub3A_169, 128 : i32
    %dma_start3A_171 = arith.constant 0 : i32
    %dma_start3A_172 = arith.constant 128 : i32
    %dma_start3A_173 = tpu.memref_slice %arg7[%dma_start3A_171, %dma_start3A_172] : memref<32x512xf32, #tpu.memory_space<vmem>> -> memref<32x128xf32, #tpu.memory_space<vmem>>
    %dma_start3A_174 = arith.constant 0 : i32
    %dma_start3A_175 = tpu.memref_slice %arg2[%dma_start3A_174, %multiple_of3A_170] : memref<32x1000000xf32, #tpu.memory_space<hbm>> -> memref<32x128xf32, #tpu.memory_space<hbm>>
    %dma_start3A_176 = arith.constant 0 : i32
    %dma_start3A_177 = arith.constant 128 : i32
    %dma_start3A_178 = tpu.memref_slice %arg7[%dma_start3A_176, %dma_start3A_177] : memref<32x512xf32, #tpu.memory_space<vmem>> -> memref<32x128xf32, #tpu.memory_space<vmem>>
    %dma_start3A_179 = arith.constant 0 : i32
    %dma_start3A_180 = tpu.memref_slice %arg2[%dma_start3A_179, %multiple_of3A_170] : memref<32x1000000xf32, #tpu.memory_space<hbm>> -> memref<32x128xf32, #tpu.memory_space<hbm>>
    tpu.enqueue_dma source(%dma_start3A_180 : memref<32x128xf32, #tpu.memory_space<hbm>>) target(%dma_start3A_178 : memref<32x128xf32, #tpu.memory_space<vmem>>) target_semaphore(%arg14 : memref<!tpu.dma_semaphore, #tpu.memory_space<semaphore_mem>>)
    %slice3A_181 = vector.extract_strided_slice %gather3A_120 {offsets = [2], sizes = [1], strides = [1]} : vector<16xi32> to vector<1xi32>
    %squeeze3A_182 = vector.extract %slice3A_181[0] : i32 from vector<1xi32>
    %jit3A_183 = arith.constant 128 : i32
    %eq3A_184 = arith.constant 0 : i32
    %eq3A_185 = arith.cmpi eq, %jit3A_183, %eq3A_184 : i32
    %jit3A_186 = arith.constant 1 : i32
    %select_n3A_187 = arith.select %eq3A_185, %jit3A_186, %jit3A_183 : i32
    %rem3A_188 = arith.remsi %squeeze3A_182, %select_n3A_187 : i32
    %ne3A_189 = arith.constant 0 : i32
    %ne3A_190 = arith.cmpi ne, %rem3A_188, %ne3A_189 : i32
    %lt3A_191 = arith.constant 0 : i32
    %lt3A_192 = arith.cmpi slt, %rem3A_188, %lt3A_191 : i32
    %lt3A_193 = arith.constant 0 : i32
    %lt3A_194 = arith.cmpi slt, %select_n3A_187, %lt3A_193 : i32
    %ne3A_195 = arith.xori %lt3A_192, %lt3A_194 : i1
    %and3A_196 = arith.andi %ne3A_195, %ne3A_190 : i1
    %add3A_197 = arith.addi %rem3A_188, %select_n3A_187 : i32
    %select_n3A_198 = arith.select %and3A_196, %add3A_197, %rem3A_188 : i32
    %sub3A_199 = arith.subi %squeeze3A_182, %select_n3A_198 : i32
    %multiple_of3A_200 = tpu.assume_multiple %sub3A_199, 128 : i32
    %dma_start3A_201 = arith.constant 0 : i32
    %dma_start3A_202 = arith.constant 256 : i32
    %dma_start3A_203 = tpu.memref_slice %arg7[%dma_start3A_201, %dma_start3A_202] : memref<32x512xf32, #tpu.memory_space<vmem>> -> memref<32x128xf32, #tpu.memory_space<vmem>>
    %dma_start3A_204 = arith.constant 0 : i32
    %dma_start3A_205 = tpu.memref_slice %arg2[%dma_start3A_204, %multiple_of3A_200] : memref<32x1000000xf32, #tpu.memory_space<hbm>> -> memref<32x128xf32, #tpu.memory_space<hbm>>
    %dma_start3A_206 = arith.constant 0 : i32
    %dma_start3A_207 = arith.constant 256 : i32
    %dma_start3A_208 = tpu.memref_slice %arg7[%dma_start3A_206, %dma_start3A_207] : memref<32x512xf32, #tpu.memory_space<vmem>> -> memref<32x128xf32, #tpu.memory_space<vmem>>
    %dma_start3A_209 = arith.constant 0 : i32
    %dma_start3A_210 = tpu.memref_slice %arg2[%dma_start3A_209, %multiple_of3A_200] : memref<32x1000000xf32, #tpu.memory_space<hbm>> -> memref<32x128xf32, #tpu.memory_space<hbm>>
    tpu.enqueue_dma source(%dma_start3A_210 : memref<32x128xf32, #tpu.memory_space<hbm>>) target(%dma_start3A_208 : memref<32x128xf32, #tpu.memory_space<vmem>>) target_semaphore(%arg14 : memref<!tpu.dma_semaphore, #tpu.memory_space<semaphore_mem>>)
    %slice3A_211 = vector.extract_strided_slice %gather3A_120 {offsets = [3], sizes = [1], strides = [1]} : vector<16xi32> to vector<1xi32>
    %squeeze3A_212 = vector.extract %slice3A_211[0] : i32 from vector<1xi32>
    %jit3A_213 = arith.constant 128 : i32
    %eq3A_214 = arith.constant 0 : i32
    %eq3A_215 = arith.cmpi eq, %jit3A_213, %eq3A_214 : i32
    %jit3A_216 = arith.constant 1 : i32
    %select_n3A_217 = arith.select %eq3A_215, %jit3A_216, %jit3A_213 : i32
    %rem3A_218 = arith.remsi %squeeze3A_212, %select_n3A_217 : i32
    %ne3A_219 = arith.constant 0 : i32
    %ne3A_220 = arith.cmpi ne, %rem3A_218, %ne3A_219 : i32
    %lt3A_221 = arith.constant 0 : i32
    %lt3A_222 = arith.cmpi slt, %rem3A_218, %lt3A_221 : i32
    %lt3A_223 = arith.constant 0 : i32
    %lt3A_224 = arith.cmpi slt, %select_n3A_217, %lt3A_223 : i32
    %ne3A_225 = arith.xori %lt3A_222, %lt3A_224 : i1
    %and3A_226 = arith.andi %ne3A_225, %ne3A_220 : i1
    %add3A_227 = arith.addi %rem3A_218, %select_n3A_217 : i32
    %select_n3A_228 = arith.select %and3A_226, %add3A_227, %rem3A_218 : i32
    %sub3A_229 = arith.subi %squeeze3A_212, %select_n3A_228 : i32
    %multiple_of3A_230 = tpu.assume_multiple %sub3A_229, 128 : i32
    %dma_start3A_231 = arith.constant 0 : i32
    %dma_start3A_232 = arith.constant 384 : i32
    %dma_start3A_233 = tpu.memref_slice %arg7[%dma_start3A_231, %dma_start3A_232] : memref<32x512xf32, #tpu.memory_space<vmem>> -> memref<32x128xf32, #tpu.memory_space<vmem>>
    %dma_start3A_234 = arith.constant 0 : i32
    %dma_start3A_235 = tpu.memref_slice %arg2[%dma_start3A_234, %multiple_of3A_230] : memref<32x1000000xf32, #tpu.memory_space<hbm>> -> memref<32x128xf32, #tpu.memory_space<hbm>>
    %dma_start3A_236 = arith.constant 0 : i32
    %dma_start3A_237 = arith.constant 384 : i32
    %dma_start3A_238 = tpu.memref_slice %arg7[%dma_start3A_236, %dma_start3A_237] : memref<32x512xf32, #tpu.memory_space<vmem>> -> memref<32x128xf32, #tpu.memory_space<vmem>>
    %dma_start3A_239 = arith.constant 0 : i32
    %dma_start3A_240 = tpu.memref_slice %arg2[%dma_start3A_239, %multiple_of3A_230] : memref<32x1000000xf32, #tpu.memory_space<hbm>> -> memref<32x128xf32, #tpu.memory_space<hbm>>
    tpu.enqueue_dma source(%dma_start3A_240 : memref<32x128xf32, #tpu.memory_space<hbm>>) target(%dma_start3A_238 : memref<32x128xf32, #tpu.memory_space<vmem>>) target_semaphore(%arg14 : memref<!tpu.dma_semaphore, #tpu.memory_space<semaphore_mem>>)
    %add3A_241 = arith.constant 8 : i32
    %add3A_242 = vector.broadcast %add3A_241 : i32 to vector<16xi32>
    %add3A_243 = arith.addi %add3A_242, %iota3A : vector<16xi32>
    %gather3A_244 = tpu.vector_load_idx %arg5[%add3A_243] : memref<528xi32, #tpu.memory_space<vmem>>[vector<16xi32>], vector<16xi32>,
    %slice3A_245 = vector.extract_strided_slice %gather3A_244 {offsets = [0], sizes = [1], strides = [1]} : vector<16xi32> to vector<1xi32>
    %squeeze3A_246 = vector.extract %slice3A_245[0] : i32 from vector<1xi32>
    %jit3A_247 = arith.constant 128 : i32
    %eq3A_248 = arith.constant 0 : i32
    %eq3A_249 = arith.cmpi eq, %jit3A_247, %eq3A_248 : i32
    %jit3A_250 = arith.constant 1 : i32
    %select_n3A_251 = arith.select %eq3A_249, %jit3A_250, %jit3A_247 : i32
    %rem3A_252 = arith.remsi %squeeze3A_246, %select_n3A_251 : i32
    %ne3A_253 = arith.constant 0 : i32
    %ne3A_254 = arith.cmpi ne, %rem3A_252, %ne3A_253 : i32
    %lt3A_255 = arith.constant 0 : i32
    %lt3A_256 = arith.cmpi slt, %rem3A_252, %lt3A_255 : i32
    %lt3A_257 = arith.constant 0 : i32
    %lt3A_258 = arith.cmpi slt, %select_n3A_251, %lt3A_257 : i32
    %ne3A_259 = arith.xori %lt3A_256, %lt3A_258 : i1
    %and3A_260 = arith.andi %ne3A_259, %ne3A_254 : i1
    %add3A_261 = arith.addi %rem3A_252, %select_n3A_251 : i32
    %select_n3A_262 = arith.select %and3A_260, %add3A_261, %rem3A_252 : i32
    %sub3A_263 = arith.subi %squeeze3A_246, %select_n3A_262 : i32
    %multiple_of3A_264 = tpu.assume_multiple %sub3A_263, 128 : i32
    %dma_start3A_265 = arith.constant 0 : i32
    %dma_start3A_266 = arith.constant 0 : i32
    %dma_start3A_267 = tpu.memref_slice %arg8[%dma_start3A_265, %dma_start3A_266] : memref<32x512xf32, #tpu.memory_space<vmem>> -> memref<32x128xf32, #tpu.memory_space<vmem>>
    %dma_start3A_268 = arith.constant 0 : i32
    %dma_start3A_269 = tpu.memref_slice %arg2[%dma_start3A_268, %multiple_of3A_264] : memref<32x1000000xf32, #tpu.memory_space<hbm>> -> memref<32x128xf32, #tpu.memory_space<hbm>>
    %dma_start3A_270 = arith.constant 0 : i32
    %dma_start3A_271 = arith.constant 0 : i32
    %dma_start3A_272 = tpu.memref_slice %arg8[%dma_start3A_270, %dma_start3A_271] : memref<32x512xf32, #tpu.memory_space<vmem>> -> memref<32x128xf32, #tpu.memory_space<vmem>>
    %dma_start3A_273 = arith.constant 0 : i32
    %dma_start3A_274 = tpu.memref_slice %arg2[%dma_start3A_273, %multiple_of3A_264] : memref<32x1000000xf32, #tpu.memory_space<hbm>> -> memref<32x128xf32, #tpu.memory_space<hbm>>
    tpu.enqueue_dma source(%dma_start3A_274 : memref<32x128xf32, #tpu.memory_space<hbm>>) target(%dma_start3A_272 : memref<32x128xf32, #tpu.memory_space<vmem>>) target_semaphore(%arg15 : memref<!tpu.dma_semaphore, #tpu.memory_space<semaphore_mem>>)
    %slice3A_275 = vector.extract_strided_slice %gather3A_244 {offsets = [1], sizes = [1], strides = [1]} : vector<16xi32> to vector<1xi32>
    %squeeze3A_276 = vector.extract %slice3A_275[0] : i32 from vector<1xi32>
    %jit3A_277 = arith.constant 128 : i32
    %eq3A_278 = arith.constant 0 : i32
    %eq3A_279 = arith.cmpi eq, %jit3A_277, %eq3A_278 : i32
    %jit3A_280 = arith.constant 1 : i32
    %select_n3A_281 = arith.select %eq3A_279, %jit3A_280, %jit3A_277 : i32
    %rem3A_282 = arith.remsi %squeeze3A_276, %select_n3A_281 : i32
    %ne3A_283 = arith.constant 0 : i32
    %ne3A_284 = arith.cmpi ne, %rem3A_282, %ne3A_283 : i32
    %lt3A_285 = arith.constant 0 : i32
    %lt3A_286 = arith.cmpi slt, %rem3A_282, %lt3A_285 : i32
    %lt3A_287 = arith.constant 0 : i32
    %lt3A_288 = arith.cmpi slt, %select_n3A_281, %lt3A_287 : i32
    %ne3A_289 = arith.xori %lt3A_286, %lt3A_288 : i1
    %and3A_290 = arith.andi %ne3A_289, %ne3A_284 : i1
    %add3A_291 = arith.addi %rem3A_282, %select_n3A_281 : i32
    %select_n3A_292 = arith.select %and3A_290, %add3A_291, %rem3A_282 : i32
    %sub3A_293 = arith.subi %squeeze3A_276, %select_n3A_292 : i32
    %multiple_of3A_294 = tpu.assume_multiple %sub3A_293, 128 : i32
    %dma_start3A_295 = arith.constant 0 : i32
    %dma_start3A_296 = arith.constant 128 : i32
    %dma_start3A_297 = tpu.memref_slice %arg8[%dma_start3A_295, %dma_start3A_296] : memref<32x512xf32, #tpu.memory_space<vmem>> -> memref<32x128xf32, #tpu.memory_space<vmem>>
    %dma_start3A_298 = arith.constant 0 : i32
    %dma_start3A_299 = tpu.memref_slice %arg2[%dma_start3A_298, %multiple_of3A_294] : memref<32x1000000xf32, #tpu.memory_space<hbm>> -> memref<32x128xf32, #tpu.memory_space<hbm>>
    %dma_start3A_300 = arith.constant 0 : i32
    %dma_start3A_301 = arith.constant 128 : i32
    %dma_start3A_302 = tpu.memref_slice %arg8[%dma_start3A_300, %dma_start3A_301] : memref<32x512xf32, #tpu.memory_space<vmem>> -> memref<32x128xf32, #tpu.memory_space<vmem>>
    %dma_start3A_303 = arith.constant 0 : i32
    %dma_start3A_304 = tpu.memref_slice %arg2[%dma_start3A_303, %multiple_of3A_294] : memref<32x1000000xf32, #tpu.memory_space<hbm>> -> memref<32x128xf32, #tpu.memory_space<hbm>>
    tpu.enqueue_dma source(%dma_start3A_304 : memref<32x128xf32, #tpu.memory_space<hbm>>) target(%dma_start3A_302 : memref<32x128xf32, #tpu.memory_space<vmem>>) target_semaphore(%arg15 : memref<!tpu.dma_semaphore, #tpu.memory_space<semaphore_mem>>)
    %slice3A_305 = vector.extract_strided_slice %gather3A_244 {offsets = [2], sizes = [1], strides = [1]} : vector<16xi32> to vector<1xi32>
    %squeeze3A_306 = vector.extract %slice3A_305[0] : i32 from vector<1xi32>
    %jit3A_307 = arith.constant 128 : i32
    %eq3A_308 = arith.constant 0 : i32
    %eq3A_309 = arith.cmpi eq, %jit3A_307, %eq3A_308 : i32
    %jit3A_310 = arith.constant 1 : i32
    %select_n3A_311 = arith.select %eq3A_309, %jit3A_310, %jit3A_307 : i32
    %rem3A_312 = arith.remsi %squeeze3A_306, %select_n3A_311 : i32
    %ne3A_313 = arith.constant 0 : i32
    %ne3A_314 = arith.cmpi ne, %rem3A_312, %ne3A_313 : i32
    %lt3A_315 = arith.constant 0 : i32
    %lt3A_316 = arith.cmpi slt, %rem3A_312, %lt3A_315 : i32
    %lt3A_317 = arith.constant 0 : i32
    %lt3A_318 = arith.cmpi slt, %select_n3A_311, %lt3A_317 : i32
    %ne3A_319 = arith.xori %lt3A_316, %lt3A_318 : i1
    %and3A_320 = arith.andi %ne3A_319, %ne3A_314 : i1
    %add3A_321 = arith.addi %rem3A_312, %select_n3A_311 : i32
    %select_n3A_322 = arith.select %and3A_320, %add3A_321, %rem3A_312 : i32
    %sub3A_323 = arith.subi %squeeze3A_306, %select_n3A_322 : i32
    %multiple_of3A_324 = tpu.assume_multiple %sub3A_323, 128 : i32
    %dma_start3A_325 = arith.constant 0 : i32
    %dma_start3A_326 = arith.constant 256 : i32
    %dma_start3A_327 = tpu.memref_slice %arg8[%dma_start3A_325, %dma_start3A_326] : memref<32x512xf32, #tpu.memory_space<vmem>> -> memref<32x128xf32, #tpu.memory_space<vmem>>
    %dma_start3A_328 = arith.constant 0 : i32
    %dma_start3A_329 = tpu.memref_slice %arg2[%dma_start3A_328, %multiple_of3A_324] : memref<32x1000000xf32, #tpu.memory_space<hbm>> -> memref<32x128xf32, #tpu.memory_space<hbm>>
    %dma_start3A_330 = arith.constant 0 : i32
    %dma_start3A_331 = arith.constant 256 : i32
    %dma_start3A_332 = tpu.memref_slice %arg8[%dma_start3A_330, %dma_start3A_331] : memref<32x512xf32, #tpu.memory_space<vmem>> -> memref<32x128xf32, #tpu.memory_space<vmem>>
    %dma_start3A_333 = arith.constant 0 : i32
    %dma_start3A_334 = tpu.memref_slice %arg2[%dma_start3A_333, %multiple_of3A_324] : memref<32x1000000xf32, #tpu.memory_space<hbm>> -> memref<32x128xf32, #tpu.memory_space<hbm>>
    tpu.enqueue_dma source(%dma_start3A_334 : memref<32x128xf32, #tpu.memory_space<hbm>>) target(%dma_start3A_332 : memref<32x128xf32, #tpu.memory_space<vmem>>) target_semaphore(%arg15 : memref<!tpu.dma_semaphore, #tpu.memory_space<semaphore_mem>>)
    %slice3A_335 = vector.extract_strided_slice %gather3A_244 {offsets = [3], sizes = [1], strides = [1]} : vector<16xi32> to vector<1xi32>
    %squeeze3A_336 = vector.extract %slice3A_335[0] : i32 from vector<1xi32>
    %jit3A_337 = arith.constant 128 : i32
    %eq3A_338 = arith.constant 0 : i32
    %eq3A_339 = arith.cmpi eq, %jit3A_337, %eq3A_338 : i32
    %jit3A_340 = arith.constant 1 : i32
    %select_n3A_341 = arith.select %eq3A_339, %jit3A_340, %jit3A_337 : i32
    %rem3A_342 = arith.remsi %squeeze3A_336, %select_n3A_341 : i32
    %ne3A_343 = arith.constant 0 : i32
    %ne3A_344 = arith.cmpi ne, %rem3A_342, %ne3A_343 : i32
    %lt3A_345 = arith.constant 0 : i32
    %lt3A_346 = arith.cmpi slt, %rem3A_342, %lt3A_345 : i32
    %lt3A_347 = arith.constant 0 : i32
    %lt3A_348 = arith.cmpi slt, %select_n3A_341, %lt3A_347 : i32
    %ne3A_349 = arith.xori %lt3A_346, %lt3A_348 : i1
    %and3A_350 = arith.andi %ne3A_349, %ne3A_344 : i1
    %add3A_351 = arith.addi %rem3A_342, %select_n3A_341 : i32
    %select_n3A_352 = arith.select %and3A_350, %add3A_351, %rem3A_342 : i32
    %sub3A_353 = arith.subi %squeeze3A_336, %select_n3A_352 : i32
    %multiple_of3A_354 = tpu.assume_multiple %sub3A_353, 128 : i32
    %dma_start3A_355 = arith.constant 0 : i32
    %dma_start3A_356 = arith.constant 384 : i32
    %dma_start3A_357 = tpu.memref_slice %arg8[%dma_start3A_355, %dma_start3A_356] : memref<32x512xf32, #tpu.memory_space<vmem>> -> memref<32x128xf32, #tpu.memory_space<vmem>>
    %dma_start3A_358 = arith.constant 0 : i32
    %dma_start3A_359 = tpu.memref_slice %arg2[%dma_start3A_358, %multiple_of3A_354] : memref<32x1000000xf32, #tpu.memory_space<hbm>> -> memref<32x128xf32, #tpu.memory_space<hbm>>
    %dma_start3A_360 = arith.constant 0 : i32
    %dma_start3A_361 = arith.constant 384 : i32
    %dma_start3A_362 = tpu.memref_slice %arg8[%dma_start3A_360, %dma_start3A_361] : memref<32x512xf32, #tpu.memory_space<vmem>> -> memref<32x128xf32, #tpu.memory_space<vmem>>
    %dma_start3A_363 = arith.constant 0 : i32
    %dma_start3A_364 = tpu.memref_slice %arg2[%dma_start3A_363, %multiple_of3A_354] : memref<32x1000000xf32, #tpu.memory_space<hbm>> -> memref<32x128xf32, #tpu.memory_space<hbm>>
    tpu.enqueue_dma source(%dma_start3A_364 : memref<32x128xf32, #tpu.memory_space<hbm>>) target(%dma_start3A_362 : memref<32x128xf32, #tpu.memory_space<vmem>>) target_semaphore(%arg15 : memref<!tpu.dma_semaphore, #tpu.memory_space<semaphore_mem>>)
    %add3A_365 = arith.constant 12 : i32
    %add3A_366 = vector.broadcast %add3A_365 : i32 to vector<16xi32>
    %add3A_367 = arith.addi %add3A_366, %iota3A : vector<16xi32>
    %gather3A_368 = tpu.vector_load_idx %arg5[%add3A_367] : memref<528xi32, #tpu.memory_space<vmem>>[vector<16xi32>], vector<16xi32>,
    %slice3A_369 = vector.extract_strided_slice %gather3A_368 {offsets = [0], sizes = [1], strides = [1]} : vector<16xi32> to vector<1xi32>
    %squeeze3A_370 = vector.extract %slice3A_369[0] : i32 from vector<1xi32>
    %jit3A_371 = arith.constant 128 : i32
    %eq3A_372 = arith.constant 0 : i32
    %eq3A_373 = arith.cmpi eq, %jit3A_371, %eq3A_372 : i32
    %jit3A_374 = arith.constant 1 : i32
    %select_n3A_375 = arith.select %eq3A_373, %jit3A_374, %jit3A_371 : i32
    %rem3A_376 = arith.remsi %squeeze3A_370, %select_n3A_375 : i32
    %ne3A_377 = arith.constant 0 : i32
    %ne3A_378 = arith.cmpi ne, %rem3A_376, %ne3A_377 : i32
    %lt3A_379 = arith.constant 0 : i32
    %lt3A_380 = arith.cmpi slt, %rem3A_376, %lt3A_379 : i32
    %lt3A_381 = arith.constant 0 : i32
    %lt3A_382 = arith.cmpi slt, %select_n3A_375, %lt3A_381 : i32
    %ne3A_383 = arith.xori %lt3A_380, %lt3A_382 : i1
    %and3A_384 = arith.andi %ne3A_383, %ne3A_378 : i1
    %add3A_385 = arith.addi %rem3A_376, %select_n3A_375 : i32
    %select_n3A_386 = arith.select %and3A_384, %add3A_385, %rem3A_376 : i32
    %sub3A_387 = arith.subi %squeeze3A_370, %select_n3A_386 : i32
    %multiple_of3A_388 = tpu.assume_multiple %sub3A_387, 128 : i32
    %dma_start3A_389 = arith.constant 0 : i32
    %dma_start3A_390 = arith.constant 0 : i32
    %dma_start3A_391 = tpu.memref_slice %arg9[%dma_start3A_389, %dma_start3A_390] : memref<32x512xf32, #tpu.memory_space<vmem>> -> memref<32x128xf32, #tpu.memory_space<vmem>>
    %dma_start3A_392 = arith.constant 0 : i32
    %dma_start3A_393 = tpu.memref_slice %arg2[%dma_start3A_392, %multiple_of3A_388] : memref<32x1000000xf32, #tpu.memory_space<hbm>> -> memref<32x128xf32, #tpu.memory_space<hbm>>
    %dma_start3A_394 = arith.constant 0 : i32
    %dma_start3A_395 = arith.constant 0 : i32
    %dma_start3A_396 = tpu.memref_slice %arg9[%dma_start3A_394, %dma_start3A_395] : memref<32x512xf32, #tpu.memory_space<vmem>> -> memref<32x128xf32, #tpu.memory_space<vmem>>
    %dma_start3A_397 = arith.constant 0 : i32
    %dma_start3A_398 = tpu.memref_slice %arg2[%dma_start3A_397, %multiple_of3A_388] : memref<32x1000000xf32, #tpu.memory_space<hbm>> -> memref<32x128xf32, #tpu.memory_space<hbm>>
    tpu.enqueue_dma source(%dma_start3A_398 : memref<32x128xf32, #tpu.memory_space<hbm>>) target(%dma_start3A_396 : memref<32x128xf32, #tpu.memory_space<vmem>>) target_semaphore(%arg16 : memref<!tpu.dma_semaphore, #tpu.memory_space<semaphore_mem>>)
    %slice3A_399 = vector.extract_strided_slice %gather3A_368 {offsets = [1], sizes = [1], strides = [1]} : vector<16xi32> to vector<1xi32>
    %squeeze3A_400 = vector.extract %slice3A_399[0] : i32 from vector<1xi32>
    %jit3A_401 = arith.constant 128 : i32
    %eq3A_402 = arith.constant 0 : i32
    %eq3A_403 = arith.cmpi eq, %jit3A_401, %eq3A_402 : i32
    %jit3A_404 = arith.constant 1 : i32
    %select_n3A_405 = arith.select %eq3A_403, %jit3A_404, %jit3A_401 : i32
    %rem3A_406 = arith.remsi %squeeze3A_400, %select_n3A_405 : i32
    %ne3A_407 = arith.constant 0 : i32
    %ne3A_408 = arith.cmpi ne, %rem3A_406, %ne3A_407 : i32
    %lt3A_409 = arith.constant 0 : i32
    %lt3A_410 = arith.cmpi slt, %rem3A_406, %lt3A_409 : i32
    %lt3A_411 = arith.constant 0 : i32
    %lt3A_412 = arith.cmpi slt, %select_n3A_405, %lt3A_411 : i32
    %ne3A_413 = arith.xori %lt3A_410, %lt3A_412 : i1
    %and3A_414 = arith.andi %ne3A_413, %ne3A_408 : i1
    %add3A_415 = arith.addi %rem3A_406, %select_n3A_405 : i32
    %select_n3A_416 = arith.select %and3A_414, %add3A_415, %rem3A_406 : i32
    %sub3A_417 = arith.subi %squeeze3A_400, %select_n3A_416 : i32
    %multiple_of3A_418 = tpu.assume_multiple %sub3A_417, 128 : i32
    %dma_start3A_419 = arith.constant 0 : i32
    %dma_start3A_420 = arith.constant 128 : i32
    %dma_start3A_421 = tpu.memref_slice %arg9[%dma_start3A_419, %dma_start3A_420] : memref<32x512xf32, #tpu.memory_space<vmem>> -> memref<32x128xf32, #tpu.memory_space<vmem>>
    %dma_start3A_422 = arith.constant 0 : i32
    %dma_start3A_423 = tpu.memref_slice %arg2[%dma_start3A_422, %multiple_of3A_418] : memref<32x1000000xf32, #tpu.memory_space<hbm>> -> memref<32x128xf32, #tpu.memory_space<hbm>>
    %dma_start3A_424 = arith.constant 0 : i32
    %dma_start3A_425 = arith.constant 128 : i32
    %dma_start3A_426 = tpu.memref_slice %arg9[%dma_start3A_424, %dma_start3A_425] : memref<32x512xf32, #tpu.memory_space<vmem>> -> memref<32x128xf32, #tpu.memory_space<vmem>>
    %dma_start3A_427 = arith.constant 0 : i32
    %dma_start3A_428 = tpu.memref_slice %arg2[%dma_start3A_427, %multiple_of3A_418] : memref<32x1000000xf32, #tpu.memory_space<hbm>> -> memref<32x128xf32, #tpu.memory_space<hbm>>
    tpu.enqueue_dma source(%dma_start3A_428 : memref<32x128xf32, #tpu.memory_space<hbm>>) target(%dma_start3A_426 : memref<32x128xf32, #tpu.memory_space<vmem>>) target_semaphore(%arg16 : memref<!tpu.dma_semaphore, #tpu.memory_space<semaphore_mem>>)
    %slice3A_429 = vector.extract_strided_slice %gather3A_368 {offsets = [2], sizes = [1], strides = [1]} : vector<16xi32> to vector<1xi32>
    %squeeze3A_430 = vector.extract %slice3A_429[0] : i32 from vector<1xi32>
    %jit3A_431 = arith.constant 128 : i32
    %eq3A_432 = arith.constant 0 : i32
    %eq3A_433 = arith.cmpi eq, %jit3A_431, %eq3A_432 : i32
    %jit3A_434 = arith.constant 1 : i32
    %select_n3A_435 = arith.select %eq3A_433, %jit3A_434, %jit3A_431 : i32
    %rem3A_436 = arith.remsi %squeeze3A_430, %select_n3A_435 : i32
    %ne3A_437 = arith.constant 0 : i32
    %ne3A_438 = arith.cmpi ne, %rem3A_436, %ne3A_437 : i32
    %lt3A_439 = arith.constant 0 : i32
    %lt3A_440 = arith.cmpi slt, %rem3A_436, %lt3A_439 : i32
    %lt3A_441 = arith.constant 0 : i32
    %lt3A_442 = arith.cmpi slt, %select_n3A_435, %lt3A_441 : i32
    %ne3A_443 = arith.xori %lt3A_440, %lt3A_442 : i1
    %and3A_444 = arith.andi %ne3A_443, %ne3A_438 : i1
    %add3A_445 = arith.addi %rem3A_436, %select_n3A_435 : i32
    %select_n3A_446 = arith.select %and3A_444, %add3A_445, %rem3A_436 : i32
    %sub3A_447 = arith.subi %squeeze3A_430, %select_n3A_446 : i32
    %multiple_of3A_448 = tpu.assume_multiple %sub3A_447, 128 : i32
    %dma_start3A_449 = arith.constant 0 : i32
    %dma_start3A_450 = arith.constant 256 : i32
    %dma_start3A_451 = tpu.memref_slice %arg9[%dma_start3A_449, %dma_start3A_450] : memref<32x512xf32, #tpu.memory_space<vmem>> -> memref<32x128xf32, #tpu.memory_space<vmem>>
    %dma_start3A_452 = arith.constant 0 : i32
    %dma_start3A_453 = tpu.memref_slice %arg2[%dma_start3A_452, %multiple_of3A_448] : memref<32x1000000xf32, #tpu.memory_space<hbm>> -> memref<32x128xf32, #tpu.memory_space<hbm>>
    %dma_start3A_454 = arith.constant 0 : i32
    %dma_start3A_455 = arith.constant 256 : i32
    %dma_start3A_456 = tpu.memref_slice %arg9[%dma_start3A_454, %dma_start3A_455] : memref<32x512xf32, #tpu.memory_space<vmem>> -> memref<32x128xf32, #tpu.memory_space<vmem>>
    %dma_start3A_457 = arith.constant 0 : i32
    %dma_start3A_458 = tpu.memref_slice %arg2[%dma_start3A_457, %multiple_of3A_448] : memref<32x1000000xf32, #tpu.memory_space<hbm>> -> memref<32x128xf32, #tpu.memory_space<hbm>>
    tpu.enqueue_dma source(%dma_start3A_458 : memref<32x128xf32, #tpu.memory_space<hbm>>) target(%dma_start3A_456 : memref<32x128xf32, #tpu.memory_space<vmem>>) target_semaphore(%arg16 : memref<!tpu.dma_semaphore, #tpu.memory_space<semaphore_mem>>)
    %slice3A_459 = vector.extract_strided_slice %gather3A_368 {offsets = [3], sizes = [1], strides = [1]} : vector<16xi32> to vector<1xi32>
    %squeeze3A_460 = vector.extract %slice3A_459[0] : i32 from vector<1xi32>
    %jit3A_461 = arith.constant 128 : i32
    %eq3A_462 = arith.constant 0 : i32
    %eq3A_463 = arith.cmpi eq, %jit3A_461, %eq3A_462 : i32
    %jit3A_464 = arith.constant 1 : i32
    %select_n3A_465 = arith.select %eq3A_463, %jit3A_464, %jit3A_461 : i32
    %rem3A_466 = arith.remsi %squeeze3A_460, %select_n3A_465 : i32
    %ne3A_467 = arith.constant 0 : i32
    %ne3A_468 = arith.cmpi ne, %rem3A_466, %ne3A_467 : i32
    %lt3A_469 = arith.constant 0 : i32
    %lt3A_470 = arith.cmpi slt, %rem3A_466, %lt3A_469 : i32
    %lt3A_471 = arith.constant 0 : i32
    %lt3A_472 = arith.cmpi slt, %select_n3A_465, %lt3A_471 : i32
    %ne3A_473 = arith.xori %lt3A_470, %lt3A_472 : i1
    %and3A_474 = arith.andi %ne3A_473, %ne3A_468 : i1
    %add3A_475 = arith.addi %rem3A_466, %select_n3A_465 : i32
    %select_n3A_476 = arith.select %and3A_474, %add3A_475, %rem3A_466 : i32
    %sub3A_477 = arith.subi %squeeze3A_460, %select_n3A_476 : i32
    %multiple_of3A_478 = tpu.assume_multiple %sub3A_477, 128 : i32
    %dma_start3A_479 = arith.constant 0 : i32
    %dma_start3A_480 = arith.constant 384 : i32
    %dma_start3A_481 = tpu.memref_slice %arg9[%dma_start3A_479, %dma_start3A_480] : memref<32x512xf32, #tpu.memory_space<vmem>> -> memref<32x128xf32, #tpu.memory_space<vmem>>
    %dma_start3A_482 = arith.constant 0 : i32
    %dma_start3A_483 = tpu.memref_slice %arg2[%dma_start3A_482, %multiple_of3A_478] : memref<32x1000000xf32, #tpu.memory_space<hbm>> -> memref<32x128xf32, #tpu.memory_space<hbm>>
    %dma_start3A_484 = arith.constant 0 : i32
    %dma_start3A_485 = arith.constant 384 : i32
    %dma_start3A_486 = tpu.memref_slice %arg9[%dma_start3A_484, %dma_start3A_485] : memref<32x512xf32, #tpu.memory_space<vmem>> -> memref<32x128xf32, #tpu.memory_space<vmem>>
    %dma_start3A_487 = arith.constant 0 : i32
    %dma_start3A_488 = tpu.memref_slice %arg2[%dma_start3A_487, %multiple_of3A_478] : memref<32x1000000xf32, #tpu.memory_space<hbm>> -> memref<32x128xf32, #tpu.memory_space<hbm>>
    tpu.enqueue_dma source(%dma_start3A_488 : memref<32x128xf32, #tpu.memory_space<hbm>>) target(%dma_start3A_486 : memref<32x128xf32, #tpu.memory_space<vmem>>) target_semaphore(%arg16 : memref<!tpu.dma_semaphore, #tpu.memory_space<semaphore_mem>>)
    %add3A_489 = arith.constant 16 : i32
    %add3A_490 = vector.broadcast %add3A_489 : i32 to vector<16xi32>
    %add3A_491 = arith.addi %add3A_490, %iota3A : vector<16xi32>
    %gather3A_492 = tpu.vector_load_idx %arg5[%add3A_491] : memref<528xi32, #tpu.memory_space<vmem>>[vector<16xi32>], vector<16xi32>,
    %slice3A_493 = vector.extract_strided_slice %gather3A_492 {offsets = [0], sizes = [1], strides = [1]} : vector<16xi32> to vector<1xi32>
    %squeeze3A_494 = vector.extract %slice3A_493[0] : i32 from vector<1xi32>
    %jit3A_495 = arith.constant 128 : i32
    %eq3A_496 = arith.constant 0 : i32
    %eq3A_497 = arith.cmpi eq, %jit3A_495, %eq3A_496 : i32
    %jit3A_498 = arith.constant 1 : i32
    %select_n3A_499 = arith.select %eq3A_497, %jit3A_498, %jit3A_495 : i32
    %rem3A_500 = arith.remsi %squeeze3A_494, %select_n3A_499 : i32
    %ne3A_501 = arith.constant 0 : i32
    %ne3A_502 = arith.cmpi ne, %rem3A_500, %ne3A_501 : i32
    %lt3A_503 = arith.constant 0 : i32
    %lt3A_504 = arith.cmpi slt, %rem3A_500, %lt3A_503 : i32
    %lt3A_505 = arith.constant 0 : i32
    %lt3A_506 = arith.cmpi slt, %select_n3A_499, %lt3A_505 : i32
    %ne3A_507 = arith.xori %lt3A_504, %lt3A_506 : i1
    %and3A_508 = arith.andi %ne3A_507, %ne3A_502 : i1
    %add3A_509 = arith.addi %rem3A_500, %select_n3A_499 : i32
    %select_n3A_510 = arith.select %and3A_508, %add3A_509, %rem3A_500 : i32
    %sub3A_511 = arith.subi %squeeze3A_494, %select_n3A_510 : i32
    %multiple_of3A_512 = tpu.assume_multiple %sub3A_511, 128 : i32
    %dma_start3A_513 = arith.constant 0 : i32
    %dma_start3A_514 = arith.constant 0 : i32
    %dma_start3A_515 = tpu.memref_slice %arg10[%dma_start3A_513, %dma_start3A_514] : memref<32x512xf32, #tpu.memory_space<vmem>> -> memref<32x128xf32, #tpu.memory_space<vmem>>
    %dma_start3A_516 = arith.constant 0 : i32
    %dma_start3A_517 = tpu.memref_slice %arg2[%dma_start3A_516, %multiple_of3A_512] : memref<32x1000000xf32, #tpu.memory_space<hbm>> -> memref<32x128xf32, #tpu.memory_space<hbm>>
    %dma_start3A_518 = arith.constant 0 : i32
    %dma_start3A_519 = arith.constant 0 : i32
    %dma_start3A_520 = tpu.memref_slice %arg10[%dma_start3A_518, %dma_start3A_519] : memref<32x512xf32, #tpu.memory_space<vmem>> -> memref<32x128xf32, #tpu.memory_space<vmem>>
    %dma_start3A_521 = arith.constant 0 : i32
    %dma_start3A_522 = tpu.memref_slice %arg2[%dma_start3A_521, %multiple_of3A_512] : memref<32x1000000xf32, #tpu.memory_space<hbm>> -> memref<32x128xf32, #tpu.memory_space<hbm>>
    tpu.enqueue_dma source(%dma_start3A_522 : memref<32x128xf32, #tpu.memory_space<hbm>>) target(%dma_start3A_520 : memref<32x128xf32, #tpu.memory_space<vmem>>) target_semaphore(%arg17 : memref<!tpu.dma_semaphore, #tpu.memory_space<semaphore_mem>>)
    %slice3A_523 = vector.extract_strided_slice %gather3A_492 {offsets = [1], sizes = [1], strides = [1]} : vector<16xi32> to vector<1xi32>
    %squeeze3A_524 = vector.extract %slice3A_523[0] : i32 from vector<1xi32>
    %jit3A_525 = arith.constant 128 : i32
    %eq3A_526 = arith.constant 0 : i32
    %eq3A_527 = arith.cmpi eq, %jit3A_525, %eq3A_526 : i32
    %jit3A_528 = arith.constant 1 : i32
    %select_n3A_529 = arith.select %eq3A_527, %jit3A_528, %jit3A_525 : i32
    %rem3A_530 = arith.remsi %squeeze3A_524, %select_n3A_529 : i32
    %ne3A_531 = arith.constant 0 : i32
    %ne3A_532 = arith.cmpi ne, %rem3A_530, %ne3A_531 : i32
    %lt3A_533 = arith.constant 0 : i32
    %lt3A_534 = arith.cmpi slt, %rem3A_530, %lt3A_533 : i32
    %lt3A_535 = arith.constant 0 : i32
    %lt3A_536 = arith.cmpi slt, %select_n3A_529, %lt3A_535 : i32
    %ne3A_537 = arith.xori %lt3A_534, %lt3A_536 : i1
    %and3A_538 = arith.andi %ne3A_537, %ne3A_532 : i1
    %add3A_539 = arith.addi %rem3A_530, %select_n3A_529 : i32
    %select_n3A_540 = arith.select %and3A_538, %add3A_539, %rem3A_530 : i32
    %sub3A_541 = arith.subi %squeeze3A_524, %select_n3A_540 : i32
    %multiple_of3A_542 = tpu.assume_multiple %sub3A_541, 128 : i32
    %dma_start3A_543 = arith.constant 0 : i32
    %dma_start3A_544 = arith.constant 128 : i32
    %dma_start3A_545 = tpu.memref_slice %arg10[%dma_start3A_543, %dma_start3A_544] : memref<32x512xf32, #tpu.memory_space<vmem>> -> memref<32x128xf32, #tpu.memory_space<vmem>>
    %dma_start3A_546 = arith.constant 0 : i32
    %dma_start3A_547 = tpu.memref_slice %arg2[%dma_start3A_546, %multiple_of3A_542] : memref<32x1000000xf32, #tpu.memory_space<hbm>> -> memref<32x128xf32, #tpu.memory_space<hbm>>
    %dma_start3A_548 = arith.constant 0 : i32
    %dma_start3A_549 = arith.constant 128 : i32
    %dma_start3A_550 = tpu.memref_slice %arg10[%dma_start3A_548, %dma_start3A_549] : memref<32x512xf32, #tpu.memory_space<vmem>> -> memref<32x128xf32, #tpu.memory_space<vmem>>
    %dma_start3A_551 = arith.constant 0 : i32
    %dma_start3A_552 = tpu.memref_slice %arg2[%dma_start3A_551, %multiple_of3A_542] : memref<32x1000000xf32, #tpu.memory_space<hbm>> -> memref<32x128xf32, #tpu.memory_space<hbm>>
    tpu.enqueue_dma source(%dma_start3A_552 : memref<32x128xf32, #tpu.memory_space<hbm>>) target(%dma_start3A_550 : memref<32x128xf32, #tpu.memory_space<vmem>>) target_semaphore(%arg17 : memref<!tpu.dma_semaphore, #tpu.memory_space<semaphore_mem>>)
    %slice3A_553 = vector.extract_strided_slice %gather3A_492 {offsets = [2], sizes = [1], strides = [1]} : vector<16xi32> to vector<1xi32>
    %squeeze3A_554 = vector.extract %slice3A_553[0] : i32 from vector<1xi32>
    %jit3A_555 = arith.constant 128 : i32
    %eq3A_556 = arith.constant 0 : i32
    %eq3A_557 = arith.cmpi eq, %jit3A_555, %eq3A_556 : i32
    %jit3A_558 = arith.constant 1 : i32
    %select_n3A_559 = arith.select %eq3A_557, %jit3A_558, %jit3A_555 : i32
    %rem3A_560 = arith.remsi %squeeze3A_554, %select_n3A_559 : i32
    %ne3A_561 = arith.constant 0 : i32
    %ne3A_562 = arith.cmpi ne, %rem3A_560, %ne3A_561 : i32
    %lt3A_563 = arith.constant 0 : i32
    %lt3A_564 = arith.cmpi slt, %rem3A_560, %lt3A_563 : i32
    %lt3A_565 = arith.constant 0 : i32
    %lt3A_566 = arith.cmpi slt, %select_n3A_559, %lt3A_565 : i32
    %ne3A_567 = arith.xori %lt3A_564, %lt3A_566 : i1
    %and3A_568 = arith.andi %ne3A_567, %ne3A_562 : i1
    %add3A_569 = arith.addi %rem3A_560, %select_n3A_559 : i32
    %select_n3A_570 = arith.select %and3A_568, %add3A_569, %rem3A_560 : i32
    %sub3A_571 = arith.subi %squeeze3A_554, %select_n3A_570 : i32
    %multiple_of3A_572 = tpu.assume_multiple %sub3A_571, 128 : i32
    %dma_start3A_573 = arith.constant 0 : i32
    %dma_start3A_574 = arith.constant 256 : i32
    %dma_start3A_575 = tpu.memref_slice %arg10[%dma_start3A_573, %dma_start3A_574] : memref<32x512xf32, #tpu.memory_space<vmem>> -> memref<32x128xf32, #tpu.memory_space<vmem>>
    %dma_start3A_576 = arith.constant 0 : i32
    %dma_start3A_577 = tpu.memref_slice %arg2[%dma_start3A_576, %multiple_of3A_572] : memref<32x1000000xf32, #tpu.memory_space<hbm>> -> memref<32x128xf32, #tpu.memory_space<hbm>>
    %dma_start3A_578 = arith.constant 0 : i32
    %dma_start3A_579 = arith.constant 256 : i32
    %dma_start3A_580 = tpu.memref_slice %arg10[%dma_start3A_578, %dma_start3A_579] : memref<32x512xf32, #tpu.memory_space<vmem>> -> memref<32x128xf32, #tpu.memory_space<vmem>>
    %dma_start3A_581 = arith.constant 0 : i32
    %dma_start3A_582 = tpu.memref_slice %arg2[%dma_start3A_581, %multiple_of3A_572] : memref<32x1000000xf32, #tpu.memory_space<hbm>> -> memref<32x128xf32, #tpu.memory_space<hbm>>
    tpu.enqueue_dma source(%dma_start3A_582 : memref<32x128xf32, #tpu.memory_space<hbm>>) target(%dma_start3A_580 : memref<32x128xf32, #tpu.memory_space<vmem>>) target_semaphore(%arg17 : memref<!tpu.dma_semaphore, #tpu.memory_space<semaphore_mem>>)
    %slice3A_583 = vector.extract_strided_slice %gather3A_492 {offsets = [3], sizes = [1], strides = [1]} : vector<16xi32> to vector<1xi32>
    %squeeze3A_584 = vector.extract %slice3A_583[0] : i32 from vector<1xi32>
    %jit3A_585 = arith.constant 128 : i32
    %eq3A_586 = arith.constant 0 : i32
    %eq3A_587 = arith.cmpi eq, %jit3A_585, %eq3A_586 : i32
    %jit3A_588 = arith.constant 1 : i32
    %select_n3A_589 = arith.select %eq3A_587, %jit3A_588, %jit3A_585 : i32
    %rem3A_590 = arith.remsi %squeeze3A_584, %select_n3A_589 : i32
    %ne3A_591 = arith.constant 0 : i32
    %ne3A_592 = arith.cmpi ne, %rem3A_590, %ne3A_591 : i32
    %lt3A_593 = arith.constant 0 : i32
    %lt3A_594 = arith.cmpi slt, %rem3A_590, %lt3A_593 : i32
    %lt3A_595 = arith.constant 0 : i32
    %lt3A_596 = arith.cmpi slt, %select_n3A_589, %lt3A_595 : i32
    %ne3A_597 = arith.xori %lt3A_594, %lt3A_596 : i1
    %and3A_598 = arith.andi %ne3A_597, %ne3A_592 : i1
    %add3A_599 = arith.addi %rem3A_590, %select_n3A_589 : i32
    %select_n3A_600 = arith.select %and3A_598, %add3A_599, %rem3A_590 : i32
    %sub3A_601 = arith.subi %squeeze3A_584, %select_n3A_600 : i32
    %multiple_of3A_602 = tpu.assume_multiple %sub3A_601, 128 : i32
    %dma_start3A_603 = arith.constant 0 : i32
    %dma_start3A_604 = arith.constant 384 : i32
    %dma_start3A_605 = tpu.memref_slice %arg10[%dma_start3A_603, %dma_start3A_604] : memref<32x512xf32, #tpu.memory_space<vmem>> -> memref<32x128xf32, #tpu.memory_space<vmem>>
    %dma_start3A_606 = arith.constant 0 : i32
    %dma_start3A_607 = tpu.memref_slice %arg2[%dma_start3A_606, %multiple_of3A_602] : memref<32x1000000xf32, #tpu.memory_space<hbm>> -> memref<32x128xf32, #tpu.memory_space<hbm>>
    %dma_start3A_608 = arith.constant 0 : i32
    %dma_start3A_609 = arith.constant 384 : i32
    %dma_start3A_610 = tpu.memref_slice %arg10[%dma_start3A_608, %dma_start3A_609] : memref<32x512xf32, #tpu.memory_space<vmem>> -> memref<32x128xf32, #tpu.memory_space<vmem>>
    %dma_start3A_611 = arith.constant 0 : i32
    %dma_start3A_612 = tpu.memref_slice %arg2[%dma_start3A_611, %multiple_of3A_602] : memref<32x1000000xf32, #tpu.memory_space<hbm>> -> memref<32x128xf32, #tpu.memory_space<hbm>>
    tpu.enqueue_dma source(%dma_start3A_612 : memref<32x128xf32, #tpu.memory_space<hbm>>) target(%dma_start3A_610 : memref<32x128xf32, #tpu.memory_space<vmem>>) target_semaphore(%arg17 : memref<!tpu.dma_semaphore, #tpu.memory_space<semaphore_mem>>)
    %scan3A = arith.constant 0 : i32
    %scan3A_613 = arith.constant 0 : i32
    %scan3A_614 = arith.constant 21 : i32
    %scan3A_615 = arith.addi %scan3A_613, %scan3A_614 : i32
    %scan3A_616 = arith.constant 1 : i32
    scf.for %scan3A_920 = %scan3A_613 to %scan3A_615 step %scan3A_616  : i32 {
      %mul3A_921 = arith.constant 6 : i32
      %mul3A_922 = arith.muli %mul3A_921, %scan3A_920 : i32
      %add3A_923 = arith.constant 0 : i32
      %add3A_924 = arith.addi %mul3A_922, %add3A_923 : i32
      %add3A_925 = arith.constant 6 : i32
      %add3A_926 = arith.addi %add3A_924, %add3A_925 : i32
      %sub3A_927 = arith.constant 1 : i32
      %sub3A_928 = arith.subi %add3A_926, %sub3A_927 : i32
      %lt3A_929 = arith.constant 128 : i32
      %lt3A_930 = arith.cmpi slt, %sub3A_928, %lt3A_929 : i32
      %convert_element_type3A = arith.extui %lt3A_930 : i1 to i32
      %cond3A = arith.constant 0 : i32
      %cond3A_931 = arith.cmpi ne, %convert_element_type3A, %cond3A : i32
      scf.if %cond3A_931 {
        %add3A_1987 = arith.constant 6 : i32
        %add3A_1988 = arith.addi %add3A_924, %add3A_1987 : i32
        %sub3A_1989 = arith.constant 1 : i32
        %sub3A_1990 = arith.subi %add3A_1988, %sub3A_1989 : i32
        %mul3A_1991 = arith.constant 4 : i32
        %mul3A_1992 = arith.muli %sub3A_1990, %mul3A_1991 : i32
        %add3A_1993 = vector.broadcast %mul3A_1992 : i32 to vector<16xi32>
        %add3A_1994 = arith.addi %add3A_1993, %iota3A : vector<16xi32>
        %gather3A_1995 = tpu.vector_load_idx %arg5[%add3A_1994] : memref<528xi32, #tpu.memory_space<vmem>>[vector<16xi32>], vector<16xi32>,
        %slice3A_1996 = vector.extract_strided_slice %gather3A_1995 {offsets = [0], sizes = [1], strides = [1]} : vector<16xi32> to vector<1xi32>
        %squeeze3A_1997 = vector.extract %slice3A_1996[0] : i32 from vector<1xi32>
        %jit3A_1998 = arith.constant 128 : i32
        %eq3A_1999 = arith.constant 0 : i32
        %eq3A_2000 = arith.cmpi eq, %jit3A_1998, %eq3A_1999 : i32
        %jit3A_2001 = arith.constant 1 : i32
        %select_n3A_2002 = arith.select %eq3A_2000, %jit3A_2001, %jit3A_1998 : i32
        %rem3A_2003 = arith.remsi %squeeze3A_1997, %select_n3A_2002 : i32
        %ne3A_2004 = arith.constant 0 : i32
        %ne3A_2005 = arith.cmpi ne, %rem3A_2003, %ne3A_2004 : i32
        %lt3A_2006 = arith.constant 0 : i32
        %lt3A_2007 = arith.cmpi slt, %rem3A_2003, %lt3A_2006 : i32
        %lt3A_2008 = arith.constant 0 : i32
        %lt3A_2009 = arith.cmpi slt, %select_n3A_2002, %lt3A_2008 : i32
        %ne3A_2010 = arith.xori %lt3A_2007, %lt3A_2009 : i1
        %and3A_2011 = arith.andi %ne3A_2010, %ne3A_2005 : i1
        %add3A_2012 = arith.addi %rem3A_2003, %select_n3A_2002 : i32
        %select_n3A_2013 = arith.select %and3A_2011, %add3A_2012, %rem3A_2003 : i32
        %sub3A_2014 = arith.subi %squeeze3A_1997, %select_n3A_2013 : i32
        %multiple_of3A_2015 = tpu.assume_multiple %sub3A_2014, 128 : i32
        %dma_start3A_2016 = arith.constant 0 : i32
        %dma_start3A_2017 = arith.constant 0 : i32
        %dma_start3A_2018 = tpu.memref_slice %arg11[%dma_start3A_2016, %dma_start3A_2017] : memref<32x512xf32, #tpu.memory_space<vmem>> -> memref<32x128xf32, #tpu.memory_space<vmem>>
        %dma_start3A_2019 = arith.constant 0 : i32
        %dma_start3A_2020 = tpu.memref_slice %arg2[%dma_start3A_2019, %multiple_of3A_2015] : memref<32x1000000xf32, #tpu.memory_space<hbm>> -> memref<32x128xf32, #tpu.memory_space<hbm>>
        %dma_start3A_2021 = arith.constant 0 : i32
        %dma_start3A_2022 = arith.constant 0 : i32
        %dma_start3A_2023 = tpu.memref_slice %arg11[%dma_start3A_2021, %dma_start3A_2022] : memref<32x512xf32, #tpu.memory_space<vmem>> -> memref<32x128xf32, #tpu.memory_space<vmem>>
        %dma_start3A_2024 = arith.constant 0 : i32
        %dma_start3A_2025 = tpu.memref_slice %arg2[%dma_start3A_2024, %multiple_of3A_2015] : memref<32x1000000xf32, #tpu.memory_space<hbm>> -> memref<32x128xf32, #tpu.memory_space<hbm>>
        tpu.enqueue_dma source(%dma_start3A_2025 : memref<32x128xf32, #tpu.memory_space<hbm>>) target(%dma_start3A_2023 : memref<32x128xf32, #tpu.memory_space<vmem>>) target_semaphore(%arg18 : memref<!tpu.dma_semaphore, #tpu.memory_space<semaphore_mem>>)
        %slice3A_2026 = vector.extract_strided_slice %gather3A_1995 {offsets = [1], sizes = [1], strides = [1]} : vector<16xi32> to vector<1xi32>
        %squeeze3A_2027 = vector.extract %slice3A_2026[0] : i32 from vector<1xi32>
        %jit3A_2028 = arith.constant 128 : i32
        %eq3A_2029 = arith.constant 0 : i32
        %eq3A_2030 = arith.cmpi eq, %jit3A_2028, %eq3A_2029 : i32
        %jit3A_2031 = arith.constant 1 : i32
        %select_n3A_2032 = arith.select %eq3A_2030, %jit3A_2031, %jit3A_2028 : i32
        %rem3A_2033 = arith.remsi %squeeze3A_2027, %select_n3A_2032 : i32
        %ne3A_2034 = arith.constant 0 : i32
        %ne3A_2035 = arith.cmpi ne, %rem3A_2033, %ne3A_2034 : i32
        %lt3A_2036 = arith.constant 0 : i32
        %lt3A_2037 = arith.cmpi slt, %rem3A_2033, %lt3A_2036 : i32
        %lt3A_2038 = arith.constant 0 : i32
        %lt3A_2039 = arith.cmpi slt, %select_n3A_2032, %lt3A_2038 : i32
        %ne3A_2040 = arith.xori %lt3A_2037, %lt3A_2039 : i1
        %and3A_2041 = arith.andi %ne3A_2040, %ne3A_2035 : i1
        %add3A_2042 = arith.addi %rem3A_2033, %select_n3A_2032 : i32
        %select_n3A_2043 = arith.select %and3A_2041, %add3A_2042, %rem3A_2033 : i32
        %sub3A_2044 = arith.subi %squeeze3A_2027, %select_n3A_2043 : i32
        %multiple_of3A_2045 = tpu.assume_multiple %sub3A_2044, 128 : i32
        %dma_start3A_2046 = arith.constant 0 : i32
        %dma_start3A_2047 = arith.constant 128 : i32
        %dma_start3A_2048 = tpu.memref_slice %arg11[%dma_start3A_2046, %dma_start3A_2047] : memref<32x512xf32, #tpu.memory_space<vmem>> -> memref<32x128xf32, #tpu.memory_space<vmem>>
        %dma_start3A_2049 = arith.constant 0 : i32
        %dma_start3A_2050 = tpu.memref_slice %arg2[%dma_start3A_2049, %multiple_of3A_2045] : memref<32x1000000xf32, #tpu.memory_space<hbm>> -> memref<32x128xf32, #tpu.memory_space<hbm>>
        %dma_start3A_2051 = arith.constant 0 : i32
        %dma_start3A_2052 = arith.constant 128 : i32
        %dma_start3A_2053 = tpu.memref_slice %arg11[%dma_start3A_2051, %dma_start3A_2052] : memref<32x512xf32, #tpu.memory_space<vmem>> -> memref<32x128xf32, #tpu.memory_space<vmem>>
        %dma_start3A_2054 = arith.constant 0 : i32
        %dma_start3A_2055 = tpu.memref_slice %arg2[%dma_start3A_2054, %multiple_of3A_2045] : memref<32x1000000xf32, #tpu.memory_space<hbm>> -> memref<32x128xf32, #tpu.memory_space<hbm>>
        tpu.enqueue_dma source(%dma_start3A_2055 : memref<32x128xf32, #tpu.memory_space<hbm>>) target(%dma_start3A_2053 : memref<32x128xf32, #tpu.memory_space<vmem>>) target_semaphore(%arg18 : memref<!tpu.dma_semaphore, #tpu.memory_space<semaphore_mem>>)
        %slice3A_2056 = vector.extract_strided_slice %gather3A_1995 {offsets = [2], sizes = [1], strides = [1]} : vector<16xi32> to vector<1xi32>
        %squeeze3A_2057 = vector.extract %slice3A_2056[0] : i32 from vector<1xi32>
        %jit3A_2058 = arith.constant 128 : i32
        %eq3A_2059 = arith.constant 0 : i32
        %eq3A_2060 = arith.cmpi eq, %jit3A_2058, %eq3A_2059 : i32
        %jit3A_2061 = arith.constant 1 : i32
        %select_n3A_2062 = arith.select %eq3A_2060, %jit3A_2061, %jit3A_2058 : i32
        %rem3A_2063 = arith.remsi %squeeze3A_2057, %select_n3A_2062 : i32
        %ne3A_2064 = arith.constant 0 : i32
        %ne3A_2065 = arith.cmpi ne, %rem3A_2063, %ne3A_2064 : i32
        %lt3A_2066 = arith.constant 0 : i32
        %lt3A_2067 = arith.cmpi slt, %rem3A_2063, %lt3A_2066 : i32
        %lt3A_2068 = arith.constant 0 : i32
        %lt3A_2069 = arith.cmpi slt, %select_n3A_2062, %lt3A_2068 : i32
        %ne3A_2070 = arith.xori %lt3A_2067, %lt3A_2069 : i1
        %and3A_2071 = arith.andi %ne3A_2070, %ne3A_2065 : i1
        %add3A_2072 = arith.addi %rem3A_2063, %select_n3A_2062 : i32
        %select_n3A_2073 = arith.select %and3A_2071, %add3A_2072, %rem3A_2063 : i32
        %sub3A_2074 = arith.subi %squeeze3A_2057, %select_n3A_2073 : i32
        %multiple_of3A_2075 = tpu.assume_multiple %sub3A_2074, 128 : i32
        %dma_start3A_2076 = arith.constant 0 : i32
        %dma_start3A_2077 = arith.constant 256 : i32
        %dma_start3A_2078 = tpu.memref_slice %arg11[%dma_start3A_2076, %dma_start3A_2077] : memref<32x512xf32, #tpu.memory_space<vmem>> -> memref<32x128xf32, #tpu.memory_space<vmem>>
        %dma_start3A_2079 = arith.constant 0 : i32
        %dma_start3A_2080 = tpu.memref_slice %arg2[%dma_start3A_2079, %multiple_of3A_2075] : memref<32x1000000xf32, #tpu.memory_space<hbm>> -> memref<32x128xf32, #tpu.memory_space<hbm>>
        %dma_start3A_2081 = arith.constant 0 : i32
        %dma_start3A_2082 = arith.constant 256 : i32
        %dma_start3A_2083 = tpu.memref_slice %arg11[%dma_start3A_2081, %dma_start3A_2082] : memref<32x512xf32, #tpu.memory_space<vmem>> -> memref<32x128xf32, #tpu.memory_space<vmem>>
        %dma_start3A_2084 = arith.constant 0 : i32
        %dma_start3A_2085 = tpu.memref_slice %arg2[%dma_start3A_2084, %multiple_of3A_2075] : memref<32x1000000xf32, #tpu.memory_space<hbm>> -> memref<32x128xf32, #tpu.memory_space<hbm>>
        tpu.enqueue_dma source(%dma_start3A_2085 : memref<32x128xf32, #tpu.memory_space<hbm>>) target(%dma_start3A_2083 : memref<32x128xf32, #tpu.memory_space<vmem>>) target_semaphore(%arg18 : memref<!tpu.dma_semaphore, #tpu.memory_space<semaphore_mem>>)
        %slice3A_2086 = vector.extract_strided_slice %gather3A_1995 {offsets = [3], sizes = [1], strides = [1]} : vector<16xi32> to vector<1xi32>
        %squeeze3A_2087 = vector.extract %slice3A_2086[0] : i32 from vector<1xi32>
        %jit3A_2088 = arith.constant 128 : i32
        %eq3A_2089 = arith.constant 0 : i32
        %eq3A_2090 = arith.cmpi eq, %jit3A_2088, %eq3A_2089 : i32
        %jit3A_2091 = arith.constant 1 : i32
        %select_n3A_2092 = arith.select %eq3A_2090, %jit3A_2091, %jit3A_2088 : i32
        %rem3A_2093 = arith.remsi %squeeze3A_2087, %select_n3A_2092 : i32
        %ne3A_2094 = arith.constant 0 : i32
        %ne3A_2095 = arith.cmpi ne, %rem3A_2093, %ne3A_2094 : i32
        %lt3A_2096 = arith.constant 0 : i32
        %lt3A_2097 = arith.cmpi slt, %rem3A_2093, %lt3A_2096 : i32
        %lt3A_2098 = arith.constant 0 : i32
        %lt3A_2099 = arith.cmpi slt, %select_n3A_2092, %lt3A_2098 : i32
        %ne3A_2100 = arith.xori %lt3A_2097, %lt3A_2099 : i1
        %and3A_2101 = arith.andi %ne3A_2100, %ne3A_2095 : i1
        %add3A_2102 = arith.addi %rem3A_2093, %select_n3A_2092 : i32
        %select_n3A_2103 = arith.select %and3A_2101, %add3A_2102, %rem3A_2093 : i32
        %sub3A_2104 = arith.subi %squeeze3A_2087, %select_n3A_2103 : i32
        %multiple_of3A_2105 = tpu.assume_multiple %sub3A_2104, 128 : i32
        %dma_start3A_2106 = arith.constant 0 : i32
        %dma_start3A_2107 = arith.constant 384 : i32
        %dma_start3A_2108 = tpu.memref_slice %arg11[%dma_start3A_2106, %dma_start3A_2107] : memref<32x512xf32, #tpu.memory_space<vmem>> -> memref<32x128xf32, #tpu.memory_space<vmem>>
        %dma_start3A_2109 = arith.constant 0 : i32
        %dma_start3A_2110 = tpu.memref_slice %arg2[%dma_start3A_2109, %multiple_of3A_2105] : memref<32x1000000xf32, #tpu.memory_space<hbm>> -> memref<32x128xf32, #tpu.memory_space<hbm>>
        %dma_start3A_2111 = arith.constant 0 : i32
        %dma_start3A_2112 = arith.constant 384 : i32
        %dma_start3A_2113 = tpu.memref_slice %arg11[%dma_start3A_2111, %dma_start3A_2112] : memref<32x512xf32, #tpu.memory_space<vmem>> -> memref<32x128xf32, #tpu.memory_space<vmem>>
        %dma_start3A_2114 = arith.constant 0 : i32
        %dma_start3A_2115 = tpu.memref_slice %arg2[%dma_start3A_2114, %multiple_of3A_2105] : memref<32x1000000xf32, #tpu.memory_space<hbm>> -> memref<32x128xf32, #tpu.memory_space<hbm>>
        tpu.enqueue_dma source(%dma_start3A_2115 : memref<32x128xf32, #tpu.memory_space<hbm>>) target(%dma_start3A_2113 : memref<32x128xf32, #tpu.memory_space<vmem>>) target_semaphore(%arg18 : memref<!tpu.dma_semaphore, #tpu.memory_space<semaphore_mem>>)
      } else {
      }
      %dma_wait3A_932 = arith.constant 0 : i32
      %dma_wait3A_933 = arith.constant 0 : i32
      %dma_wait3A_934 = tpu.memref_slice %arg6[%dma_wait3A_932, %dma_wait3A_933] : memref<32x512xf32, #tpu.memory_space<vmem>> -> memref<32x128xf32, #tpu.memory_space<vmem>>
      %dma_wait3A_935 = arith.constant 0 : i32
      %dma_wait3A_936 = arith.constant 0 : i32
      %dma_wait3A_937 = tpu.memref_slice %arg2[%dma_wait3A_935, %dma_wait3A_936] : memref<32x1000000xf32, #tpu.memory_space<hbm>> -> memref<32x128xf32, #tpu.memory_space<hbm>>
      %dma_wait3A_938 = arith.constant 0 : i32
      %dma_wait3A_939 = arith.constant 0 : i32
      %dma_wait3A_940 = tpu.memref_slice %arg6[%dma_wait3A_938, %dma_wait3A_939] : memref<32x512xf32, #tpu.memory_space<vmem>> -> memref<32x128xf32, #tpu.memory_space<vmem>>
      %dma_wait3A_941 = arith.constant 0 : i32
      %dma_wait3A_942 = arith.constant 0 : i32
      %dma_wait3A_943 = tpu.memref_slice %arg2[%dma_wait3A_941, %dma_wait3A_942] : memref<32x1000000xf32, #tpu.memory_space<hbm>> -> memref<32x128xf32, #tpu.memory_space<hbm>>
      tpu.wait_dma2 semaphore(%arg13 : memref<!tpu.dma_semaphore, #tpu.memory_space<semaphore_mem>>) src(%dma_wait3A_943 : memref<32x128xf32, #tpu.memory_space<hbm>>) dst(%dma_wait3A_940 : memref<32x128xf32, #tpu.memory_space<vmem>>)
      %dma_wait3A_944 = arith.constant 0 : i32
      %dma_wait3A_945 = arith.constant 128 : i32
      %dma_wait3A_946 = tpu.memref_slice %arg6[%dma_wait3A_944, %dma_wait3A_945] : memref<32x512xf32, #tpu.memory_space<vmem>> -> memref<32x128xf32, #tpu.memory_space<vmem>>
      %dma_wait3A_947 = arith.constant 0 : i32
      %dma_wait3A_948 = arith.constant 0 : i32
      %dma_wait3A_949 = tpu.memref_slice %arg2[%dma_wait3A_947, %dma_wait3A_948] : memref<32x1000000xf32, #tpu.memory_space<hbm>> -> memref<32x128xf32, #tpu.memory_space<hbm>>
      %dma_wait3A_950 = arith.constant 0 : i32
      %dma_wait3A_951 = arith.constant 128 : i32
      %dma_wait3A_952 = tpu.memref_slice %arg6[%dma_wait3A_950, %dma_wait3A_951] : memref<32x512xf32, #tpu.memory_space<vmem>> -> memref<32x128xf32, #tpu.memory_space<vmem>>
      %dma_wait3A_953 = arith.constant 0 : i32
      %dma_wait3A_954 = arith.constant 0 : i32
      %dma_wait3A_955 = tpu.memref_slice %arg2[%dma_wait3A_953, %dma_wait3A_954] : memref<32x1000000xf32, #tpu.memory_space<hbm>> -> memref<32x128xf32, #tpu.memory_space<hbm>>
      tpu.wait_dma2 semaphore(%arg13 : memref<!tpu.dma_semaphore, #tpu.memory_space<semaphore_mem>>) src(%dma_wait3A_955 : memref<32x128xf32, #tpu.memory_space<hbm>>) dst(%dma_wait3A_952 : memref<32x128xf32, #tpu.memory_space<vmem>>)
      %dma_wait3A_956 = arith.constant 0 : i32
      %dma_wait3A_957 = arith.constant 256 : i32
      %dma_wait3A_958 = tpu.memref_slice %arg6[%dma_wait3A_956, %dma_wait3A_957] : memref<32x512xf32, #tpu.memory_space<vmem>> -> memref<32x128xf32, #tpu.memory_space<vmem>>
      %dma_wait3A_959 = arith.constant 0 : i32
      %dma_wait3A_960 = arith.constant 0 : i32
      %dma_wait3A_961 = tpu.memref_slice %arg2[%dma_wait3A_959, %dma_wait3A_960] : memref<32x1000000xf32, #tpu.memory_space<hbm>> -> memref<32x128xf32, #tpu.memory_space<hbm>>
      %dma_wait3A_962 = arith.constant 0 : i32
      %dma_wait3A_963 = arith.constant 256 : i32
      %dma_wait3A_964 = tpu.memref_slice %arg6[%dma_wait3A_962, %dma_wait3A_963] : memref<32x512xf32, #tpu.memory_space<vmem>> -> memref<32x128xf32, #tpu.memory_space<vmem>>
      %dma_wait3A_965 = arith.constant 0 : i32
      %dma_wait3A_966 = arith.constant 0 : i32
      %dma_wait3A_967 = tpu.memref_slice %arg2[%dma_wait3A_965, %dma_wait3A_966] : memref<32x1000000xf32, #tpu.memory_space<hbm>> -> memref<32x128xf32, #tpu.memory_space<hbm>>
      tpu.wait_dma2 semaphore(%arg13 : memref<!tpu.dma_semaphore, #tpu.memory_space<semaphore_mem>>) src(%dma_wait3A_967 : memref<32x128xf32, #tpu.memory_space<hbm>>) dst(%dma_wait3A_964 : memref<32x128xf32, #tpu.memory_space<vmem>>)
      %dma_wait3A_968 = arith.constant 0 : i32
      %dma_wait3A_969 = arith.constant 384 : i32
      %dma_wait3A_970 = tpu.memref_slice %arg6[%dma_wait3A_968, %dma_wait3A_969] : memref<32x512xf32, #tpu.memory_space<vmem>> -> memref<32x128xf32, #tpu.memory_space<vmem>>
      %dma_wait3A_971 = arith.constant 0 : i32
      %dma_wait3A_972 = arith.constant 0 : i32
      %dma_wait3A_973 = tpu.memref_slice %arg2[%dma_wait3A_971, %dma_wait3A_972] : memref<32x1000000xf32, #tpu.memory_space<hbm>> -> memref<32x128xf32, #tpu.memory_space<hbm>>
      %dma_wait3A_974 = arith.constant 0 : i32
      %dma_wait3A_975 = arith.constant 384 : i32
      %dma_wait3A_976 = tpu.memref_slice %arg6[%dma_wait3A_974, %dma_wait3A_975] : memref<32x512xf32, #tpu.memory_space<vmem>> -> memref<32x128xf32, #tpu.memory_space<vmem>>
      %dma_wait3A_977 = arith.constant 0 : i32
      %dma_wait3A_978 = arith.constant 0 : i32
      %dma_wait3A_979 = tpu.memref_slice %arg2[%dma_wait3A_977, %dma_wait3A_978] : memref<32x1000000xf32, #tpu.memory_space<hbm>> -> memref<32x128xf32, #tpu.memory_space<hbm>>
      tpu.wait_dma2 semaphore(%arg13 : memref<!tpu.dma_semaphore, #tpu.memory_space<semaphore_mem>>) src(%dma_wait3A_979 : memref<32x128xf32, #tpu.memory_space<hbm>>) dst(%dma_wait3A_976 : memref<32x128xf32, #tpu.memory_space<vmem>>)
      %mul3A_980 = arith.constant 4 : i32
      %mul3A_981 = arith.muli %add3A_924, %mul3A_980 : i32
      %add3A_982 = vector.broadcast %mul3A_981 : i32 to vector<16xi32>
      %add3A_983 = arith.addi %add3A_982, %iota3A : vector<16xi32>
      %gather3A_984 = tpu.vector_load_idx %arg5[%add3A_983] : memref<528xi32, #tpu.memory_space<vmem>>[vector<16xi32>], vector<16xi32>,
      %mul3A_985 = arith.constant 4 : i32
      %mul3A_986 = arith.muli %add3A_924, %mul3A_985 : i32
      %add3A_987 = arith.constant 0 : i32
      %add3A_988 = arith.addi %mul3A_986, %add3A_987 : i32
      %slice3A_989 = vector.extract_strided_slice %gather3A_984 {offsets = [0], sizes = [1], strides = [1]} : vector<16xi32> to vector<1xi32>
      %squeeze3A_990 = vector.extract %slice3A_989[0] : i32 from vector<1xi32>
      %jit3A_991 = arith.constant 128 : i32
      %eq3A_992 = arith.constant 0 : i32
      %eq3A_993 = arith.cmpi eq, %jit3A_991, %eq3A_992 : i32
      %jit3A_994 = arith.constant 1 : i32
      %select_n3A_995 = arith.select %eq3A_993, %jit3A_994, %jit3A_991 : i32
      %rem3A_996 = arith.remsi %squeeze3A_990, %select_n3A_995 : i32
      %ne3A_997 = arith.constant 0 : i32
      %ne3A_998 = arith.cmpi ne, %rem3A_996, %ne3A_997 : i32
      %lt3A_999 = arith.constant 0 : i32
      %lt3A_1000 = arith.cmpi slt, %rem3A_996, %lt3A_999 : i32
      %lt3A_1001 = arith.constant 0 : i32
      %lt3A_1002 = arith.cmpi slt, %select_n3A_995, %lt3A_1001 : i32
      %ne3A_1003 = arith.xori %lt3A_1000, %lt3A_1002 : i1
      %and3A_1004 = arith.andi %ne3A_1003, %ne3A_998 : i1
      %add3A_1005 = arith.addi %rem3A_996, %select_n3A_995 : i32
      %select_n3A_1006 = arith.select %and3A_1004, %add3A_1005, %rem3A_996 : i32
      %add3A_1007 = arith.constant 0 : i32
      %add3A_1008 = arith.addi %add3A_1007, %select_n3A_1006 : i32
      %broadcast_in_dim3A_1009 = vector.broadcast %add3A_1008 : i32 to vector<16xi32>
      %broadcast_in_dim3A_1010 = vector.broadcast %add3A_988 : i32 to vector<16xi32>
      %gather3A_1011 = tpu.vector_load_idx %arg6[%iota3A, %broadcast_in_dim3A_1009] : memref<32x512xf32, #tpu.memory_space<vmem>>[vector<16xi32>, vector<16xi32>], vector<16xf32>,
      %gather3A_1012 = tpu.vector_load_idx %arg6[%add3A_5, %broadcast_in_dim3A_1009] : memref<32x512xf32, #tpu.memory_space<vmem>>[vector<16xi32>, vector<16xi32>], vector<16xf32>,
      tpu.vector_store_idx %arg12[%iota3A, %broadcast_in_dim3A_1010], %gather3A_1011 : memref<32x512xf32, #tpu.memory_space<vmem>>[vector<16xi32>, vector<16xi32>], vector<16xf32>,
      tpu.vector_store_idx %arg12[%add3A_5, %broadcast_in_dim3A_1010], %gather3A_1012 : memref<32x512xf32, #tpu.memory_space<vmem>>[vector<16xi32>, vector<16xi32>], vector<16xf32>,
      %mul3A_1013 = arith.constant 4 : i32
      %mul3A_1014 = arith.muli %add3A_924, %mul3A_1013 : i32
      %add3A_1015 = arith.constant 1 : i32
      %add3A_1016 = arith.addi %mul3A_1014, %add3A_1015 : i32
      %slice3A_1017 = vector.extract_strided_slice %gather3A_984 {offsets = [1], sizes = [1], strides = [1]} : vector<16xi32> to vector<1xi32>
      %squeeze3A_1018 = vector.extract %slice3A_1017[0] : i32 from vector<1xi32>
      %jit3A_1019 = arith.constant 128 : i32
      %eq3A_1020 = arith.constant 0 : i32
      %eq3A_1021 = arith.cmpi eq, %jit3A_1019, %eq3A_1020 : i32
      %jit3A_1022 = arith.constant 1 : i32
      %select_n3A_1023 = arith.select %eq3A_1021, %jit3A_1022, %jit3A_1019 : i32
      %rem3A_1024 = arith.remsi %squeeze3A_1018, %select_n3A_1023 : i32
      %ne3A_1025 = arith.constant 0 : i32
      %ne3A_1026 = arith.cmpi ne, %rem3A_1024, %ne3A_1025 : i32
      %lt3A_1027 = arith.constant 0 : i32
      %lt3A_1028 = arith.cmpi slt, %rem3A_1024, %lt3A_1027 : i32
      %lt3A_1029 = arith.constant 0 : i32
      %lt3A_1030 = arith.cmpi slt, %select_n3A_1023, %lt3A_1029 : i32
      %ne3A_1031 = arith.xori %lt3A_1028, %lt3A_1030 : i1
      %and3A_1032 = arith.andi %ne3A_1031, %ne3A_1026 : i1
      %add3A_1033 = arith.addi %rem3A_1024, %select_n3A_1023 : i32
      %select_n3A_1034 = arith.select %and3A_1032, %add3A_1033, %rem3A_1024 : i32
      %add3A_1035 = arith.constant 128 : i32
      %add3A_1036 = arith.addi %add3A_1035, %select_n3A_1034 : i32
      %broadcast_in_dim3A_1037 = vector.broadcast %add3A_1036 : i32 to vector<16xi32>
      %broadcast_in_dim3A_1038 = vector.broadcast %add3A_1016 : i32 to vector<16xi32>
      %gather3A_1039 = tpu.vector_load_idx %arg6[%iota3A, %broadcast_in_dim3A_1037] : memref<32x512xf32, #tpu.memory_space<vmem>>[vector<16xi32>, vector<16xi32>], vector<16xf32>,
      %gather3A_1040 = tpu.vector_load_idx %arg6[%add3A_5, %broadcast_in_dim3A_1037] : memref<32x512xf32, #tpu.memory_space<vmem>>[vector<16xi32>, vector<16xi32>], vector<16xf32>,
      tpu.vector_store_idx %arg12[%iota3A, %broadcast_in_dim3A_1038], %gather3A_1039 : memref<32x512xf32, #tpu.memory_space<vmem>>[vector<16xi32>, vector<16xi32>], vector<16xf32>,
      tpu.vector_store_idx %arg12[%add3A_5, %broadcast_in_dim3A_1038], %gather3A_1040 : memref<32x512xf32, #tpu.memory_space<vmem>>[vector<16xi32>, vector<16xi32>], vector<16xf32>,
      %mul3A_1041 = arith.constant 4 : i32
      %mul3A_1042 = arith.muli %add3A_924, %mul3A_1041 : i32
      %add3A_1043 = arith.constant 2 : i32
      %add3A_1044 = arith.addi %mul3A_1042, %add3A_1043 : i32
      %slice3A_1045 = vector.extract_strided_slice %gather3A_984 {offsets = [2], sizes = [1], strides = [1]} : vector<16xi32> to vector<1xi32>
      %squeeze3A_1046 = vector.extract %slice3A_1045[0] : i32 from vector<1xi32>
      %jit3A_1047 = arith.constant 128 : i32
      %eq3A_1048 = arith.constant 0 : i32
      %eq3A_1049 = arith.cmpi eq, %jit3A_1047, %eq3A_1048 : i32
      %jit3A_1050 = arith.constant 1 : i32
      %select_n3A_1051 = arith.select %eq3A_1049, %jit3A_1050, %jit3A_1047 : i32
      %rem3A_1052 = arith.remsi %squeeze3A_1046, %select_n3A_1051 : i32
      %ne3A_1053 = arith.constant 0 : i32
      %ne3A_1054 = arith.cmpi ne, %rem3A_1052, %ne3A_1053 : i32
      %lt3A_1055 = arith.constant 0 : i32
      %lt3A_1056 = arith.cmpi slt, %rem3A_1052, %lt3A_1055 : i32
      %lt3A_1057 = arith.constant 0 : i32
      %lt3A_1058 = arith.cmpi slt, %select_n3A_1051, %lt3A_1057 : i32
      %ne3A_1059 = arith.xori %lt3A_1056, %lt3A_1058 : i1
      %and3A_1060 = arith.andi %ne3A_1059, %ne3A_1054 : i1
      %add3A_1061 = arith.addi %rem3A_1052, %select_n3A_1051 : i32
      %select_n3A_1062 = arith.select %and3A_1060, %add3A_1061, %rem3A_1052 : i32
      %add3A_1063 = arith.constant 256 : i32
      %add3A_1064 = arith.addi %add3A_1063, %select_n3A_1062 : i32
      %broadcast_in_dim3A_1065 = vector.broadcast %add3A_1064 : i32 to vector<16xi32>
      %broadcast_in_dim3A_1066 = vector.broadcast %add3A_1044 : i32 to vector<16xi32>
      %gather3A_1067 = tpu.vector_load_idx %arg6[%iota3A, %broadcast_in_dim3A_1065] : memref<32x512xf32, #tpu.memory_space<vmem>>[vector<16xi32>, vector<16xi32>], vector<16xf32>,
      %gather3A_1068 = tpu.vector_load_idx %arg6[%add3A_5, %broadcast_in_dim3A_1065] : memref<32x512xf32, #tpu.memory_space<vmem>>[vector<16xi32>, vector<16xi32>], vector<16xf32>,
      tpu.vector_store_idx %arg12[%iota3A, %broadcast_in_dim3A_1066], %gather3A_1067 : memref<32x512xf32, #tpu.memory_space<vmem>>[vector<16xi32>, vector<16xi32>], vector<16xf32>,
      tpu.vector_store_idx %arg12[%add3A_5, %broadcast_in_dim3A_1066], %gather3A_1068 : memref<32x512xf32, #tpu.memory_space<vmem>>[vector<16xi32>, vector<16xi32>], vector<16xf32>,
      %mul3A_1069 = arith.constant 4 : i32
      %mul3A_1070 = arith.muli %add3A_924, %mul3A_1069 : i32
      %add3A_1071 = arith.constant 3 : i32
      %add3A_1072 = arith.addi %mul3A_1070, %add3A_1071 : i32
      %slice3A_1073 = vector.extract_strided_slice %gather3A_984 {offsets = [3], sizes = [1], strides = [1]} : vector<16xi32> to vector<1xi32>
      %squeeze3A_1074 = vector.extract %slice3A_1073[0] : i32 from vector<1xi32>
      %jit3A_1075 = arith.constant 128 : i32
      %eq3A_1076 = arith.constant 0 : i32
      %eq3A_1077 = arith.cmpi eq, %jit3A_1075, %eq3A_1076 : i32
      %jit3A_1078 = arith.constant 1 : i32
      %select_n3A_1079 = arith.select %eq3A_1077, %jit3A_1078, %jit3A_1075 : i32
      %rem3A_1080 = arith.remsi %squeeze3A_1074, %select_n3A_1079 : i32
      %ne3A_1081 = arith.constant 0 : i32
      %ne3A_1082 = arith.cmpi ne, %rem3A_1080, %ne3A_1081 : i32
      %lt3A_1083 = arith.constant 0 : i32
      %lt3A_1084 = arith.cmpi slt, %rem3A_1080, %lt3A_1083 : i32
      %lt3A_1085 = arith.constant 0 : i32
      %lt3A_1086 = arith.cmpi slt, %select_n3A_1079, %lt3A_1085 : i32
      %ne3A_1087 = arith.xori %lt3A_1084, %lt3A_1086 : i1
      %and3A_1088 = arith.andi %ne3A_1087, %ne3A_1082 : i1
      %add3A_1089 = arith.addi %rem3A_1080, %select_n3A_1079 : i32
      %select_n3A_1090 = arith.select %and3A_1088, %add3A_1089, %rem3A_1080 : i32
      %add3A_1091 = arith.constant 384 : i32
      %add3A_1092 = arith.addi %add3A_1091, %select_n3A_1090 : i32
      %broadcast_in_dim3A_1093 = vector.broadcast %add3A_1092 : i32 to vector<16xi32>
      %broadcast_in_dim3A_1094 = vector.broadcast %add3A_1072 : i32 to vector<16xi32>
      %gather3A_1095 = tpu.vector_load_idx %arg6[%iota3A, %broadcast_in_dim3A_1093] : memref<32x512xf32, #tpu.memory_space<vmem>>[vector<16xi32>, vector<16xi32>], vector<16xf32>,
      %gather3A_1096 = tpu.vector_load_idx %arg6[%add3A_5, %broadcast_in_dim3A_1093] : memref<32x512xf32, #tpu.memory_space<vmem>>[vector<16xi32>, vector<16xi32>], vector<16xf32>,
      tpu.vector_store_idx %arg12[%iota3A, %broadcast_in_dim3A_1094], %gather3A_1095 : memref<32x512xf32, #tpu.memory_space<vmem>>[vector<16xi32>, vector<16xi32>], vector<16xf32>,
      tpu.vector_store_idx %arg12[%add3A_5, %broadcast_in_dim3A_1094], %gather3A_1096 : memref<32x512xf32, #tpu.memory_space<vmem>>[vector<16xi32>, vector<16xi32>], vector<16xf32>,
      %mul3A_1097 = arith.constant 6 : i32
      %mul3A_1098 = arith.muli %mul3A_1097, %scan3A_920 : i32
      %add3A_1099 = arith.constant 1 : i32
      %add3A_1100 = arith.addi %mul3A_1098, %add3A_1099 : i32
      %add3A_1101 = arith.constant 6 : i32
      %add3A_1102 = arith.addi %add3A_1100, %add3A_1101 : i32
      %sub3A_1103 = arith.constant 1 : i32
      %sub3A_1104 = arith.subi %add3A_1102, %sub3A_1103 : i32
      %lt3A_1105 = arith.constant 128 : i32
      %lt3A_1106 = arith.cmpi slt, %sub3A_1104, %lt3A_1105 : i32
      %convert_element_type3A_1107 = arith.extui %lt3A_1106 : i1 to i32
      %cond3A_1108 = arith.constant 0 : i32
      %cond3A_1109 = arith.cmpi ne, %convert_element_type3A_1107, %cond3A_1108 : i32
      scf.if %cond3A_1109 {
        %add3A_1987 = arith.constant 6 : i32
        %add3A_1988 = arith.addi %add3A_1100, %add3A_1987 : i32
        %sub3A_1989 = arith.constant 1 : i32
        %sub3A_1990 = arith.subi %add3A_1988, %sub3A_1989 : i32
        %mul3A_1991 = arith.constant 4 : i32
        %mul3A_1992 = arith.muli %sub3A_1990, %mul3A_1991 : i32
        %add3A_1993 = vector.broadcast %mul3A_1992 : i32 to vector<16xi32>
        %add3A_1994 = arith.addi %add3A_1993, %iota3A : vector<16xi32>
        %gather3A_1995 = tpu.vector_load_idx %arg5[%add3A_1994] : memref<528xi32, #tpu.memory_space<vmem>>[vector<16xi32>], vector<16xi32>,
        %slice3A_1996 = vector.extract_strided_slice %gather3A_1995 {offsets = [0], sizes = [1], strides = [1]} : vector<16xi32> to vector<1xi32>
        %squeeze3A_1997 = vector.extract %slice3A_1996[0] : i32 from vector<1xi32>
        %jit3A_1998 = arith.constant 128 : i32
        %eq3A_1999 = arith.constant 0 : i32
        %eq3A_2000 = arith.cmpi eq, %jit3A_1998, %eq3A_1999 : i32
        %jit3A_2001 = arith.constant 1 : i32
        %select_n3A_2002 = arith.select %eq3A_2000, %jit3A_2001, %jit3A_1998 : i32
        %rem3A_2003 = arith.remsi %squeeze3A_1997, %select_n3A_2002 : i32
        %ne3A_2004 = arith.constant 0 : i32
        %ne3A_2005 = arith.cmpi ne, %rem3A_2003, %ne3A_2004 : i32
        %lt3A_2006 = arith.constant 0 : i32
        %lt3A_2007 = arith.cmpi slt, %rem3A_2003, %lt3A_2006 : i32
        %lt3A_2008 = arith.constant 0 : i32
        %lt3A_2009 = arith.cmpi slt, %select_n3A_2002, %lt3A_2008 : i32
        %ne3A_2010 = arith.xori %lt3A_2007, %lt3A_2009 : i1
        %and3A_2011 = arith.andi %ne3A_2010, %ne3A_2005 : i1
        %add3A_2012 = arith.addi %rem3A_2003, %select_n3A_2002 : i32
        %select_n3A_2013 = arith.select %and3A_2011, %add3A_2012, %rem3A_2003 : i32
        %sub3A_2014 = arith.subi %squeeze3A_1997, %select_n3A_2013 : i32
        %multiple_of3A_2015 = tpu.assume_multiple %sub3A_2014, 128 : i32
        %dma_start3A_2016 = arith.constant 0 : i32
        %dma_start3A_2017 = arith.constant 0 : i32
        %dma_start3A_2018 = tpu.memref_slice %arg6[%dma_start3A_2016, %dma_start3A_2017] : memref<32x512xf32, #tpu.memory_space<vmem>> -> memref<32x128xf32, #tpu.memory_space<vmem>>
        %dma_start3A_2019 = arith.constant 0 : i32
        %dma_start3A_2020 = tpu.memref_slice %arg2[%dma_start3A_2019, %multiple_of3A_2015] : memref<32x1000000xf32, #tpu.memory_space<hbm>> -> memref<32x128xf32, #tpu.memory_space<hbm>>
        %dma_start3A_2021 = arith.constant 0 : i32
        %dma_start3A_2022 = arith.constant 0 : i32
        %dma_start3A_2023 = tpu.memref_slice %arg6[%dma_start3A_2021, %dma_start3A_2022] : memref<32x512xf32, #tpu.memory_space<vmem>> -> memref<32x128xf32, #tpu.memory_space<vmem>>
        %dma_start3A_2024 = arith.constant 0 : i32
        %dma_start3A_2025 = tpu.memref_slice %arg2[%dma_start3A_2024, %multiple_of3A_2015] : memref<32x1000000xf32, #tpu.memory_space<hbm>> -> memref<32x128xf32, #tpu.memory_space<hbm>>
        tpu.enqueue_dma source(%dma_start3A_2025 : memref<32x128xf32, #tpu.memory_space<hbm>>) target(%dma_start3A_2023 : memref<32x128xf32, #tpu.memory_space<vmem>>) target_semaphore(%arg13 : memref<!tpu.dma_semaphore, #tpu.memory_space<semaphore_mem>>)
        %slice3A_2026 = vector.extract_strided_slice %gather3A_1995 {offsets = [1], sizes = [1], strides = [1]} : vector<16xi32> to vector<1xi32>
        %squeeze3A_2027 = vector.extract %slice3A_2026[0] : i32 from vector<1xi32>
        %jit3A_2028 = arith.constant 128 : i32
        %eq3A_2029 = arith.constant 0 : i32
        %eq3A_2030 = arith.cmpi eq, %jit3A_2028, %eq3A_2029 : i32
        %jit3A_2031 = arith.constant 1 : i32
        %select_n3A_2032 = arith.select %eq3A_2030, %jit3A_2031, %jit3A_2028 : i32
        %rem3A_2033 = arith.remsi %squeeze3A_2027, %select_n3A_2032 : i32
        %ne3A_2034 = arith.constant 0 : i32
        %ne3A_2035 = arith.cmpi ne, %rem3A_2033, %ne3A_2034 : i32
        %lt3A_2036 = arith.constant 0 : i32
        %lt3A_2037 = arith.cmpi slt, %rem3A_2033, %lt3A_2036 : i32
        %lt3A_2038 = arith.constant 0 : i32
        %lt3A_2039 = arith.cmpi slt, %select_n3A_2032, %lt3A_2038 : i32
        %ne3A_2040 = arith.xori %lt3A_2037, %lt3A_2039 : i1
        %and3A_2041 = arith.andi %ne3A_2040, %ne3A_2035 : i1
        %add3A_2042 = arith.addi %rem3A_2033, %select_n3A_2032 : i32
        %select_n3A_2043 = arith.select %and3A_2041, %add3A_2042, %rem3A_2033 : i32
        %sub3A_2044 = arith.subi %squeeze3A_2027, %select_n3A_2043 : i32
        %multiple_of3A_2045 = tpu.assume_multiple %sub3A_2044, 128 : i32
        %dma_start3A_2046 = arith.constant 0 : i32
        %dma_start3A_2047 = arith.constant 128 : i32
        %dma_start3A_2048 = tpu.memref_slice %arg6[%dma_start3A_2046, %dma_start3A_2047] : memref<32x512xf32, #tpu.memory_space<vmem>> -> memref<32x128xf32, #tpu.memory_space<vmem>>
        %dma_start3A_2049 = arith.constant 0 : i32
        %dma_start3A_2050 = tpu.memref_slice %arg2[%dma_start3A_2049, %multiple_of3A_2045] : memref<32x1000000xf32, #tpu.memory_space<hbm>> -> memref<32x128xf32, #tpu.memory_space<hbm>>
        %dma_start3A_2051 = arith.constant 0 : i32
        %dma_start3A_2052 = arith.constant 128 : i32
        %dma_start3A_2053 = tpu.memref_slice %arg6[%dma_start3A_2051, %dma_start3A_2052] : memref<32x512xf32, #tpu.memory_space<vmem>> -> memref<32x128xf32, #tpu.memory_space<vmem>>
        %dma_start3A_2054 = arith.constant 0 : i32
        %dma_start3A_2055 = tpu.memref_slice %arg2[%dma_start3A_2054, %multiple_of3A_2045] : memref<32x1000000xf32, #tpu.memory_space<hbm>> -> memref<32x128xf32, #tpu.memory_space<hbm>>
        tpu.enqueue_dma source(%dma_start3A_2055 : memref<32x128xf32, #tpu.memory_space<hbm>>) target(%dma_start3A_2053 : memref<32x128xf32, #tpu.memory_space<vmem>>) target_semaphore(%arg13 : memref<!tpu.dma_semaphore, #tpu.memory_space<semaphore_mem>>)
        %slice3A_2056 = vector.extract_strided_slice %gather3A_1995 {offsets = [2], sizes = [1], strides = [1]} : vector<16xi32> to vector<1xi32>
        %squeeze3A_2057 = vector.extract %slice3A_2056[0] : i32 from vector<1xi32>
        %jit3A_2058 = arith.constant 128 : i32
        %eq3A_2059 = arith.constant 0 : i32
        %eq3A_2060 = arith.cmpi eq, %jit3A_2058, %eq3A_2059 : i32
        %jit3A_2061 = arith.constant 1 : i32
        %select_n3A_2062 = arith.select %eq3A_2060, %jit3A_2061, %jit3A_2058 : i32
        %rem3A_2063 = arith.remsi %squeeze3A_2057, %select_n3A_2062 : i32
        %ne3A_2064 = arith.constant 0 : i32
        %ne3A_2065 = arith.cmpi ne, %rem3A_2063, %ne3A_2064 : i32
        %lt3A_2066 = arith.constant 0 : i32
        %lt3A_2067 = arith.cmpi slt, %rem3A_2063, %lt3A_2066 : i32
        %lt3A_2068 = arith.constant 0 : i32
        %lt3A_2069 = arith.cmpi slt, %select_n3A_2062, %lt3A_2068 : i32
        %ne3A_2070 = arith.xori %lt3A_2067, %lt3A_2069 : i1
        %and3A_2071 = arith.andi %ne3A_2070, %ne3A_2065 : i1
        %add3A_2072 = arith.addi %rem3A_2063, %select_n3A_2062 : i32
        %select_n3A_2073 = arith.select %and3A_2071, %add3A_2072, %rem3A_2063 : i32
        %sub3A_2074 = arith.subi %squeeze3A_2057, %select_n3A_2073 : i32
        %multiple_of3A_2075 = tpu.assume_multiple %sub3A_2074, 128 : i32
        %dma_start3A_2076 = arith.constant 0 : i32
        %dma_start3A_2077 = arith.constant 256 : i32
        %dma_start3A_2078 = tpu.memref_slice %arg6[%dma_start3A_2076, %dma_start3A_2077] : memref<32x512xf32, #tpu.memory_space<vmem>> -> memref<32x128xf32, #tpu.memory_space<vmem>>
        %dma_start3A_2079 = arith.constant 0 : i32
        %dma_start3A_2080 = tpu.memref_slice %arg2[%dma_start3A_2079, %multiple_of3A_2075] : memref<32x1000000xf32, #tpu.memory_space<hbm>> -> memref<32x128xf32, #tpu.memory_space<hbm>>
        %dma_start3A_2081 = arith.constant 0 : i32
        %dma_start3A_2082 = arith.constant 256 : i32
        %dma_start3A_2083 = tpu.memref_slice %arg6[%dma_start3A_2081, %dma_start3A_2082] : memref<32x512xf32, #tpu.memory_space<vmem>> -> memref<32x128xf32, #tpu.memory_space<vmem>>
        %dma_start3A_2084 = arith.constant 0 : i32
        %dma_start3A_2085 = tpu.memref_slice %arg2[%dma_start3A_2084, %multiple_of3A_2075] : memref<32x1000000xf32, #tpu.memory_space<hbm>> -> memref<32x128xf32, #tpu.memory_space<hbm>>
        tpu.enqueue_dma source(%dma_start3A_2085 : memref<32x128xf32, #tpu.memory_space<hbm>>) target(%dma_start3A_2083 : memref<32x128xf32, #tpu.memory_space<vmem>>) target_semaphore(%arg13 : memref<!tpu.dma_semaphore, #tpu.memory_space<semaphore_mem>>)
        %slice3A_2086 = vector.extract_strided_slice %gather3A_1995 {offsets = [3], sizes = [1], strides = [1]} : vector<16xi32> to vector<1xi32>
        %squeeze3A_2087 = vector.extract %slice3A_2086[0] : i32 from vector<1xi32>
        %jit3A_2088 = arith.constant 128 : i32
        %eq3A_2089 = arith.constant 0 : i32
        %eq3A_2090 = arith.cmpi eq, %jit3A_2088, %eq3A_2089 : i32
        %jit3A_2091 = arith.constant 1 : i32
        %select_n3A_2092 = arith.select %eq3A_2090, %jit3A_2091, %jit3A_2088 : i32
        %rem3A_2093 = arith.remsi %squeeze3A_2087, %select_n3A_2092 : i32
        %ne3A_2094 = arith.constant 0 : i32
        %ne3A_2095 = arith.cmpi ne, %rem3A_2093, %ne3A_2094 : i32
        %lt3A_2096 = arith.constant 0 : i32
        %lt3A_2097 = arith.cmpi slt, %rem3A_2093, %lt3A_2096 : i32
        %lt3A_2098 = arith.constant 0 : i32
        %lt3A_2099 = arith.cmpi slt, %select_n3A_2092, %lt3A_2098 : i32
        %ne3A_2100 = arith.xori %lt3A_2097, %lt3A_2099 : i1
        %and3A_2101 = arith.andi %ne3A_2100, %ne3A_2095 : i1
        %add3A_2102 = arith.addi %rem3A_2093, %select_n3A_2092 : i32
        %select_n3A_2103 = arith.select %and3A_2101, %add3A_2102, %rem3A_2093 : i32
        %sub3A_2104 = arith.subi %squeeze3A_2087, %select_n3A_2103 : i32
        %multiple_of3A_2105 = tpu.assume_multiple %sub3A_2104, 128 : i32
        %dma_start3A_2106 = arith.constant 0 : i32
        %dma_start3A_2107 = arith.constant 384 : i32
        %dma_start3A_2108 = tpu.memref_slice %arg6[%dma_start3A_2106, %dma_start3A_2107] : memref<32x512xf32, #tpu.memory_space<vmem>> -> memref<32x128xf32, #tpu.memory_space<vmem>>
        %dma_start3A_2109 = arith.constant 0 : i32
        %dma_start3A_2110 = tpu.memref_slice %arg2[%dma_start3A_2109, %multiple_of3A_2105] : memref<32x1000000xf32, #tpu.memory_space<hbm>> -> memref<32x128xf32, #tpu.memory_space<hbm>>
        %dma_start3A_2111 = arith.constant 0 : i32
        %dma_start3A_2112 = arith.constant 384 : i32
        %dma_start3A_2113 = tpu.memref_slice %arg6[%dma_start3A_2111, %dma_start3A_2112] : memref<32x512xf32, #tpu.memory_space<vmem>> -> memref<32x128xf32, #tpu.memory_space<vmem>>
        %dma_start3A_2114 = arith.constant 0 : i32
        %dma_start3A_2115 = tpu.memref_slice %arg2[%dma_start3A_2114, %multiple_of3A_2105] : memref<32x1000000xf32, #tpu.memory_space<hbm>> -> memref<32x128xf32, #tpu.memory_space<hbm>>
        tpu.enqueue_dma source(%dma_start3A_2115 : memref<32x128xf32, #tpu.memory_space<hbm>>) target(%dma_start3A_2113 : memref<32x128xf32, #tpu.memory_space<vmem>>) target_semaphore(%arg13 : memref<!tpu.dma_semaphore, #tpu.memory_space<semaphore_mem>>)
      } else {
      }
      %dma_wait3A_1110 = arith.constant 0 : i32
      %dma_wait3A_1111 = arith.constant 0 : i32
      %dma_wait3A_1112 = tpu.memref_slice %arg7[%dma_wait3A_1110, %dma_wait3A_1111] : memref<32x512xf32, #tpu.memory_space<vmem>> -> memref<32x128xf32, #tpu.memory_space<vmem>>
      %dma_wait3A_1113 = arith.constant 0 : i32
      %dma_wait3A_1114 = arith.constant 0 : i32
      %dma_wait3A_1115 = tpu.memref_slice %arg2[%dma_wait3A_1113, %dma_wait3A_1114] : memref<32x1000000xf32, #tpu.memory_space<hbm>> -> memref<32x128xf32, #tpu.memory_space<hbm>>
      %dma_wait3A_1116 = arith.constant 0 : i32
      %dma_wait3A_1117 = arith.constant 0 : i32
      %dma_wait3A_1118 = tpu.memref_slice %arg7[%dma_wait3A_1116, %dma_wait3A_1117] : memref<32x512xf32, #tpu.memory_space<vmem>> -> memref<32x128xf32, #tpu.memory_space<vmem>>
      %dma_wait3A_1119 = arith.constant 0 : i32
      %dma_wait3A_1120 = arith.constant 0 : i32
      %dma_wait3A_1121 = tpu.memref_slice %arg2[%dma_wait3A_1119, %dma_wait3A_1120] : memref<32x1000000xf32, #tpu.memory_space<hbm>> -> memref<32x128xf32, #tpu.memory_space<hbm>>
      tpu.wait_dma2 semaphore(%arg14 : memref<!tpu.dma_semaphore, #tpu.memory_space<semaphore_mem>>) src(%dma_wait3A_1121 : memref<32x128xf32, #tpu.memory_space<hbm>>) dst(%dma_wait3A_1118 : memref<32x128xf32, #tpu.memory_space<vmem>>)
      %dma_wait3A_1122 = arith.constant 0 : i32
      %dma_wait3A_1123 = arith.constant 128 : i32
      %dma_wait3A_1124 = tpu.memref_slice %arg7[%dma_wait3A_1122, %dma_wait3A_1123] : memref<32x512xf32, #tpu.memory_space<vmem>> -> memref<32x128xf32, #tpu.memory_space<vmem>>
      %dma_wait3A_1125 = arith.constant 0 : i32
      %dma_wait3A_1126 = arith.constant 0 : i32
      %dma_wait3A_1127 = tpu.memref_slice %arg2[%dma_wait3A_1125, %dma_wait3A_1126] : memref<32x1000000xf32, #tpu.memory_space<hbm>> -> memref<32x128xf32, #tpu.memory_space<hbm>>
      %dma_wait3A_1128 = arith.constant 0 : i32
      %dma_wait3A_1129 = arith.constant 128 : i32
      %dma_wait3A_1130 = tpu.memref_slice %arg7[%dma_wait3A_1128, %dma_wait3A_1129] : memref<32x512xf32, #tpu.memory_space<vmem>> -> memref<32x128xf32, #tpu.memory_space<vmem>>
      %dma_wait3A_1131 = arith.constant 0 : i32
      %dma_wait3A_1132 = arith.constant 0 : i32
      %dma_wait3A_1133 = tpu.memref_slice %arg2[%dma_wait3A_1131, %dma_wait3A_1132] : memref<32x1000000xf32, #tpu.memory_space<hbm>> -> memref<32x128xf32, #tpu.memory_space<hbm>>
      tpu.wait_dma2 semaphore(%arg14 : memref<!tpu.dma_semaphore, #tpu.memory_space<semaphore_mem>>) src(%dma_wait3A_1133 : memref<32x128xf32, #tpu.memory_space<hbm>>) dst(%dma_wait3A_1130 : memref<32x128xf32, #tpu.memory_space<vmem>>)
      %dma_wait3A_1134 = arith.constant 0 : i32
      %dma_wait3A_1135 = arith.constant 256 : i32
      %dma_wait3A_1136 = tpu.memref_slice %arg7[%dma_wait3A_1134, %dma_wait3A_1135] : memref<32x512xf32, #tpu.memory_space<vmem>> -> memref<32x128xf32, #tpu.memory_space<vmem>>
      %dma_wait3A_1137 = arith.constant 0 : i32
      %dma_wait3A_1138 = arith.constant 0 : i32
      %dma_wait3A_1139 = tpu.memref_slice %arg2[%dma_wait3A_1137, %dma_wait3A_1138] : memref<32x1000000xf32, #tpu.memory_space<hbm>> -> memref<32x128xf32, #tpu.memory_space<hbm>>
      %dma_wait3A_1140 = arith.constant 0 : i32
      %dma_wait3A_1141 = arith.constant 256 : i32
      %dma_wait3A_1142 = tpu.memref_slice %arg7[%dma_wait3A_1140, %dma_wait3A_1141] : memref<32x512xf32, #tpu.memory_space<vmem>> -> memref<32x128xf32, #tpu.memory_space<vmem>>
      %dma_wait3A_1143 = arith.constant 0 : i32
      %dma_wait3A_1144 = arith.constant 0 : i32
      %dma_wait3A_1145 = tpu.memref_slice %arg2[%dma_wait3A_1143, %dma_wait3A_1144] : memref<32x1000000xf32, #tpu.memory_space<hbm>> -> memref<32x128xf32, #tpu.memory_space<hbm>>
      tpu.wait_dma2 semaphore(%arg14 : memref<!tpu.dma_semaphore, #tpu.memory_space<semaphore_mem>>) src(%dma_wait3A_1145 : memref<32x128xf32, #tpu.memory_space<hbm>>) dst(%dma_wait3A_1142 : memref<32x128xf32, #tpu.memory_space<vmem>>)
      %dma_wait3A_1146 = arith.constant 0 : i32
      %dma_wait3A_1147 = arith.constant 384 : i32
      %dma_wait3A_1148 = tpu.memref_slice %arg7[%dma_wait3A_1146, %dma_wait3A_1147] : memref<32x512xf32, #tpu.memory_space<vmem>> -> memref<32x128xf32, #tpu.memory_space<vmem>>
      %dma_wait3A_1149 = arith.constant 0 : i32
      %dma_wait3A_1150 = arith.constant 0 : i32
      %dma_wait3A_1151 = tpu.memref_slice %arg2[%dma_wait3A_1149, %dma_wait3A_1150] : memref<32x1000000xf32, #tpu.memory_space<hbm>> -> memref<32x128xf32, #tpu.memory_space<hbm>>
      %dma_wait3A_1152 = arith.constant 0 : i32
      %dma_wait3A_1153 = arith.constant 384 : i32
      %dma_wait3A_1154 = tpu.memref_slice %arg7[%dma_wait3A_1152, %dma_wait3A_1153] : memref<32x512xf32, #tpu.memory_space<vmem>> -> memref<32x128xf32, #tpu.memory_space<vmem>>
      %dma_wait3A_1155 = arith.constant 0 : i32
      %dma_wait3A_1156 = arith.constant 0 : i32
      %dma_wait3A_1157 = tpu.memref_slice %arg2[%dma_wait3A_1155, %dma_wait3A_1156] : memref<32x1000000xf32, #tpu.memory_space<hbm>> -> memref<32x128xf32, #tpu.memory_space<hbm>>
      tpu.wait_dma2 semaphore(%arg14 : memref<!tpu.dma_semaphore, #tpu.memory_space<semaphore_mem>>) src(%dma_wait3A_1157 : memref<32x128xf32, #tpu.memory_space<hbm>>) dst(%dma_wait3A_1154 : memref<32x128xf32, #tpu.memory_space<vmem>>)
      %mul3A_1158 = arith.constant 4 : i32
      %mul3A_1159 = arith.muli %add3A_1100, %mul3A_1158 : i32
      %add3A_1160 = vector.broadcast %mul3A_1159 : i32 to vector<16xi32>
      %add3A_1161 = arith.addi %add3A_1160, %iota3A : vector<16xi32>
      %gather3A_1162 = tpu.vector_load_idx %arg5[%add3A_1161] : memref<528xi32, #tpu.memory_space<vmem>>[vector<16xi32>], vector<16xi32>,
      %mul3A_1163 = arith.constant 4 : i32
      %mul3A_1164 = arith.muli %add3A_1100, %mul3A_1163 : i32
      %add3A_1165 = arith.constant 0 : i32
      %add3A_1166 = arith.addi %mul3A_1164, %add3A_1165 : i32
      %slice3A_1167 = vector.extract_strided_slice %gather3A_1162 {offsets = [0], sizes = [1], strides = [1]} : vector<16xi32> to vector<1xi32>
      %squeeze3A_1168 = vector.extract %slice3A_1167[0] : i32 from vector<1xi32>
      %jit3A_1169 = arith.constant 128 : i32
      %eq3A_1170 = arith.constant 0 : i32
      %eq3A_1171 = arith.cmpi eq, %jit3A_1169, %eq3A_1170 : i32
      %jit3A_1172 = arith.constant 1 : i32
      %select_n3A_1173 = arith.select %eq3A_1171, %jit3A_1172, %jit3A_1169 : i32
      %rem3A_1174 = arith.remsi %squeeze3A_1168, %select_n3A_1173 : i32
      %ne3A_1175 = arith.constant 0 : i32
      %ne3A_1176 = arith.cmpi ne, %rem3A_1174, %ne3A_1175 : i32
      %lt3A_1177 = arith.constant 0 : i32
      %lt3A_1178 = arith.cmpi slt, %rem3A_1174, %lt3A_1177 : i32
      %lt3A_1179 = arith.constant 0 : i32
      %lt3A_1180 = arith.cmpi slt, %select_n3A_1173, %lt3A_1179 : i32
      %ne3A_1181 = arith.xori %lt3A_1178, %lt3A_1180 : i1
      %and3A_1182 = arith.andi %ne3A_1181, %ne3A_1176 : i1
      %add3A_1183 = arith.addi %rem3A_1174, %select_n3A_1173 : i32
      %select_n3A_1184 = arith.select %and3A_1182, %add3A_1183, %rem3A_1174 : i32
      %add3A_1185 = arith.constant 0 : i32
      %add3A_1186 = arith.addi %add3A_1185, %select_n3A_1184 : i32
      %broadcast_in_dim3A_1187 = vector.broadcast %add3A_1186 : i32 to vector<16xi32>
      %broadcast_in_dim3A_1188 = vector.broadcast %add3A_1166 : i32 to vector<16xi32>
      %gather3A_1189 = tpu.vector_load_idx %arg7[%iota3A, %broadcast_in_dim3A_1187] : memref<32x512xf32, #tpu.memory_space<vmem>>[vector<16xi32>, vector<16xi32>], vector<16xf32>,
      %gather3A_1190 = tpu.vector_load_idx %arg7[%add3A_5, %broadcast_in_dim3A_1187] : memref<32x512xf32, #tpu.memory_space<vmem>>[vector<16xi32>, vector<16xi32>], vector<16xf32>,
      tpu.vector_store_idx %arg12[%iota3A, %broadcast_in_dim3A_1188], %gather3A_1189 : memref<32x512xf32, #tpu.memory_space<vmem>>[vector<16xi32>, vector<16xi32>], vector<16xf32>,
      tpu.vector_store_idx %arg12[%add3A_5, %broadcast_in_dim3A_1188], %gather3A_1190 : memref<32x512xf32, #tpu.memory_space<vmem>>[vector<16xi32>, vector<16xi32>], vector<16xf32>,
      %mul3A_1191 = arith.constant 4 : i32
      %mul3A_1192 = arith.muli %add3A_1100, %mul3A_1191 : i32
      %add3A_1193 = arith.constant 1 : i32
      %add3A_1194 = arith.addi %mul3A_1192, %add3A_1193 : i32
      %slice3A_1195 = vector.extract_strided_slice %gather3A_1162 {offsets = [1], sizes = [1], strides = [1]} : vector<16xi32> to vector<1xi32>
      %squeeze3A_1196 = vector.extract %slice3A_1195[0] : i32 from vector<1xi32>
      %jit3A_1197 = arith.constant 128 : i32
      %eq3A_1198 = arith.constant 0 : i32
      %eq3A_1199 = arith.cmpi eq, %jit3A_1197, %eq3A_1198 : i32
      %jit3A_1200 = arith.constant 1 : i32
      %select_n3A_1201 = arith.select %eq3A_1199, %jit3A_1200, %jit3A_1197 : i32
      %rem3A_1202 = arith.remsi %squeeze3A_1196, %select_n3A_1201 : i32
      %ne3A_1203 = arith.constant 0 : i32
      %ne3A_1204 = arith.cmpi ne, %rem3A_1202, %ne3A_1203 : i32
      %lt3A_1205 = arith.constant 0 : i32
      %lt3A_1206 = arith.cmpi slt, %rem3A_1202, %lt3A_1205 : i32
      %lt3A_1207 = arith.constant 0 : i32
      %lt3A_1208 = arith.cmpi slt, %select_n3A_1201, %lt3A_1207 : i32
      %ne3A_1209 = arith.xori %lt3A_1206, %lt3A_1208 : i1
      %and3A_1210 = arith.andi %ne3A_1209, %ne3A_1204 : i1
      %add3A_1211 = arith.addi %rem3A_1202, %select_n3A_1201 : i32
      %select_n3A_1212 = arith.select %and3A_1210, %add3A_1211, %rem3A_1202 : i32
      %add3A_1213 = arith.constant 128 : i32
      %add3A_1214 = arith.addi %add3A_1213, %select_n3A_1212 : i32
      %broadcast_in_dim3A_1215 = vector.broadcast %add3A_1214 : i32 to vector<16xi32>
      %broadcast_in_dim3A_1216 = vector.broadcast %add3A_1194 : i32 to vector<16xi32>
      %gather3A_1217 = tpu.vector_load_idx %arg7[%iota3A, %broadcast_in_dim3A_1215] : memref<32x512xf32, #tpu.memory_space<vmem>>[vector<16xi32>, vector<16xi32>], vector<16xf32>,
      %gather3A_1218 = tpu.vector_load_idx %arg7[%add3A_5, %broadcast_in_dim3A_1215] : memref<32x512xf32, #tpu.memory_space<vmem>>[vector<16xi32>, vector<16xi32>], vector<16xf32>,
      tpu.vector_store_idx %arg12[%iota3A, %broadcast_in_dim3A_1216], %gather3A_1217 : memref<32x512xf32, #tpu.memory_space<vmem>>[vector<16xi32>, vector<16xi32>], vector<16xf32>,
      tpu.vector_store_idx %arg12[%add3A_5, %broadcast_in_dim3A_1216], %gather3A_1218 : memref<32x512xf32, #tpu.memory_space<vmem>>[vector<16xi32>, vector<16xi32>], vector<16xf32>,
      %mul3A_1219 = arith.constant 4 : i32
      %mul3A_1220 = arith.muli %add3A_1100, %mul3A_1219 : i32
      %add3A_1221 = arith.constant 2 : i32
      %add3A_1222 = arith.addi %mul3A_1220, %add3A_1221 : i32
      %slice3A_1223 = vector.extract_strided_slice %gather3A_1162 {offsets = [2], sizes = [1], strides = [1]} : vector<16xi32> to vector<1xi32>
      %squeeze3A_1224 = vector.extract %slice3A_1223[0] : i32 from vector<1xi32>
      %jit3A_1225 = arith.constant 128 : i32
      %eq3A_1226 = arith.constant 0 : i32
      %eq3A_1227 = arith.cmpi eq, %jit3A_1225, %eq3A_1226 : i32
      %jit3A_1228 = arith.constant 1 : i32
      %select_n3A_1229 = arith.select %eq3A_1227, %jit3A_1228, %jit3A_1225 : i32
      %rem3A_1230 = arith.remsi %squeeze3A_1224, %select_n3A_1229 : i32
      %ne3A_1231 = arith.constant 0 : i32
      %ne3A_1232 = arith.cmpi ne, %rem3A_1230, %ne3A_1231 : i32
      %lt3A_1233 = arith.constant 0 : i32
      %lt3A_1234 = arith.cmpi slt, %rem3A_1230, %lt3A_1233 : i32
      %lt3A_1235 = arith.constant 0 : i32
      %lt3A_1236 = arith.cmpi slt, %select_n3A_1229, %lt3A_1235 : i32
      %ne3A_1237 = arith.xori %lt3A_1234, %lt3A_1236 : i1
      %and3A_1238 = arith.andi %ne3A_1237, %ne3A_1232 : i1
      %add3A_1239 = arith.addi %rem3A_1230, %select_n3A_1229 : i32
      %select_n3A_1240 = arith.select %and3A_1238, %add3A_1239, %rem3A_1230 : i32
      %add3A_1241 = arith.constant 256 : i32
      %add3A_1242 = arith.addi %add3A_1241, %select_n3A_1240 : i32
      %broadcast_in_dim3A_1243 = vector.broadcast %add3A_1242 : i32 to vector<16xi32>
      %broadcast_in_dim3A_1244 = vector.broadcast %add3A_1222 : i32 to vector<16xi32>
      %gather3A_1245 = tpu.vector_load_idx %arg7[%iota3A, %broadcast_in_dim3A_1243] : memref<32x512xf32, #tpu.memory_space<vmem>>[vector<16xi32>, vector<16xi32>], vector<16xf32>,
      %gather3A_1246 = tpu.vector_load_idx %arg7[%add3A_5, %broadcast_in_dim3A_1243] : memref<32x512xf32, #tpu.memory_space<vmem>>[vector<16xi32>, vector<16xi32>], vector<16xf32>,
      tpu.vector_store_idx %arg12[%iota3A, %broadcast_in_dim3A_1244], %gather3A_1245 : memref<32x512xf32, #tpu.memory_space<vmem>>[vector<16xi32>, vector<16xi32>], vector<16xf32>,
      tpu.vector_store_idx %arg12[%add3A_5, %broadcast_in_dim3A_1244], %gather3A_1246 : memref<32x512xf32, #tpu.memory_space<vmem>>[vector<16xi32>, vector<16xi32>], vector<16xf32>,
      %mul3A_1247 = arith.constant 4 : i32
      %mul3A_1248 = arith.muli %add3A_1100, %mul3A_1247 : i32
      %add3A_1249 = arith.constant 3 : i32
      %add3A_1250 = arith.addi %mul3A_1248, %add3A_1249 : i32
      %slice3A_1251 = vector.extract_strided_slice %gather3A_1162 {offsets = [3], sizes = [1], strides = [1]} : vector<16xi32> to vector<1xi32>
      %squeeze3A_1252 = vector.extract %slice3A_1251[0] : i32 from vector<1xi32>
      %jit3A_1253 = arith.constant 128 : i32
      %eq3A_1254 = arith.constant 0 : i32
      %eq3A_1255 = arith.cmpi eq, %jit3A_1253, %eq3A_1254 : i32
      %jit3A_1256 = arith.constant 1 : i32
      %select_n3A_1257 = arith.select %eq3A_1255, %jit3A_1256, %jit3A_1253 : i32
      %rem3A_1258 = arith.remsi %squeeze3A_1252, %select_n3A_1257 : i32
      %ne3A_1259 = arith.constant 0 : i32
      %ne3A_1260 = arith.cmpi ne, %rem3A_1258, %ne3A_1259 : i32
      %lt3A_1261 = arith.constant 0 : i32
      %lt3A_1262 = arith.cmpi slt, %rem3A_1258, %lt3A_1261 : i32
      %lt3A_1263 = arith.constant 0 : i32
      %lt3A_1264 = arith.cmpi slt, %select_n3A_1257, %lt3A_1263 : i32
      %ne3A_1265 = arith.xori %lt3A_1262, %lt3A_1264 : i1
      %and3A_1266 = arith.andi %ne3A_1265, %ne3A_1260 : i1
      %add3A_1267 = arith.addi %rem3A_1258, %select_n3A_1257 : i32
      %select_n3A_1268 = arith.select %and3A_1266, %add3A_1267, %rem3A_1258 : i32
      %add3A_1269 = arith.constant 384 : i32
      %add3A_1270 = arith.addi %add3A_1269, %select_n3A_1268 : i32
      %broadcast_in_dim3A_1271 = vector.broadcast %add3A_1270 : i32 to vector<16xi32>
      %broadcast_in_dim3A_1272 = vector.broadcast %add3A_1250 : i32 to vector<16xi32>
      %gather3A_1273 = tpu.vector_load_idx %arg7[%iota3A, %broadcast_in_dim3A_1271] : memref<32x512xf32, #tpu.memory_space<vmem>>[vector<16xi32>, vector<16xi32>], vector<16xf32>,
      %gather3A_1274 = tpu.vector_load_idx %arg7[%add3A_5, %broadcast_in_dim3A_1271] : memref<32x512xf32, #tpu.memory_space<vmem>>[vector<16xi32>, vector<16xi32>], vector<16xf32>,
      tpu.vector_store_idx %arg12[%iota3A, %broadcast_in_dim3A_1272], %gather3A_1273 : memref<32x512xf32, #tpu.memory_space<vmem>>[vector<16xi32>, vector<16xi32>], vector<16xf32>,
      tpu.vector_store_idx %arg12[%add3A_5, %broadcast_in_dim3A_1272], %gather3A_1274 : memref<32x512xf32, #tpu.memory_space<vmem>>[vector<16xi32>, vector<16xi32>], vector<16xf32>,
      %mul3A_1275 = arith.constant 6 : i32
      %mul3A_1276 = arith.muli %mul3A_1275, %scan3A_920 : i32
      %add3A_1277 = arith.constant 2 : i32
      %add3A_1278 = arith.addi %mul3A_1276, %add3A_1277 : i32
      %add3A_1279 = arith.constant 6 : i32
      %add3A_1280 = arith.addi %add3A_1278, %add3A_1279 : i32
      %sub3A_1281 = arith.constant 1 : i32
      %sub3A_1282 = arith.subi %add3A_1280, %sub3A_1281 : i32
      %lt3A_1283 = arith.constant 128 : i32
      %lt3A_1284 = arith.cmpi slt, %sub3A_1282, %lt3A_1283 : i32
      %convert_element_type3A_1285 = arith.extui %lt3A_1284 : i1 to i32
      %cond3A_1286 = arith.constant 0 : i32
      %cond3A_1287 = arith.cmpi ne, %convert_element_type3A_1285, %cond3A_1286 : i32
      scf.if %cond3A_1287 {
        %add3A_1987 = arith.constant 6 : i32
        %add3A_1988 = arith.addi %add3A_1278, %add3A_1987 : i32
        %sub3A_1989 = arith.constant 1 : i32
        %sub3A_1990 = arith.subi %add3A_1988, %sub3A_1989 : i32
        %mul3A_1991 = arith.constant 4 : i32
        %mul3A_1992 = arith.muli %sub3A_1990, %mul3A_1991 : i32
        %add3A_1993 = vector.broadcast %mul3A_1992 : i32 to vector<16xi32>
        %add3A_1994 = arith.addi %add3A_1993, %iota3A : vector<16xi32>
        %gather3A_1995 = tpu.vector_load_idx %arg5[%add3A_1994] : memref<528xi32, #tpu.memory_space<vmem>>[vector<16xi32>], vector<16xi32>,
        %slice3A_1996 = vector.extract_strided_slice %gather3A_1995 {offsets = [0], sizes = [1], strides = [1]} : vector<16xi32> to vector<1xi32>
        %squeeze3A_1997 = vector.extract %slice3A_1996[0] : i32 from vector<1xi32>
        %jit3A_1998 = arith.constant 128 : i32
        %eq3A_1999 = arith.constant 0 : i32
        %eq3A_2000 = arith.cmpi eq, %jit3A_1998, %eq3A_1999 : i32
        %jit3A_2001 = arith.constant 1 : i32
        %select_n3A_2002 = arith.select %eq3A_2000, %jit3A_2001, %jit3A_1998 : i32
        %rem3A_2003 = arith.remsi %squeeze3A_1997, %select_n3A_2002 : i32
        %ne3A_2004 = arith.constant 0 : i32
        %ne3A_2005 = arith.cmpi ne, %rem3A_2003, %ne3A_2004 : i32
        %lt3A_2006 = arith.constant 0 : i32
        %lt3A_2007 = arith.cmpi slt, %rem3A_2003, %lt3A_2006 : i32
        %lt3A_2008 = arith.constant 0 : i32
        %lt3A_2009 = arith.cmpi slt, %select_n3A_2002, %lt3A_2008 : i32
        %ne3A_2010 = arith.xori %lt3A_2007, %lt3A_2009 : i1
        %and3A_2011 = arith.andi %ne3A_2010, %ne3A_2005 : i1
        %add3A_2012 = arith.addi %rem3A_2003, %select_n3A_2002 : i32
        %select_n3A_2013 = arith.select %and3A_2011, %add3A_2012, %rem3A_2003 : i32
        %sub3A_2014 = arith.subi %squeeze3A_1997, %select_n3A_2013 : i32
        %multiple_of3A_2015 = tpu.assume_multiple %sub3A_2014, 128 : i32
        %dma_start3A_2016 = arith.constant 0 : i32
        %dma_start3A_2017 = arith.constant 0 : i32
        %dma_start3A_2018 = tpu.memref_slice %arg7[%dma_start3A_2016, %dma_start3A_2017] : memref<32x512xf32, #tpu.memory_space<vmem>> -> memref<32x128xf32, #tpu.memory_space<vmem>>
        %dma_start3A_2019 = arith.constant 0 : i32
        %dma_start3A_2020 = tpu.memref_slice %arg2[%dma_start3A_2019, %multiple_of3A_2015] : memref<32x1000000xf32, #tpu.memory_space<hbm>> -> memref<32x128xf32, #tpu.memory_space<hbm>>
        %dma_start3A_2021 = arith.constant 0 : i32
        %dma_start3A_2022 = arith.constant 0 : i32
        %dma_start3A_2023 = tpu.memref_slice %arg7[%dma_start3A_2021, %dma_start3A_2022] : memref<32x512xf32, #tpu.memory_space<vmem>> -> memref<32x128xf32, #tpu.memory_space<vmem>>
        %dma_start3A_2024 = arith.constant 0 : i32
        %dma_start3A_2025 = tpu.memref_slice %arg2[%dma_start3A_2024, %multiple_of3A_2015] : memref<32x1000000xf32, #tpu.memory_space<hbm>> -> memref<32x128xf32, #tpu.memory_space<hbm>>
        tpu.enqueue_dma source(%dma_start3A_2025 : memref<32x128xf32, #tpu.memory_space<hbm>>) target(%dma_start3A_2023 : memref<32x128xf32, #tpu.memory_space<vmem>>) target_semaphore(%arg14 : memref<!tpu.dma_semaphore, #tpu.memory_space<semaphore_mem>>)
        %slice3A_2026 = vector.extract_strided_slice %gather3A_1995 {offsets = [1], sizes = [1], strides = [1]} : vector<16xi32> to vector<1xi32>
        %squeeze3A_2027 = vector.extract %slice3A_2026[0] : i32 from vector<1xi32>
        %jit3A_2028 = arith.constant 128 : i32
        %eq3A_2029 = arith.constant 0 : i32
        %eq3A_2030 = arith.cmpi eq, %jit3A_2028, %eq3A_2029 : i32
        %jit3A_2031 = arith.constant 1 : i32
        %select_n3A_2032 = arith.select %eq3A_2030, %jit3A_2031, %jit3A_2028 : i32
        %rem3A_2033 = arith.remsi %squeeze3A_2027, %select_n3A_2032 : i32
        %ne3A_2034 = arith.constant 0 : i32
        %ne3A_2035 = arith.cmpi ne, %rem3A_2033, %ne3A_2034 : i32
        %lt3A_2036 = arith.constant 0 : i32
        %lt3A_2037 = arith.cmpi slt, %rem3A_2033, %lt3A_2036 : i32
        %lt3A_2038 = arith.constant 0 : i32
        %lt3A_2039 = arith.cmpi slt, %select_n3A_2032, %lt3A_2038 : i32
        %ne3A_2040 = arith.xori %lt3A_2037, %lt3A_2039 : i1
        %and3A_2041 = arith.andi %ne3A_2040, %ne3A_2035 : i1
        %add3A_2042 = arith.addi %rem3A_2033, %select_n3A_2032 : i32
        %select_n3A_2043 = arith.select %and3A_2041, %add3A_2042, %rem3A_2033 : i32
        %sub3A_2044 = arith.subi %squeeze3A_2027, %select_n3A_2043 : i32
        %multiple_of3A_2045 = tpu.assume_multiple %sub3A_2044, 128 : i32
        %dma_start3A_2046 = arith.constant 0 : i32
        %dma_start3A_2047 = arith.constant 128 : i32
        %dma_start3A_2048 = tpu.memref_slice %arg7[%dma_start3A_2046, %dma_start3A_2047] : memref<32x512xf32, #tpu.memory_space<vmem>> -> memref<32x128xf32, #tpu.memory_space<vmem>>
        %dma_start3A_2049 = arith.constant 0 : i32
        %dma_start3A_2050 = tpu.memref_slice %arg2[%dma_start3A_2049, %multiple_of3A_2045] : memref<32x1000000xf32, #tpu.memory_space<hbm>> -> memref<32x128xf32, #tpu.memory_space<hbm>>
        %dma_start3A_2051 = arith.constant 0 : i32
        %dma_start3A_2052 = arith.constant 128 : i32
        %dma_start3A_2053 = tpu.memref_slice %arg7[%dma_start3A_2051, %dma_start3A_2052] : memref<32x512xf32, #tpu.memory_space<vmem>> -> memref<32x128xf32, #tpu.memory_space<vmem>>
        %dma_start3A_2054 = arith.constant 0 : i32
        %dma_start3A_2055 = tpu.memref_slice %arg2[%dma_start3A_2054, %multiple_of3A_2045] : memref<32x1000000xf32, #tpu.memory_space<hbm>> -> memref<32x128xf32, #tpu.memory_space<hbm>>
        tpu.enqueue_dma source(%dma_start3A_2055 : memref<32x128xf32, #tpu.memory_space<hbm>>) target(%dma_start3A_2053 : memref<32x128xf32, #tpu.memory_space<vmem>>) target_semaphore(%arg14 : memref<!tpu.dma_semaphore, #tpu.memory_space<semaphore_mem>>)
        %slice3A_2056 = vector.extract_strided_slice %gather3A_1995 {offsets = [2], sizes = [1], strides = [1]} : vector<16xi32> to vector<1xi32>
        %squeeze3A_2057 = vector.extract %slice3A_2056[0] : i32 from vector<1xi32>
        %jit3A_2058 = arith.constant 128 : i32
        %eq3A_2059 = arith.constant 0 : i32
        %eq3A_2060 = arith.cmpi eq, %jit3A_2058, %eq3A_2059 : i32
        %jit3A_2061 = arith.constant 1 : i32
        %select_n3A_2062 = arith.select %eq3A_2060, %jit3A_2061, %jit3A_2058 : i32
        %rem3A_2063 = arith.remsi %squeeze3A_2057, %select_n3A_2062 : i32
        %ne3A_2064 = arith.constant 0 : i32
        %ne3A_2065 = arith.cmpi ne, %rem3A_2063, %ne3A_2064 : i32
        %lt3A_2066 = arith.constant 0 : i32
        %lt3A_2067 = arith.cmpi slt, %rem3A_2063, %lt3A_2066 : i32
        %lt3A_2068 = arith.constant 0 : i32
        %lt3A_2069 = arith.cmpi slt, %select_n3A_2062, %lt3A_2068 : i32
        %ne3A_2070 = arith.xori %lt3A_2067, %lt3A_2069 : i1
        %and3A_2071 = arith.andi %ne3A_2070, %ne3A_2065 : i1
        %add3A_2072 = arith.addi %rem3A_2063, %select_n3A_2062 : i32
        %select_n3A_2073 = arith.select %and3A_2071, %add3A_2072, %rem3A_2063 : i32
        %sub3A_2074 = arith.subi %squeeze3A_2057, %select_n3A_2073 : i32
        %multiple_of3A_2075 = tpu.assume_multiple %sub3A_2074, 128 : i32
        %dma_start3A_2076 = arith.constant 0 : i32
        %dma_start3A_2077 = arith.constant 256 : i32
        %dma_start3A_2078 = tpu.memref_slice %arg7[%dma_start3A_2076, %dma_start3A_2077] : memref<32x512xf32, #tpu.memory_space<vmem>> -> memref<32x128xf32, #tpu.memory_space<vmem>>
        %dma_start3A_2079 = arith.constant 0 : i32
        %dma_start3A_2080 = tpu.memref_slice %arg2[%dma_start3A_2079, %multiple_of3A_2075] : memref<32x1000000xf32, #tpu.memory_space<hbm>> -> memref<32x128xf32, #tpu.memory_space<hbm>>
        %dma_start3A_2081 = arith.constant 0 : i32
        %dma_start3A_2082 = arith.constant 256 : i32
        %dma_start3A_2083 = tpu.memref_slice %arg7[%dma_start3A_2081, %dma_start3A_2082] : memref<32x512xf32, #tpu.memory_space<vmem>> -> memref<32x128xf32, #tpu.memory_space<vmem>>
        %dma_start3A_2084 = arith.constant 0 : i32
        %dma_start3A_2085 = tpu.memref_slice %arg2[%dma_start3A_2084, %multiple_of3A_2075] : memref<32x1000000xf32, #tpu.memory_space<hbm>> -> memref<32x128xf32, #tpu.memory_space<hbm>>
        tpu.enqueue_dma source(%dma_start3A_2085 : memref<32x128xf32, #tpu.memory_space<hbm>>) target(%dma_start3A_2083 : memref<32x128xf32, #tpu.memory_space<vmem>>) target_semaphore(%arg14 : memref<!tpu.dma_semaphore, #tpu.memory_space<semaphore_mem>>)
        %slice3A_2086 = vector.extract_strided_slice %gather3A_1995 {offsets = [3], sizes = [1], strides = [1]} : vector<16xi32> to vector<1xi32>
        %squeeze3A_2087 = vector.extract %slice3A_2086[0] : i32 from vector<1xi32>
        %jit3A_2088 = arith.constant 128 : i32
        %eq3A_2089 = arith.constant 0 : i32
        %eq3A_2090 = arith.cmpi eq, %jit3A_2088, %eq3A_2089 : i32
        %jit3A_2091 = arith.constant 1 : i32
        %select_n3A_2092 = arith.select %eq3A_2090, %jit3A_2091, %jit3A_2088 : i32
        %rem3A_2093 = arith.remsi %squeeze3A_2087, %select_n3A_2092 : i32
        %ne3A_2094 = arith.constant 0 : i32
        %ne3A_2095 = arith.cmpi ne, %rem3A_2093, %ne3A_2094 : i32
        %lt3A_2096 = arith.constant 0 : i32
        %lt3A_2097 = arith.cmpi slt, %rem3A_2093, %lt3A_2096 : i32
        %lt3A_2098 = arith.constant 0 : i32
        %lt3A_2099 = arith.cmpi slt, %select_n3A_2092, %lt3A_2098 : i32
        %ne3A_2100 = arith.xori %lt3A_2097, %lt3A_2099 : i1
        %and3A_2101 = arith.andi %ne3A_2100, %ne3A_2095 : i1
        %add3A_2102 = arith.addi %rem3A_2093, %select_n3A_2092 : i32
        %select_n3A_2103 = arith.select %and3A_2101, %add3A_2102, %rem3A_2093 : i32
        %sub3A_2104 = arith.subi %squeeze3A_2087, %select_n3A_2103 : i32
        %multiple_of3A_2105 = tpu.assume_multiple %sub3A_2104, 128 : i32
        %dma_start3A_2106 = arith.constant 0 : i32
        %dma_start3A_2107 = arith.constant 384 : i32
        %dma_start3A_2108 = tpu.memref_slice %arg7[%dma_start3A_2106, %dma_start3A_2107] : memref<32x512xf32, #tpu.memory_space<vmem>> -> memref<32x128xf32, #tpu.memory_space<vmem>>
        %dma_start3A_2109 = arith.constant 0 : i32
        %dma_start3A_2110 = tpu.memref_slice %arg2[%dma_start3A_2109, %multiple_of3A_2105] : memref<32x1000000xf32, #tpu.memory_space<hbm>> -> memref<32x128xf32, #tpu.memory_space<hbm>>
        %dma_start3A_2111 = arith.constant 0 : i32
        %dma_start3A_2112 = arith.constant 384 : i32
        %dma_start3A_2113 = tpu.memref_slice %arg7[%dma_start3A_2111, %dma_start3A_2112] : memref<32x512xf32, #tpu.memory_space<vmem>> -> memref<32x128xf32, #tpu.memory_space<vmem>>
        %dma_start3A_2114 = arith.constant 0 : i32
        %dma_start3A_2115 = tpu.memref_slice %arg2[%dma_start3A_2114, %multiple_of3A_2105] : memref<32x1000000xf32, #tpu.memory_space<hbm>> -> memref<32x128xf32, #tpu.memory_space<hbm>>
        tpu.enqueue_dma source(%dma_start3A_2115 : memref<32x128xf32, #tpu.memory_space<hbm>>) target(%dma_start3A_2113 : memref<32x128xf32, #tpu.memory_space<vmem>>) target_semaphore(%arg14 : memref<!tpu.dma_semaphore, #tpu.memory_space<semaphore_mem>>)
      } else {
      }
      %dma_wait3A_1288 = arith.constant 0 : i32
      %dma_wait3A_1289 = arith.constant 0 : i32
      %dma_wait3A_1290 = tpu.memref_slice %arg8[%dma_wait3A_1288, %dma_wait3A_1289] : memref<32x512xf32, #tpu.memory_space<vmem>> -> memref<32x128xf32, #tpu.memory_space<vmem>>
      %dma_wait3A_1291 = arith.constant 0 : i32
      %dma_wait3A_1292 = arith.constant 0 : i32
      %dma_wait3A_1293 = tpu.memref_slice %arg2[%dma_wait3A_1291, %dma_wait3A_1292] : memref<32x1000000xf32, #tpu.memory_space<hbm>> -> memref<32x128xf32, #tpu.memory_space<hbm>>
      %dma_wait3A_1294 = arith.constant 0 : i32
      %dma_wait3A_1295 = arith.constant 0 : i32
      %dma_wait3A_1296 = tpu.memref_slice %arg8[%dma_wait3A_1294, %dma_wait3A_1295] : memref<32x512xf32, #tpu.memory_space<vmem>> -> memref<32x128xf32, #tpu.memory_space<vmem>>
      %dma_wait3A_1297 = arith.constant 0 : i32
      %dma_wait3A_1298 = arith.constant 0 : i32
      %dma_wait3A_1299 = tpu.memref_slice %arg2[%dma_wait3A_1297, %dma_wait3A_1298] : memref<32x1000000xf32, #tpu.memory_space<hbm>> -> memref<32x128xf32, #tpu.memory_space<hbm>>
      tpu.wait_dma2 semaphore(%arg15 : memref<!tpu.dma_semaphore, #tpu.memory_space<semaphore_mem>>) src(%dma_wait3A_1299 : memref<32x128xf32, #tpu.memory_space<hbm>>) dst(%dma_wait3A_1296 : memref<32x128xf32, #tpu.memory_space<vmem>>)
      %dma_wait3A_1300 = arith.constant 0 : i32
      %dma_wait3A_1301 = arith.constant 128 : i32
      %dma_wait3A_1302 = tpu.memref_slice %arg8[%dma_wait3A_1300, %dma_wait3A_1301] : memref<32x512xf32, #tpu.memory_space<vmem>> -> memref<32x128xf32, #tpu.memory_space<vmem>>
      %dma_wait3A_1303 = arith.constant 0 : i32
      %dma_wait3A_1304 = arith.constant 0 : i32
      %dma_wait3A_1305 = tpu.memref_slice %arg2[%dma_wait3A_1303, %dma_wait3A_1304] : memref<32x1000000xf32, #tpu.memory_space<hbm>> -> memref<32x128xf32, #tpu.memory_space<hbm>>
      %dma_wait3A_1306 = arith.constant 0 : i32
      %dma_wait3A_1307 = arith.constant 128 : i32
      %dma_wait3A_1308 = tpu.memref_slice %arg8[%dma_wait3A_1306, %dma_wait3A_1307] : memref<32x512xf32, #tpu.memory_space<vmem>> -> memref<32x128xf32, #tpu.memory_space<vmem>>
      %dma_wait3A_1309 = arith.constant 0 : i32
      %dma_wait3A_1310 = arith.constant 0 : i32
      %dma_wait3A_1311 = tpu.memref_slice %arg2[%dma_wait3A_1309, %dma_wait3A_1310] : memref<32x1000000xf32, #tpu.memory_space<hbm>> -> memref<32x128xf32, #tpu.memory_space<hbm>>
      tpu.wait_dma2 semaphore(%arg15 : memref<!tpu.dma_semaphore, #tpu.memory_space<semaphore_mem>>) src(%dma_wait3A_1311 : memref<32x128xf32, #tpu.memory_space<hbm>>) dst(%dma_wait3A_1308 : memref<32x128xf32, #tpu.memory_space<vmem>>)
      %dma_wait3A_1312 = arith.constant 0 : i32
      %dma_wait3A_1313 = arith.constant 256 : i32
      %dma_wait3A_1314 = tpu.memref_slice %arg8[%dma_wait3A_1312, %dma_wait3A_1313] : memref<32x512xf32, #tpu.memory_space<vmem>> -> memref<32x128xf32, #tpu.memory_space<vmem>>
      %dma_wait3A_1315 = arith.constant 0 : i32
      %dma_wait3A_1316 = arith.constant 0 : i32
      %dma_wait3A_1317 = tpu.memref_slice %arg2[%dma_wait3A_1315, %dma_wait3A_1316] : memref<32x1000000xf32, #tpu.memory_space<hbm>> -> memref<32x128xf32, #tpu.memory_space<hbm>>
      %dma_wait3A_1318 = arith.constant 0 : i32
      %dma_wait3A_1319 = arith.constant 256 : i32
      %dma_wait3A_1320 = tpu.memref_slice %arg8[%dma_wait3A_1318, %dma_wait3A_1319] : memref<32x512xf32, #tpu.memory_space<vmem>> -> memref<32x128xf32, #tpu.memory_space<vmem>>
      %dma_wait3A_1321 = arith.constant 0 : i32
      %dma_wait3A_1322 = arith.constant 0 : i32
      %dma_wait3A_1323 = tpu.memref_slice %arg2[%dma_wait3A_1321, %dma_wait3A_1322] : memref<32x1000000xf32, #tpu.memory_space<hbm>> -> memref<32x128xf32, #tpu.memory_space<hbm>>
      tpu.wait_dma2 semaphore(%arg15 : memref<!tpu.dma_semaphore, #tpu.memory_space<semaphore_mem>>) src(%dma_wait3A_1323 : memref<32x128xf32, #tpu.memory_space<hbm>>) dst(%dma_wait3A_1320 : memref<32x128xf32, #tpu.memory_space<vmem>>)
      %dma_wait3A_1324 = arith.constant 0 : i32
      %dma_wait3A_1325 = arith.constant 384 : i32
      %dma_wait3A_1326 = tpu.memref_slice %arg8[%dma_wait3A_1324, %dma_wait3A_1325] : memref<32x512xf32, #tpu.memory_space<vmem>> -> memref<32x128xf32, #tpu.memory_space<vmem>>
      %dma_wait3A_1327 = arith.constant 0 : i32
      %dma_wait3A_1328 = arith.constant 0 : i32
      %dma_wait3A_1329 = tpu.memref_slice %arg2[%dma_wait3A_1327, %dma_wait3A_1328] : memref<32x1000000xf32, #tpu.memory_space<hbm>> -> memref<32x128xf32, #tpu.memory_space<hbm>>
      %dma_wait3A_1330 = arith.constant 0 : i32
      %dma_wait3A_1331 = arith.constant 384 : i32
      %dma_wait3A_1332 = tpu.memref_slice %arg8[%dma_wait3A_1330, %dma_wait3A_1331] : memref<32x512xf32, #tpu.memory_space<vmem>> -> memref<32x128xf32, #tpu.memory_space<vmem>>
      %dma_wait3A_1333 = arith.constant 0 : i32
      %dma_wait3A_1334 = arith.constant 0 : i32
      %dma_wait3A_1335 = tpu.memref_slice %arg2[%dma_wait3A_1333, %dma_wait3A_1334] : memref<32x1000000xf32, #tpu.memory_space<hbm>> -> memref<32x128xf32, #tpu.memory_space<hbm>>
      tpu.wait_dma2 semaphore(%arg15 : memref<!tpu.dma_semaphore, #tpu.memory_space<semaphore_mem>>) src(%dma_wait3A_1335 : memref<32x128xf32, #tpu.memory_space<hbm>>) dst(%dma_wait3A_1332 : memref<32x128xf32, #tpu.memory_space<vmem>>)
      %mul3A_1336 = arith.constant 4 : i32
      %mul3A_1337 = arith.muli %add3A_1278, %mul3A_1336 : i32
      %add3A_1338 = vector.broadcast %mul3A_1337 : i32 to vector<16xi32>
      %add3A_1339 = arith.addi %add3A_1338, %iota3A : vector<16xi32>
      %gather3A_1340 = tpu.vector_load_idx %arg5[%add3A_1339] : memref<528xi32, #tpu.memory_space<vmem>>[vector<16xi32>], vector<16xi32>,
      %mul3A_1341 = arith.constant 4 : i32
      %mul3A_1342 = arith.muli %add3A_1278, %mul3A_1341 : i32
      %add3A_1343 = arith.constant 0 : i32
      %add3A_1344 = arith.addi %mul3A_1342, %add3A_1343 : i32
      %slice3A_1345 = vector.extract_strided_slice %gather3A_1340 {offsets = [0], sizes = [1], strides = [1]} : vector<16xi32> to vector<1xi32>
      %squeeze3A_1346 = vector.extract %slice3A_1345[0] : i32 from vector<1xi32>
      %jit3A_1347 = arith.constant 128 : i32
      %eq3A_1348 = arith.constant 0 : i32
      %eq3A_1349 = arith.cmpi eq, %jit3A_1347, %eq3A_1348 : i32
      %jit3A_1350 = arith.constant 1 : i32
      %select_n3A_1351 = arith.select %eq3A_1349, %jit3A_1350, %jit3A_1347 : i32
      %rem3A_1352 = arith.remsi %squeeze3A_1346, %select_n3A_1351 : i32
      %ne3A_1353 = arith.constant 0 : i32
      %ne3A_1354 = arith.cmpi ne, %rem3A_1352, %ne3A_1353 : i32
      %lt3A_1355 = arith.constant 0 : i32
      %lt3A_1356 = arith.cmpi slt, %rem3A_1352, %lt3A_1355 : i32
      %lt3A_1357 = arith.constant 0 : i32
      %lt3A_1358 = arith.cmpi slt, %select_n3A_1351, %lt3A_1357 : i32
      %ne3A_1359 = arith.xori %lt3A_1356, %lt3A_1358 : i1
      %and3A_1360 = arith.andi %ne3A_1359, %ne3A_1354 : i1
      %add3A_1361 = arith.addi %rem3A_1352, %select_n3A_1351 : i32
      %select_n3A_1362 = arith.select %and3A_1360, %add3A_1361, %rem3A_1352 : i32
      %add3A_1363 = arith.constant 0 : i32
      %add3A_1364 = arith.addi %add3A_1363, %select_n3A_1362 : i32
      %broadcast_in_dim3A_1365 = vector.broadcast %add3A_1364 : i32 to vector<16xi32>
      %broadcast_in_dim3A_1366 = vector.broadcast %add3A_1344 : i32 to vector<16xi32>
      %gather3A_1367 = tpu.vector_load_idx %arg8[%iota3A, %broadcast_in_dim3A_1365] : memref<32x512xf32, #tpu.memory_space<vmem>>[vector<16xi32>, vector<16xi32>], vector<16xf32>,
      %gather3A_1368 = tpu.vector_load_idx %arg8[%add3A_5, %broadcast_in_dim3A_1365] : memref<32x512xf32, #tpu.memory_space<vmem>>[vector<16xi32>, vector<16xi32>], vector<16xf32>,
      tpu.vector_store_idx %arg12[%iota3A, %broadcast_in_dim3A_1366], %gather3A_1367 : memref<32x512xf32, #tpu.memory_space<vmem>>[vector<16xi32>, vector<16xi32>], vector<16xf32>,
      tpu.vector_store_idx %arg12[%add3A_5, %broadcast_in_dim3A_1366], %gather3A_1368 : memref<32x512xf32, #tpu.memory_space<vmem>>[vector<16xi32>, vector<16xi32>], vector<16xf32>,
      %mul3A_1369 = arith.constant 4 : i32
      %mul3A_1370 = arith.muli %add3A_1278, %mul3A_1369 : i32
      %add3A_1371 = arith.constant 1 : i32
      %add3A_1372 = arith.addi %mul3A_1370, %add3A_1371 : i32
      %slice3A_1373 = vector.extract_strided_slice %gather3A_1340 {offsets = [1], sizes = [1], strides = [1]} : vector<16xi32> to vector<1xi32>
      %squeeze3A_1374 = vector.extract %slice3A_1373[0] : i32 from vector<1xi32>
      %jit3A_1375 = arith.constant 128 : i32
      %eq3A_1376 = arith.constant 0 : i32
      %eq3A_1377 = arith.cmpi eq, %jit3A_1375, %eq3A_1376 : i32
      %jit3A_1378 = arith.constant 1 : i32
      %select_n3A_1379 = arith.select %eq3A_1377, %jit3A_1378, %jit3A_1375 : i32
      %rem3A_1380 = arith.remsi %squeeze3A_1374, %select_n3A_1379 : i32
      %ne3A_1381 = arith.constant 0 : i32
      %ne3A_1382 = arith.cmpi ne, %rem3A_1380, %ne3A_1381 : i32
      %lt3A_1383 = arith.constant 0 : i32
      %lt3A_1384 = arith.cmpi slt, %rem3A_1380, %lt3A_1383 : i32
      %lt3A_1385 = arith.constant 0 : i32
      %lt3A_1386 = arith.cmpi slt, %select_n3A_1379, %lt3A_1385 : i32
      %ne3A_1387 = arith.xori %lt3A_1384, %lt3A_1386 : i1
      %and3A_1388 = arith.andi %ne3A_1387, %ne3A_1382 : i1
      %add3A_1389 = arith.addi %rem3A_1380, %select_n3A_1379 : i32
      %select_n3A_1390 = arith.select %and3A_1388, %add3A_1389, %rem3A_1380 : i32
      %add3A_1391 = arith.constant 128 : i32
      %add3A_1392 = arith.addi %add3A_1391, %select_n3A_1390 : i32
      %broadcast_in_dim3A_1393 = vector.broadcast %add3A_1392 : i32 to vector<16xi32>
      %broadcast_in_dim3A_1394 = vector.broadcast %add3A_1372 : i32 to vector<16xi32>
      %gather3A_1395 = tpu.vector_load_idx %arg8[%iota3A, %broadcast_in_dim3A_1393] : memref<32x512xf32, #tpu.memory_space<vmem>>[vector<16xi32>, vector<16xi32>], vector<16xf32>,
      %gather3A_1396 = tpu.vector_load_idx %arg8[%add3A_5, %broadcast_in_dim3A_1393] : memref<32x512xf32, #tpu.memory_space<vmem>>[vector<16xi32>, vector<16xi32>], vector<16xf32>,
      tpu.vector_store_idx %arg12[%iota3A, %broadcast_in_dim3A_1394], %gather3A_1395 : memref<32x512xf32, #tpu.memory_space<vmem>>[vector<16xi32>, vector<16xi32>], vector<16xf32>,
      tpu.vector_store_idx %arg12[%add3A_5, %broadcast_in_dim3A_1394], %gather3A_1396 : memref<32x512xf32, #tpu.memory_space<vmem>>[vector<16xi32>, vector<16xi32>], vector<16xf32>,
      %mul3A_1397 = arith.constant 4 : i32
      %mul3A_1398 = arith.muli %add3A_1278, %mul3A_1397 : i32
      %add3A_1399 = arith.constant 2 : i32
      %add3A_1400 = arith.addi %mul3A_1398, %add3A_1399 : i32
      %slice3A_1401 = vector.extract_strided_slice %gather3A_1340 {offsets = [2], sizes = [1], strides = [1]} : vector<16xi32> to vector<1xi32>
      %squeeze3A_1402 = vector.extract %slice3A_1401[0] : i32 from vector<1xi32>
      %jit3A_1403 = arith.constant 128 : i32
      %eq3A_1404 = arith.constant 0 : i32
      %eq3A_1405 = arith.cmpi eq, %jit3A_1403, %eq3A_1404 : i32
      %jit3A_1406 = arith.constant 1 : i32
      %select_n3A_1407 = arith.select %eq3A_1405, %jit3A_1406, %jit3A_1403 : i32
      %rem3A_1408 = arith.remsi %squeeze3A_1402, %select_n3A_1407 : i32
      %ne3A_1409 = arith.constant 0 : i32
      %ne3A_1410 = arith.cmpi ne, %rem3A_1408, %ne3A_1409 : i32
      %lt3A_1411 = arith.constant 0 : i32
      %lt3A_1412 = arith.cmpi slt, %rem3A_1408, %lt3A_1411 : i32
      %lt3A_1413 = arith.constant 0 : i32
      %lt3A_1414 = arith.cmpi slt, %select_n3A_1407, %lt3A_1413 : i32
      %ne3A_1415 = arith.xori %lt3A_1412, %lt3A_1414 : i1
      %and3A_1416 = arith.andi %ne3A_1415, %ne3A_1410 : i1
      %add3A_1417 = arith.addi %rem3A_1408, %select_n3A_1407 : i32
      %select_n3A_1418 = arith.select %and3A_1416, %add3A_1417, %rem3A_1408 : i32
      %add3A_1419 = arith.constant 256 : i32
      %add3A_1420 = arith.addi %add3A_1419, %select_n3A_1418 : i32
      %broadcast_in_dim3A_1421 = vector.broadcast %add3A_1420 : i32 to vector<16xi32>
      %broadcast_in_dim3A_1422 = vector.broadcast %add3A_1400 : i32 to vector<16xi32>
      %gather3A_1423 = tpu.vector_load_idx %arg8[%iota3A, %broadcast_in_dim3A_1421] : memref<32x512xf32, #tpu.memory_space<vmem>>[vector<16xi32>, vector<16xi32>], vector<16xf32>,
      %gather3A_1424 = tpu.vector_load_idx %arg8[%add3A_5, %broadcast_in_dim3A_1421] : memref<32x512xf32, #tpu.memory_space<vmem>>[vector<16xi32>, vector<16xi32>], vector<16xf32>,
      tpu.vector_store_idx %arg12[%iota3A, %broadcast_in_dim3A_1422], %gather3A_1423 : memref<32x512xf32, #tpu.memory_space<vmem>>[vector<16xi32>, vector<16xi32>], vector<16xf32>,
      tpu.vector_store_idx %arg12[%add3A_5, %broadcast_in_dim3A_1422], %gather3A_1424 : memref<32x512xf32, #tpu.memory_space<vmem>>[vector<16xi32>, vector<16xi32>], vector<16xf32>,
      %mul3A_1425 = arith.constant 4 : i32
      %mul3A_1426 = arith.muli %add3A_1278, %mul3A_1425 : i32
      %add3A_1427 = arith.constant 3 : i32
      %add3A_1428 = arith.addi %mul3A_1426, %add3A_1427 : i32
      %slice3A_1429 = vector.extract_strided_slice %gather3A_1340 {offsets = [3], sizes = [1], strides = [1]} : vector<16xi32> to vector<1xi32>
      %squeeze3A_1430 = vector.extract %slice3A_1429[0] : i32 from vector<1xi32>
      %jit3A_1431 = arith.constant 128 : i32
      %eq3A_1432 = arith.constant 0 : i32
      %eq3A_1433 = arith.cmpi eq, %jit3A_1431, %eq3A_1432 : i32
      %jit3A_1434 = arith.constant 1 : i32
      %select_n3A_1435 = arith.select %eq3A_1433, %jit3A_1434, %jit3A_1431 : i32
      %rem3A_1436 = arith.remsi %squeeze3A_1430, %select_n3A_1435 : i32
      %ne3A_1437 = arith.constant 0 : i32
      %ne3A_1438 = arith.cmpi ne, %rem3A_1436, %ne3A_1437 : i32
      %lt3A_1439 = arith.constant 0 : i32
      %lt3A_1440 = arith.cmpi slt, %rem3A_1436, %lt3A_1439 : i32
      %lt3A_1441 = arith.constant 0 : i32
      %lt3A_1442 = arith.cmpi slt, %select_n3A_1435, %lt3A_1441 : i32
      %ne3A_1443 = arith.xori %lt3A_1440, %lt3A_1442 : i1
      %and3A_1444 = arith.andi %ne3A_1443, %ne3A_1438 : i1
      %add3A_1445 = arith.addi %rem3A_1436, %select_n3A_1435 : i32
      %select_n3A_1446 = arith.select %and3A_1444, %add3A_1445, %rem3A_1436 : i32
      %add3A_1447 = arith.constant 384 : i32
      %add3A_1448 = arith.addi %add3A_1447, %select_n3A_1446 : i32
      %broadcast_in_dim3A_1449 = vector.broadcast %add3A_1448 : i32 to vector<16xi32>
      %broadcast_in_dim3A_1450 = vector.broadcast %add3A_1428 : i32 to vector<16xi32>
      %gather3A_1451 = tpu.vector_load_idx %arg8[%iota3A, %broadcast_in_dim3A_1449] : memref<32x512xf32, #tpu.memory_space<vmem>>[vector<16xi32>, vector<16xi32>], vector<16xf32>,
      %gather3A_1452 = tpu.vector_load_idx %arg8[%add3A_5, %broadcast_in_dim3A_1449] : memref<32x512xf32, #tpu.memory_space<vmem>>[vector<16xi32>, vector<16xi32>], vector<16xf32>,
      tpu.vector_store_idx %arg12[%iota3A, %broadcast_in_dim3A_1450], %gather3A_1451 : memref<32x512xf32, #tpu.memory_space<vmem>>[vector<16xi32>, vector<16xi32>], vector<16xf32>,
      tpu.vector_store_idx %arg12[%add3A_5, %broadcast_in_dim3A_1450], %gather3A_1452 : memref<32x512xf32, #tpu.memory_space<vmem>>[vector<16xi32>, vector<16xi32>], vector<16xf32>,
      %mul3A_1453 = arith.constant 6 : i32
      %mul3A_1454 = arith.muli %mul3A_1453, %scan3A_920 : i32
      %add3A_1455 = arith.constant 3 : i32
      %add3A_1456 = arith.addi %mul3A_1454, %add3A_1455 : i32
      %add3A_1457 = arith.constant 6 : i32
      %add3A_1458 = arith.addi %add3A_1456, %add3A_1457 : i32
      %sub3A_1459 = arith.constant 1 : i32
      %sub3A_1460 = arith.subi %add3A_1458, %sub3A_1459 : i32
      %lt3A_1461 = arith.constant 128 : i32
      %lt3A_1462 = arith.cmpi slt, %sub3A_1460, %lt3A_1461 : i32
      %convert_element_type3A_1463 = arith.extui %lt3A_1462 : i1 to i32
      %cond3A_1464 = arith.constant 0 : i32
      %cond3A_1465 = arith.cmpi ne, %convert_element_type3A_1463, %cond3A_1464 : i32
      scf.if %cond3A_1465 {
        %add3A_1987 = arith.constant 6 : i32
        %add3A_1988 = arith.addi %add3A_1456, %add3A_1987 : i32
        %sub3A_1989 = arith.constant 1 : i32
        %sub3A_1990 = arith.subi %add3A_1988, %sub3A_1989 : i32
        %mul3A_1991 = arith.constant 4 : i32
        %mul3A_1992 = arith.muli %sub3A_1990, %mul3A_1991 : i32
        %add3A_1993 = vector.broadcast %mul3A_1992 : i32 to vector<16xi32>
        %add3A_1994 = arith.addi %add3A_1993, %iota3A : vector<16xi32>
        %gather3A_1995 = tpu.vector_load_idx %arg5[%add3A_1994] : memref<528xi32, #tpu.memory_space<vmem>>[vector<16xi32>], vector<16xi32>,
        %slice3A_1996 = vector.extract_strided_slice %gather3A_1995 {offsets = [0], sizes = [1], strides = [1]} : vector<16xi32> to vector<1xi32>
        %squeeze3A_1997 = vector.extract %slice3A_1996[0] : i32 from vector<1xi32>
        %jit3A_1998 = arith.constant 128 : i32
        %eq3A_1999 = arith.constant 0 : i32
        %eq3A_2000 = arith.cmpi eq, %jit3A_1998, %eq3A_1999 : i32
        %jit3A_2001 = arith.constant 1 : i32
        %select_n3A_2002 = arith.select %eq3A_2000, %jit3A_2001, %jit3A_1998 : i32
        %rem3A_2003 = arith.remsi %squeeze3A_1997, %select_n3A_2002 : i32
        %ne3A_2004 = arith.constant 0 : i32
        %ne3A_2005 = arith.cmpi ne, %rem3A_2003, %ne3A_2004 : i32
        %lt3A_2006 = arith.constant 0 : i32
        %lt3A_2007 = arith.cmpi slt, %rem3A_2003, %lt3A_2006 : i32
        %lt3A_2008 = arith.constant 0 : i32
        %lt3A_2009 = arith.cmpi slt, %select_n3A_2002, %lt3A_2008 : i32
        %ne3A_2010 = arith.xori %lt3A_2007, %lt3A_2009 : i1
        %and3A_2011 = arith.andi %ne3A_2010, %ne3A_2005 : i1
        %add3A_2012 = arith.addi %rem3A_2003, %select_n3A_2002 : i32
        %select_n3A_2013 = arith.select %and3A_2011, %add3A_2012, %rem3A_2003 : i32
        %sub3A_2014 = arith.subi %squeeze3A_1997, %select_n3A_2013 : i32
        %multiple_of3A_2015 = tpu.assume_multiple %sub3A_2014, 128 : i32
        %dma_start3A_2016 = arith.constant 0 : i32
        %dma_start3A_2017 = arith.constant 0 : i32
        %dma_start3A_2018 = tpu.memref_slice %arg8[%dma_start3A_2016, %dma_start3A_2017] : memref<32x512xf32, #tpu.memory_space<vmem>> -> memref<32x128xf32, #tpu.memory_space<vmem>>
        %dma_start3A_2019 = arith.constant 0 : i32
        %dma_start3A_2020 = tpu.memref_slice %arg2[%dma_start3A_2019, %multiple_of3A_2015] : memref<32x1000000xf32, #tpu.memory_space<hbm>> -> memref<32x128xf32, #tpu.memory_space<hbm>>
        %dma_start3A_2021 = arith.constant 0 : i32
        %dma_start3A_2022 = arith.constant 0 : i32
        %dma_start3A_2023 = tpu.memref_slice %arg8[%dma_start3A_2021, %dma_start3A_2022] : memref<32x512xf32, #tpu.memory_space<vmem>> -> memref<32x128xf32, #tpu.memory_space<vmem>>
        %dma_start3A_2024 = arith.constant 0 : i32
        %dma_start3A_2025 = tpu.memref_slice %arg2[%dma_start3A_2024, %multiple_of3A_2015] : memref<32x1000000xf32, #tpu.memory_space<hbm>> -> memref<32x128xf32, #tpu.memory_space<hbm>>
        tpu.enqueue_dma source(%dma_start3A_2025 : memref<32x128xf32, #tpu.memory_space<hbm>>) target(%dma_start3A_2023 : memref<32x128xf32, #tpu.memory_space<vmem>>) target_semaphore(%arg15 : memref<!tpu.dma_semaphore, #tpu.memory_space<semaphore_mem>>)
        %slice3A_2026 = vector.extract_strided_slice %gather3A_1995 {offsets = [1], sizes = [1], strides = [1]} : vector<16xi32> to vector<1xi32>
        %squeeze3A_2027 = vector.extract %slice3A_2026[0] : i32 from vector<1xi32>
        %jit3A_2028 = arith.constant 128 : i32
        %eq3A_2029 = arith.constant 0 : i32
        %eq3A_2030 = arith.cmpi eq, %jit3A_2028, %eq3A_2029 : i32
        %jit3A_2031 = arith.constant 1 : i32
        %select_n3A_2032 = arith.select %eq3A_2030, %jit3A_2031, %jit3A_2028 : i32
        %rem3A_2033 = arith.remsi %squeeze3A_2027, %select_n3A_2032 : i32
        %ne3A_2034 = arith.constant 0 : i32
        %ne3A_2035 = arith.cmpi ne, %rem3A_2033, %ne3A_2034 : i32
        %lt3A_2036 = arith.constant 0 : i32
        %lt3A_2037 = arith.cmpi slt, %rem3A_2033, %lt3A_2036 : i32
        %lt3A_2038 = arith.constant 0 : i32
        %lt3A_2039 = arith.cmpi slt, %select_n3A_2032, %lt3A_2038 : i32
        %ne3A_2040 = arith.xori %lt3A_2037, %lt3A_2039 : i1
        %and3A_2041 = arith.andi %ne3A_2040, %ne3A_2035 : i1
        %add3A_2042 = arith.addi %rem3A_2033, %select_n3A_2032 : i32
        %select_n3A_2043 = arith.select %and3A_2041, %add3A_2042, %rem3A_2033 : i32
        %sub3A_2044 = arith.subi %squeeze3A_2027, %select_n3A_2043 : i32
        %multiple_of3A_2045 = tpu.assume_multiple %sub3A_2044, 128 : i32
        %dma_start3A_2046 = arith.constant 0 : i32
        %dma_start3A_2047 = arith.constant 128 : i32
        %dma_start3A_2048 = tpu.memref_slice %arg8[%dma_start3A_2046, %dma_start3A_2047] : memref<32x512xf32, #tpu.memory_space<vmem>> -> memref<32x128xf32, #tpu.memory_space<vmem>>
        %dma_start3A_2049 = arith.constant 0 : i32
        %dma_start3A_2050 = tpu.memref_slice %arg2[%dma_start3A_2049, %multiple_of3A_2045] : memref<32x1000000xf32, #tpu.memory_space<hbm>> -> memref<32x128xf32, #tpu.memory_space<hbm>>
        %dma_start3A_2051 = arith.constant 0 : i32
        %dma_start3A_2052 = arith.constant 128 : i32
        %dma_start3A_2053 = tpu.memref_slice %arg8[%dma_start3A_2051, %dma_start3A_2052] : memref<32x512xf32, #tpu.memory_space<vmem>> -> memref<32x128xf32, #tpu.memory_space<vmem>>
        %dma_start3A_2054 = arith.constant 0 : i32
        %dma_start3A_2055 = tpu.memref_slice %arg2[%dma_start3A_2054, %multiple_of3A_2045] : memref<32x1000000xf32, #tpu.memory_space<hbm>> -> memref<32x128xf32, #tpu.memory_space<hbm>>
        tpu.enqueue_dma source(%dma_start3A_2055 : memref<32x128xf32, #tpu.memory_space<hbm>>) target(%dma_start3A_2053 : memref<32x128xf32, #tpu.memory_space<vmem>>) target_semaphore(%arg15 : memref<!tpu.dma_semaphore, #tpu.memory_space<semaphore_mem>>)
        %slice3A_2056 = vector.extract_strided_slice %gather3A_1995 {offsets = [2], sizes = [1], strides = [1]} : vector<16xi32> to vector<1xi32>
        %squeeze3A_2057 = vector.extract %slice3A_2056[0] : i32 from vector<1xi32>
        %jit3A_2058 = arith.constant 128 : i32
        %eq3A_2059 = arith.constant 0 : i32
        %eq3A_2060 = arith.cmpi eq, %jit3A_2058, %eq3A_2059 : i32
        %jit3A_2061 = arith.constant 1 : i32
        %select_n3A_2062 = arith.select %eq3A_2060, %jit3A_2061, %jit3A_2058 : i32
        %rem3A_2063 = arith.remsi %squeeze3A_2057, %select_n3A_2062 : i32
        %ne3A_2064 = arith.constant 0 : i32
        %ne3A_2065 = arith.cmpi ne, %rem3A_2063, %ne3A_2064 : i32
        %lt3A_2066 = arith.constant 0 : i32
        %lt3A_2067 = arith.cmpi slt, %rem3A_2063, %lt3A_2066 : i32
        %lt3A_2068 = arith.constant 0 : i32
        %lt3A_2069 = arith.cmpi slt, %select_n3A_2062, %lt3A_2068 : i32
        %ne3A_2070 = arith.xori %lt3A_2067, %lt3A_2069 : i1
        %and3A_2071 = arith.andi %ne3A_2070, %ne3A_2065 : i1
        %add3A_2072 = arith.addi %rem3A_2063, %select_n3A_2062 : i32
        %select_n3A_2073 = arith.select %and3A_2071, %add3A_2072, %rem3A_2063 : i32
        %sub3A_2074 = arith.subi %squeeze3A_2057, %select_n3A_2073 : i32
        %multiple_of3A_2075 = tpu.assume_multiple %sub3A_2074, 128 : i32
        %dma_start3A_2076 = arith.constant 0 : i32
        %dma_start3A_2077 = arith.constant 256 : i32
        %dma_start3A_2078 = tpu.memref_slice %arg8[%dma_start3A_2076, %dma_start3A_2077] : memref<32x512xf32, #tpu.memory_space<vmem>> -> memref<32x128xf32, #tpu.memory_space<vmem>>
        %dma_start3A_2079 = arith.constant 0 : i32
        %dma_start3A_2080 = tpu.memref_slice %arg2[%dma_start3A_2079, %multiple_of3A_2075] : memref<32x1000000xf32, #tpu.memory_space<hbm>> -> memref<32x128xf32, #tpu.memory_space<hbm>>
        %dma_start3A_2081 = arith.constant 0 : i32
        %dma_start3A_2082 = arith.constant 256 : i32
        %dma_start3A_2083 = tpu.memref_slice %arg8[%dma_start3A_2081, %dma_start3A_2082] : memref<32x512xf32, #tpu.memory_space<vmem>> -> memref<32x128xf32, #tpu.memory_space<vmem>>
        %dma_start3A_2084 = arith.constant 0 : i32
        %dma_start3A_2085 = tpu.memref_slice %arg2[%dma_start3A_2084, %multiple_of3A_2075] : memref<32x1000000xf32, #tpu.memory_space<hbm>> -> memref<32x128xf32, #tpu.memory_space<hbm>>
        tpu.enqueue_dma source(%dma_start3A_2085 : memref<32x128xf32, #tpu.memory_space<hbm>>) target(%dma_start3A_2083 : memref<32x128xf32, #tpu.memory_space<vmem>>) target_semaphore(%arg15 : memref<!tpu.dma_semaphore, #tpu.memory_space<semaphore_mem>>)
        %slice3A_2086 = vector.extract_strided_slice %gather3A_1995 {offsets = [3], sizes = [1], strides = [1]} : vector<16xi32> to vector<1xi32>
        %squeeze3A_2087 = vector.extract %slice3A_2086[0] : i32 from vector<1xi32>
        %jit3A_2088 = arith.constant 128 : i32
        %eq3A_2089 = arith.constant 0 : i32
        %eq3A_2090 = arith.cmpi eq, %jit3A_2088, %eq3A_2089 : i32
        %jit3A_2091 = arith.constant 1 : i32
        %select_n3A_2092 = arith.select %eq3A_2090, %jit3A_2091, %jit3A_2088 : i32
        %rem3A_2093 = arith.remsi %squeeze3A_2087, %select_n3A_2092 : i32
        %ne3A_2094 = arith.constant 0 : i32
        %ne3A_2095 = arith.cmpi ne, %rem3A_2093, %ne3A_2094 : i32
        %lt3A_2096 = arith.constant 0 : i32
        %lt3A_2097 = arith.cmpi slt, %rem3A_2093, %lt3A_2096 : i32
        %lt3A_2098 = arith.constant 0 : i32
        %lt3A_2099 = arith.cmpi slt, %select_n3A_2092, %lt3A_2098 : i32
        %ne3A_2100 = arith.xori %lt3A_2097, %lt3A_2099 : i1
        %and3A_2101 = arith.andi %ne3A_2100, %ne3A_2095 : i1
        %add3A_2102 = arith.addi %rem3A_2093, %select_n3A_2092 : i32
        %select_n3A_2103 = arith.select %and3A_2101, %add3A_2102, %rem3A_2093 : i32
        %sub3A_2104 = arith.subi %squeeze3A_2087, %select_n3A_2103 : i32
        %multiple_of3A_2105 = tpu.assume_multiple %sub3A_2104, 128 : i32
        %dma_start3A_2106 = arith.constant 0 : i32
        %dma_start3A_2107 = arith.constant 384 : i32
        %dma_start3A_2108 = tpu.memref_slice %arg8[%dma_start3A_2106, %dma_start3A_2107] : memref<32x512xf32, #tpu.memory_space<vmem>> -> memref<32x128xf32, #tpu.memory_space<vmem>>
        %dma_start3A_2109 = arith.constant 0 : i32
        %dma_start3A_2110 = tpu.memref_slice %arg2[%dma_start3A_2109, %multiple_of3A_2105] : memref<32x1000000xf32, #tpu.memory_space<hbm>> -> memref<32x128xf32, #tpu.memory_space<hbm>>
        %dma_start3A_2111 = arith.constant 0 : i32
        %dma_start3A_2112 = arith.constant 384 : i32
        %dma_start3A_2113 = tpu.memref_slice %arg8[%dma_start3A_2111, %dma_start3A_2112] : memref<32x512xf32, #tpu.memory_space<vmem>> -> memref<32x128xf32, #tpu.memory_space<vmem>>
        %dma_start3A_2114 = arith.constant 0 : i32
        %dma_start3A_2115 = tpu.memref_slice %arg2[%dma_start3A_2114, %multiple_of3A_2105] : memref<32x1000000xf32, #tpu.memory_space<hbm>> -> memref<32x128xf32, #tpu.memory_space<hbm>>
        tpu.enqueue_dma source(%dma_start3A_2115 : memref<32x128xf32, #tpu.memory_space<hbm>>) target(%dma_start3A_2113 : memref<32x128xf32, #tpu.memory_space<vmem>>) target_semaphore(%arg15 : memref<!tpu.dma_semaphore, #tpu.memory_space<semaphore_mem>>)
      } else {
      }
      %dma_wait3A_1466 = arith.constant 0 : i32
      %dma_wait3A_1467 = arith.constant 0 : i32
      %dma_wait3A_1468 = tpu.memref_slice %arg9[%dma_wait3A_1466, %dma_wait3A_1467] : memref<32x512xf32, #tpu.memory_space<vmem>> -> memref<32x128xf32, #tpu.memory_space<vmem>>
      %dma_wait3A_1469 = arith.constant 0 : i32
      %dma_wait3A_1470 = arith.constant 0 : i32
      %dma_wait3A_1471 = tpu.memref_slice %arg2[%dma_wait3A_1469, %dma_wait3A_1470] : memref<32x1000000xf32, #tpu.memory_space<hbm>> -> memref<32x128xf32, #tpu.memory_space<hbm>>
      %dma_wait3A_1472 = arith.constant 0 : i32
      %dma_wait3A_1473 = arith.constant 0 : i32
      %dma_wait3A_1474 = tpu.memref_slice %arg9[%dma_wait3A_1472, %dma_wait3A_1473] : memref<32x512xf32, #tpu.memory_space<vmem>> -> memref<32x128xf32, #tpu.memory_space<vmem>>
      %dma_wait3A_1475 = arith.constant 0 : i32
      %dma_wait3A_1476 = arith.constant 0 : i32
      %dma_wait3A_1477 = tpu.memref_slice %arg2[%dma_wait3A_1475, %dma_wait3A_1476] : memref<32x1000000xf32, #tpu.memory_space<hbm>> -> memref<32x128xf32, #tpu.memory_space<hbm>>
      tpu.wait_dma2 semaphore(%arg16 : memref<!tpu.dma_semaphore, #tpu.memory_space<semaphore_mem>>) src(%dma_wait3A_1477 : memref<32x128xf32, #tpu.memory_space<hbm>>) dst(%dma_wait3A_1474 : memref<32x128xf32, #tpu.memory_space<vmem>>)
      %dma_wait3A_1478 = arith.constant 0 : i32
      %dma_wait3A_1479 = arith.constant 128 : i32
      %dma_wait3A_1480 = tpu.memref_slice %arg9[%dma_wait3A_1478, %dma_wait3A_1479] : memref<32x512xf32, #tpu.memory_space<vmem>> -> memref<32x128xf32, #tpu.memory_space<vmem>>
      %dma_wait3A_1481 = arith.constant 0 : i32
      %dma_wait3A_1482 = arith.constant 0 : i32
      %dma_wait3A_1483 = tpu.memref_slice %arg2[%dma_wait3A_1481, %dma_wait3A_1482] : memref<32x1000000xf32, #tpu.memory_space<hbm>> -> memref<32x128xf32, #tpu.memory_space<hbm>>
      %dma_wait3A_1484 = arith.constant 0 : i32
      %dma_wait3A_1485 = arith.constant 128 : i32
      %dma_wait3A_1486 = tpu.memref_slice %arg9[%dma_wait3A_1484, %dma_wait3A_1485] : memref<32x512xf32, #tpu.memory_space<vmem>> -> memref<32x128xf32, #tpu.memory_space<vmem>>
      %dma_wait3A_1487 = arith.constant 0 : i32
      %dma_wait3A_1488 = arith.constant 0 : i32
      %dma_wait3A_1489 = tpu.memref_slice %arg2[%dma_wait3A_1487, %dma_wait3A_1488] : memref<32x1000000xf32, #tpu.memory_space<hbm>> -> memref<32x128xf32, #tpu.memory_space<hbm>>
      tpu.wait_dma2 semaphore(%arg16 : memref<!tpu.dma_semaphore, #tpu.memory_space<semaphore_mem>>) src(%dma_wait3A_1489 : memref<32x128xf32, #tpu.memory_space<hbm>>) dst(%dma_wait3A_1486 : memref<32x128xf32, #tpu.memory_space<vmem>>)
      %dma_wait3A_1490 = arith.constant 0 : i32
      %dma_wait3A_1491 = arith.constant 256 : i32
      %dma_wait3A_1492 = tpu.memref_slice %arg9[%dma_wait3A_1490, %dma_wait3A_1491] : memref<32x512xf32, #tpu.memory_space<vmem>> -> memref<32x128xf32, #tpu.memory_space<vmem>>
      %dma_wait3A_1493 = arith.constant 0 : i32
      %dma_wait3A_1494 = arith.constant 0 : i32
      %dma_wait3A_1495 = tpu.memref_slice %arg2[%dma_wait3A_1493, %dma_wait3A_1494] : memref<32x1000000xf32, #tpu.memory_space<hbm>> -> memref<32x128xf32, #tpu.memory_space<hbm>>
      %dma_wait3A_1496 = arith.constant 0 : i32
      %dma_wait3A_1497 = arith.constant 256 : i32
      %dma_wait3A_1498 = tpu.memref_slice %arg9[%dma_wait3A_1496, %dma_wait3A_1497] : memref<32x512xf32, #tpu.memory_space<vmem>> -> memref<32x128xf32, #tpu.memory_space<vmem>>
      %dma_wait3A_1499 = arith.constant 0 : i32
      %dma_wait3A_1500 = arith.constant 0 : i32
      %dma_wait3A_1501 = tpu.memref_slice %arg2[%dma_wait3A_1499, %dma_wait3A_1500] : memref<32x1000000xf32, #tpu.memory_space<hbm>> -> memref<32x128xf32, #tpu.memory_space<hbm>>
      tpu.wait_dma2 semaphore(%arg16 : memref<!tpu.dma_semaphore, #tpu.memory_space<semaphore_mem>>) src(%dma_wait3A_1501 : memref<32x128xf32, #tpu.memory_space<hbm>>) dst(%dma_wait3A_1498 : memref<32x128xf32, #tpu.memory_space<vmem>>)
      %dma_wait3A_1502 = arith.constant 0 : i32
      %dma_wait3A_1503 = arith.constant 384 : i32
      %dma_wait3A_1504 = tpu.memref_slice %arg9[%dma_wait3A_1502, %dma_wait3A_1503] : memref<32x512xf32, #tpu.memory_space<vmem>> -> memref<32x128xf32, #tpu.memory_space<vmem>>
      %dma_wait3A_1505 = arith.constant 0 : i32
      %dma_wait3A_1506 = arith.constant 0 : i32
      %dma_wait3A_1507 = tpu.memref_slice %arg2[%dma_wait3A_1505, %dma_wait3A_1506] : memref<32x1000000xf32, #tpu.memory_space<hbm>> -> memref<32x128xf32, #tpu.memory_space<hbm>>
      %dma_wait3A_1508 = arith.constant 0 : i32
      %dma_wait3A_1509 = arith.constant 384 : i32
      %dma_wait3A_1510 = tpu.memref_slice %arg9[%dma_wait3A_1508, %dma_wait3A_1509] : memref<32x512xf32, #tpu.memory_space<vmem>> -> memref<32x128xf32, #tpu.memory_space<vmem>>
      %dma_wait3A_1511 = arith.constant 0 : i32
      %dma_wait3A_1512 = arith.constant 0 : i32
      %dma_wait3A_1513 = tpu.memref_slice %arg2[%dma_wait3A_1511, %dma_wait3A_1512] : memref<32x1000000xf32, #tpu.memory_space<hbm>> -> memref<32x128xf32, #tpu.memory_space<hbm>>
      tpu.wait_dma2 semaphore(%arg16 : memref<!tpu.dma_semaphore, #tpu.memory_space<semaphore_mem>>) src(%dma_wait3A_1513 : memref<32x128xf32, #tpu.memory_space<hbm>>) dst(%dma_wait3A_1510 : memref<32x128xf32, #tpu.memory_space<vmem>>)
      %mul3A_1514 = arith.constant 4 : i32
      %mul3A_1515 = arith.muli %add3A_1456, %mul3A_1514 : i32
      %add3A_1516 = vector.broadcast %mul3A_1515 : i32 to vector<16xi32>
      %add3A_1517 = arith.addi %add3A_1516, %iota3A : vector<16xi32>
      %gather3A_1518 = tpu.vector_load_idx %arg5[%add3A_1517] : memref<528xi32, #tpu.memory_space<vmem>>[vector<16xi32>], vector<16xi32>,
      %mul3A_1519 = arith.constant 4 : i32
      %mul3A_1520 = arith.muli %add3A_1456, %mul3A_1519 : i32
      %add3A_1521 = arith.constant 0 : i32
      %add3A_1522 = arith.addi %mul3A_1520, %add3A_1521 : i32
      %slice3A_1523 = vector.extract_strided_slice %gather3A_1518 {offsets = [0], sizes = [1], strides = [1]} : vector<16xi32> to vector<1xi32>
      %squeeze3A_1524 = vector.extract %slice3A_1523[0] : i32 from vector<1xi32>
      %jit3A_1525 = arith.constant 128 : i32
      %eq3A_1526 = arith.constant 0 : i32
      %eq3A_1527 = arith.cmpi eq, %jit3A_1525, %eq3A_1526 : i32
      %jit3A_1528 = arith.constant 1 : i32
      %select_n3A_1529 = arith.select %eq3A_1527, %jit3A_1528, %jit3A_1525 : i32
      %rem3A_1530 = arith.remsi %squeeze3A_1524, %select_n3A_1529 : i32
      %ne3A_1531 = arith.constant 0 : i32
      %ne3A_1532 = arith.cmpi ne, %rem3A_1530, %ne3A_1531 : i32
      %lt3A_1533 = arith.constant 0 : i32
      %lt3A_1534 = arith.cmpi slt, %rem3A_1530, %lt3A_1533 : i32
      %lt3A_1535 = arith.constant 0 : i32
      %lt3A_1536 = arith.cmpi slt, %select_n3A_1529, %lt3A_1535 : i32
      %ne3A_1537 = arith.xori %lt3A_1534, %lt3A_1536 : i1
      %and3A_1538 = arith.andi %ne3A_1537, %ne3A_1532 : i1
      %add3A_1539 = arith.addi %rem3A_1530, %select_n3A_1529 : i32
      %select_n3A_1540 = arith.select %and3A_1538, %add3A_1539, %rem3A_1530 : i32
      %add3A_1541 = arith.constant 0 : i32
      %add3A_1542 = arith.addi %add3A_1541, %select_n3A_1540 : i32
      %broadcast_in_dim3A_1543 = vector.broadcast %add3A_1542 : i32 to vector<16xi32>
      %broadcast_in_dim3A_1544 = vector.broadcast %add3A_1522 : i32 to vector<16xi32>
      %gather3A_1545 = tpu.vector_load_idx %arg9[%iota3A, %broadcast_in_dim3A_1543] : memref<32x512xf32, #tpu.memory_space<vmem>>[vector<16xi32>, vector<16xi32>], vector<16xf32>,
      %gather3A_1546 = tpu.vector_load_idx %arg9[%add3A_5, %broadcast_in_dim3A_1543] : memref<32x512xf32, #tpu.memory_space<vmem>>[vector<16xi32>, vector<16xi32>], vector<16xf32>,
      tpu.vector_store_idx %arg12[%iota3A, %broadcast_in_dim3A_1544], %gather3A_1545 : memref<32x512xf32, #tpu.memory_space<vmem>>[vector<16xi32>, vector<16xi32>], vector<16xf32>,
      tpu.vector_store_idx %arg12[%add3A_5, %broadcast_in_dim3A_1544], %gather3A_1546 : memref<32x512xf32, #tpu.memory_space<vmem>>[vector<16xi32>, vector<16xi32>], vector<16xf32>,
      %mul3A_1547 = arith.constant 4 : i32
      %mul3A_1548 = arith.muli %add3A_1456, %mul3A_1547 : i32
      %add3A_1549 = arith.constant 1 : i32
      %add3A_1550 = arith.addi %mul3A_1548, %add3A_1549 : i32
      %slice3A_1551 = vector.extract_strided_slice %gather3A_1518 {offsets = [1], sizes = [1], strides = [1]} : vector<16xi32> to vector<1xi32>
      %squeeze3A_1552 = vector.extract %slice3A_1551[0] : i32 from vector<1xi32>
      %jit3A_1553 = arith.constant 128 : i32
      %eq3A_1554 = arith.constant 0 : i32
      %eq3A_1555 = arith.cmpi eq, %jit3A_1553, %eq3A_1554 : i32
      %jit3A_1556 = arith.constant 1 : i32
      %select_n3A_1557 = arith.select %eq3A_1555, %jit3A_1556, %jit3A_1553 : i32
      %rem3A_1558 = arith.remsi %squeeze3A_1552, %select_n3A_1557 : i32
      %ne3A_1559 = arith.constant 0 : i32
      %ne3A_1560 = arith.cmpi ne, %rem3A_1558, %ne3A_1559 : i32
      %lt3A_1561 = arith.constant 0 : i32
      %lt3A_1562 = arith.cmpi slt, %rem3A_1558, %lt3A_1561 : i32
      %lt3A_1563 = arith.constant 0 : i32
      %lt3A_1564 = arith.cmpi slt, %select_n3A_1557, %lt3A_1563 : i32
      %ne3A_1565 = arith.xori %lt3A_1562, %lt3A_1564 : i1
      %and3A_1566 = arith.andi %ne3A_1565, %ne3A_1560 : i1
      %add3A_1567 = arith.addi %rem3A_1558, %select_n3A_1557 : i32
      %select_n3A_1568 = arith.select %and3A_1566, %add3A_1567, %rem3A_1558 : i32
      %add3A_1569 = arith.constant 128 : i32
      %add3A_1570 = arith.addi %add3A_1569, %select_n3A_1568 : i32
      %broadcast_in_dim3A_1571 = vector.broadcast %add3A_1570 : i32 to vector<16xi32>
      %broadcast_in_dim3A_1572 = vector.broadcast %add3A_1550 : i32 to vector<16xi32>
      %gather3A_1573 = tpu.vector_load_idx %arg9[%iota3A, %broadcast_in_dim3A_1571] : memref<32x512xf32, #tpu.memory_space<vmem>>[vector<16xi32>, vector<16xi32>], vector<16xf32>,
      %gather3A_1574 = tpu.vector_load_idx %arg9[%add3A_5, %broadcast_in_dim3A_1571] : memref<32x512xf32, #tpu.memory_space<vmem>>[vector<16xi32>, vector<16xi32>], vector<16xf32>,
      tpu.vector_store_idx %arg12[%iota3A, %broadcast_in_dim3A_1572], %gather3A_1573 : memref<32x512xf32, #tpu.memory_space<vmem>>[vector<16xi32>, vector<16xi32>], vector<16xf32>,
      tpu.vector_store_idx %arg12[%add3A_5, %broadcast_in_dim3A_1572], %gather3A_1574 : memref<32x512xf32, #tpu.memory_space<vmem>>[vector<16xi32>, vector<16xi32>], vector<16xf32>,
      %mul3A_1575 = arith.constant 4 : i32
      %mul3A_1576 = arith.muli %add3A_1456, %mul3A_1575 : i32
      %add3A_1577 = arith.constant 2 : i32
      %add3A_1578 = arith.addi %mul3A_1576, %add3A_1577 : i32
      %slice3A_1579 = vector.extract_strided_slice %gather3A_1518 {offsets = [2], sizes = [1], strides = [1]} : vector<16xi32> to vector<1xi32>
      %squeeze3A_1580 = vector.extract %slice3A_1579[0] : i32 from vector<1xi32>
      %jit3A_1581 = arith.constant 128 : i32
      %eq3A_1582 = arith.constant 0 : i32
      %eq3A_1583 = arith.cmpi eq, %jit3A_1581, %eq3A_1582 : i32
      %jit3A_1584 = arith.constant 1 : i32
      %select_n3A_1585 = arith.select %eq3A_1583, %jit3A_1584, %jit3A_1581 : i32
      %rem3A_1586 = arith.remsi %squeeze3A_1580, %select_n3A_1585 : i32
      %ne3A_1587 = arith.constant 0 : i32
      %ne3A_1588 = arith.cmpi ne, %rem3A_1586, %ne3A_1587 : i32
      %lt3A_1589 = arith.constant 0 : i32
      %lt3A_1590 = arith.cmpi slt, %rem3A_1586, %lt3A_1589 : i32
      %lt3A_1591 = arith.constant 0 : i32
      %lt3A_1592 = arith.cmpi slt, %select_n3A_1585, %lt3A_1591 : i32
      %ne3A_1593 = arith.xori %lt3A_1590, %lt3A_1592 : i1
      %and3A_1594 = arith.andi %ne3A_1593, %ne3A_1588 : i1
      %add3A_1595 = arith.addi %rem3A_1586, %select_n3A_1585 : i32
      %select_n3A_1596 = arith.select %and3A_1594, %add3A_1595, %rem3A_1586 : i32
      %add3A_1597 = arith.constant 256 : i32
      %add3A_1598 = arith.addi %add3A_1597, %select_n3A_1596 : i32
      %broadcast_in_dim3A_1599 = vector.broadcast %add3A_1598 : i32 to vector<16xi32>
      %broadcast_in_dim3A_1600 = vector.broadcast %add3A_1578 : i32 to vector<16xi32>
      %gather3A_1601 = tpu.vector_load_idx %arg9[%iota3A, %broadcast_in_dim3A_1599] : memref<32x512xf32, #tpu.memory_space<vmem>>[vector<16xi32>, vector<16xi32>], vector<16xf32>,
      %gather3A_1602 = tpu.vector_load_idx %arg9[%add3A_5, %broadcast_in_dim3A_1599] : memref<32x512xf32, #tpu.memory_space<vmem>>[vector<16xi32>, vector<16xi32>], vector<16xf32>,
      tpu.vector_store_idx %arg12[%iota3A, %broadcast_in_dim3A_1600], %gather3A_1601 : memref<32x512xf32, #tpu.memory_space<vmem>>[vector<16xi32>, vector<16xi32>], vector<16xf32>,
      tpu.vector_store_idx %arg12[%add3A_5, %broadcast_in_dim3A_1600], %gather3A_1602 : memref<32x512xf32, #tpu.memory_space<vmem>>[vector<16xi32>, vector<16xi32>], vector<16xf32>,
      %mul3A_1603 = arith.constant 4 : i32
      %mul3A_1604 = arith.muli %add3A_1456, %mul3A_1603 : i32
      %add3A_1605 = arith.constant 3 : i32
      %add3A_1606 = arith.addi %mul3A_1604, %add3A_1605 : i32
      %slice3A_1607 = vector.extract_strided_slice %gather3A_1518 {offsets = [3], sizes = [1], strides = [1]} : vector<16xi32> to vector<1xi32>
      %squeeze3A_1608 = vector.extract %slice3A_1607[0] : i32 from vector<1xi32>
      %jit3A_1609 = arith.constant 128 : i32
      %eq3A_1610 = arith.constant 0 : i32
      %eq3A_1611 = arith.cmpi eq, %jit3A_1609, %eq3A_1610 : i32
      %jit3A_1612 = arith.constant 1 : i32
      %select_n3A_1613 = arith.select %eq3A_1611, %jit3A_1612, %jit3A_1609 : i32
      %rem3A_1614 = arith.remsi %squeeze3A_1608, %select_n3A_1613 : i32
      %ne3A_1615 = arith.constant 0 : i32
      %ne3A_1616 = arith.cmpi ne, %rem3A_1614, %ne3A_1615 : i32
      %lt3A_1617 = arith.constant 0 : i32
      %lt3A_1618 = arith.cmpi slt, %rem3A_1614, %lt3A_1617 : i32
      %lt3A_1619 = arith.constant 0 : i32
      %lt3A_1620 = arith.cmpi slt, %select_n3A_1613, %lt3A_1619 : i32
      %ne3A_1621 = arith.xori %lt3A_1618, %lt3A_1620 : i1
      %and3A_1622 = arith.andi %ne3A_1621, %ne3A_1616 : i1
      %add3A_1623 = arith.addi %rem3A_1614, %select_n3A_1613 : i32
      %select_n3A_1624 = arith.select %and3A_1622, %add3A_1623, %rem3A_1614 : i32
      %add3A_1625 = arith.constant 384 : i32
      %add3A_1626 = arith.addi %add3A_1625, %select_n3A_1624 : i32
      %broadcast_in_dim3A_1627 = vector.broadcast %add3A_1626 : i32 to vector<16xi32>
      %broadcast_in_dim3A_1628 = vector.broadcast %add3A_1606 : i32 to vector<16xi32>
      %gather3A_1629 = tpu.vector_load_idx %arg9[%iota3A, %broadcast_in_dim3A_1627] : memref<32x512xf32, #tpu.memory_space<vmem>>[vector<16xi32>, vector<16xi32>], vector<16xf32>,
      %gather3A_1630 = tpu.vector_load_idx %arg9[%add3A_5, %broadcast_in_dim3A_1627] : memref<32x512xf32, #tpu.memory_space<vmem>>[vector<16xi32>, vector<16xi32>], vector<16xf32>,
      tpu.vector_store_idx %arg12[%iota3A, %broadcast_in_dim3A_1628], %gather3A_1629 : memref<32x512xf32, #tpu.memory_space<vmem>>[vector<16xi32>, vector<16xi32>], vector<16xf32>,
      tpu.vector_store_idx %arg12[%add3A_5, %broadcast_in_dim3A_1628], %gather3A_1630 : memref<32x512xf32, #tpu.memory_space<vmem>>[vector<16xi32>, vector<16xi32>], vector<16xf32>,
      %mul3A_1631 = arith.constant 6 : i32
      %mul3A_1632 = arith.muli %mul3A_1631, %scan3A_920 : i32
      %add3A_1633 = arith.constant 4 : i32
      %add3A_1634 = arith.addi %mul3A_1632, %add3A_1633 : i32
      %add3A_1635 = arith.constant 6 : i32
      %add3A_1636 = arith.addi %add3A_1634, %add3A_1635 : i32
      %sub3A_1637 = arith.constant 1 : i32
      %sub3A_1638 = arith.subi %add3A_1636, %sub3A_1637 : i32
      %lt3A_1639 = arith.constant 128 : i32
      %lt3A_1640 = arith.cmpi slt, %sub3A_1638, %lt3A_1639 : i32
      %convert_element_type3A_1641 = arith.extui %lt3A_1640 : i1 to i32
      %cond3A_1642 = arith.constant 0 : i32
      %cond3A_1643 = arith.cmpi ne, %convert_element_type3A_1641, %cond3A_1642 : i32
      scf.if %cond3A_1643 {
        %add3A_1987 = arith.constant 6 : i32
        %add3A_1988 = arith.addi %add3A_1634, %add3A_1987 : i32
        %sub3A_1989 = arith.constant 1 : i32
        %sub3A_1990 = arith.subi %add3A_1988, %sub3A_1989 : i32
        %mul3A_1991 = arith.constant 4 : i32
        %mul3A_1992 = arith.muli %sub3A_1990, %mul3A_1991 : i32
        %add3A_1993 = vector.broadcast %mul3A_1992 : i32 to vector<16xi32>
        %add3A_1994 = arith.addi %add3A_1993, %iota3A : vector<16xi32>
        %gather3A_1995 = tpu.vector_load_idx %arg5[%add3A_1994] : memref<528xi32, #tpu.memory_space<vmem>>[vector<16xi32>], vector<16xi32>,
        %slice3A_1996 = vector.extract_strided_slice %gather3A_1995 {offsets = [0], sizes = [1], strides = [1]} : vector<16xi32> to vector<1xi32>
        %squeeze3A_1997 = vector.extract %slice3A_1996[0] : i32 from vector<1xi32>
        %jit3A_1998 = arith.constant 128 : i32
        %eq3A_1999 = arith.constant 0 : i32
        %eq3A_2000 = arith.cmpi eq, %jit3A_1998, %eq3A_1999 : i32
        %jit3A_2001 = arith.constant 1 : i32
        %select_n3A_2002 = arith.select %eq3A_2000, %jit3A_2001, %jit3A_1998 : i32
        %rem3A_2003 = arith.remsi %squeeze3A_1997, %select_n3A_2002 : i32
        %ne3A_2004 = arith.constant 0 : i32
        %ne3A_2005 = arith.cmpi ne, %rem3A_2003, %ne3A_2004 : i32
        %lt3A_2006 = arith.constant 0 : i32
        %lt3A_2007 = arith.cmpi slt, %rem3A_2003, %lt3A_2006 : i32
        %lt3A_2008 = arith.constant 0 : i32
        %lt3A_2009 = arith.cmpi slt, %select_n3A_2002, %lt3A_2008 : i32
        %ne3A_2010 = arith.xori %lt3A_2007, %lt3A_2009 : i1
        %and3A_2011 = arith.andi %ne3A_2010, %ne3A_2005 : i1
        %add3A_2012 = arith.addi %rem3A_2003, %select_n3A_2002 : i32
        %select_n3A_2013 = arith.select %and3A_2011, %add3A_2012, %rem3A_2003 : i32
        %sub3A_2014 = arith.subi %squeeze3A_1997, %select_n3A_2013 : i32
        %multiple_of3A_2015 = tpu.assume_multiple %sub3A_2014, 128 : i32
        %dma_start3A_2016 = arith.constant 0 : i32
        %dma_start3A_2017 = arith.constant 0 : i32
        %dma_start3A_2018 = tpu.memref_slice %arg9[%dma_start3A_2016, %dma_start3A_2017] : memref<32x512xf32, #tpu.memory_space<vmem>> -> memref<32x128xf32, #tpu.memory_space<vmem>>
        %dma_start3A_2019 = arith.constant 0 : i32
        %dma_start3A_2020 = tpu.memref_slice %arg2[%dma_start3A_2019, %multiple_of3A_2015] : memref<32x1000000xf32, #tpu.memory_space<hbm>> -> memref<32x128xf32, #tpu.memory_space<hbm>>
        %dma_start3A_2021 = arith.constant 0 : i32
        %dma_start3A_2022 = arith.constant 0 : i32
        %dma_start3A_2023 = tpu.memref_slice %arg9[%dma_start3A_2021, %dma_start3A_2022] : memref<32x512xf32, #tpu.memory_space<vmem>> -> memref<32x128xf32, #tpu.memory_space<vmem>>
        %dma_start3A_2024 = arith.constant 0 : i32
        %dma_start3A_2025 = tpu.memref_slice %arg2[%dma_start3A_2024, %multiple_of3A_2015] : memref<32x1000000xf32, #tpu.memory_space<hbm>> -> memref<32x128xf32, #tpu.memory_space<hbm>>
        tpu.enqueue_dma source(%dma_start3A_2025 : memref<32x128xf32, #tpu.memory_space<hbm>>) target(%dma_start3A_2023 : memref<32x128xf32, #tpu.memory_space<vmem>>) target_semaphore(%arg16 : memref<!tpu.dma_semaphore, #tpu.memory_space<semaphore_mem>>)
        %slice3A_2026 = vector.extract_strided_slice %gather3A_1995 {offsets = [1], sizes = [1], strides = [1]} : vector<16xi32> to vector<1xi32>
        %squeeze3A_2027 = vector.extract %slice3A_2026[0] : i32 from vector<1xi32>
        %jit3A_2028 = arith.constant 128 : i32
        %eq3A_2029 = arith.constant 0 : i32
        %eq3A_2030 = arith.cmpi eq, %jit3A_2028, %eq3A_2029 : i32
        %jit3A_2031 = arith.constant 1 : i32
        %select_n3A_2032 = arith.select %eq3A_2030, %jit3A_2031, %jit3A_2028 : i32
        %rem3A_2033 = arith.remsi %squeeze3A_2027, %select_n3A_2032 : i32
        %ne3A_2034 = arith.constant 0 : i32
        %ne3A_2035 = arith.cmpi ne, %rem3A_2033, %ne3A_2034 : i32
        %lt3A_2036 = arith.constant 0 : i32
        %lt3A_2037 = arith.cmpi slt, %rem3A_2033, %lt3A_2036 : i32
        %lt3A_2038 = arith.constant 0 : i32
        %lt3A_2039 = arith.cmpi slt, %select_n3A_2032, %lt3A_2038 : i32
        %ne3A_2040 = arith.xori %lt3A_2037, %lt3A_2039 : i1
        %and3A_2041 = arith.andi %ne3A_2040, %ne3A_2035 : i1
        %add3A_2042 = arith.addi %rem3A_2033, %select_n3A_2032 : i32
        %select_n3A_2043 = arith.select %and3A_2041, %add3A_2042, %rem3A_2033 : i32
        %sub3A_2044 = arith.subi %squeeze3A_2027, %select_n3A_2043 : i32
        %multiple_of3A_2045 = tpu.assume_multiple %sub3A_2044, 128 : i32
        %dma_start3A_2046 = arith.constant 0 : i32
        %dma_start3A_2047 = arith.constant 128 : i32
        %dma_start3A_2048 = tpu.memref_slice %arg9[%dma_start3A_2046, %dma_start3A_2047] : memref<32x512xf32, #tpu.memory_space<vmem>> -> memref<32x128xf32, #tpu.memory_space<vmem>>
        %dma_start3A_2049 = arith.constant 0 : i32
        %dma_start3A_2050 = tpu.memref_slice %arg2[%dma_start3A_2049, %multiple_of3A_2045] : memref<32x1000000xf32, #tpu.memory_space<hbm>> -> memref<32x128xf32, #tpu.memory_space<hbm>>
        %dma_start3A_2051 = arith.constant 0 : i32
        %dma_start3A_2052 = arith.constant 128 : i32
        %dma_start3A_2053 = tpu.memref_slice %arg9[%dma_start3A_2051, %dma_start3A_2052] : memref<32x512xf32, #tpu.memory_space<vmem>> -> memref<32x128xf32, #tpu.memory_space<vmem>>
        %dma_start3A_2054 = arith.constant 0 : i32
        %dma_start3A_2055 = tpu.memref_slice %arg2[%dma_start3A_2054, %multiple_of3A_2045] : memref<32x1000000xf32, #tpu.memory_space<hbm>> -> memref<32x128xf32, #tpu.memory_space<hbm>>
        tpu.enqueue_dma source(%dma_start3A_2055 : memref<32x128xf32, #tpu.memory_space<hbm>>) target(%dma_start3A_2053 : memref<32x128xf32, #tpu.memory_space<vmem>>) target_semaphore(%arg16 : memref<!tpu.dma_semaphore, #tpu.memory_space<semaphore_mem>>)
        %slice3A_2056 = vector.extract_strided_slice %gather3A_1995 {offsets = [2], sizes = [1], strides = [1]} : vector<16xi32> to vector<1xi32>
        %squeeze3A_2057 = vector.extract %slice3A_2056[0] : i32 from vector<1xi32>
        %jit3A_2058 = arith.constant 128 : i32
        %eq3A_2059 = arith.constant 0 : i32
        %eq3A_2060 = arith.cmpi eq, %jit3A_2058, %eq3A_2059 : i32
        %jit3A_2061 = arith.constant 1 : i32
        %select_n3A_2062 = arith.select %eq3A_2060, %jit3A_2061, %jit3A_2058 : i32
        %rem3A_2063 = arith.remsi %squeeze3A_2057, %select_n3A_2062 : i32
        %ne3A_2064 = arith.constant 0 : i32
        %ne3A_2065 = arith.cmpi ne, %rem3A_2063, %ne3A_2064 : i32
        %lt3A_2066 = arith.constant 0 : i32
        %lt3A_2067 = arith.cmpi slt, %rem3A_2063, %lt3A_2066 : i32
        %lt3A_2068 = arith.constant 0 : i32
        %lt3A_2069 = arith.cmpi slt, %select_n3A_2062, %lt3A_2068 : i32
        %ne3A_2070 = arith.xori %lt3A_2067, %lt3A_2069 : i1
        %and3A_2071 = arith.andi %ne3A_2070, %ne3A_2065 : i1
        %add3A_2072 = arith.addi %rem3A_2063, %select_n3A_2062 : i32
        %select_n3A_2073 = arith.select %and3A_2071, %add3A_2072, %rem3A_2063 : i32
        %sub3A_2074 = arith.subi %squeeze3A_2057, %select_n3A_2073 : i32
        %multiple_of3A_2075 = tpu.assume_multiple %sub3A_2074, 128 : i32
        %dma_start3A_2076 = arith.constant 0 : i32
        %dma_start3A_2077 = arith.constant 256 : i32
        %dma_start3A_2078 = tpu.memref_slice %arg9[%dma_start3A_2076, %dma_start3A_2077] : memref<32x512xf32, #tpu.memory_space<vmem>> -> memref<32x128xf32, #tpu.memory_space<vmem>>
        %dma_start3A_2079 = arith.constant 0 : i32
        %dma_start3A_2080 = tpu.memref_slice %arg2[%dma_start3A_2079, %multiple_of3A_2075] : memref<32x1000000xf32, #tpu.memory_space<hbm>> -> memref<32x128xf32, #tpu.memory_space<hbm>>
        %dma_start3A_2081 = arith.constant 0 : i32
        %dma_start3A_2082 = arith.constant 256 : i32
        %dma_start3A_2083 = tpu.memref_slice %arg9[%dma_start3A_2081, %dma_start3A_2082] : memref<32x512xf32, #tpu.memory_space<vmem>> -> memref<32x128xf32, #tpu.memory_space<vmem>>
        %dma_start3A_2084 = arith.constant 0 : i32
        %dma_start3A_2085 = tpu.memref_slice %arg2[%dma_start3A_2084, %multiple_of3A_2075] : memref<32x1000000xf32, #tpu.memory_space<hbm>> -> memref<32x128xf32, #tpu.memory_space<hbm>>
        tpu.enqueue_dma source(%dma_start3A_2085 : memref<32x128xf32, #tpu.memory_space<hbm>>) target(%dma_start3A_2083 : memref<32x128xf32, #tpu.memory_space<vmem>>) target_semaphore(%arg16 : memref<!tpu.dma_semaphore, #tpu.memory_space<semaphore_mem>>)
        %slice3A_2086 = vector.extract_strided_slice %gather3A_1995 {offsets = [3], sizes = [1], strides = [1]} : vector<16xi32> to vector<1xi32>
        %squeeze3A_2087 = vector.extract %slice3A_2086[0] : i32 from vector<1xi32>
        %jit3A_2088 = arith.constant 128 : i32
        %eq3A_2089 = arith.constant 0 : i32
        %eq3A_2090 = arith.cmpi eq, %jit3A_2088, %eq3A_2089 : i32
        %jit3A_2091 = arith.constant 1 : i32
        %select_n3A_2092 = arith.select %eq3A_2090, %jit3A_2091, %jit3A_2088 : i32
        %rem3A_2093 = arith.remsi %squeeze3A_2087, %select_n3A_2092 : i32
        %ne3A_2094 = arith.constant 0 : i32
        %ne3A_2095 = arith.cmpi ne, %rem3A_2093, %ne3A_2094 : i32
        %lt3A_2096 = arith.constant 0 : i32
        %lt3A_2097 = arith.cmpi slt, %rem3A_2093, %lt3A_2096 : i32
        %lt3A_2098 = arith.constant 0 : i32
        %lt3A_2099 = arith.cmpi slt, %select_n3A_2092, %lt3A_2098 : i32
        %ne3A_2100 = arith.xori %lt3A_2097, %lt3A_2099 : i1
        %and3A_2101 = arith.andi %ne3A_2100, %ne3A_2095 : i1
        %add3A_2102 = arith.addi %rem3A_2093, %select_n3A_2092 : i32
        %select_n3A_2103 = arith.select %and3A_2101, %add3A_2102, %rem3A_2093 : i32
        %sub3A_2104 = arith.subi %squeeze3A_2087, %select_n3A_2103 : i32
        %multiple_of3A_2105 = tpu.assume_multiple %sub3A_2104, 128 : i32
        %dma_start3A_2106 = arith.constant 0 : i32
        %dma_start3A_2107 = arith.constant 384 : i32
        %dma_start3A_2108 = tpu.memref_slice %arg9[%dma_start3A_2106, %dma_start3A_2107] : memref<32x512xf32, #tpu.memory_space<vmem>> -> memref<32x128xf32, #tpu.memory_space<vmem>>
        %dma_start3A_2109 = arith.constant 0 : i32
        %dma_start3A_2110 = tpu.memref_slice %arg2[%dma_start3A_2109, %multiple_of3A_2105] : memref<32x1000000xf32, #tpu.memory_space<hbm>> -> memref<32x128xf32, #tpu.memory_space<hbm>>
        %dma_start3A_2111 = arith.constant 0 : i32
        %dma_start3A_2112 = arith.constant 384 : i32
        %dma_start3A_2113 = tpu.memref_slice %arg9[%dma_start3A_2111, %dma_start3A_2112] : memref<32x512xf32, #tpu.memory_space<vmem>> -> memref<32x128xf32, #tpu.memory_space<vmem>>
        %dma_start3A_2114 = arith.constant 0 : i32
        %dma_start3A_2115 = tpu.memref_slice %arg2[%dma_start3A_2114, %multiple_of3A_2105] : memref<32x1000000xf32, #tpu.memory_space<hbm>> -> memref<32x128xf32, #tpu.memory_space<hbm>>
        tpu.enqueue_dma source(%dma_start3A_2115 : memref<32x128xf32, #tpu.memory_space<hbm>>) target(%dma_start3A_2113 : memref<32x128xf32, #tpu.memory_space<vmem>>) target_semaphore(%arg16 : memref<!tpu.dma_semaphore, #tpu.memory_space<semaphore_mem>>)
      } else {
      }
      %dma_wait3A_1644 = arith.constant 0 : i32
      %dma_wait3A_1645 = arith.constant 0 : i32
      %dma_wait3A_1646 = tpu.memref_slice %arg10[%dma_wait3A_1644, %dma_wait3A_1645] : memref<32x512xf32, #tpu.memory_space<vmem>> -> memref<32x128xf32, #tpu.memory_space<vmem>>
      %dma_wait3A_1647 = arith.constant 0 : i32
      %dma_wait3A_1648 = arith.constant 0 : i32
      %dma_wait3A_1649 = tpu.memref_slice %arg2[%dma_wait3A_1647, %dma_wait3A_1648] : memref<32x1000000xf32, #tpu.memory_space<hbm>> -> memref<32x128xf32, #tpu.memory_space<hbm>>
      %dma_wait3A_1650 = arith.constant 0 : i32
      %dma_wait3A_1651 = arith.constant 0 : i32
      %dma_wait3A_1652 = tpu.memref_slice %arg10[%dma_wait3A_1650, %dma_wait3A_1651] : memref<32x512xf32, #tpu.memory_space<vmem>> -> memref<32x128xf32, #tpu.memory_space<vmem>>
      %dma_wait3A_1653 = arith.constant 0 : i32
      %dma_wait3A_1654 = arith.constant 0 : i32
      %dma_wait3A_1655 = tpu.memref_slice %arg2[%dma_wait3A_1653, %dma_wait3A_1654] : memref<32x1000000xf32, #tpu.memory_space<hbm>> -> memref<32x128xf32, #tpu.memory_space<hbm>>
      tpu.wait_dma2 semaphore(%arg17 : memref<!tpu.dma_semaphore, #tpu.memory_space<semaphore_mem>>) src(%dma_wait3A_1655 : memref<32x128xf32, #tpu.memory_space<hbm>>) dst(%dma_wait3A_1652 : memref<32x128xf32, #tpu.memory_space<vmem>>)
      %dma_wait3A_1656 = arith.constant 0 : i32
      %dma_wait3A_1657 = arith.constant 128 : i32
      %dma_wait3A_1658 = tpu.memref_slice %arg10[%dma_wait3A_1656, %dma_wait3A_1657] : memref<32x512xf32, #tpu.memory_space<vmem>> -> memref<32x128xf32, #tpu.memory_space<vmem>>
      %dma_wait3A_1659 = arith.constant 0 : i32
      %dma_wait3A_1660 = arith.constant 0 : i32
      %dma_wait3A_1661 = tpu.memref_slice %arg2[%dma_wait3A_1659, %dma_wait3A_1660] : memref<32x1000000xf32, #tpu.memory_space<hbm>> -> memref<32x128xf32, #tpu.memory_space<hbm>>
      %dma_wait3A_1662 = arith.constant 0 : i32
      %dma_wait3A_1663 = arith.constant 128 : i32
      %dma_wait3A_1664 = tpu.memref_slice %arg10[%dma_wait3A_1662, %dma_wait3A_1663] : memref<32x512xf32, #tpu.memory_space<vmem>> -> memref<32x128xf32, #tpu.memory_space<vmem>>
      %dma_wait3A_1665 = arith.constant 0 : i32
      %dma_wait3A_1666 = arith.constant 0 : i32
      %dma_wait3A_1667 = tpu.memref_slice %arg2[%dma_wait3A_1665, %dma_wait3A_1666] : memref<32x1000000xf32, #tpu.memory_space<hbm>> -> memref<32x128xf32, #tpu.memory_space<hbm>>
      tpu.wait_dma2 semaphore(%arg17 : memref<!tpu.dma_semaphore, #tpu.memory_space<semaphore_mem>>) src(%dma_wait3A_1667 : memref<32x128xf32, #tpu.memory_space<hbm>>) dst(%dma_wait3A_1664 : memref<32x128xf32, #tpu.memory_space<vmem>>)
      %dma_wait3A_1668 = arith.constant 0 : i32
      %dma_wait3A_1669 = arith.constant 256 : i32
      %dma_wait3A_1670 = tpu.memref_slice %arg10[%dma_wait3A_1668, %dma_wait3A_1669] : memref<32x512xf32, #tpu.memory_space<vmem>> -> memref<32x128xf32, #tpu.memory_space<vmem>>
      %dma_wait3A_1671 = arith.constant 0 : i32
      %dma_wait3A_1672 = arith.constant 0 : i32
      %dma_wait3A_1673 = tpu.memref_slice %arg2[%dma_wait3A_1671, %dma_wait3A_1672] : memref<32x1000000xf32, #tpu.memory_space<hbm>> -> memref<32x128xf32, #tpu.memory_space<hbm>>
      %dma_wait3A_1674 = arith.constant 0 : i32
      %dma_wait3A_1675 = arith.constant 256 : i32
      %dma_wait3A_1676 = tpu.memref_slice %arg10[%dma_wait3A_1674, %dma_wait3A_1675] : memref<32x512xf32, #tpu.memory_space<vmem>> -> memref<32x128xf32, #tpu.memory_space<vmem>>
      %dma_wait3A_1677 = arith.constant 0 : i32
      %dma_wait3A_1678 = arith.constant 0 : i32
      %dma_wait3A_1679 = tpu.memref_slice %arg2[%dma_wait3A_1677, %dma_wait3A_1678] : memref<32x1000000xf32, #tpu.memory_space<hbm>> -> memref<32x128xf32, #tpu.memory_space<hbm>>
      tpu.wait_dma2 semaphore(%arg17 : memref<!tpu.dma_semaphore, #tpu.memory_space<semaphore_mem>>) src(%dma_wait3A_1679 : memref<32x128xf32, #tpu.memory_space<hbm>>) dst(%dma_wait3A_1676 : memref<32x128xf32, #tpu.memory_space<vmem>>)
      %dma_wait3A_1680 = arith.constant 0 : i32
      %dma_wait3A_1681 = arith.constant 384 : i32
      %dma_wait3A_1682 = tpu.memref_slice %arg10[%dma_wait3A_1680, %dma_wait3A_1681] : memref<32x512xf32, #tpu.memory_space<vmem>> -> memref<32x128xf32, #tpu.memory_space<vmem>>
      %dma_wait3A_1683 = arith.constant 0 : i32
      %dma_wait3A_1684 = arith.constant 0 : i32
      %dma_wait3A_1685 = tpu.memref_slice %arg2[%dma_wait3A_1683, %dma_wait3A_1684] : memref<32x1000000xf32, #tpu.memory_space<hbm>> -> memref<32x128xf32, #tpu.memory_space<hbm>>
      %dma_wait3A_1686 = arith.constant 0 : i32
      %dma_wait3A_1687 = arith.constant 384 : i32
      %dma_wait3A_1688 = tpu.memref_slice %arg10[%dma_wait3A_1686, %dma_wait3A_1687] : memref<32x512xf32, #tpu.memory_space<vmem>> -> memref<32x128xf32, #tpu.memory_space<vmem>>
      %dma_wait3A_1689 = arith.constant 0 : i32
      %dma_wait3A_1690 = arith.constant 0 : i32
      %dma_wait3A_1691 = tpu.memref_slice %arg2[%dma_wait3A_1689, %dma_wait3A_1690] : memref<32x1000000xf32, #tpu.memory_space<hbm>> -> memref<32x128xf32, #tpu.memory_space<hbm>>
      tpu.wait_dma2 semaphore(%arg17 : memref<!tpu.dma_semaphore, #tpu.memory_space<semaphore_mem>>) src(%dma_wait3A_1691 : memref<32x128xf32, #tpu.memory_space<hbm>>) dst(%dma_wait3A_1688 : memref<32x128xf32, #tpu.memory_space<vmem>>)
      %mul3A_1692 = arith.constant 4 : i32
      %mul3A_1693 = arith.muli %add3A_1634, %mul3A_1692 : i32
      %add3A_1694 = vector.broadcast %mul3A_1693 : i32 to vector<16xi32>
      %add3A_1695 = arith.addi %add3A_1694, %iota3A : vector<16xi32>
      %gather3A_1696 = tpu.vector_load_idx %arg5[%add3A_1695] : memref<528xi32, #tpu.memory_space<vmem>>[vector<16xi32>], vector<16xi32>,
      %mul3A_1697 = arith.constant 4 : i32
      %mul3A_1698 = arith.muli %add3A_1634, %mul3A_1697 : i32
      %add3A_1699 = arith.constant 0 : i32
      %add3A_1700 = arith.addi %mul3A_1698, %add3A_1699 : i32
      %slice3A_1701 = vector.extract_strided_slice %gather3A_1696 {offsets = [0], sizes = [1], strides = [1]} : vector<16xi32> to vector<1xi32>
      %squeeze3A_1702 = vector.extract %slice3A_1701[0] : i32 from vector<1xi32>
      %jit3A_1703 = arith.constant 128 : i32
      %eq3A_1704 = arith.constant 0 : i32
      %eq3A_1705 = arith.cmpi eq, %jit3A_1703, %eq3A_1704 : i32
      %jit3A_1706 = arith.constant 1 : i32
      %select_n3A_1707 = arith.select %eq3A_1705, %jit3A_1706, %jit3A_1703 : i32
      %rem3A_1708 = arith.remsi %squeeze3A_1702, %select_n3A_1707 : i32
      %ne3A_1709 = arith.constant 0 : i32
      %ne3A_1710 = arith.cmpi ne, %rem3A_1708, %ne3A_1709 : i32
      %lt3A_1711 = arith.constant 0 : i32
      %lt3A_1712 = arith.cmpi slt, %rem3A_1708, %lt3A_1711 : i32
      %lt3A_1713 = arith.constant 0 : i32
      %lt3A_1714 = arith.cmpi slt, %select_n3A_1707, %lt3A_1713 : i32
      %ne3A_1715 = arith.xori %lt3A_1712, %lt3A_1714 : i1
      %and3A_1716 = arith.andi %ne3A_1715, %ne3A_1710 : i1
      %add3A_1717 = arith.addi %rem3A_1708, %select_n3A_1707 : i32
      %select_n3A_1718 = arith.select %and3A_1716, %add3A_1717, %rem3A_1708 : i32
      %add3A_1719 = arith.constant 0 : i32
      %add3A_1720 = arith.addi %add3A_1719, %select_n3A_1718 : i32
      %broadcast_in_dim3A_1721 = vector.broadcast %add3A_1720 : i32 to vector<16xi32>
      %broadcast_in_dim3A_1722 = vector.broadcast %add3A_1700 : i32 to vector<16xi32>
      %gather3A_1723 = tpu.vector_load_idx %arg10[%iota3A, %broadcast_in_dim3A_1721] : memref<32x512xf32, #tpu.memory_space<vmem>>[vector<16xi32>, vector<16xi32>], vector<16xf32>,
      %gather3A_1724 = tpu.vector_load_idx %arg10[%add3A_5, %broadcast_in_dim3A_1721] : memref<32x512xf32, #tpu.memory_space<vmem>>[vector<16xi32>, vector<16xi32>], vector<16xf32>,
      tpu.vector_store_idx %arg12[%iota3A, %broadcast_in_dim3A_1722], %gather3A_1723 : memref<32x512xf32, #tpu.memory_space<vmem>>[vector<16xi32>, vector<16xi32>], vector<16xf32>,
      tpu.vector_store_idx %arg12[%add3A_5, %broadcast_in_dim3A_1722], %gather3A_1724 : memref<32x512xf32, #tpu.memory_space<vmem>>[vector<16xi32>, vector<16xi32>], vector<16xf32>,
      %mul3A_1725 = arith.constant 4 : i32
      %mul3A_1726 = arith.muli %add3A_1634, %mul3A_1725 : i32
      %add3A_1727 = arith.constant 1 : i32
      %add3A_1728 = arith.addi %mul3A_1726, %add3A_1727 : i32
      %slice3A_1729 = vector.extract_strided_slice %gather3A_1696 {offsets = [1], sizes = [1], strides = [1]} : vector<16xi32> to vector<1xi32>
      %squeeze3A_1730 = vector.extract %slice3A_1729[0] : i32 from vector<1xi32>
      %jit3A_1731 = arith.constant 128 : i32
      %eq3A_1732 = arith.constant 0 : i32
      %eq3A_1733 = arith.cmpi eq, %jit3A_1731, %eq3A_1732 : i32
      %jit3A_1734 = arith.constant 1 : i32
      %select_n3A_1735 = arith.select %eq3A_1733, %jit3A_1734, %jit3A_1731 : i32
      %rem3A_1736 = arith.remsi %squeeze3A_1730, %select_n3A_1735 : i32
      %ne3A_1737 = arith.constant 0 : i32
      %ne3A_1738 = arith.cmpi ne, %rem3A_1736, %ne3A_1737 : i32
      %lt3A_1739 = arith.constant 0 : i32
      %lt3A_1740 = arith.cmpi slt, %rem3A_1736, %lt3A_1739 : i32
      %lt3A_1741 = arith.constant 0 : i32
      %lt3A_1742 = arith.cmpi slt, %select_n3A_1735, %lt3A_1741 : i32
      %ne3A_1743 = arith.xori %lt3A_1740, %lt3A_1742 : i1
      %and3A_1744 = arith.andi %ne3A_1743, %ne3A_1738 : i1
      %add3A_1745 = arith.addi %rem3A_1736, %select_n3A_1735 : i32
      %select_n3A_1746 = arith.select %and3A_1744, %add3A_1745, %rem3A_1736 : i32
      %add3A_1747 = arith.constant 128 : i32
      %add3A_1748 = arith.addi %add3A_1747, %select_n3A_1746 : i32
      %broadcast_in_dim3A_1749 = vector.broadcast %add3A_1748 : i32 to vector<16xi32>
      %broadcast_in_dim3A_1750 = vector.broadcast %add3A_1728 : i32 to vector<16xi32>
      %gather3A_1751 = tpu.vector_load_idx %arg10[%iota3A, %broadcast_in_dim3A_1749] : memref<32x512xf32, #tpu.memory_space<vmem>>[vector<16xi32>, vector<16xi32>], vector<16xf32>,
      %gather3A_1752 = tpu.vector_load_idx %arg10[%add3A_5, %broadcast_in_dim3A_1749] : memref<32x512xf32, #tpu.memory_space<vmem>>[vector<16xi32>, vector<16xi32>], vector<16xf32>,
      tpu.vector_store_idx %arg12[%iota3A, %broadcast_in_dim3A_1750], %gather3A_1751 : memref<32x512xf32, #tpu.memory_space<vmem>>[vector<16xi32>, vector<16xi32>], vector<16xf32>,
      tpu.vector_store_idx %arg12[%add3A_5, %broadcast_in_dim3A_1750], %gather3A_1752 : memref<32x512xf32, #tpu.memory_space<vmem>>[vector<16xi32>, vector<16xi32>], vector<16xf32>,
      %mul3A_1753 = arith.constant 4 : i32
      %mul3A_1754 = arith.muli %add3A_1634, %mul3A_1753 : i32
      %add3A_1755 = arith.constant 2 : i32
      %add3A_1756 = arith.addi %mul3A_1754, %add3A_1755 : i32
      %slice3A_1757 = vector.extract_strided_slice %gather3A_1696 {offsets = [2], sizes = [1], strides = [1]} : vector<16xi32> to vector<1xi32>
      %squeeze3A_1758 = vector.extract %slice3A_1757[0] : i32 from vector<1xi32>
      %jit3A_1759 = arith.constant 128 : i32
      %eq3A_1760 = arith.constant 0 : i32
      %eq3A_1761 = arith.cmpi eq, %jit3A_1759, %eq3A_1760 : i32
      %jit3A_1762 = arith.constant 1 : i32
      %select_n3A_1763 = arith.select %eq3A_1761, %jit3A_1762, %jit3A_1759 : i32
      %rem3A_1764 = arith.remsi %squeeze3A_1758, %select_n3A_1763 : i32
      %ne3A_1765 = arith.constant 0 : i32
      %ne3A_1766 = arith.cmpi ne, %rem3A_1764, %ne3A_1765 : i32
      %lt3A_1767 = arith.constant 0 : i32
      %lt3A_1768 = arith.cmpi slt, %rem3A_1764, %lt3A_1767 : i32
      %lt3A_1769 = arith.constant 0 : i32
      %lt3A_1770 = arith.cmpi slt, %select_n3A_1763, %lt3A_1769 : i32
      %ne3A_1771 = arith.xori %lt3A_1768, %lt3A_1770 : i1
      %and3A_1772 = arith.andi %ne3A_1771, %ne3A_1766 : i1
      %add3A_1773 = arith.addi %rem3A_1764, %select_n3A_1763 : i32
      %select_n3A_1774 = arith.select %and3A_1772, %add3A_1773, %rem3A_1764 : i32
      %add3A_1775 = arith.constant 256 : i32
      %add3A_1776 = arith.addi %add3A_1775, %select_n3A_1774 : i32
      %broadcast_in_dim3A_1777 = vector.broadcast %add3A_1776 : i32 to vector<16xi32>
      %broadcast_in_dim3A_1778 = vector.broadcast %add3A_1756 : i32 to vector<16xi32>
      %gather3A_1779 = tpu.vector_load_idx %arg10[%iota3A, %broadcast_in_dim3A_1777] : memref<32x512xf32, #tpu.memory_space<vmem>>[vector<16xi32>, vector<16xi32>], vector<16xf32>,
      %gather3A_1780 = tpu.vector_load_idx %arg10[%add3A_5, %broadcast_in_dim3A_1777] : memref<32x512xf32, #tpu.memory_space<vmem>>[vector<16xi32>, vector<16xi32>], vector<16xf32>,
      tpu.vector_store_idx %arg12[%iota3A, %broadcast_in_dim3A_1778], %gather3A_1779 : memref<32x512xf32, #tpu.memory_space<vmem>>[vector<16xi32>, vector<16xi32>], vector<16xf32>,
      tpu.vector_store_idx %arg12[%add3A_5, %broadcast_in_dim3A_1778], %gather3A_1780 : memref<32x512xf32, #tpu.memory_space<vmem>>[vector<16xi32>, vector<16xi32>], vector<16xf32>,
      %mul3A_1781 = arith.constant 4 : i32
      %mul3A_1782 = arith.muli %add3A_1634, %mul3A_1781 : i32
      %add3A_1783 = arith.constant 3 : i32
      %add3A_1784 = arith.addi %mul3A_1782, %add3A_1783 : i32
      %slice3A_1785 = vector.extract_strided_slice %gather3A_1696 {offsets = [3], sizes = [1], strides = [1]} : vector<16xi32> to vector<1xi32>
      %squeeze3A_1786 = vector.extract %slice3A_1785[0] : i32 from vector<1xi32>
      %jit3A_1787 = arith.constant 128 : i32
      %eq3A_1788 = arith.constant 0 : i32
      %eq3A_1789 = arith.cmpi eq, %jit3A_1787, %eq3A_1788 : i32
      %jit3A_1790 = arith.constant 1 : i32
      %select_n3A_1791 = arith.select %eq3A_1789, %jit3A_1790, %jit3A_1787 : i32
      %rem3A_1792 = arith.remsi %squeeze3A_1786, %select_n3A_1791 : i32
      %ne3A_1793 = arith.constant 0 : i32
      %ne3A_1794 = arith.cmpi ne, %rem3A_1792, %ne3A_1793 : i32
      %lt3A_1795 = arith.constant 0 : i32
      %lt3A_1796 = arith.cmpi slt, %rem3A_1792, %lt3A_1795 : i32
      %lt3A_1797 = arith.constant 0 : i32
      %lt3A_1798 = arith.cmpi slt, %select_n3A_1791, %lt3A_1797 : i32
      %ne3A_1799 = arith.xori %lt3A_1796, %lt3A_1798 : i1
      %and3A_1800 = arith.andi %ne3A_1799, %ne3A_1794 : i1
      %add3A_1801 = arith.addi %rem3A_1792, %select_n3A_1791 : i32
      %select_n3A_1802 = arith.select %and3A_1800, %add3A_1801, %rem3A_1792 : i32
      %add3A_1803 = arith.constant 384 : i32
      %add3A_1804 = arith.addi %add3A_1803, %select_n3A_1802 : i32
      %broadcast_in_dim3A_1805 = vector.broadcast %add3A_1804 : i32 to vector<16xi32>
      %broadcast_in_dim3A_1806 = vector.broadcast %add3A_1784 : i32 to vector<16xi32>
      %gather3A_1807 = tpu.vector_load_idx %arg10[%iota3A, %broadcast_in_dim3A_1805] : memref<32x512xf32, #tpu.memory_space<vmem>>[vector<16xi32>, vector<16xi32>], vector<16xf32>,
      %gather3A_1808 = tpu.vector_load_idx %arg10[%add3A_5, %broadcast_in_dim3A_1805] : memref<32x512xf32, #tpu.memory_space<vmem>>[vector<16xi32>, vector<16xi32>], vector<16xf32>,
      tpu.vector_store_idx %arg12[%iota3A, %broadcast_in_dim3A_1806], %gather3A_1807 : memref<32x512xf32, #tpu.memory_space<vmem>>[vector<16xi32>, vector<16xi32>], vector<16xf32>,
      tpu.vector_store_idx %arg12[%add3A_5, %broadcast_in_dim3A_1806], %gather3A_1808 : memref<32x512xf32, #tpu.memory_space<vmem>>[vector<16xi32>, vector<16xi32>], vector<16xf32>,
      %mul3A_1809 = arith.constant 6 : i32
      %mul3A_1810 = arith.muli %mul3A_1809, %scan3A_920 : i32
      %add3A_1811 = arith.constant 5 : i32
      %add3A_1812 = arith.addi %mul3A_1810, %add3A_1811 : i32
      %add3A_1813 = arith.constant 6 : i32
      %add3A_1814 = arith.addi %add3A_1812, %add3A_1813 : i32
      %sub3A_1815 = arith.constant 1 : i32
      %sub3A_1816 = arith.subi %add3A_1814, %sub3A_1815 : i32
      %lt3A_1817 = arith.constant 128 : i32
      %lt3A_1818 = arith.cmpi slt, %sub3A_1816, %lt3A_1817 : i32
      %convert_element_type3A_1819 = arith.extui %lt3A_1818 : i1 to i32
      %cond3A_1820 = arith.constant 0 : i32
      %cond3A_1821 = arith.cmpi ne, %convert_element_type3A_1819, %cond3A_1820 : i32
      scf.if %cond3A_1821 {
        %add3A_1987 = arith.constant 6 : i32
        %add3A_1988 = arith.addi %add3A_1812, %add3A_1987 : i32
        %sub3A_1989 = arith.constant 1 : i32
        %sub3A_1990 = arith.subi %add3A_1988, %sub3A_1989 : i32
        %mul3A_1991 = arith.constant 4 : i32
        %mul3A_1992 = arith.muli %sub3A_1990, %mul3A_1991 : i32
        %add3A_1993 = vector.broadcast %mul3A_1992 : i32 to vector<16xi32>
        %add3A_1994 = arith.addi %add3A_1993, %iota3A : vector<16xi32>
        %gather3A_1995 = tpu.vector_load_idx %arg5[%add3A_1994] : memref<528xi32, #tpu.memory_space<vmem>>[vector<16xi32>], vector<16xi32>,
        %slice3A_1996 = vector.extract_strided_slice %gather3A_1995 {offsets = [0], sizes = [1], strides = [1]} : vector<16xi32> to vector<1xi32>
        %squeeze3A_1997 = vector.extract %slice3A_1996[0] : i32 from vector<1xi32>
        %jit3A_1998 = arith.constant 128 : i32
        %eq3A_1999 = arith.constant 0 : i32
        %eq3A_2000 = arith.cmpi eq, %jit3A_1998, %eq3A_1999 : i32
        %jit3A_2001 = arith.constant 1 : i32
        %select_n3A_2002 = arith.select %eq3A_2000, %jit3A_2001, %jit3A_1998 : i32
        %rem3A_2003 = arith.remsi %squeeze3A_1997, %select_n3A_2002 : i32
        %ne3A_2004 = arith.constant 0 : i32
        %ne3A_2005 = arith.cmpi ne, %rem3A_2003, %ne3A_2004 : i32
        %lt3A_2006 = arith.constant 0 : i32
        %lt3A_2007 = arith.cmpi slt, %rem3A_2003, %lt3A_2006 : i32
        %lt3A_2008 = arith.constant 0 : i32
        %lt3A_2009 = arith.cmpi slt, %select_n3A_2002, %lt3A_2008 : i32
        %ne3A_2010 = arith.xori %lt3A_2007, %lt3A_2009 : i1
        %and3A_2011 = arith.andi %ne3A_2010, %ne3A_2005 : i1
        %add3A_2012 = arith.addi %rem3A_2003, %select_n3A_2002 : i32
        %select_n3A_2013 = arith.select %and3A_2011, %add3A_2012, %rem3A_2003 : i32
        %sub3A_2014 = arith.subi %squeeze3A_1997, %select_n3A_2013 : i32
        %multiple_of3A_2015 = tpu.assume_multiple %sub3A_2014, 128 : i32
        %dma_start3A_2016 = arith.constant 0 : i32
        %dma_start3A_2017 = arith.constant 0 : i32
        %dma_start3A_2018 = tpu.memref_slice %arg10[%dma_start3A_2016, %dma_start3A_2017] : memref<32x512xf32, #tpu.memory_space<vmem>> -> memref<32x128xf32, #tpu.memory_space<vmem>>
        %dma_start3A_2019 = arith.constant 0 : i32
        %dma_start3A_2020 = tpu.memref_slice %arg2[%dma_start3A_2019, %multiple_of3A_2015] : memref<32x1000000xf32, #tpu.memory_space<hbm>> -> memref<32x128xf32, #tpu.memory_space<hbm>>
        %dma_start3A_2021 = arith.constant 0 : i32
        %dma_start3A_2022 = arith.constant 0 : i32
        %dma_start3A_2023 = tpu.memref_slice %arg10[%dma_start3A_2021, %dma_start3A_2022] : memref<32x512xf32, #tpu.memory_space<vmem>> -> memref<32x128xf32, #tpu.memory_space<vmem>>
        %dma_start3A_2024 = arith.constant 0 : i32
        %dma_start3A_2025 = tpu.memref_slice %arg2[%dma_start3A_2024, %multiple_of3A_2015] : memref<32x1000000xf32, #tpu.memory_space<hbm>> -> memref<32x128xf32, #tpu.memory_space<hbm>>
        tpu.enqueue_dma source(%dma_start3A_2025 : memref<32x128xf32, #tpu.memory_space<hbm>>) target(%dma_start3A_2023 : memref<32x128xf32, #tpu.memory_space<vmem>>) target_semaphore(%arg17 : memref<!tpu.dma_semaphore, #tpu.memory_space<semaphore_mem>>)
        %slice3A_2026 = vector.extract_strided_slice %gather3A_1995 {offsets = [1], sizes = [1], strides = [1]} : vector<16xi32> to vector<1xi32>
        %squeeze3A_2027 = vector.extract %slice3A_2026[0] : i32 from vector<1xi32>
        %jit3A_2028 = arith.constant 128 : i32
        %eq3A_2029 = arith.constant 0 : i32
        %eq3A_2030 = arith.cmpi eq, %jit3A_2028, %eq3A_2029 : i32
        %jit3A_2031 = arith.constant 1 : i32
        %select_n3A_2032 = arith.select %eq3A_2030, %jit3A_2031, %jit3A_2028 : i32
        %rem3A_2033 = arith.remsi %squeeze3A_2027, %select_n3A_2032 : i32
        %ne3A_2034 = arith.constant 0 : i32
        %ne3A_2035 = arith.cmpi ne, %rem3A_2033, %ne3A_2034 : i32
        %lt3A_2036 = arith.constant 0 : i32
        %lt3A_2037 = arith.cmpi slt, %rem3A_2033, %lt3A_2036 : i32
        %lt3A_2038 = arith.constant 0 : i32
        %lt3A_2039 = arith.cmpi slt, %select_n3A_2032, %lt3A_2038 : i32
        %ne3A_2040 = arith.xori %lt3A_2037, %lt3A_2039 : i1
        %and3A_2041 = arith.andi %ne3A_2040, %ne3A_2035 : i1
        %add3A_2042 = arith.addi %rem3A_2033, %select_n3A_2032 : i32
        %select_n3A_2043 = arith.select %and3A_2041, %add3A_2042, %rem3A_2033 : i32
        %sub3A_2044 = arith.subi %squeeze3A_2027, %select_n3A_2043 : i32
        %multiple_of3A_2045 = tpu.assume_multiple %sub3A_2044, 128 : i32
        %dma_start3A_2046 = arith.constant 0 : i32
        %dma_start3A_2047 = arith.constant 128 : i32
        %dma_start3A_2048 = tpu.memref_slice %arg10[%dma_start3A_2046, %dma_start3A_2047] : memref<32x512xf32, #tpu.memory_space<vmem>> -> memref<32x128xf32, #tpu.memory_space<vmem>>
        %dma_start3A_2049 = arith.constant 0 : i32
        %dma_start3A_2050 = tpu.memref_slice %arg2[%dma_start3A_2049, %multiple_of3A_2045] : memref<32x1000000xf32, #tpu.memory_space<hbm>> -> memref<32x128xf32, #tpu.memory_space<hbm>>
        %dma_start3A_2051 = arith.constant 0 : i32
        %dma_start3A_2052 = arith.constant 128 : i32
        %dma_start3A_2053 = tpu.memref_slice %arg10[%dma_start3A_2051, %dma_start3A_2052] : memref<32x512xf32, #tpu.memory_space<vmem>> -> memref<32x128xf32, #tpu.memory_space<vmem>>
        %dma_start3A_2054 = arith.constant 0 : i32
        %dma_start3A_2055 = tpu.memref_slice %arg2[%dma_start3A_2054, %multiple_of3A_2045] : memref<32x1000000xf32, #tpu.memory_space<hbm>> -> memref<32x128xf32, #tpu.memory_space<hbm>>
        tpu.enqueue_dma source(%dma_start3A_2055 : memref<32x128xf32, #tpu.memory_space<hbm>>) target(%dma_start3A_2053 : memref<32x128xf32, #tpu.memory_space<vmem>>) target_semaphore(%arg17 : memref<!tpu.dma_semaphore, #tpu.memory_space<semaphore_mem>>)
        %slice3A_2056 = vector.extract_strided_slice %gather3A_1995 {offsets = [2], sizes = [1], strides = [1]} : vector<16xi32> to vector<1xi32>
        %squeeze3A_2057 = vector.extract %slice3A_2056[0] : i32 from vector<1xi32>
        %jit3A_2058 = arith.constant 128 : i32
        %eq3A_2059 = arith.constant 0 : i32
        %eq3A_2060 = arith.cmpi eq, %jit3A_2058, %eq3A_2059 : i32
        %jit3A_2061 = arith.constant 1 : i32
        %select_n3A_2062 = arith.select %eq3A_2060, %jit3A_2061, %jit3A_2058 : i32
        %rem3A_2063 = arith.remsi %squeeze3A_2057, %select_n3A_2062 : i32
        %ne3A_2064 = arith.constant 0 : i32
        %ne3A_2065 = arith.cmpi ne, %rem3A_2063, %ne3A_2064 : i32
        %lt3A_2066 = arith.constant 0 : i32
        %lt3A_2067 = arith.cmpi slt, %rem3A_2063, %lt3A_2066 : i32
        %lt3A_2068 = arith.constant 0 : i32
        %lt3A_2069 = arith.cmpi slt, %select_n3A_2062, %lt3A_2068 : i32
        %ne3A_2070 = arith.xori %lt3A_2067, %lt3A_2069 : i1
        %and3A_2071 = arith.andi %ne3A_2070, %ne3A_2065 : i1
        %add3A_2072 = arith.addi %rem3A_2063, %select_n3A_2062 : i32
        %select_n3A_2073 = arith.select %and3A_2071, %add3A_2072, %rem3A_2063 : i32
        %sub3A_2074 = arith.subi %squeeze3A_2057, %select_n3A_2073 : i32
        %multiple_of3A_2075 = tpu.assume_multiple %sub3A_2074, 128 : i32
        %dma_start3A_2076 = arith.constant 0 : i32
        %dma_start3A_2077 = arith.constant 256 : i32
        %dma_start3A_2078 = tpu.memref_slice %arg10[%dma_start3A_2076, %dma_start3A_2077] : memref<32x512xf32, #tpu.memory_space<vmem>> -> memref<32x128xf32, #tpu.memory_space<vmem>>
        %dma_start3A_2079 = arith.constant 0 : i32
        %dma_start3A_2080 = tpu.memref_slice %arg2[%dma_start3A_2079, %multiple_of3A_2075] : memref<32x1000000xf32, #tpu.memory_space<hbm>> -> memref<32x128xf32, #tpu.memory_space<hbm>>
        %dma_start3A_2081 = arith.constant 0 : i32
        %dma_start3A_2082 = arith.constant 256 : i32
        %dma_start3A_2083 = tpu.memref_slice %arg10[%dma_start3A_2081, %dma_start3A_2082] : memref<32x512xf32, #tpu.memory_space<vmem>> -> memref<32x128xf32, #tpu.memory_space<vmem>>
        %dma_start3A_2084 = arith.constant 0 : i32
        %dma_start3A_2085 = tpu.memref_slice %arg2[%dma_start3A_2084, %multiple_of3A_2075] : memref<32x1000000xf32, #tpu.memory_space<hbm>> -> memref<32x128xf32, #tpu.memory_space<hbm>>
        tpu.enqueue_dma source(%dma_start3A_2085 : memref<32x128xf32, #tpu.memory_space<hbm>>) target(%dma_start3A_2083 : memref<32x128xf32, #tpu.memory_space<vmem>>) target_semaphore(%arg17 : memref<!tpu.dma_semaphore, #tpu.memory_space<semaphore_mem>>)
        %slice3A_2086 = vector.extract_strided_slice %gather3A_1995 {offsets = [3], sizes = [1], strides = [1]} : vector<16xi32> to vector<1xi32>
        %squeeze3A_2087 = vector.extract %slice3A_2086[0] : i32 from vector<1xi32>
        %jit3A_2088 = arith.constant 128 : i32
        %eq3A_2089 = arith.constant 0 : i32
        %eq3A_2090 = arith.cmpi eq, %jit3A_2088, %eq3A_2089 : i32
        %jit3A_2091 = arith.constant 1 : i32
        %select_n3A_2092 = arith.select %eq3A_2090, %jit3A_2091, %jit3A_2088 : i32
        %rem3A_2093 = arith.remsi %squeeze3A_2087, %select_n3A_2092 : i32
        %ne3A_2094 = arith.constant 0 : i32
        %ne3A_2095 = arith.cmpi ne, %rem3A_2093, %ne3A_2094 : i32
        %lt3A_2096 = arith.constant 0 : i32
        %lt3A_2097 = arith.cmpi slt, %rem3A_2093, %lt3A_2096 : i32
        %lt3A_2098 = arith.constant 0 : i32
        %lt3A_2099 = arith.cmpi slt, %select_n3A_2092, %lt3A_2098 : i32
        %ne3A_2100 = arith.xori %lt3A_2097, %lt3A_2099 : i1
        %and3A_2101 = arith.andi %ne3A_2100, %ne3A_2095 : i1
        %add3A_2102 = arith.addi %rem3A_2093, %select_n3A_2092 : i32
        %select_n3A_2103 = arith.select %and3A_2101, %add3A_2102, %rem3A_2093 : i32
        %sub3A_2104 = arith.subi %squeeze3A_2087, %select_n3A_2103 : i32
        %multiple_of3A_2105 = tpu.assume_multiple %sub3A_2104, 128 : i32
        %dma_start3A_2106 = arith.constant 0 : i32
        %dma_start3A_2107 = arith.constant 384 : i32
        %dma_start3A_2108 = tpu.memref_slice %arg10[%dma_start3A_2106, %dma_start3A_2107] : memref<32x512xf32, #tpu.memory_space<vmem>> -> memref<32x128xf32, #tpu.memory_space<vmem>>
        %dma_start3A_2109 = arith.constant 0 : i32
        %dma_start3A_2110 = tpu.memref_slice %arg2[%dma_start3A_2109, %multiple_of3A_2105] : memref<32x1000000xf32, #tpu.memory_space<hbm>> -> memref<32x128xf32, #tpu.memory_space<hbm>>
        %dma_start3A_2111 = arith.constant 0 : i32
        %dma_start3A_2112 = arith.constant 384 : i32
        %dma_start3A_2113 = tpu.memref_slice %arg10[%dma_start3A_2111, %dma_start3A_2112] : memref<32x512xf32, #tpu.memory_space<vmem>> -> memref<32x128xf32, #tpu.memory_space<vmem>>
        %dma_start3A_2114 = arith.constant 0 : i32
        %dma_start3A_2115 = tpu.memref_slice %arg2[%dma_start3A_2114, %multiple_of3A_2105] : memref<32x1000000xf32, #tpu.memory_space<hbm>> -> memref<32x128xf32, #tpu.memory_space<hbm>>
        tpu.enqueue_dma source(%dma_start3A_2115 : memref<32x128xf32, #tpu.memory_space<hbm>>) target(%dma_start3A_2113 : memref<32x128xf32, #tpu.memory_space<vmem>>) target_semaphore(%arg17 : memref<!tpu.dma_semaphore, #tpu.memory_space<semaphore_mem>>)
      } else {
      }
      %dma_wait3A_1822 = arith.constant 0 : i32
      %dma_wait3A_1823 = arith.constant 0 : i32
      %dma_wait3A_1824 = tpu.memref_slice %arg11[%dma_wait3A_1822, %dma_wait3A_1823] : memref<32x512xf32, #tpu.memory_space<vmem>> -> memref<32x128xf32, #tpu.memory_space<vmem>>
      %dma_wait3A_1825 = arith.constant 0 : i32
      %dma_wait3A_1826 = arith.constant 0 : i32
      %dma_wait3A_1827 = tpu.memref_slice %arg2[%dma_wait3A_1825, %dma_wait3A_1826] : memref<32x1000000xf32, #tpu.memory_space<hbm>> -> memref<32x128xf32, #tpu.memory_space<hbm>>
      %dma_wait3A_1828 = arith.constant 0 : i32
      %dma_wait3A_1829 = arith.constant 0 : i32
      %dma_wait3A_1830 = tpu.memref_slice %arg11[%dma_wait3A_1828, %dma_wait3A_1829] : memref<32x512xf32, #tpu.memory_space<vmem>> -> memref<32x128xf32, #tpu.memory_space<vmem>>
      %dma_wait3A_1831 = arith.constant 0 : i32
      %dma_wait3A_1832 = arith.constant 0 : i32
      %dma_wait3A_1833 = tpu.memref_slice %arg2[%dma_wait3A_1831, %dma_wait3A_1832] : memref<32x1000000xf32, #tpu.memory_space<hbm>> -> memref<32x128xf32, #tpu.memory_space<hbm>>
      tpu.wait_dma2 semaphore(%arg18 : memref<!tpu.dma_semaphore, #tpu.memory_space<semaphore_mem>>) src(%dma_wait3A_1833 : memref<32x128xf32, #tpu.memory_space<hbm>>) dst(%dma_wait3A_1830 : memref<32x128xf32, #tpu.memory_space<vmem>>)
      %dma_wait3A_1834 = arith.constant 0 : i32
      %dma_wait3A_1835 = arith.constant 128 : i32
      %dma_wait3A_1836 = tpu.memref_slice %arg11[%dma_wait3A_1834, %dma_wait3A_1835] : memref<32x512xf32, #tpu.memory_space<vmem>> -> memref<32x128xf32, #tpu.memory_space<vmem>>
      %dma_wait3A_1837 = arith.constant 0 : i32
      %dma_wait3A_1838 = arith.constant 0 : i32
      %dma_wait3A_1839 = tpu.memref_slice %arg2[%dma_wait3A_1837, %dma_wait3A_1838] : memref<32x1000000xf32, #tpu.memory_space<hbm>> -> memref<32x128xf32, #tpu.memory_space<hbm>>
      %dma_wait3A_1840 = arith.constant 0 : i32
      %dma_wait3A_1841 = arith.constant 128 : i32
      %dma_wait3A_1842 = tpu.memref_slice %arg11[%dma_wait3A_1840, %dma_wait3A_1841] : memref<32x512xf32, #tpu.memory_space<vmem>> -> memref<32x128xf32, #tpu.memory_space<vmem>>
      %dma_wait3A_1843 = arith.constant 0 : i32
      %dma_wait3A_1844 = arith.constant 0 : i32
      %dma_wait3A_1845 = tpu.memref_slice %arg2[%dma_wait3A_1843, %dma_wait3A_1844] : memref<32x1000000xf32, #tpu.memory_space<hbm>> -> memref<32x128xf32, #tpu.memory_space<hbm>>
      tpu.wait_dma2 semaphore(%arg18 : memref<!tpu.dma_semaphore, #tpu.memory_space<semaphore_mem>>) src(%dma_wait3A_1845 : memref<32x128xf32, #tpu.memory_space<hbm>>) dst(%dma_wait3A_1842 : memref<32x128xf32, #tpu.memory_space<vmem>>)
      %dma_wait3A_1846 = arith.constant 0 : i32
      %dma_wait3A_1847 = arith.constant 256 : i32
      %dma_wait3A_1848 = tpu.memref_slice %arg11[%dma_wait3A_1846, %dma_wait3A_1847] : memref<32x512xf32, #tpu.memory_space<vmem>> -> memref<32x128xf32, #tpu.memory_space<vmem>>
      %dma_wait3A_1849 = arith.constant 0 : i32
      %dma_wait3A_1850 = arith.constant 0 : i32
      %dma_wait3A_1851 = tpu.memref_slice %arg2[%dma_wait3A_1849, %dma_wait3A_1850] : memref<32x1000000xf32, #tpu.memory_space<hbm>> -> memref<32x128xf32, #tpu.memory_space<hbm>>
      %dma_wait3A_1852 = arith.constant 0 : i32
      %dma_wait3A_1853 = arith.constant 256 : i32
      %dma_wait3A_1854 = tpu.memref_slice %arg11[%dma_wait3A_1852, %dma_wait3A_1853] : memref<32x512xf32, #tpu.memory_space<vmem>> -> memref<32x128xf32, #tpu.memory_space<vmem>>
      %dma_wait3A_1855 = arith.constant 0 : i32
      %dma_wait3A_1856 = arith.constant 0 : i32
      %dma_wait3A_1857 = tpu.memref_slice %arg2[%dma_wait3A_1855, %dma_wait3A_1856] : memref<32x1000000xf32, #tpu.memory_space<hbm>> -> memref<32x128xf32, #tpu.memory_space<hbm>>
      tpu.wait_dma2 semaphore(%arg18 : memref<!tpu.dma_semaphore, #tpu.memory_space<semaphore_mem>>) src(%dma_wait3A_1857 : memref<32x128xf32, #tpu.memory_space<hbm>>) dst(%dma_wait3A_1854 : memref<32x128xf32, #tpu.memory_space<vmem>>)
      %dma_wait3A_1858 = arith.constant 0 : i32
      %dma_wait3A_1859 = arith.constant 384 : i32
      %dma_wait3A_1860 = tpu.memref_slice %arg11[%dma_wait3A_1858, %dma_wait3A_1859] : memref<32x512xf32, #tpu.memory_space<vmem>> -> memref<32x128xf32, #tpu.memory_space<vmem>>
      %dma_wait3A_1861 = arith.constant 0 : i32
      %dma_wait3A_1862 = arith.constant 0 : i32
      %dma_wait3A_1863 = tpu.memref_slice %arg2[%dma_wait3A_1861, %dma_wait3A_1862] : memref<32x1000000xf32, #tpu.memory_space<hbm>> -> memref<32x128xf32, #tpu.memory_space<hbm>>
      %dma_wait3A_1864 = arith.constant 0 : i32
      %dma_wait3A_1865 = arith.constant 384 : i32
      %dma_wait3A_1866 = tpu.memref_slice %arg11[%dma_wait3A_1864, %dma_wait3A_1865] : memref<32x512xf32, #tpu.memory_space<vmem>> -> memref<32x128xf32, #tpu.memory_space<vmem>>
      %dma_wait3A_1867 = arith.constant 0 : i32
      %dma_wait3A_1868 = arith.constant 0 : i32
      %dma_wait3A_1869 = tpu.memref_slice %arg2[%dma_wait3A_1867, %dma_wait3A_1868] : memref<32x1000000xf32, #tpu.memory_space<hbm>> -> memref<32x128xf32, #tpu.memory_space<hbm>>
      tpu.wait_dma2 semaphore(%arg18 : memref<!tpu.dma_semaphore, #tpu.memory_space<semaphore_mem>>) src(%dma_wait3A_1869 : memref<32x128xf32, #tpu.memory_space<hbm>>) dst(%dma_wait3A_1866 : memref<32x128xf32, #tpu.memory_space<vmem>>)
      %mul3A_1870 = arith.constant 4 : i32
      %mul3A_1871 = arith.muli %add3A_1812, %mul3A_1870 : i32
      %add3A_1872 = vector.broadcast %mul3A_1871 : i32 to vector<16xi32>
      %add3A_1873 = arith.addi %add3A_1872, %iota3A : vector<16xi32>
      %gather3A_1874 = tpu.vector_load_idx %arg5[%add3A_1873] : memref<528xi32, #tpu.memory_space<vmem>>[vector<16xi32>], vector<16xi32>,
      %mul3A_1875 = arith.constant 4 : i32
      %mul3A_1876 = arith.muli %add3A_1812, %mul3A_1875 : i32
      %add3A_1877 = arith.constant 0 : i32
      %add3A_1878 = arith.addi %mul3A_1876, %add3A_1877 : i32
      %slice3A_1879 = vector.extract_strided_slice %gather3A_1874 {offsets = [0], sizes = [1], strides = [1]} : vector<16xi32> to vector<1xi32>
      %squeeze3A_1880 = vector.extract %slice3A_1879[0] : i32 from vector<1xi32>
      %jit3A_1881 = arith.constant 128 : i32
      %eq3A_1882 = arith.constant 0 : i32
      %eq3A_1883 = arith.cmpi eq, %jit3A_1881, %eq3A_1882 : i32
      %jit3A_1884 = arith.constant 1 : i32
      %select_n3A_1885 = arith.select %eq3A_1883, %jit3A_1884, %jit3A_1881 : i32
      %rem3A_1886 = arith.remsi %squeeze3A_1880, %select_n3A_1885 : i32
      %ne3A_1887 = arith.constant 0 : i32
      %ne3A_1888 = arith.cmpi ne, %rem3A_1886, %ne3A_1887 : i32
      %lt3A_1889 = arith.constant 0 : i32
      %lt3A_1890 = arith.cmpi slt, %rem3A_1886, %lt3A_1889 : i32
      %lt3A_1891 = arith.constant 0 : i32
      %lt3A_1892 = arith.cmpi slt, %select_n3A_1885, %lt3A_1891 : i32
      %ne3A_1893 = arith.xori %lt3A_1890, %lt3A_1892 : i1
      %and3A_1894 = arith.andi %ne3A_1893, %ne3A_1888 : i1
      %add3A_1895 = arith.addi %rem3A_1886, %select_n3A_1885 : i32
      %select_n3A_1896 = arith.select %and3A_1894, %add3A_1895, %rem3A_1886 : i32
      %add3A_1897 = arith.constant 0 : i32
      %add3A_1898 = arith.addi %add3A_1897, %select_n3A_1896 : i32
      %broadcast_in_dim3A_1899 = vector.broadcast %add3A_1898 : i32 to vector<16xi32>
      %broadcast_in_dim3A_1900 = vector.broadcast %add3A_1878 : i32 to vector<16xi32>
      %gather3A_1901 = tpu.vector_load_idx %arg11[%iota3A, %broadcast_in_dim3A_1899] : memref<32x512xf32, #tpu.memory_space<vmem>>[vector<16xi32>, vector<16xi32>], vector<16xf32>,
      %gather3A_1902 = tpu.vector_load_idx %arg11[%add3A_5, %broadcast_in_dim3A_1899] : memref<32x512xf32, #tpu.memory_space<vmem>>[vector<16xi32>, vector<16xi32>], vector<16xf32>,
      tpu.vector_store_idx %arg12[%iota3A, %broadcast_in_dim3A_1900], %gather3A_1901 : memref<32x512xf32, #tpu.memory_space<vmem>>[vector<16xi32>, vector<16xi32>], vector<16xf32>,
      tpu.vector_store_idx %arg12[%add3A_5, %broadcast_in_dim3A_1900], %gather3A_1902 : memref<32x512xf32, #tpu.memory_space<vmem>>[vector<16xi32>, vector<16xi32>], vector<16xf32>,
      %mul3A_1903 = arith.constant 4 : i32
      %mul3A_1904 = arith.muli %add3A_1812, %mul3A_1903 : i32
      %add3A_1905 = arith.constant 1 : i32
      %add3A_1906 = arith.addi %mul3A_1904, %add3A_1905 : i32
      %slice3A_1907 = vector.extract_strided_slice %gather3A_1874 {offsets = [1], sizes = [1], strides = [1]} : vector<16xi32> to vector<1xi32>
      %squeeze3A_1908 = vector.extract %slice3A_1907[0] : i32 from vector<1xi32>
      %jit3A_1909 = arith.constant 128 : i32
      %eq3A_1910 = arith.constant 0 : i32
      %eq3A_1911 = arith.cmpi eq, %jit3A_1909, %eq3A_1910 : i32
      %jit3A_1912 = arith.constant 1 : i32
      %select_n3A_1913 = arith.select %eq3A_1911, %jit3A_1912, %jit3A_1909 : i32
      %rem3A_1914 = arith.remsi %squeeze3A_1908, %select_n3A_1913 : i32
      %ne3A_1915 = arith.constant 0 : i32
      %ne3A_1916 = arith.cmpi ne, %rem3A_1914, %ne3A_1915 : i32
      %lt3A_1917 = arith.constant 0 : i32
      %lt3A_1918 = arith.cmpi slt, %rem3A_1914, %lt3A_1917 : i32
      %lt3A_1919 = arith.constant 0 : i32
      %lt3A_1920 = arith.cmpi slt, %select_n3A_1913, %lt3A_1919 : i32
      %ne3A_1921 = arith.xori %lt3A_1918, %lt3A_1920 : i1
      %and3A_1922 = arith.andi %ne3A_1921, %ne3A_1916 : i1
      %add3A_1923 = arith.addi %rem3A_1914, %select_n3A_1913 : i32
      %select_n3A_1924 = arith.select %and3A_1922, %add3A_1923, %rem3A_1914 : i32
      %add3A_1925 = arith.constant 128 : i32
      %add3A_1926 = arith.addi %add3A_1925, %select_n3A_1924 : i32
      %broadcast_in_dim3A_1927 = vector.broadcast %add3A_1926 : i32 to vector<16xi32>
      %broadcast_in_dim3A_1928 = vector.broadcast %add3A_1906 : i32 to vector<16xi32>
      %gather3A_1929 = tpu.vector_load_idx %arg11[%iota3A, %broadcast_in_dim3A_1927] : memref<32x512xf32, #tpu.memory_space<vmem>>[vector<16xi32>, vector<16xi32>], vector<16xf32>,
      %gather3A_1930 = tpu.vector_load_idx %arg11[%add3A_5, %broadcast_in_dim3A_1927] : memref<32x512xf32, #tpu.memory_space<vmem>>[vector<16xi32>, vector<16xi32>], vector<16xf32>,
      tpu.vector_store_idx %arg12[%iota3A, %broadcast_in_dim3A_1928], %gather3A_1929 : memref<32x512xf32, #tpu.memory_space<vmem>>[vector<16xi32>, vector<16xi32>], vector<16xf32>,
      tpu.vector_store_idx %arg12[%add3A_5, %broadcast_in_dim3A_1928], %gather3A_1930 : memref<32x512xf32, #tpu.memory_space<vmem>>[vector<16xi32>, vector<16xi32>], vector<16xf32>,
      %mul3A_1931 = arith.constant 4 : i32
      %mul3A_1932 = arith.muli %add3A_1812, %mul3A_1931 : i32
      %add3A_1933 = arith.constant 2 : i32
      %add3A_1934 = arith.addi %mul3A_1932, %add3A_1933 : i32
      %slice3A_1935 = vector.extract_strided_slice %gather3A_1874 {offsets = [2], sizes = [1], strides = [1]} : vector<16xi32> to vector<1xi32>
      %squeeze3A_1936 = vector.extract %slice3A_1935[0] : i32 from vector<1xi32>
      %jit3A_1937 = arith.constant 128 : i32
      %eq3A_1938 = arith.constant 0 : i32
      %eq3A_1939 = arith.cmpi eq, %jit3A_1937, %eq3A_1938 : i32
      %jit3A_1940 = arith.constant 1 : i32
      %select_n3A_1941 = arith.select %eq3A_1939, %jit3A_1940, %jit3A_1937 : i32
      %rem3A_1942 = arith.remsi %squeeze3A_1936, %select_n3A_1941 : i32
      %ne3A_1943 = arith.constant 0 : i32
      %ne3A_1944 = arith.cmpi ne, %rem3A_1942, %ne3A_1943 : i32
      %lt3A_1945 = arith.constant 0 : i32
      %lt3A_1946 = arith.cmpi slt, %rem3A_1942, %lt3A_1945 : i32
      %lt3A_1947 = arith.constant 0 : i32
      %lt3A_1948 = arith.cmpi slt, %select_n3A_1941, %lt3A_1947 : i32
      %ne3A_1949 = arith.xori %lt3A_1946, %lt3A_1948 : i1
      %and3A_1950 = arith.andi %ne3A_1949, %ne3A_1944 : i1
      %add3A_1951 = arith.addi %rem3A_1942, %select_n3A_1941 : i32
      %select_n3A_1952 = arith.select %and3A_1950, %add3A_1951, %rem3A_1942 : i32
      %add3A_1953 = arith.constant 256 : i32
      %add3A_1954 = arith.addi %add3A_1953, %select_n3A_1952 : i32
      %broadcast_in_dim3A_1955 = vector.broadcast %add3A_1954 : i32 to vector<16xi32>
      %broadcast_in_dim3A_1956 = vector.broadcast %add3A_1934 : i32 to vector<16xi32>
      %gather3A_1957 = tpu.vector_load_idx %arg11[%iota3A, %broadcast_in_dim3A_1955] : memref<32x512xf32, #tpu.memory_space<vmem>>[vector<16xi32>, vector<16xi32>], vector<16xf32>,
      %gather3A_1958 = tpu.vector_load_idx %arg11[%add3A_5, %broadcast_in_dim3A_1955] : memref<32x512xf32, #tpu.memory_space<vmem>>[vector<16xi32>, vector<16xi32>], vector<16xf32>,
      tpu.vector_store_idx %arg12[%iota3A, %broadcast_in_dim3A_1956], %gather3A_1957 : memref<32x512xf32, #tpu.memory_space<vmem>>[vector<16xi32>, vector<16xi32>], vector<16xf32>,
      tpu.vector_store_idx %arg12[%add3A_5, %broadcast_in_dim3A_1956], %gather3A_1958 : memref<32x512xf32, #tpu.memory_space<vmem>>[vector<16xi32>, vector<16xi32>], vector<16xf32>,
      %mul3A_1959 = arith.constant 4 : i32
      %mul3A_1960 = arith.muli %add3A_1812, %mul3A_1959 : i32
      %add3A_1961 = arith.constant 3 : i32
      %add3A_1962 = arith.addi %mul3A_1960, %add3A_1961 : i32
      %slice3A_1963 = vector.extract_strided_slice %gather3A_1874 {offsets = [3], sizes = [1], strides = [1]} : vector<16xi32> to vector<1xi32>
      %squeeze3A_1964 = vector.extract %slice3A_1963[0] : i32 from vector<1xi32>
      %jit3A_1965 = arith.constant 128 : i32
      %eq3A_1966 = arith.constant 0 : i32
      %eq3A_1967 = arith.cmpi eq, %jit3A_1965, %eq3A_1966 : i32
      %jit3A_1968 = arith.constant 1 : i32
      %select_n3A_1969 = arith.select %eq3A_1967, %jit3A_1968, %jit3A_1965 : i32
      %rem3A_1970 = arith.remsi %squeeze3A_1964, %select_n3A_1969 : i32
      %ne3A_1971 = arith.constant 0 : i32
      %ne3A_1972 = arith.cmpi ne, %rem3A_1970, %ne3A_1971 : i32
      %lt3A_1973 = arith.constant 0 : i32
      %lt3A_1974 = arith.cmpi slt, %rem3A_1970, %lt3A_1973 : i32
      %lt3A_1975 = arith.constant 0 : i32
      %lt3A_1976 = arith.cmpi slt, %select_n3A_1969, %lt3A_1975 : i32
      %ne3A_1977 = arith.xori %lt3A_1974, %lt3A_1976 : i1
      %and3A_1978 = arith.andi %ne3A_1977, %ne3A_1972 : i1
      %add3A_1979 = arith.addi %rem3A_1970, %select_n3A_1969 : i32
      %select_n3A_1980 = arith.select %and3A_1978, %add3A_1979, %rem3A_1970 : i32
      %add3A_1981 = arith.constant 384 : i32
      %add3A_1982 = arith.addi %add3A_1981, %select_n3A_1980 : i32
      %broadcast_in_dim3A_1983 = vector.broadcast %add3A_1982 : i32 to vector<16xi32>
      %broadcast_in_dim3A_1984 = vector.broadcast %add3A_1962 : i32 to vector<16xi32>
      %gather3A_1985 = tpu.vector_load_idx %arg11[%iota3A, %broadcast_in_dim3A_1983] : memref<32x512xf32, #tpu.memory_space<vmem>>[vector<16xi32>, vector<16xi32>], vector<16xf32>,
      %gather3A_1986 = tpu.vector_load_idx %arg11[%add3A_5, %broadcast_in_dim3A_1983] : memref<32x512xf32, #tpu.memory_space<vmem>>[vector<16xi32>, vector<16xi32>], vector<16xf32>,
      tpu.vector_store_idx %arg12[%iota3A, %broadcast_in_dim3A_1984], %gather3A_1985 : memref<32x512xf32, #tpu.memory_space<vmem>>[vector<16xi32>, vector<16xi32>], vector<16xf32>,
      tpu.vector_store_idx %arg12[%add3A_5, %broadcast_in_dim3A_1984], %gather3A_1986 : memref<32x512xf32, #tpu.memory_space<vmem>>[vector<16xi32>, vector<16xi32>], vector<16xf32>,
    }
    %scan3A_617 = arith.constant 21 : i32
    %dma_wait3A = arith.constant 0 : i32
    %dma_wait3A_618 = arith.constant 0 : i32
    %dma_wait3A_619 = tpu.memref_slice %arg6[%dma_wait3A, %dma_wait3A_618] : memref<32x512xf32, #tpu.memory_space<vmem>> -> memref<32x128xf32, #tpu.memory_space<vmem>>
    %dma_wait3A_620 = arith.constant 0 : i32
    %dma_wait3A_621 = arith.constant 0 : i32
    %dma_wait3A_622 = tpu.memref_slice %arg2[%dma_wait3A_620, %dma_wait3A_621] : memref<32x1000000xf32, #tpu.memory_space<hbm>> -> memref<32x128xf32, #tpu.memory_space<hbm>>
    %dma_wait3A_623 = arith.constant 0 : i32
    %dma_wait3A_624 = arith.constant 0 : i32
    %dma_wait3A_625 = tpu.memref_slice %arg6[%dma_wait3A_623, %dma_wait3A_624] : memref<32x512xf32, #tpu.memory_space<vmem>> -> memref<32x128xf32, #tpu.memory_space<vmem>>
    %dma_wait3A_626 = arith.constant 0 : i32
    %dma_wait3A_627 = arith.constant 0 : i32
    %dma_wait3A_628 = tpu.memref_slice %arg2[%dma_wait3A_626, %dma_wait3A_627] : memref<32x1000000xf32, #tpu.memory_space<hbm>> -> memref<32x128xf32, #tpu.memory_space<hbm>>
    tpu.wait_dma2 semaphore(%arg13 : memref<!tpu.dma_semaphore, #tpu.memory_space<semaphore_mem>>) src(%dma_wait3A_628 : memref<32x128xf32, #tpu.memory_space<hbm>>) dst(%dma_wait3A_625 : memref<32x128xf32, #tpu.memory_space<vmem>>)
    %dma_wait3A_629 = arith.constant 0 : i32
    %dma_wait3A_630 = arith.constant 128 : i32
    %dma_wait3A_631 = tpu.memref_slice %arg6[%dma_wait3A_629, %dma_wait3A_630] : memref<32x512xf32, #tpu.memory_space<vmem>> -> memref<32x128xf32, #tpu.memory_space<vmem>>
    %dma_wait3A_632 = arith.constant 0 : i32
    %dma_wait3A_633 = arith.constant 0 : i32
    %dma_wait3A_634 = tpu.memref_slice %arg2[%dma_wait3A_632, %dma_wait3A_633] : memref<32x1000000xf32, #tpu.memory_space<hbm>> -> memref<32x128xf32, #tpu.memory_space<hbm>>
    %dma_wait3A_635 = arith.constant 0 : i32
    %dma_wait3A_636 = arith.constant 128 : i32
    %dma_wait3A_637 = tpu.memref_slice %arg6[%dma_wait3A_635, %dma_wait3A_636] : memref<32x512xf32, #tpu.memory_space<vmem>> -> memref<32x128xf32, #tpu.memory_space<vmem>>
    %dma_wait3A_638 = arith.constant 0 : i32
    %dma_wait3A_639 = arith.constant 0 : i32
    %dma_wait3A_640 = tpu.memref_slice %arg2[%dma_wait3A_638, %dma_wait3A_639] : memref<32x1000000xf32, #tpu.memory_space<hbm>> -> memref<32x128xf32, #tpu.memory_space<hbm>>
    tpu.wait_dma2 semaphore(%arg13 : memref<!tpu.dma_semaphore, #tpu.memory_space<semaphore_mem>>) src(%dma_wait3A_640 : memref<32x128xf32, #tpu.memory_space<hbm>>) dst(%dma_wait3A_637 : memref<32x128xf32, #tpu.memory_space<vmem>>)
    %dma_wait3A_641 = arith.constant 0 : i32
    %dma_wait3A_642 = arith.constant 256 : i32
    %dma_wait3A_643 = tpu.memref_slice %arg6[%dma_wait3A_641, %dma_wait3A_642] : memref<32x512xf32, #tpu.memory_space<vmem>> -> memref<32x128xf32, #tpu.memory_space<vmem>>
    %dma_wait3A_644 = arith.constant 0 : i32
    %dma_wait3A_645 = arith.constant 0 : i32
    %dma_wait3A_646 = tpu.memref_slice %arg2[%dma_wait3A_644, %dma_wait3A_645] : memref<32x1000000xf32, #tpu.memory_space<hbm>> -> memref<32x128xf32, #tpu.memory_space<hbm>>
    %dma_wait3A_647 = arith.constant 0 : i32
    %dma_wait3A_648 = arith.constant 256 : i32
    %dma_wait3A_649 = tpu.memref_slice %arg6[%dma_wait3A_647, %dma_wait3A_648] : memref<32x512xf32, #tpu.memory_space<vmem>> -> memref<32x128xf32, #tpu.memory_space<vmem>>
    %dma_wait3A_650 = arith.constant 0 : i32
    %dma_wait3A_651 = arith.constant 0 : i32
    %dma_wait3A_652 = tpu.memref_slice %arg2[%dma_wait3A_650, %dma_wait3A_651] : memref<32x1000000xf32, #tpu.memory_space<hbm>> -> memref<32x128xf32, #tpu.memory_space<hbm>>
    tpu.wait_dma2 semaphore(%arg13 : memref<!tpu.dma_semaphore, #tpu.memory_space<semaphore_mem>>) src(%dma_wait3A_652 : memref<32x128xf32, #tpu.memory_space<hbm>>) dst(%dma_wait3A_649 : memref<32x128xf32, #tpu.memory_space<vmem>>)
    %dma_wait3A_653 = arith.constant 0 : i32
    %dma_wait3A_654 = arith.constant 384 : i32
    %dma_wait3A_655 = tpu.memref_slice %arg6[%dma_wait3A_653, %dma_wait3A_654] : memref<32x512xf32, #tpu.memory_space<vmem>> -> memref<32x128xf32, #tpu.memory_space<vmem>>
    %dma_wait3A_656 = arith.constant 0 : i32
    %dma_wait3A_657 = arith.constant 0 : i32
    %dma_wait3A_658 = tpu.memref_slice %arg2[%dma_wait3A_656, %dma_wait3A_657] : memref<32x1000000xf32, #tpu.memory_space<hbm>> -> memref<32x128xf32, #tpu.memory_space<hbm>>
    %dma_wait3A_659 = arith.constant 0 : i32
    %dma_wait3A_660 = arith.constant 384 : i32
    %dma_wait3A_661 = tpu.memref_slice %arg6[%dma_wait3A_659, %dma_wait3A_660] : memref<32x512xf32, #tpu.memory_space<vmem>> -> memref<32x128xf32, #tpu.memory_space<vmem>>
    %dma_wait3A_662 = arith.constant 0 : i32
    %dma_wait3A_663 = arith.constant 0 : i32
    %dma_wait3A_664 = tpu.memref_slice %arg2[%dma_wait3A_662, %dma_wait3A_663] : memref<32x1000000xf32, #tpu.memory_space<hbm>> -> memref<32x128xf32, #tpu.memory_space<hbm>>
    tpu.wait_dma2 semaphore(%arg13 : memref<!tpu.dma_semaphore, #tpu.memory_space<semaphore_mem>>) src(%dma_wait3A_664 : memref<32x128xf32, #tpu.memory_space<hbm>>) dst(%dma_wait3A_661 : memref<32x128xf32, #tpu.memory_space<vmem>>)
    %add3A_665 = arith.constant 504 : i32
    %add3A_666 = vector.broadcast %add3A_665 : i32 to vector<16xi32>
    %add3A_667 = arith.addi %add3A_666, %iota3A : vector<16xi32>
    %gather3A_668 = tpu.vector_load_idx %arg5[%add3A_667] : memref<528xi32, #tpu.memory_space<vmem>>[vector<16xi32>], vector<16xi32>,
    %slice3A_669 = vector.extract_strided_slice %gather3A_668 {offsets = [0], sizes = [1], strides = [1]} : vector<16xi32> to vector<1xi32>
    %squeeze3A_670 = vector.extract %slice3A_669[0] : i32 from vector<1xi32>
    %jit3A_671 = arith.constant 128 : i32
    %eq3A_672 = arith.constant 0 : i32
    %eq3A_673 = arith.cmpi eq, %jit3A_671, %eq3A_672 : i32
    %jit3A_674 = arith.constant 1 : i32
    %select_n3A_675 = arith.select %eq3A_673, %jit3A_674, %jit3A_671 : i32
    %rem3A_676 = arith.remsi %squeeze3A_670, %select_n3A_675 : i32
    %ne3A_677 = arith.constant 0 : i32
    %ne3A_678 = arith.cmpi ne, %rem3A_676, %ne3A_677 : i32
    %lt3A_679 = arith.constant 0 : i32
    %lt3A_680 = arith.cmpi slt, %rem3A_676, %lt3A_679 : i32
    %lt3A_681 = arith.constant 0 : i32
    %lt3A_682 = arith.cmpi slt, %select_n3A_675, %lt3A_681 : i32
    %ne3A_683 = arith.xori %lt3A_680, %lt3A_682 : i1
    %and3A_684 = arith.andi %ne3A_683, %ne3A_678 : i1
    %add3A_685 = arith.addi %rem3A_676, %select_n3A_675 : i32
    %select_n3A_686 = arith.select %and3A_684, %add3A_685, %rem3A_676 : i32
    %add3A_687 = arith.constant 0 : i32
    %add3A_688 = arith.addi %add3A_687, %select_n3A_686 : i32
    %broadcast_in_dim3A = vector.broadcast %add3A_688 : i32 to vector<16xi32>
    %broadcast_in_dim3A_689 = arith.constant 504 : i32
    %broadcast_in_dim3A_690 = vector.broadcast %broadcast_in_dim3A_689 : i32 to vector<16xi32>
    %gather3A_691 = tpu.vector_load_idx %arg6[%iota3A, %broadcast_in_dim3A] : memref<32x512xf32, #tpu.memory_space<vmem>>[vector<16xi32>, vector<16xi32>], vector<16xf32>,
    %gather3A_692 = tpu.vector_load_idx %arg6[%add3A_5, %broadcast_in_dim3A] : memref<32x512xf32, #tpu.memory_space<vmem>>[vector<16xi32>, vector<16xi32>], vector<16xf32>,
    tpu.vector_store_idx %arg12[%iota3A, %broadcast_in_dim3A_690], %gather3A_691 : memref<32x512xf32, #tpu.memory_space<vmem>>[vector<16xi32>, vector<16xi32>], vector<16xf32>,
    tpu.vector_store_idx %arg12[%add3A_5, %broadcast_in_dim3A_690], %gather3A_692 : memref<32x512xf32, #tpu.memory_space<vmem>>[vector<16xi32>, vector<16xi32>], vector<16xf32>,
    %slice3A_693 = vector.extract_strided_slice %gather3A_668 {offsets = [1], sizes = [1], strides = [1]} : vector<16xi32> to vector<1xi32>
    %squeeze3A_694 = vector.extract %slice3A_693[0] : i32 from vector<1xi32>
    %jit3A_695 = arith.constant 128 : i32
    %eq3A_696 = arith.constant 0 : i32
    %eq3A_697 = arith.cmpi eq, %jit3A_695, %eq3A_696 : i32
    %jit3A_698 = arith.constant 1 : i32
    %select_n3A_699 = arith.select %eq3A_697, %jit3A_698, %jit3A_695 : i32
    %rem3A_700 = arith.remsi %squeeze3A_694, %select_n3A_699 : i32
    %ne3A_701 = arith.constant 0 : i32
    %ne3A_702 = arith.cmpi ne, %rem3A_700, %ne3A_701 : i32
    %lt3A_703 = arith.constant 0 : i32
    %lt3A_704 = arith.cmpi slt, %rem3A_700, %lt3A_703 : i32
    %lt3A_705 = arith.constant 0 : i32
    %lt3A_706 = arith.cmpi slt, %select_n3A_699, %lt3A_705 : i32
    %ne3A_707 = arith.xori %lt3A_704, %lt3A_706 : i1
    %and3A_708 = arith.andi %ne3A_707, %ne3A_702 : i1
    %add3A_709 = arith.addi %rem3A_700, %select_n3A_699 : i32
    %select_n3A_710 = arith.select %and3A_708, %add3A_709, %rem3A_700 : i32
    %add3A_711 = arith.constant 128 : i32
    %add3A_712 = arith.addi %add3A_711, %select_n3A_710 : i32
    %broadcast_in_dim3A_713 = vector.broadcast %add3A_712 : i32 to vector<16xi32>
    %broadcast_in_dim3A_714 = arith.constant 505 : i32
    %broadcast_in_dim3A_715 = vector.broadcast %broadcast_in_dim3A_714 : i32 to vector<16xi32>
    %gather3A_716 = tpu.vector_load_idx %arg6[%iota3A, %broadcast_in_dim3A_713] : memref<32x512xf32, #tpu.memory_space<vmem>>[vector<16xi32>, vector<16xi32>], vector<16xf32>,
    %gather3A_717 = tpu.vector_load_idx %arg6[%add3A_5, %broadcast_in_dim3A_713] : memref<32x512xf32, #tpu.memory_space<vmem>>[vector<16xi32>, vector<16xi32>], vector<16xf32>,
    tpu.vector_store_idx %arg12[%iota3A, %broadcast_in_dim3A_715], %gather3A_716 : memref<32x512xf32, #tpu.memory_space<vmem>>[vector<16xi32>, vector<16xi32>], vector<16xf32>,
    tpu.vector_store_idx %arg12[%add3A_5, %broadcast_in_dim3A_715], %gather3A_717 : memref<32x512xf32, #tpu.memory_space<vmem>>[vector<16xi32>, vector<16xi32>], vector<16xf32>,
    %slice3A_718 = vector.extract_strided_slice %gather3A_668 {offsets = [2], sizes = [1], strides = [1]} : vector<16xi32> to vector<1xi32>
    %squeeze3A_719 = vector.extract %slice3A_718[0] : i32 from vector<1xi32>
    %jit3A_720 = arith.constant 128 : i32
    %eq3A_721 = arith.constant 0 : i32
    %eq3A_722 = arith.cmpi eq, %jit3A_720, %eq3A_721 : i32
    %jit3A_723 = arith.constant 1 : i32
    %select_n3A_724 = arith.select %eq3A_722, %jit3A_723, %jit3A_720 : i32
    %rem3A_725 = arith.remsi %squeeze3A_719, %select_n3A_724 : i32
    %ne3A_726 = arith.constant 0 : i32
    %ne3A_727 = arith.cmpi ne, %rem3A_725, %ne3A_726 : i32
    %lt3A_728 = arith.constant 0 : i32
    %lt3A_729 = arith.cmpi slt, %rem3A_725, %lt3A_728 : i32
    %lt3A_730 = arith.constant 0 : i32
    %lt3A_731 = arith.cmpi slt, %select_n3A_724, %lt3A_730 : i32
    %ne3A_732 = arith.xori %lt3A_729, %lt3A_731 : i1
    %and3A_733 = arith.andi %ne3A_732, %ne3A_727 : i1
    %add3A_734 = arith.addi %rem3A_725, %select_n3A_724 : i32
    %select_n3A_735 = arith.select %and3A_733, %add3A_734, %rem3A_725 : i32
    %add3A_736 = arith.constant 256 : i32
    %add3A_737 = arith.addi %add3A_736, %select_n3A_735 : i32
    %broadcast_in_dim3A_738 = vector.broadcast %add3A_737 : i32 to vector<16xi32>
    %broadcast_in_dim3A_739 = arith.constant 506 : i32
    %broadcast_in_dim3A_740 = vector.broadcast %broadcast_in_dim3A_739 : i32 to vector<16xi32>
    %gather3A_741 = tpu.vector_load_idx %arg6[%iota3A, %broadcast_in_dim3A_738] : memref<32x512xf32, #tpu.memory_space<vmem>>[vector<16xi32>, vector<16xi32>], vector<16xf32>,
    %gather3A_742 = tpu.vector_load_idx %arg6[%add3A_5, %broadcast_in_dim3A_738] : memref<32x512xf32, #tpu.memory_space<vmem>>[vector<16xi32>, vector<16xi32>], vector<16xf32>,
    tpu.vector_store_idx %arg12[%iota3A, %broadcast_in_dim3A_740], %gather3A_741 : memref<32x512xf32, #tpu.memory_space<vmem>>[vector<16xi32>, vector<16xi32>], vector<16xf32>,
    tpu.vector_store_idx %arg12[%add3A_5, %broadcast_in_dim3A_740], %gather3A_742 : memref<32x512xf32, #tpu.memory_space<vmem>>[vector<16xi32>, vector<16xi32>], vector<16xf32>,
    %slice3A_743 = vector.extract_strided_slice %gather3A_668 {offsets = [3], sizes = [1], strides = [1]} : vector<16xi32> to vector<1xi32>
    %squeeze3A_744 = vector.extract %slice3A_743[0] : i32 from vector<1xi32>
    %jit3A_745 = arith.constant 128 : i32
    %eq3A_746 = arith.constant 0 : i32
    %eq3A_747 = arith.cmpi eq, %jit3A_745, %eq3A_746 : i32
    %jit3A_748 = arith.constant 1 : i32
    %select_n3A_749 = arith.select %eq3A_747, %jit3A_748, %jit3A_745 : i32
    %rem3A_750 = arith.remsi %squeeze3A_744, %select_n3A_749 : i32
    %ne3A_751 = arith.constant 0 : i32
    %ne3A_752 = arith.cmpi ne, %rem3A_750, %ne3A_751 : i32
    %lt3A_753 = arith.constant 0 : i32
    %lt3A_754 = arith.cmpi slt, %rem3A_750, %lt3A_753 : i32
    %lt3A_755 = arith.constant 0 : i32
    %lt3A_756 = arith.cmpi slt, %select_n3A_749, %lt3A_755 : i32
    %ne3A_757 = arith.xori %lt3A_754, %lt3A_756 : i1
    %and3A_758 = arith.andi %ne3A_757, %ne3A_752 : i1
    %add3A_759 = arith.addi %rem3A_750, %select_n3A_749 : i32
    %select_n3A_760 = arith.select %and3A_758, %add3A_759, %rem3A_750 : i32
    %add3A_761 = arith.constant 384 : i32
    %add3A_762 = arith.addi %add3A_761, %select_n3A_760 : i32
    %broadcast_in_dim3A_763 = vector.broadcast %add3A_762 : i32 to vector<16xi32>
    %broadcast_in_dim3A_764 = arith.constant 507 : i32
    %broadcast_in_dim3A_765 = vector.broadcast %broadcast_in_dim3A_764 : i32 to vector<16xi32>
    %gather3A_766 = tpu.vector_load_idx %arg6[%iota3A, %broadcast_in_dim3A_763] : memref<32x512xf32, #tpu.memory_space<vmem>>[vector<16xi32>, vector<16xi32>], vector<16xf32>,
    %gather3A_767 = tpu.vector_load_idx %arg6[%add3A_5, %broadcast_in_dim3A_763] : memref<32x512xf32, #tpu.memory_space<vmem>>[vector<16xi32>, vector<16xi32>], vector<16xf32>,
    tpu.vector_store_idx %arg12[%iota3A, %broadcast_in_dim3A_765], %gather3A_766 : memref<32x512xf32, #tpu.memory_space<vmem>>[vector<16xi32>, vector<16xi32>], vector<16xf32>,
    tpu.vector_store_idx %arg12[%add3A_5, %broadcast_in_dim3A_765], %gather3A_767 : memref<32x512xf32, #tpu.memory_space<vmem>>[vector<16xi32>, vector<16xi32>], vector<16xf32>,
    %dma_wait3A_768 = arith.constant 0 : i32
    %dma_wait3A_769 = arith.constant 0 : i32
    %dma_wait3A_770 = tpu.memref_slice %arg7[%dma_wait3A_768, %dma_wait3A_769] : memref<32x512xf32, #tpu.memory_space<vmem>> -> memref<32x128xf32, #tpu.memory_space<vmem>>
    %dma_wait3A_771 = arith.constant 0 : i32
    %dma_wait3A_772 = arith.constant 0 : i32
    %dma_wait3A_773 = tpu.memref_slice %arg2[%dma_wait3A_771, %dma_wait3A_772] : memref<32x1000000xf32, #tpu.memory_space<hbm>> -> memref<32x128xf32, #tpu.memory_space<hbm>>
    %dma_wait3A_774 = arith.constant 0 : i32
    %dma_wait3A_775 = arith.constant 0 : i32
    %dma_wait3A_776 = tpu.memref_slice %arg7[%dma_wait3A_774, %dma_wait3A_775] : memref<32x512xf32, #tpu.memory_space<vmem>> -> memref<32x128xf32, #tpu.memory_space<vmem>>
    %dma_wait3A_777 = arith.constant 0 : i32
    %dma_wait3A_778 = arith.constant 0 : i32
    %dma_wait3A_779 = tpu.memref_slice %arg2[%dma_wait3A_777, %dma_wait3A_778] : memref<32x1000000xf32, #tpu.memory_space<hbm>> -> memref<32x128xf32, #tpu.memory_space<hbm>>
    tpu.wait_dma2 semaphore(%arg14 : memref<!tpu.dma_semaphore, #tpu.memory_space<semaphore_mem>>) src(%dma_wait3A_779 : memref<32x128xf32, #tpu.memory_space<hbm>>) dst(%dma_wait3A_776 : memref<32x128xf32, #tpu.memory_space<vmem>>)
    %dma_wait3A_780 = arith.constant 0 : i32
    %dma_wait3A_781 = arith.constant 128 : i32
    %dma_wait3A_782 = tpu.memref_slice %arg7[%dma_wait3A_780, %dma_wait3A_781] : memref<32x512xf32, #tpu.memory_space<vmem>> -> memref<32x128xf32, #tpu.memory_space<vmem>>
    %dma_wait3A_783 = arith.constant 0 : i32
    %dma_wait3A_784 = arith.constant 0 : i32
    %dma_wait3A_785 = tpu.memref_slice %arg2[%dma_wait3A_783, %dma_wait3A_784] : memref<32x1000000xf32, #tpu.memory_space<hbm>> -> memref<32x128xf32, #tpu.memory_space<hbm>>
    %dma_wait3A_786 = arith.constant 0 : i32
    %dma_wait3A_787 = arith.constant 128 : i32
    %dma_wait3A_788 = tpu.memref_slice %arg7[%dma_wait3A_786, %dma_wait3A_787] : memref<32x512xf32, #tpu.memory_space<vmem>> -> memref<32x128xf32, #tpu.memory_space<vmem>>
    %dma_wait3A_789 = arith.constant 0 : i32
    %dma_wait3A_790 = arith.constant 0 : i32
    %dma_wait3A_791 = tpu.memref_slice %arg2[%dma_wait3A_789, %dma_wait3A_790] : memref<32x1000000xf32, #tpu.memory_space<hbm>> -> memref<32x128xf32, #tpu.memory_space<hbm>>
    tpu.wait_dma2 semaphore(%arg14 : memref<!tpu.dma_semaphore, #tpu.memory_space<semaphore_mem>>) src(%dma_wait3A_791 : memref<32x128xf32, #tpu.memory_space<hbm>>) dst(%dma_wait3A_788 : memref<32x128xf32, #tpu.memory_space<vmem>>)
    %dma_wait3A_792 = arith.constant 0 : i32
    %dma_wait3A_793 = arith.constant 256 : i32
    %dma_wait3A_794 = tpu.memref_slice %arg7[%dma_wait3A_792, %dma_wait3A_793] : memref<32x512xf32, #tpu.memory_space<vmem>> -> memref<32x128xf32, #tpu.memory_space<vmem>>
    %dma_wait3A_795 = arith.constant 0 : i32
    %dma_wait3A_796 = arith.constant 0 : i32
    %dma_wait3A_797 = tpu.memref_slice %arg2[%dma_wait3A_795, %dma_wait3A_796] : memref<32x1000000xf32, #tpu.memory_space<hbm>> -> memref<32x128xf32, #tpu.memory_space<hbm>>
    %dma_wait3A_798 = arith.constant 0 : i32
    %dma_wait3A_799 = arith.constant 256 : i32
    %dma_wait3A_800 = tpu.memref_slice %arg7[%dma_wait3A_798, %dma_wait3A_799] : memref<32x512xf32, #tpu.memory_space<vmem>> -> memref<32x128xf32, #tpu.memory_space<vmem>>
    %dma_wait3A_801 = arith.constant 0 : i32
    %dma_wait3A_802 = arith.constant 0 : i32
    %dma_wait3A_803 = tpu.memref_slice %arg2[%dma_wait3A_801, %dma_wait3A_802] : memref<32x1000000xf32, #tpu.memory_space<hbm>> -> memref<32x128xf32, #tpu.memory_space<hbm>>
    tpu.wait_dma2 semaphore(%arg14 : memref<!tpu.dma_semaphore, #tpu.memory_space<semaphore_mem>>) src(%dma_wait3A_803 : memref<32x128xf32, #tpu.memory_space<hbm>>) dst(%dma_wait3A_800 : memref<32x128xf32, #tpu.memory_space<vmem>>)
    %dma_wait3A_804 = arith.constant 0 : i32
    %dma_wait3A_805 = arith.constant 384 : i32
    %dma_wait3A_806 = tpu.memref_slice %arg7[%dma_wait3A_804, %dma_wait3A_805] : memref<32x512xf32, #tpu.memory_space<vmem>> -> memref<32x128xf32, #tpu.memory_space<vmem>>
    %dma_wait3A_807 = arith.constant 0 : i32
    %dma_wait3A_808 = arith.constant 0 : i32
    %dma_wait3A_809 = tpu.memref_slice %arg2[%dma_wait3A_807, %dma_wait3A_808] : memref<32x1000000xf32, #tpu.memory_space<hbm>> -> memref<32x128xf32, #tpu.memory_space<hbm>>
    %dma_wait3A_810 = arith.constant 0 : i32
    %dma_wait3A_811 = arith.constant 384 : i32
    %dma_wait3A_812 = tpu.memref_slice %arg7[%dma_wait3A_810, %dma_wait3A_811] : memref<32x512xf32, #tpu.memory_space<vmem>> -> memref<32x128xf32, #tpu.memory_space<vmem>>
    %dma_wait3A_813 = arith.constant 0 : i32
    %dma_wait3A_814 = arith.constant 0 : i32
    %dma_wait3A_815 = tpu.memref_slice %arg2[%dma_wait3A_813, %dma_wait3A_814] : memref<32x1000000xf32, #tpu.memory_space<hbm>> -> memref<32x128xf32, #tpu.memory_space<hbm>>
    tpu.wait_dma2 semaphore(%arg14 : memref<!tpu.dma_semaphore, #tpu.memory_space<semaphore_mem>>) src(%dma_wait3A_815 : memref<32x128xf32, #tpu.memory_space<hbm>>) dst(%dma_wait3A_812 : memref<32x128xf32, #tpu.memory_space<vmem>>)
    %add3A_816 = arith.constant 508 : i32
    %add3A_817 = vector.broadcast %add3A_816 : i32 to vector<16xi32>
    %add3A_818 = arith.addi %add3A_817, %iota3A : vector<16xi32>
    %gather3A_819 = tpu.vector_load_idx %arg5[%add3A_818] : memref<528xi32, #tpu.memory_space<vmem>>[vector<16xi32>], vector<16xi32>,
    %slice3A_820 = vector.extract_strided_slice %gather3A_819 {offsets = [0], sizes = [1], strides = [1]} : vector<16xi32> to vector<1xi32>
    %squeeze3A_821 = vector.extract %slice3A_820[0] : i32 from vector<1xi32>
    %jit3A_822 = arith.constant 128 : i32
    %eq3A_823 = arith.constant 0 : i32
    %eq3A_824 = arith.cmpi eq, %jit3A_822, %eq3A_823 : i32
    %jit3A_825 = arith.constant 1 : i32
    %select_n3A_826 = arith.select %eq3A_824, %jit3A_825, %jit3A_822 : i32
    %rem3A_827 = arith.remsi %squeeze3A_821, %select_n3A_826 : i32
    %ne3A_828 = arith.constant 0 : i32
    %ne3A_829 = arith.cmpi ne, %rem3A_827, %ne3A_828 : i32
    %lt3A_830 = arith.constant 0 : i32
    %lt3A_831 = arith.cmpi slt, %rem3A_827, %lt3A_830 : i32
    %lt3A_832 = arith.constant 0 : i32
    %lt3A_833 = arith.cmpi slt, %select_n3A_826, %lt3A_832 : i32
    %ne3A_834 = arith.xori %lt3A_831, %lt3A_833 : i1
    %and3A_835 = arith.andi %ne3A_834, %ne3A_829 : i1
    %add3A_836 = arith.addi %rem3A_827, %select_n3A_826 : i32
    %select_n3A_837 = arith.select %and3A_835, %add3A_836, %rem3A_827 : i32
    %add3A_838 = arith.constant 0 : i32
    %add3A_839 = arith.addi %add3A_838, %select_n3A_837 : i32
    %broadcast_in_dim3A_840 = vector.broadcast %add3A_839 : i32 to vector<16xi32>
    %broadcast_in_dim3A_841 = arith.constant 508 : i32
    %broadcast_in_dim3A_842 = vector.broadcast %broadcast_in_dim3A_841 : i32 to vector<16xi32>
    %gather3A_843 = tpu.vector_load_idx %arg7[%iota3A, %broadcast_in_dim3A_840] : memref<32x512xf32, #tpu.memory_space<vmem>>[vector<16xi32>, vector<16xi32>], vector<16xf32>,
    %gather3A_844 = tpu.vector_load_idx %arg7[%add3A_5, %broadcast_in_dim3A_840] : memref<32x512xf32, #tpu.memory_space<vmem>>[vector<16xi32>, vector<16xi32>], vector<16xf32>,
    tpu.vector_store_idx %arg12[%iota3A, %broadcast_in_dim3A_842], %gather3A_843 : memref<32x512xf32, #tpu.memory_space<vmem>>[vector<16xi32>, vector<16xi32>], vector<16xf32>,
    tpu.vector_store_idx %arg12[%add3A_5, %broadcast_in_dim3A_842], %gather3A_844 : memref<32x512xf32, #tpu.memory_space<vmem>>[vector<16xi32>, vector<16xi32>], vector<16xf32>,
    %slice3A_845 = vector.extract_strided_slice %gather3A_819 {offsets = [1], sizes = [1], strides = [1]} : vector<16xi32> to vector<1xi32>
    %squeeze3A_846 = vector.extract %slice3A_845[0] : i32 from vector<1xi32>
    %jit3A_847 = arith.constant 128 : i32
    %eq3A_848 = arith.constant 0 : i32
    %eq3A_849 = arith.cmpi eq, %jit3A_847, %eq3A_848 : i32
    %jit3A_850 = arith.constant 1 : i32
    %select_n3A_851 = arith.select %eq3A_849, %jit3A_850, %jit3A_847 : i32
    %rem3A_852 = arith.remsi %squeeze3A_846, %select_n3A_851 : i32
    %ne3A_853 = arith.constant 0 : i32
    %ne3A_854 = arith.cmpi ne, %rem3A_852, %ne3A_853 : i32
    %lt3A_855 = arith.constant 0 : i32
    %lt3A_856 = arith.cmpi slt, %rem3A_852, %lt3A_855 : i32
    %lt3A_857 = arith.constant 0 : i32
    %lt3A_858 = arith.cmpi slt, %select_n3A_851, %lt3A_857 : i32
    %ne3A_859 = arith.xori %lt3A_856, %lt3A_858 : i1
    %and3A_860 = arith.andi %ne3A_859, %ne3A_854 : i1
    %add3A_861 = arith.addi %rem3A_852, %select_n3A_851 : i32
    %select_n3A_862 = arith.select %and3A_860, %add3A_861, %rem3A_852 : i32
    %add3A_863 = arith.constant 128 : i32
    %add3A_864 = arith.addi %add3A_863, %select_n3A_862 : i32
    %broadcast_in_dim3A_865 = vector.broadcast %add3A_864 : i32 to vector<16xi32>
    %broadcast_in_dim3A_866 = arith.constant 509 : i32
    %broadcast_in_dim3A_867 = vector.broadcast %broadcast_in_dim3A_866 : i32 to vector<16xi32>
    %gather3A_868 = tpu.vector_load_idx %arg7[%iota3A, %broadcast_in_dim3A_865] : memref<32x512xf32, #tpu.memory_space<vmem>>[vector<16xi32>, vector<16xi32>], vector<16xf32>,
    %gather3A_869 = tpu.vector_load_idx %arg7[%add3A_5, %broadcast_in_dim3A_865] : memref<32x512xf32, #tpu.memory_space<vmem>>[vector<16xi32>, vector<16xi32>], vector<16xf32>,
    tpu.vector_store_idx %arg12[%iota3A, %broadcast_in_dim3A_867], %gather3A_868 : memref<32x512xf32, #tpu.memory_space<vmem>>[vector<16xi32>, vector<16xi32>], vector<16xf32>,
    tpu.vector_store_idx %arg12[%add3A_5, %broadcast_in_dim3A_867], %gather3A_869 : memref<32x512xf32, #tpu.memory_space<vmem>>[vector<16xi32>, vector<16xi32>], vector<16xf32>,
    %slice3A_870 = vector.extract_strided_slice %gather3A_819 {offsets = [2], sizes = [1], strides = [1]} : vector<16xi32> to vector<1xi32>
    %squeeze3A_871 = vector.extract %slice3A_870[0] : i32 from vector<1xi32>
    %jit3A_872 = arith.constant 128 : i32
    %eq3A_873 = arith.constant 0 : i32
    %eq3A_874 = arith.cmpi eq, %jit3A_872, %eq3A_873 : i32
    %jit3A_875 = arith.constant 1 : i32
    %select_n3A_876 = arith.select %eq3A_874, %jit3A_875, %jit3A_872 : i32
    %rem3A_877 = arith.remsi %squeeze3A_871, %select_n3A_876 : i32
    %ne3A_878 = arith.constant 0 : i32
    %ne3A_879 = arith.cmpi ne, %rem3A_877, %ne3A_878 : i32
    %lt3A_880 = arith.constant 0 : i32
    %lt3A_881 = arith.cmpi slt, %rem3A_877, %lt3A_880 : i32
    %lt3A_882 = arith.constant 0 : i32
    %lt3A_883 = arith.cmpi slt, %select_n3A_876, %lt3A_882 : i32
    %ne3A_884 = arith.xori %lt3A_881, %lt3A_883 : i1
    %and3A_885 = arith.andi %ne3A_884, %ne3A_879 : i1
    %add3A_886 = arith.addi %rem3A_877, %select_n3A_876 : i32
    %select_n3A_887 = arith.select %and3A_885, %add3A_886, %rem3A_877 : i32
    %add3A_888 = arith.constant 256 : i32
    %add3A_889 = arith.addi %add3A_888, %select_n3A_887 : i32
    %broadcast_in_dim3A_890 = vector.broadcast %add3A_889 : i32 to vector<16xi32>
    %broadcast_in_dim3A_891 = arith.constant 510 : i32
    %broadcast_in_dim3A_892 = vector.broadcast %broadcast_in_dim3A_891 : i32 to vector<16xi32>
    %gather3A_893 = tpu.vector_load_idx %arg7[%iota3A, %broadcast_in_dim3A_890] : memref<32x512xf32, #tpu.memory_space<vmem>>[vector<16xi32>, vector<16xi32>], vector<16xf32>,
    %gather3A_894 = tpu.vector_load_idx %arg7[%add3A_5, %broadcast_in_dim3A_890] : memref<32x512xf32, #tpu.memory_space<vmem>>[vector<16xi32>, vector<16xi32>], vector<16xf32>,
    tpu.vector_store_idx %arg12[%iota3A, %broadcast_in_dim3A_892], %gather3A_893 : memref<32x512xf32, #tpu.memory_space<vmem>>[vector<16xi32>, vector<16xi32>], vector<16xf32>,
    tpu.vector_store_idx %arg12[%add3A_5, %broadcast_in_dim3A_892], %gather3A_894 : memref<32x512xf32, #tpu.memory_space<vmem>>[vector<16xi32>, vector<16xi32>], vector<16xf32>,
    %slice3A_895 = vector.extract_strided_slice %gather3A_819 {offsets = [3], sizes = [1], strides = [1]} : vector<16xi32> to vector<1xi32>
    %squeeze3A_896 = vector.extract %slice3A_895[0] : i32 from vector<1xi32>
    %jit3A_897 = arith.constant 128 : i32
    %eq3A_898 = arith.constant 0 : i32
    %eq3A_899 = arith.cmpi eq, %jit3A_897, %eq3A_898 : i32
    %jit3A_900 = arith.constant 1 : i32
    %select_n3A_901 = arith.select %eq3A_899, %jit3A_900, %jit3A_897 : i32
    %rem3A_902 = arith.remsi %squeeze3A_896, %select_n3A_901 : i32
    %ne3A_903 = arith.constant 0 : i32
    %ne3A_904 = arith.cmpi ne, %rem3A_902, %ne3A_903 : i32
    %lt3A_905 = arith.constant 0 : i32
    %lt3A_906 = arith.cmpi slt, %rem3A_902, %lt3A_905 : i32
    %lt3A_907 = arith.constant 0 : i32
    %lt3A_908 = arith.cmpi slt, %select_n3A_901, %lt3A_907 : i32
    %ne3A_909 = arith.xori %lt3A_906, %lt3A_908 : i1
    %and3A_910 = arith.andi %ne3A_909, %ne3A_904 : i1
    %add3A_911 = arith.addi %rem3A_902, %select_n3A_901 : i32
    %select_n3A_912 = arith.select %and3A_910, %add3A_911, %rem3A_902 : i32
    %add3A_913 = arith.constant 384 : i32
    %add3A_914 = arith.addi %add3A_913, %select_n3A_912 : i32
    %broadcast_in_dim3A_915 = vector.broadcast %add3A_914 : i32 to vector<16xi32>
    %broadcast_in_dim3A_916 = arith.constant 511 : i32
    %broadcast_in_dim3A_917 = vector.broadcast %broadcast_in_dim3A_916 : i32 to vector<16xi32>
    %gather3A_918 = tpu.vector_load_idx %arg7[%iota3A, %broadcast_in_dim3A_915] : memref<32x512xf32, #tpu.memory_space<vmem>>[vector<16xi32>, vector<16xi32>], vector<16xf32>,
    %gather3A_919 = tpu.vector_load_idx %arg7[%add3A_5, %broadcast_in_dim3A_915] : memref<32x512xf32, #tpu.memory_space<vmem>>[vector<16xi32>, vector<16xi32>], vector<16xf32>,
    tpu.vector_store_idx %arg12[%iota3A, %broadcast_in_dim3A_917], %gather3A_918 : memref<32x512xf32, #tpu.memory_space<vmem>>[vector<16xi32>, vector<16xi32>], vector<16xf32>,
    tpu.vector_store_idx %arg12[%add3A_5, %broadcast_in_dim3A_917], %gather3A_919 : memref<32x512xf32, #tpu.memory_space<vmem>>[vector<16xi32>, vector<16xi32>], vector<16xf32>,
    "tpu.region"() ({
      %run_scoped3A = tpu.sem_alloc : memref<!tpu.dma_semaphore, #tpu.memory_space<semaphore_mem>>
      %dma_start3A_920 = arith.constant 0 : i32
      %dma_start3A_921 = tpu.memref_slice %arg4[%dma_start3A_920, %mul3A_2] : memref<32x16384xf32, #tpu.memory_space<hbm>> -> memref<32x512xf32, #tpu.memory_space<hbm>>
      %dma_start3A_922 = arith.constant 0 : i32
      %dma_start3A_923 = tpu.memref_slice %arg4[%dma_start3A_922, %mul3A_2] : memref<32x16384xf32, #tpu.memory_space<hbm>> -> memref<32x512xf32, #tpu.memory_space<hbm>>
      tpu.enqueue_dma source(%arg12 : memref<32x512xf32, #tpu.memory_space<vmem>>) target(%dma_start3A_923 : memref<32x512xf32, #tpu.memory_space<hbm>>) target_semaphore(%run_scoped3A : memref<!tpu.dma_semaphore, #tpu.memory_space<semaphore_mem>>)
      %dma_wait3A_924 = arith.constant 0 : i32
      %dma_wait3A_925 = tpu.memref_slice %arg4[%dma_wait3A_924, %mul3A_2] : memref<32x16384xf32, #tpu.memory_space<hbm>> -> memref<32x512xf32, #tpu.memory_space<hbm>>
      %dma_wait3A_926 = arith.constant 0 : i32
      %dma_wait3A_927 = tpu.memref_slice %arg4[%dma_wait3A_926, %mul3A_2] : memref<32x16384xf32, #tpu.memory_space<hbm>> -> memref<32x512xf32, #tpu.memory_space<hbm>>
      tpu.wait_dma2 semaphore(%run_scoped3A : memref<!tpu.dma_semaphore, #tpu.memory_space<semaphore_mem>>) src(%arg12 : memref<32x512xf32, #tpu.memory_space<vmem>>) dst(%dma_wait3A_927 : memref<32x512xf32, #tpu.memory_space<hbm>>)
      tpu.yield
    }) : () -> ()
    return
  }
}

module attributes {stable_mosaic.version = 14 : i64} {
  func.func @_mlp_body(%arg0: i32, %arg1: memref<64x4096xf32, #tpu.memory_space<vmem>>, %arg2: memref<32x4096xf32, #tpu.memory_space<vmem>>, %arg3: memref<64x128xf32, #tpu.memory_space<vmem>>, %arg4: memref<32x128xf32, #tpu.memory_space<vmem>>, %arg5: memref<1x128xf32, #tpu.memory_space<vmem>>, %arg6: memref<1x128xf32, #tpu.memory_space<vmem>>, %arg7: memref<1x1xf32, #tpu.memory_space<smem>>, %arg8: memref<1x4096xf32, #tpu.memory_space<vmem>>) attributes {dimension_semantics = [#tpu.dimension_semantics<arbitrary>], iteration_bounds = array<i64: 4>, scalar_prefetch = 0 : i64, scratch_operands = 0 : i64, tpu.core_type = #tpu.core_type<tc>, window_params = [{transform_indices = @transform_0, window_bounds = array<i64: 64, 4096>}, {transform_indices = @transform_1, window_bounds = array<i64: 32, 4096>}, {pipeline_mode = #tpu.pipeline_mode<synchronous>, transform_indices = @transform_2, window_bounds = array<i64: 64, 128>}, {pipeline_mode = #tpu.pipeline_mode<synchronous>, transform_indices = @transform_3, window_bounds = array<i64: 32, 128>}, {pipeline_mode = #tpu.pipeline_mode<synchronous>, transform_indices = @transform_4, window_bounds = array<i64: 1, 128>}, {pipeline_mode = #tpu.pipeline_mode<synchronous>, transform_indices = @transform_5, window_bounds = array<i64: 1, 128>}, {transform_indices = @transform_6, window_bounds = array<i64: 1, 1>}, {transform_indices = @transform_7, window_bounds = array<i64: 1, 4096>}]} {
    %get3A = arith.constant 0 : index
    %get3A_0 = arith.constant 0 : index
    %get3A_1 = vector.load %arg1[%get3A, %get3A_0] : memref<64x4096xf32, #tpu.memory_space<vmem>>, vector<64x4096xf32>
    %get3A_2 = arith.constant 0 : index
    %get3A_3 = arith.constant 0 : index
    %get3A_4 = vector.load %arg3[%get3A_2, %get3A_3] : memref<64x128xf32, #tpu.memory_space<vmem>>, vector<64x128xf32>
    %dot_general3A = arith.constant dense<0.000000e+00> : vector<4096x128xf32>
    %dot_general3A_5 = tpu.matmul %get3A_1, %get3A_4, %dot_general3A {dimension_numbers = #tpu.dot_dimension_numbers<[0], [0], [1], [1], [0, 1, 1, 1], [], []>, transpose_lhs_hint = false} : vector<64x4096xf32>, vector<64x128xf32>, vector<4096x128xf32> -> vector<4096x128xf32>
    %get3A_6 = arith.constant 0 : index
    %get3A_7 = arith.constant 0 : index
    %get3A_8 = vector.load %arg2[%get3A_6, %get3A_7] : memref<32x4096xf32, #tpu.memory_space<vmem>>, vector<32x4096xf32>
    %get3A_9 = arith.constant 0 : index
    %get3A_10 = arith.constant 0 : index
    %get3A_11 = vector.load %arg4[%get3A_9, %get3A_10] : memref<32x128xf32, #tpu.memory_space<vmem>>, vector<32x128xf32>
    %dot_general3A_12 = arith.constant dense<0.000000e+00> : vector<4096x128xf32>
    %dot_general3A_13 = tpu.matmul %get3A_8, %get3A_11, %dot_general3A_12 {dimension_numbers = #tpu.dot_dimension_numbers<[0], [0], [1], [1], [0, 1, 1, 1], [], []>, transpose_lhs_hint = false} : vector<32x4096xf32>, vector<32x128xf32>, vector<4096x128xf32> -> vector<4096x128xf32>
    %add3A = arith.addf %dot_general3A_5, %dot_general3A_13 : vector<4096x128xf32>
    %get3A_14 = arith.constant 0 : index
    %get3A_15 = arith.constant 0 : index
    %get3A_16 = vector.load %arg5[%get3A_14, %get3A_15] : memref<1x128xf32, #tpu.memory_space<vmem>>, vector<1x128xf32>
    %add3A_17 = vector.broadcast %get3A_16 : vector<1x128xf32> to vector<4096x128xf32>
    %add3A_18 = arith.addf %add3A, %add3A_17 : vector<4096x128xf32>
    %max3A = arith.constant 0.000000e+00 : f32
    %max3A_19 = vector.broadcast %max3A : f32 to vector<4096x128xf32>
    %max3A_20 = arith.maximumf %add3A_18, %max3A_19 : vector<4096x128xf32>
    %get3A_21 = arith.constant 0 : index
    %get3A_22 = arith.constant 0 : index
    %get3A_23 = vector.load %arg6[%get3A_21, %get3A_22] : memref<1x128xf32, #tpu.memory_space<vmem>>, vector<1x128xf32>
    %dot_general3A_24 = arith.constant dense<0.000000e+00> : vector<1x4096xf32>
    %dot_general3A_25 = tpu.matmul %get3A_23, %max3A_20, %dot_general3A_24 {dimension_numbers = #tpu.dot_dimension_numbers<[1], [1], [0], [0], [0, 0, 1, 0], [], []>, transpose_lhs_hint = false} : vector<1x128xf32>, vector<4096x128xf32>, vector<1x4096xf32> -> vector<1x4096xf32>
    %get3A_26 = arith.constant 0 : index
    %get3A_27 = arith.constant 0 : index
    %get3A_28 = memref.load %arg7[%get3A_26, %get3A_27] : memref<1x1xf32, #tpu.memory_space<smem>>
    %add3A_29 = vector.broadcast %get3A_28 : f32 to vector<1x4096xf32>
    %add3A_30 = arith.addf %dot_general3A_25, %add3A_29 : vector<1x4096xf32>
    %swap3A = arith.constant 0 : index
    %swap3A_31 = arith.constant 0 : index
    %swap3A_32 = vector.load %arg8[%swap3A, %swap3A_31] : memref<1x4096xf32, #tpu.memory_space<vmem>>, vector<1x4096xf32>
    tpu.vector_store %arg8[%swap3A, %swap3A_31], %add3A_30 {strides = array<i32>} : memref<1x4096xf32, #tpu.memory_space<vmem>>, vector<1x4096xf32>,
    return
  }
  func.func @transform_0(%arg0: i32) -> (i32, i32) {
    %c0_i32 = arith.constant 0 : i32
    %c0_i32_0 = arith.constant 0 : i32
    return %c0_i32, %arg0 : i32, i32
  }
  func.func @transform_1(%arg0: i32) -> (i32, i32) {
    %c0_i32 = arith.constant 0 : i32
    %c0_i32_0 = arith.constant 0 : i32
    return %c0_i32, %arg0 : i32, i32
  }
  func.func @transform_2(%arg0: i32) -> (i32, i32) {
    %c0_i32 = arith.constant 0 : i32
    %c0_i32_0 = arith.constant 0 : i32
    %c0_i32_1 = arith.constant 0 : i32
    return %c0_i32, %c0_i32_0 : i32, i32
  }
  func.func @transform_3(%arg0: i32) -> (i32, i32) {
    %c0_i32 = arith.constant 0 : i32
    %c0_i32_0 = arith.constant 0 : i32
    %c0_i32_1 = arith.constant 0 : i32
    return %c0_i32, %c0_i32_0 : i32, i32
  }
  func.func @transform_4(%arg0: i32) -> (i32, i32) {
    %c0_i32 = arith.constant 0 : i32
    %c0_i32_0 = arith.constant 0 : i32
    %c0_i32_1 = arith.constant 0 : i32
    return %c0_i32, %c0_i32_0 : i32, i32
  }
  func.func @transform_5(%arg0: i32) -> (i32, i32) {
    %c0_i32 = arith.constant 0 : i32
    %c0_i32_0 = arith.constant 0 : i32
    %c0_i32_1 = arith.constant 0 : i32
    return %c0_i32, %c0_i32_0 : i32, i32
  }
  func.func @transform_6(%arg0: i32) -> (i32, i32) {
    %c0_i32 = arith.constant 0 : i32
    %c0_i32_0 = arith.constant 0 : i32
    %c0_i32_1 = arith.constant 0 : i32
    return %c0_i32, %c0_i32_0 : i32, i32
  }
  func.func @transform_7(%arg0: i32) -> (i32, i32) {
    %c0_i32 = arith.constant 0 : i32
    %c0_i32_0 = arith.constant 0 : i32
    return %c0_i32, %arg0 : i32, i32
  }
}

</mosaic_0001>

<sc_bundles>
// kernel: kernel.4.cloned.1.call-start
scs
__scs_entry_jumppad:
0x0: {  	(pc) =	sbr.rel $0x88, $3  }
0x1: {  	(tag) =	ssettag $0x0;
	lr =	simm.s32 $0x1  }
0x2: {  	[smem:$0x3F9A] =	sst lr;
	_ =	strace $0xD0000000  }
0x3: {  	_ = 	snop  }
0x4: {  	_ = 	snop  }
0x5: {  	_ = 	snop  }
0x6: {  	_ = 	snop  }
0x7: {  	_ = 	snop  }
__scs_overlays_trampoline_lowered:
0x8: {  	[smem:$0x3FA9] =	sst s0  }
0x9: {  	[smem:$0x3FAA] =	sst s1  }
0xa: {  	[smem:$0x3FAB] =	sst s2  }
0xb: {  	[smem:$0x3FAC] =	sst s3  }
0xc: {  	[smem:$0x3FAD] =	sst s4  }
0xd: {  	[smem:$0x3FAE] =	sst s5  }
0xe: {  	[smem:$0x3FAF] =	sst s6  }
0xf: {  	[smem:$0x3FB0] =	sst s7  }
0x10: {  	[smem:$0x3FB1] =	sst s8  }
0x11: {  	[smem:$0x3FB2] =	sst s9;
	s0 =	simm.s32 @!p0 $0x0  }
0x12: {  	s1 =	sld [smem:$0x3F98];
	s0 =	simm.s32 @p0 $0x1  }
0x13: {  	[smem:$0x3FB3] =	sst s0;
	s0 =	simm.s32 @!p1 $0x0  }
0x14: {  	s2 =	sld [smem:$0x3F97];
	s0 =	simm.s32 @p1 $0x1  }
0x15: {  	[smem:$0x3FB4] =	sst s0;
	s0 =	simm.s32 @!p2 $0x0  }
0x16: {  	s3 =	sld [smem:$0x3FDB];
	s0 =	simm.s32 @p2 $0x1  }
0x17: {  	s4 =	simm.s32 $0x1BF5;
	[smem:$0x3FB6] =	sst s0  }
0x18: {  	s0 =	sld [smem:$0x3F99];
	_ =	swait.ge [sflag:s4], $0x0  }
0x19: {  	s7 =	sld [smem:$0x3F9A]  }
0x1a: {  	s8 =	sadd.s32 $0xFFFFE003, lr  }
0x1b: {  	s9 =	sadd.s32 $0xFFFFFEF7, lr;
	s5 =	simm.s32 $0xFFFFFFFF;
	p2 =	slt.u32 s8, $0xFFFFF086  }
0x1c: {  	p1 =	slt.u32 s9, $0xF7A;
	s5 =	simm.s32 @!p2 $0x0  }
0x1d: {  	s5 =	simm.s32 @p1 $0x1;
	p0 =	seq.s32 s7, s2  }
0x1e: {  	s7 =	smul.u32 @!p0 $0xF7A, s2;
	p2 =	seq.s32 @!p0 s5, $0x0  }
0x1f: {  	s9 =	smul.u32 $0xF7A, s1;
	s8 =	simm.s32 @!p0 $0x1BF5;
	p2 =	por !p2, p0  }
0x20: {  	[sflag:s8] =	ssyncset.s32 @!p0 $0xFFFFF086;
	s6 =	sadd.s32 @!p0 s3, s7;
	s7 =	simm.s32 @!p0 $0x108  }
0x21: {  	s3 =	sadd.s32 s3, s9;
	s6 =	sadd.s32 @!p0 $0x88, s6;
	s7 =	simm.s32 @p2 $0x1082  }
0x22: {  	[simem:s7], [sflag:s8] =	dma.local @!p0 [hbm:s6], $0xF7A  }
0x23: {  	s9 =	sor.u32 $0xD0000000, s2;
	s6 =	simm.s32 $0x108;
	_ =	swait.ge @!p0 [sflag:s8], $0x0  }
0x24: {  	s3 =	sadd.s32 $0x88, s3;
	s6 =	simm.s32 @!p1 $0x1082;
	[sflag:s4] =	ssyncset.s32 $0xFFFFF086  }
0x25: {  	[simem:s6], [sflag:s4] =	dma.local [hbm:s3], $0xF7A  }
0x26: {  	[smem:$0x3F9A] =	sst s1;
	(tag) =	ssettag s2;
	_ =	strace s9  }
0x27: {  	s1 =	sld [smem:$0x3FAA]  }
0x28: {  	s2 =	sld [smem:$0x3FAB]  }
0x29: {  	s4 =	sld [smem:$0x3FAD]  }
0x2a: {  	p0 =	seq.s32 s5, $0x0;
	s5 =	sld [smem:$0x3FAE]  }
0x2b: {  	s6 =	sld [smem:$0x3FAF]  }
0x2c: {  	s7 =	sld [smem:$0x3FB0]  }
0x2d: {  	s3 =	simm.s32 $0x108;
	s8 =	sld [smem:$0x3FB1]  }
0x2e: {  	s3 =	simm.s32 @!p0 $0x1082;
	s9 =	sld [smem:$0x3FB2]  }
0x2f: {  	lr =	sadd.s32 s0, s3;
	s0 =	sld [smem:$0x3FA9]  }
0x30: {  	s3 =	sld [smem:$0x3FAC]  }
0x31: {  	[smem:$0x3FB5] =	sst s10  }
0x32: {  	s10 =	sld [smem:$0x3FB3];
	_ =	sdelay $0x3  }
0x33: {  	p0 =	seq.s32 s10, $0x1;
	s10 =	sld [smem:$0x3FB5];
	_ =	sdelay $0x3  }
0x34: {  	[smem:$0x3FB5] =	sst s10  }
0x35: {  	s10 =	sld [smem:$0x3FB4];
	_ =	sdelay $0x3  }
0x36: {  	p1 =	seq.s32 s10, $0x1;
	s10 =	sld [smem:$0x3FB5];
	_ =	sdelay $0x3  }
0x37: {  	[smem:$0x3FB5] =	sst s10  }
0x38: {  	s10 =	sld [smem:$0x3FB6]  }
0x39: {  	_ = 	snop;
	(pc) =	sbr.ind lr, $3  }
0x3a: {  	_ = 	snop  }
0x3b: {  	_ = 	snop  }
0x3c: {  	p2 =	seq.s32 s10, $0x1;
	s10 =	sld [smem:$0x3FB5]  }
0x3d: {  	_ =	shalt  }
0x3e: {  	_ =	shalt  }
0x3f: {  	_ =	shalt  }
0x40: {  	_ =	shalt  }
0x41: {  	_ =	shalt  }
0x42: {  	_ =	shalt  }
0x43: {  	_ =	shalt  }
0x44: {  	_ =	shalt  }
0x45: {  	_ =	shalt  }
0x46: {  	_ =	shalt  }
0x47: {  	_ =	shalt  }
0x48: {  	_ =	shalt  }
0x49: {  	_ =	shalt  }
0x4a: {  	_ =	shalt  }
0x4b: {  	_ =	shalt  }
0x4c: {  	_ =	shalt  }
0x4d: {  	_ =	shalt  }
0x4e: {  	_ =	shalt  }
0x4f: {  	_ =	shalt  }
0x50: {  	_ =	shalt  }
0x51: {  	_ =	shalt  }
0x52: {  	_ =	shalt  }
0x53: {  	_ =	shalt  }
0x54: {  	_ =	shalt  }
0x55: {  	_ =	shalt  }
0x56: {  	_ =	shalt  }
0x57: {  	_ =	shalt  }
0x58: {  	_ =	shalt  }
0x59: {  	_ =	shalt  }
0x5a: {  	_ =	shalt  }
0x5b: {  	_ =	shalt  }
0x5c: {  	_ =	shalt  }
0x5d: {  	_ =	shalt  }
0x5e: {  	_ =	shalt  }
0x5f: {  	_ =	shalt  }
0x60: {  	_ =	shalt  }
0x61: {  	_ =	shalt  }
0x62: {  	_ =	shalt  }
0x63: {  	_ =	shalt  }
0x64: {  	_ =	shalt  }
0x65: {  	_ =	shalt  }
0x66: {  	_ =	shalt  }
0x67: {  	_ =	shalt  }
0x68: {  	_ =	shalt  }
0x69: {  	_ =	shalt  }
0x6a: {  	_ =	shalt  }
0x6b: {  	_ =	shalt  }
0x6c: {  	_ =	shalt  }
0x6d: {  	_ =	shalt  }
0x6e: {  	_ =	shalt  }
0x6f: {  	_ =	shalt  }
0x70: {  	_ =	shalt  }
0x71: {  	_ =	shalt  }
0x72: {  	_ =	shalt  }
0x73: {  	_ =	shalt  }
0x74: {  	_ =	shalt  }
0x75: {  	_ =	shalt  }
0x76: {  	_ =	shalt  }
0x77: {  	_ =	shalt  }
0x78: {  	_ =	shalt  }
0x79: {  	_ =	shalt  }
0x7a: {  	_ =	shalt  }
0x7b: {  	_ =	shalt  }
0x7c: {  	_ =	shalt  }
0x7d: {  	_ =	shalt  }
0x7e: {  	_ =	shalt  }
0x7f: {  	_ =	shalt  }
0x80: {  	_ =	shalt  }
0x81: {  	_ =	shalt  }
0x82: {  	_ =	shalt  }
0x83: {  	_ =	shalt  }
0x84: {  	_ =	shalt  }
0x85: {  	_ =	shalt  }
0x86: {  	_ =	shalt  }
0x87: {  	_ =	shalt  }
.Lfunc_end0:
.L_simem_size_0:
called_computation_lowered:
.L_overlay_start_0:
0x88: {  	s2 =	sld [smem:$0x3FD9]  }
0x89: {  	s3 =	sld [smem:$0x3FFE];
	_ =	sdelay $0x1  }
0x8a: {  	s1 =	srdreg.scid  }
0x8b: {  	s0 =	sand.u32 $0x1, s1  }
0x8c: {  	s17 =	sshll.u32 s0, $0xA;
	s2 =	sadd.s32 s3, s2  }
0x8d: {  	s2 =	sadd.s32 s2, s17  }
0x8e: {  	[smem:$0x3FC1] =	sst s2  }
0x8f: {  	_ = 	snop  }
0x90: {  	s2 =	sld [smem:$0x3FC7]  }
0x91: {  	s18 =	sld [smem:$0x3FD0];
	(tm) =	ssettm $0x1  }
0x92: {  	s4 =	sld [smem:$0x3FFB];
	_ =	sdelay $0x3  }
0x93: {  	_ =	strace s4  }
0x94: {  	s4 =	sld [smem:$0x3FFC];
	_ =	sdelay $0x3  }
0x95: {  	_ =	strace s4  }
0x96: {  	s4 =	sld [smem:$0x3FFD];
	_ =	sdelay $0x3  }
0x97: {  	_ =	strace s4  }
0x98: {  	_ =	strace $0x8FFFFFFF  }
0x99: {  	s19 =	sld [smem:$0x3FDB];
	_ =	sdelay $0x1  }
0x9a: {  	s5 =	simm.s32 $_scs_section_size  }
0x9b: {  	s6 =	simm.s32 $_size__tile_overlayer_lowered;
	s7 =	simm.s32 $_tile_overlayer_lowered  }
0x9c: {  	s22 =	simm.s32 $0x1BFF;
	s21 =	sshll.u32 s7, $0x1;
	s4 =	sadd.s32 s5, s19  }
0x9d: {  	s8 =	simm.s32 $0x0;
	s20 =	sshll.u32 s6, $0x1;
	s6 =	sadd.s32 s21, s4  }
0x9e: {  	[timem:s8], [sflag:s22] =	dma.local [hbm:s6], s20  }
0x9f: {  	_ =	swait.ge [sflag:s22], s20  }
0xa0: {  	s5 =	ssub.s32 $0x0, s20;
	[sflag:s22] =	ssyncset.done $0x0  }
0xa1: {  	[sflag:s22] =	ssyncadd.s32 s5;
	_ =	sdelay $0x1  }
0xa2: {  	s23 =	simm.s32 $0x1B8B  }
0xa3: {  	_ =	swait.ge [sflag:s23], $0x1  }
0xa4: {  	[sflag:s23] =	ssyncset.done $0x0  }
0xa5: {  	s25 =	simm.s32 $0x1B8E;
	s24 =	sld [smem:$0x3FFE];
	[sflag:s23] =	ssyncadd.s32 $0xFFFFFFFF  }
0xa6: {  	s26 =	simm.s32 $execute0_lowered;
	[smem:$0x3FD2] =	sst s25  }
0xa7: {  	s6 =	sshll.u32 s26, $0x1;
	_ =	strace $0x80000046;
	[dreg:$0x1] =	wrdreg $0xFFFFFFFF  }
0xa8: {  	s28 =	simm.s32 $_size_execute0_lowered;
	s4 =	sadd.s32 s4, s6;
	[dreg:$0x0] =	wrdreg $0x0  }
0xa9: {  	s6 =	sshll.u32 s28, $0x1;
	[dreg:$0x2] =	wrdreg s4  }
0xaa: {  	[dreg:$0x3] =	wrdreg s6  }
0xab: {  	[dreg:$0x4] =	wrdreg $0xC0  }
0xac: {  	_ =	task [dreg:s8], $0x5FFFF  }
0xad: {  	[dreg:$0x1] =	wrdreg $0xFFFFFFFF  }
0xae: {  	[dreg:$0x0] =	wrdreg $0x60  }
0xaf: {  	[dreg:$0x2] =	wrdreg s2  }
0xb0: {  	[dreg:$0x3] =	wrdreg s18  }
0xb1: {  	[dreg:$0x4] =	wrdreg s24  }
0xb2: {  	[dreg:$0x5] =	wrdreg $0x9  }
0xb3: {  	_ =	task.clear_ibuf [dreg:s8], $0x6FFFF;
	_ =	strace $0x90000046  }
0xb4: {  	s29 =	simm.s32 $0x9;
	_ =	strace $0x80000048  }
0xb5: {  	_ =	swait.ge [sflag:s29], $0x1  }
0xb6: {  	[sflag:s29] =	ssyncadd.s32 $0xFFFFFFFF  }
0xb7: {  	_ =	strace $0x90000048  }
0xb8: {  	_ =	sfence  }
0xb9: {  	s30 =	sld [smem:$0x0];
	_ =	sdelay $0x2  }
0xba: {  	s31 =	sshll.u32 s1, $0xD;
	s1 =	sshrl.u32 s1, $0x2  }
0xbb: {  	s3 =	sand.u32 $0x4000, s31;
	s1 =	sadd.s32 s1, s30  }
0xbc: {  	s0 =	sor.u32 s3, s0;
	s1 =	sshll.u32 s1, $0x11  }
0xbd: {  	s0 =	sor.u32 s1, s0  }
0xbe: {  	s0 =	sadd.s32 $0x8F2B, s0  }
0xbf: {  	[sflag:s0] =	ssyncadd.remote.s32 $0x1  }
0xc0: {  	_ =	sfence.sel $0xFFFF  }
0xc1: {  	[dreg:$0x0] =	wrdreg $0xFFFFFFFF;
	(pc) =	sbr.abs _section_cstart, $3  }
0xc2: {  	[dreg:$0x1] =	wrdreg $0xFFFFFFFF  }
0xc3: {  	_ =	task.clear_ibuf [dreg:s8], $0x2FFFF;
	_ =	strace $0x9FFFFFFF  }
0xc4: {  	(tm) =	ssettm $0x7FFFFFFF  }
0xc5: {  	_ =	shalt  }
tec
execute0_lowered:
.L_overlay_start_1:
0x0: {  	(tag) =	ssettag $0x1  }
0x1: {  	v0 =	vimm.s32 $0x1380;
	vm14 =	vcmask $0x300  }
0x2: {  	vm13 =	vcmask $0x704;
	vm12 =	vcmask $0xB08;
	vm11 =	vcmask $0xF0C  }
0x3: {  	vm10 =	vcmask $0x1310;
	vm9 =	vcmask $0x1714;
	vm8 =	vcmask $0x1B18  }
0x4: {  	vm0 =	vcmask $0x1F1C;
	v6 =	vimm.s32 $0x3380;
	v7 =	vimm.s32 $0x1780  }
0x5: {  	vm1 =	vcmask $0x2320;
	vm2 =	vcmask $0x2724;
	vm3 =	vcmask $0x2B28  }
0x6: {  	vm4 =	vcmask $0x2F2C;
	vm5 =	vcmask $0x3330;
	vm6 =	vcmask $0x3734  }
0x7: {  	vm7 =	vcmask $0x3B38;
	v8 =	vimm.s32 $0x3780;
	v9 =	vimm.s32 $0x1B80  }
0x8: {  	v10 =	vimm.s32 $0x3B80;
	v11 =	vimm.s32 $0x1F80;
	v12 =	vimm.s32 $0x3F80  }
0x9: {  	v13 =	vimm.s32 $0x1FF8;
	v14 =	vimm.s32 $0x3FF8;
	v15 =	vimm.s32 $0x1FF9  }
0xa: {  	v16 =	vimm.s32 $0x3FF9;
	v17 =	vimm.s32 $0x1FFA;
	v18 =	vimm.s32 $0x3FFA  }
0xb: {  	v19 =	vimm.s32 $0x1FFB;
	v20 =	vimm.s32 $0x3FFB;
	v21 =	vimm.s32 $0x1FFC  }
0xc: {  	v22 =	vimm.s32 $0x3FFC;
	v23 =	vimm.s32 $0x1FFD;
	v24 =	vimm.s32 $0x3FFD  }
0xd: {  	v25 =	vimm.s32 $0x1FFE;
	v26 =	vimm.s32 $0x3FFE;
	v27 =	vimm.s32 $0x1FFF  }
0xe: {  	v28 =	vimm.s32 $0x3FFF;
	v0 =	vsel vm14, $0x0, v0;
	v6 =	vsel vm14, $0x2000, v6  }
0xf: {  	v7 =	vsel vm14, $0x400, v7;
	v8 =	vsel vm14, $0x2400, v8;
	v9 =	vsel vm14, $0x800, v9  }
0x10: {  	v10 =	vsel vm14, $0x2800, v10;
	v11 =	vsel vm14, $0xC00, v11;
	v12 =	vsel vm14, $0x2C00, v12  }
0x11: {  	v13 =	vsel vm14, $0xC78, v13;
	v14 =	vsel vm14, $0x2C78, v14;
	v15 =	vsel vm14, $0xC79, v15  }
0x12: {  	v16 =	vsel vm14, $0x2C79, v16;
	v17 =	vsel vm14, $0xC7A, v17;
	v18 =	vsel vm14, $0x2C7A, v18  }
0x13: {  	v19 =	vsel vm14, $0xC7B, v19;
	v20 =	vsel vm14, $0x2C7B, v20;
	v21 =	vsel vm14, $0xC7C, v21  }
0x14: {  	v22 =	vsel vm14, $0x2C7C, v22;
	v23 =	vsel vm14, $0xC7D, v23;
	v24 =	vsel vm14, $0x2C7D, v24  }
0x15: {  	v25 =	vsel vm14, $0xC7E, v25;
	v26 =	vsel vm14, $0x2C7E, v26;
	v27 =	vsel vm14, $0xC7F, v27  }
0x16: {  	v28 =	vsel vm14, $0x2C7F, v28;
	v0 =	vsel vm13, $0x80, v0;
	v6 =	vsel vm13, $0x2080, v6  }
0x17: {  	v7 =	vsel vm13, $0x480, v7;
	v8 =	vsel vm13, $0x2480, v8;
	v9 =	vsel vm13, $0x880, v9  }
0x18: {  	v10 =	vsel vm13, $0x2880, v10;
	v11 =	vsel vm13, $0xC80, v11;
	v12 =	vsel vm13, $0x2C80, v12  }
0x19: {  	v13 =	vsel vm13, $0xCF8, v13;
	v14 =	vsel vm13, $0x2CF8, v14;
	v15 =	vsel vm13, $0xCF9, v15  }
0x1a: {  	v16 =	vsel vm13, $0x2CF9, v16;
	v17 =	vsel vm13, $0xCFA, v17;
	v18 =	vsel vm13, $0x2CFA, v18  }
0x1b: {  	v19 =	vsel vm13, $0xCFB, v19;
	v20 =	vsel vm13, $0x2CFB, v20;
	v21 =	vsel vm13, $0xCFC, v21  }
0x1c: {  	v22 =	vsel vm13, $0x2CFC, v22;
	v23 =	vsel vm13, $0xCFD, v23;
	v24 =	vsel vm13, $0x2CFD, v24  }
0x1d: {  	v25 =	vsel vm13, $0xCFE, v25;
	v26 =	vsel vm13, $0x2CFE, v26;
	v27 =	vsel vm13, $0xCFF, v27  }
0x1e: {  	v28 =	vsel vm13, $0x2CFF, v28;
	v1 =	vsel vm12, $0x100, v0;
	v0 =	vlaneseq.u32  }
0x1f: {  	v6 =	vsel vm12, $0x2100, v6;
	v7 =	vsel vm12, $0x500, v7;
	v8 =	vsel vm12, $0x2500, v8  }
0x20: {  	v9 =	vsel vm12, $0x900, v9;
	v10 =	vsel vm12, $0x2900, v10;
	v11 =	vsel vm12, $0xD00, v11  }
0x21: {  	v12 =	vsel vm12, $0x2D00, v12;
	v13 =	vsel vm12, $0xD78, v13;
	v14 =	vsel vm12, $0x2D78, v14  }
0x22: {  	v15 =	vsel vm12, $0xD79, v15;
	v16 =	vsel vm12, $0x2D79, v16;
	v17 =	vsel vm12, $0xD7A, v17  }
0x23: {  	v18 =	vsel vm12, $0x2D7A, v18;
	v19 =	vsel vm12, $0xD7B, v19;
	v20 =	vsel vm12, $0x2D7B, v20  }
0x24: {  	v21 =	vsel vm12, $0xD7C, v21;
	v22 =	vsel vm12, $0x2D7C, v22;
	v23 =	vsel vm12, $0xD7D, v23  }
0x25: {  	v24 =	vsel vm12, $0x2D7D, v24;
	v25 =	vsel vm12, $0xD7E, v25;
	v26 =	vsel vm12, $0x2D7E, v26  }
0x26: {  	v27 =	vsel vm12, $0xD7F, v27;
	v28 =	vsel vm12, $0x2D7F, v28;
	v2 =	vsel vm11, $0x180, v1  }
0x27: {  	v1 =	vadd.s32 $0x4, v0;
	v4 =	vor.u32 $0x10, v0;
	v6 =	vsel vm11, $0x2180, v6  }
0x28: {  	v7 =	vsel vm11, $0x580, v7;
	v8 =	vsel vm11, $0x2580, v8;
	v9 =	vsel vm11, $0x980, v9  }
0x29: {  	v10 =	vsel vm11, $0x2980, v10;
	v11 =	vsel vm11, $0xD80, v11;
	v12 =	vsel vm11, $0x2D80, v12  }
0x2a: {  	v13 =	vsel vm11, $0xDF8, v13;
	v14 =	vsel vm11, $0x2DF8, v14;
	v15 =	vsel vm11, $0xDF9, v15  }
0x2b: {  	v16 =	vsel vm11, $0x2DF9, v16;
	v17 =	vsel vm11, $0xDFA, v17;
	v18 =	vsel vm11, $0x2DFA, v18  }
0x2c: {  	v19 =	vsel vm11, $0xDFB, v19;
	v20 =	vsel vm11, $0x2DFB, v20;
	v21 =	vsel vm11, $0xDFC, v21  }
0x2d: {  	v22 =	vsel vm11, $0x2DFC, v22;
	v23 =	vsel vm11, $0xDFD, v23;
	v24 =	vsel vm11, $0x2DFD, v24  }
0x2e: {  	v25 =	vsel vm11, $0xDFE, v25;
	v26 =	vsel vm11, $0x2DFE, v26;
	v27 =	vsel vm11, $0xDFF, v27  }
0x2f: {  	v28 =	vsel vm11, $0x2DFF, v28;
	v3 =	vsel vm10, $0x200, v2;
	v2 =	vadd.s32 $0x8, v0  }
0x30: {  	v6 =	vsel vm10, $0x2200, v6;
	v7 =	vsel vm10, $0x600, v7;
	v8 =	vsel vm10, $0x2600, v8  }
0x31: {  	v9 =	vsel vm10, $0xA00, v9;
	v10 =	vsel vm10, $0x2A00, v10;
	v11 =	vsel vm10, $0xE00, v11  }
0x32: {  	v12 =	vsel vm10, $0x2E00, v12;
	v13 =	vsel vm10, $0xE78, v13;
	v14 =	vsel vm10, $0x2E78, v14  }
0x33: {  	v15 =	vsel vm10, $0xE79, v15;
	v16 =	vsel vm10, $0x2E79, v16;
	v17 =	vsel vm10, $0xE7A, v17  }
0x34: {  	v18 =	vsel vm10, $0x2E7A, v18;
	v19 =	vsel vm10, $0xE7B, v19;
	v20 =	vsel vm10, $0x2E7B, v20  }
0x35: {  	v21 =	vsel vm10, $0xE7C, v21;
	v22 =	vsel vm10, $0x2E7C, v22;
	v23 =	vsel vm10, $0xE7D, v23  }
0x36: {  	v24 =	vsel vm10, $0x2E7D, v24;
	v25 =	vsel vm10, $0xE7E, v25;
	v26 =	vsel vm10, $0x2E7E, v26  }
0x37: {  	v27 =	vsel vm10, $0xE7F, v27;
	v28 =	vsel vm10, $0x2E7F, v28;
	v5 =	vsel vm9, $0x280, v3  }
0x38: {  	v3 =	vadd.s32 $0xC, v0;
	v6 =	vsel vm9, $0x2280, v6;
	v7 =	vsel vm9, $0x680, v7  }
0x39: {  	v8 =	vsel vm9, $0x2680, v8;
	v9 =	vsel vm9, $0xA80, v9;
	v10 =	vsel vm9, $0x2A80, v10  }
0x3a: {  	v11 =	vsel vm9, $0xE80, v11;
	v12 =	vsel vm9, $0x2E80, v12;
	v13 =	vsel vm9, $0xEF8, v13  }
0x3b: {  	v14 =	vsel vm9, $0x2EF8, v14;
	v15 =	vsel vm9, $0xEF9, v15;
	v16 =	vsel vm9, $0x2EF9, v16  }
0x3c: {  	v17 =	vsel vm9, $0xEFA, v17;
	v18 =	vsel vm9, $0x2EFA, v18;
	v19 =	vsel vm9, $0xEFB, v19  }
0x3d: {  	v20 =	vsel vm9, $0x2EFB, v20;
	v21 =	vsel vm9, $0xEFC, v21;
	v22 =	vsel vm9, $0x2EFC, v22  }
0x3e: {  	v23 =	vsel vm9, $0xEFD, v23;
	v24 =	vsel vm9, $0x2EFD, v24;
	v25 =	vsel vm9, $0xEFE, v25  }
0x3f: {  	v26 =	vsel vm9, $0x2EFE, v26;
	v27 =	vsel vm9, $0xEFF, v27;
	v28 =	vsel vm9, $0x2EFF, v28  }
0x40: {  	v5 =	vsel vm8, $0x300, v5;
	v6 =	vsel vm8, $0x2300, v6;
	v7 =	vsel vm8, $0x700, v7  }
0x41: {  	v8 =	vsel vm8, $0x2700, v8;
	v9 =	vsel vm8, $0xB00, v9;
	v10 =	vsel vm8, $0x2B00, v10  }
0x42: {  	v11 =	vsel vm8, $0xF00, v11;
	v12 =	vsel vm8, $0x2F00, v12;
	v13 =	vsel vm8, $0xF78, v13  }
0x43: {  	v14 =	vsel vm8, $0x2F78, v14;
	v15 =	vsel vm8, $0xF79, v15;
	v16 =	vsel vm8, $0x2F79, v16  }
0x44: {  	v17 =	vsel vm8, $0xF7A, v17;
	v18 =	vsel vm8, $0x2F7A, v18;
	v19 =	vsel vm8, $0xF7B, v19  }
0x45: {  	v20 =	vsel vm8, $0x2F7B, v20;
	v21 =	vsel vm8, $0xF7C, v21;
	v22 =	vsel vm8, $0x2F7C, v22  }
0x46: {  	v23 =	vsel vm8, $0xF7D, v23;
	v24 =	vsel vm8, $0x2F7D, v24;
	v25 =	vsel vm8, $0xF7E, v25  }
0x47: {  	v26 =	vsel vm8, $0x2F7E, v26;
	v27 =	vsel vm8, $0xF7F, v27;
	v28 =	vsel vm8, $0x2F7F, v28  }
0x48: {  	v5 =	vsel vm0, $0x380, v5;
	v6 =	vsel vm0, $0x2380, v6;
	v7 =	vsel vm0, $0x780, v7  }
0x49: {  	v8 =	vsel vm0, $0x2780, v8;
	v9 =	vsel vm0, $0xB80, v9;
	v10 =	vsel vm0, $0x2B80, v10  }
0x4a: {  	v11 =	vsel vm0, $0xF80, v11;
	v12 =	vsel vm0, $0x2F80, v12;
	v13 =	vsel vm0, $0xFF8, v13  }
0x4b: {  	v14 =	vsel vm0, $0x2FF8, v14;
	v15 =	vsel vm0, $0xFF9, v15;
	v16 =	vsel vm0, $0x2FF9, v16  }
0x4c: {  	v17 =	vsel vm0, $0xFFA, v17;
	v18 =	vsel vm0, $0x2FFA, v18;
	v19 =	vsel vm0, $0xFFB, v19  }
0x4d: {  	v20 =	vsel vm0, $0x2FFB, v20;
	v21 =	vsel vm0, $0xFFC, v21;
	v22 =	vsel vm0, $0x2FFC, v22  }
0x4e: {  	v23 =	vsel vm0, $0xFFD, v23;
	v24 =	vsel vm0, $0x2FFD, v24;
	v25 =	vsel vm0, $0xFFE, v25  }
0x4f: {  	v26 =	vsel vm0, $0x2FFE, v26;
	v27 =	vsel vm0, $0xFFF, v27;
	v28 =	vsel vm0, $0x2FFF, v28  }
0x50: {  	v5 =	vsel vm1, $0x1000, v5;
	v6 =	vsel vm1, $0x3000, v6;
	v7 =	vsel vm1, $0x1400, v7  }
0x51: {  	v8 =	vsel vm1, $0x3400, v8;
	v9 =	vsel vm1, $0x1800, v9;
	v10 =	vsel vm1, $0x3800, v10  }
0x52: {  	v11 =	vsel vm1, $0x1C00, v11;
	v12 =	vsel vm1, $0x3C00, v12;
	v13 =	vsel vm1, $0x1C78, v13  }
0x53: {  	v14 =	vsel vm1, $0x3C78, v14;
	v15 =	vsel vm1, $0x1C79, v15;
	v16 =	vsel vm1, $0x3C79, v16  }
0x54: {  	v17 =	vsel vm1, $0x1C7A, v17;
	v18 =	vsel vm1, $0x3C7A, v18;
	v19 =	vsel vm1, $0x1C7B, v19  }
0x55: {  	v20 =	vsel vm1, $0x3C7B, v20;
	v21 =	vsel vm1, $0x1C7C, v21;
	v22 =	vsel vm1, $0x3C7C, v22  }
0x56: {  	v23 =	vsel vm1, $0x1C7D, v23;
	v24 =	vsel vm1, $0x3C7D, v24;
	v25 =	vsel vm1, $0x1C7E, v25  }
0x57: {  	v26 =	vsel vm1, $0x3C7E, v26;
	v27 =	vsel vm1, $0x1C7F, v27;
	v28 =	vsel vm1, $0x3C7F, v28  }
0x58: {  	v5 =	vsel vm2, $0x1080, v5;
	v6 =	vsel vm2, $0x3080, v6;
	v7 =	vsel vm2, $0x1480, v7  }
0x59: {  	v8 =	vsel vm2, $0x3480, v8;
	v9 =	vsel vm2, $0x1880, v9;
	v10 =	vsel vm2, $0x3880, v10  }
0x5a: {  	v11 =	vsel vm2, $0x1C80, v11;
	v12 =	vsel vm2, $0x3C80, v12;
	v13 =	vsel vm2, $0x1CF8, v13  }
0x5b: {  	v14 =	vsel vm2, $0x3CF8, v14;
	v15 =	vsel vm2, $0x1CF9, v15;
	v16 =	vsel vm2, $0x3CF9, v16  }
0x5c: {  	v17 =	vsel vm2, $0x1CFA, v17;
	v18 =	vsel vm2, $0x3CFA, v18;
	v19 =	vsel vm2, $0x1CFB, v19  }
0x5d: {  	v20 =	vsel vm2, $0x3CFB, v20;
	v21 =	vsel vm2, $0x1CFC, v21;
	v22 =	vsel vm2, $0x3CFC, v22  }
0x5e: {  	v23 =	vsel vm2, $0x1CFD, v23;
	v24 =	vsel vm2, $0x3CFD, v24;
	v25 =	vsel vm2, $0x1CFE, v25  }
0x5f: {  	v26 =	vsel vm2, $0x3CFE, v26;
	v27 =	vsel vm2, $0x1CFF, v27;
	v28 =	vsel vm2, $0x3CFF, v28  }
0x60: {  	v5 =	vsel vm3, $0x1100, v5;
	v6 =	vsel vm3, $0x3100, v6;
	v7 =	vsel vm3, $0x1500, v7  }
0x61: {  	v8 =	vsel vm3, $0x3500, v8;
	v9 =	vsel vm3, $0x1900, v9;
	v10 =	vsel vm3, $0x3900, v10  }
0x62: {  	v11 =	vsel vm3, $0x1D00, v11;
	v12 =	vsel vm3, $0x3D00, v12;
	v13 =	vsel vm3, $0x1D78, v13  }
0x63: {  	v14 =	vsel vm3, $0x3D78, v14;
	v15 =	vsel vm3, $0x1D79, v15;
	v16 =	vsel vm3, $0x3D79, v16  }
0x64: {  	v17 =	vsel vm3, $0x1D7A, v17;
	v18 =	vsel vm3, $0x3D7A, v18;
	v19 =	vsel vm3, $0x1D7B, v19  }
0x65: {  	v20 =	vsel vm3, $0x3D7B, v20;
	v21 =	vsel vm3, $0x1D7C, v21;
	v22 =	vsel vm3, $0x3D7C, v22  }
0x66: {  	v23 =	vsel vm3, $0x1D7D, v23;
	v24 =	vsel vm3, $0x3D7D, v24;
	v25 =	vsel vm3, $0x1D7E, v25  }
0x67: {  	v26 =	vsel vm3, $0x3D7E, v26;
	v27 =	vsel vm3, $0x1D7F, v27;
	v28 =	vsel vm3, $0x3D7F, v28  }
0x68: {  	v5 =	vsel vm4, $0x1180, v5;
	v6 =	vsel vm4, $0x3180, v6;
	v7 =	vsel vm4, $0x1580, v7  }
0x69: {  	v8 =	vsel vm4, $0x3580, v8;
	v9 =	vsel vm4, $0x1980, v9;
	v10 =	vsel vm4, $0x3980, v10  }
0x6a: {  	v11 =	vsel vm4, $0x1D80, v11;
	v12 =	vsel vm4, $0x3D80, v12;
	v13 =	vsel vm4, $0x1DF8, v13  }
0x6b: {  	v14 =	vsel vm4, $0x3DF8, v14;
	v15 =	vsel vm4, $0x1DF9, v15;
	v16 =	vsel vm4, $0x3DF9, v16  }
0x6c: {  	v17 =	vsel vm4, $0x1DFA, v17;
	v18 =	vsel vm4, $0x3DFA, v18;
	v19 =	vsel vm4, $0x1DFB, v19  }
0x6d: {  	v20 =	vsel vm4, $0x3DFB, v20;
	v21 =	vsel vm4, $0x1DFC, v21;
	v22 =	vsel vm4, $0x3DFC, v22  }
0x6e: {  	v23 =	vsel vm4, $0x1DFD, v23;
	v24 =	vsel vm4, $0x3DFD, v24;
	v25 =	vsel vm4, $0x1DFE, v25  }
0x6f: {  	v26 =	vsel vm4, $0x3DFE, v26;
	v27 =	vsel vm4, $0x1DFF, v27;
	v28 =	vsel vm4, $0x3DFF, v28  }
0x70: {  	v5 =	vsel vm5, $0x1200, v5;
	v6 =	vsel vm5, $0x3200, v6;
	v7 =	vsel vm5, $0x1600, v7  }
0x71: {  	v8 =	vsel vm5, $0x3600, v8;
	v9 =	vsel vm5, $0x1A00, v9;
	v10 =	vsel vm5, $0x3A00, v10  }
0x72: {  	v11 =	vsel vm5, $0x1E00, v11;
	v12 =	vsel vm5, $0x3E00, v12;
	v13 =	vsel vm5, $0x1E78, v13  }
0x73: {  	v14 =	vsel vm5, $0x3E78, v14;
	v15 =	vsel vm5, $0x1E79, v15;
	v16 =	vsel vm5, $0x3E79, v16  }
0x74: {  	v17 =	vsel vm5, $0x1E7A, v17;
	v18 =	vsel vm5, $0x3E7A, v18;
	v19 =	vsel vm5, $0x1E7B, v19  }
0x75: {  	s0 =	rddreg [dreg:$0x0];
	v20 =	vsel vm5, $0x3E7B, v20;
	v21 =	vsel vm5, $0x1E7C, v21;
	v22 =	vsel vm5, $0x3E7C, v22  }
0x76: {  	s1 =	srdreg.scid;
	s2 =	rddreg [dreg:$0x1];
	v23 =	vsel vm5, $0x1E7D, v23;
	v24 =	vsel vm5, $0x3E7D, v24;
	v25 =	vsel vm5, $0x1E7E, v25  }
0x77: {  	s3 =	stileid.u32;
	s4 =	rddreg [dreg:$0x2];
	v26 =	vsel vm5, $0x3E7E, v26;
	v27 =	vsel vm5, $0x1E7F, v27;
	v28 =	vsel vm5, $0x3E7F, v28  }
0x78: {  	s20 =	simm.s32 $0x7;
	s10 =	simm.s32 $0x280;
	s14 =	simm.s32 $0x8280;
	v5 =	vsel vm6, $0x1280, v5;
	v6 =	vsel vm6, $0x3280, v6;
	v7 =	vsel vm6, $0x1680, v7  }
0x79: {  	s15 =	simm.s32 $0xC280;
	s16 =	simm.s32 $0x10280;
	s17 =	simm.s32 $0x14280;
	v8 =	vsel vm6, $0x3680, v8;
	v9 =	vsel vm6, $0x1A80, v9;
	v10 =	vsel vm6, $0x3A80, v10  }
0x7a: {  	s23 =	simm.s32 $0x16680;
	s24 =	simm.s32 $0x17680;
	s28 =	simm.s32 $0x15A80;
	v11 =	vsel vm6, $0x1E80, v11;
	v12 =	vsel vm6, $0x3E80, v12;
	v13 =	vsel vm6, $0x1EF8, v13  }
0x7b: {  	s29 =	simm.s32 $0x16A80;
	s30 =	simm.s32 $0x17A80;
	s31 =	simm.s32 $0x14E80;
	v14 =	vsel vm6, $0x3EF8, v14;
	v15 =	vsel vm6, $0x1EF9, v15;
	v16 =	vsel vm6, $0x3EF9, v16  }
0x7c: {  	s8 =	simm.s32 $0x1;
	s9 =	simm.s32 $0x4;
	s11 =	simm.s32 $0x5;
	v17 =	vsel vm6, $0x1EFA, v17;
	v18 =	vsel vm6, $0x3EFA, v18;
	v19 =	vsel vm6, $0x1EFB, v19  }
0x7d: {  	s12 =	simm.s32 $0x6;
	s1 =	sand.u32 $0x1, s1;
	s3 =	sshll.u32 s3, $0x1;
	v20 =	vsel vm6, $0x3EFB, v20;
	v21 =	vsel vm6, $0x1EFC, v21;
	v22 =	vsel vm6, $0x3EFC, v22  }
0x7e: {  	s18 =	simm.s32 $0x0;
	s3 =	sor.u32 s1, s3;
	s1 =	ssub.s32 $0x2, s1;
	v23 =	vsel vm6, $0x1EFD, v23;
	v24 =	vsel vm6, $0x3EFD, v24;
	v25 =	vsel vm6, $0x1EFE, v25  }
0x7f: {  	s5 =	sshll.u32 s3, $0x9;
	s6 =	sshll.u32 s3, $0x7;
	s3 =	simm.s32 $0x0;
	v26 =	vsel vm6, $0x3EFE, v26;
	v27 =	vsel vm6, $0x1EFF, v27;
	v28 =	vsel vm6, $0x3EFF, v28  }
0x80: {  	s25 =	sshrl.u32 s1, $0x1;
	s7 =	sand.u32 $0x3000, s5;
	s6 =	sand.u32 $0x380, s6;
	v5 =	vsel vm7, $0x1300, v5;
	v6 =	vsel vm7, $0x3300, v6;
	v7 =	vsel vm7, $0x1700, v7  }
0x81: {  	[smem:$0x7FF] =	sst s3;
	s4 =	sadd.s32 s5, s4;
	s1 =	ssub.s32 s1, s25;
	v8 =	vsel vm7, $0x3700, v8;
	v9 =	vsel vm7, $0x1B00, v9;
	v10 =	vsel vm7, $0x3B00, v10  }
0x82: {  	s25 =	simm.s32 $0x14A80;
	s5 =	simm.s32 $0x2;
	_ =	strace $0x80000047;
	v11 =	vsel vm7, $0x1F00, v11;
	v12 =	vsel vm7, $0x3F00, v12;
	v13 =	vsel vm7, $0x1F78, v13  }
.Ltmp0:
0x83: {  	s6 =	sor.u32 s6, s7;
	s26 =	sadd.s32 $0xE00, s4;
	v14 =	vsel vm7, $0x3F78, v14;
	v15 =	vsel vm7, $0x1F79, v15;
	v16 =	vsel vm7, $0x3F79, v16;
	(pc) =	sbr.rel .LBB2_1-.Ltmp0, $4  }
0x84: {  	s1 =	smax.u32 s1, $0x1;
	s7 =	simm.s32 $0x17E80;
	[dreg:$0x5] =	wrdreg s26;
	v17 =	vsel vm7, $0x1F7A, v17;
	v18 =	vsel vm7, $0x3F7A, v18;
	v19 =	vsel vm7, $0x1F7B, v19  }
0x85: {  	s4 =	simm.s32 $0x18280;
	s6 =	sshrl.u32 s6, $0x3;
	[dreg:$0x6] =	wrdreg s1;
	v20 =	vsel vm7, $0x3F7B, v20;
	v21 =	vsel vm7, $0x1F7C, v21;
	v22 =	vsel vm7, $0x3F7C, v22  }
0x86: {  	s26 =	simm.s32 $0x4280;
	s1 =	simm.s32 $0x16E80;
	s2 =	sadd.s32 s2, s6;
	v23 =	vsel vm7, $0x1F7D, v23;
	v24 =	vsel vm7, $0x3F7D, v24;
	v25 =	vsel vm7, $0x1F7E, v25  }
0x87: {  	s6 =	simm.s32 $0x3;
	[dreg:$0x4] =	wrdreg s2;
	s2 =	simm.s32 $0x15E80;
	v26 =	vsel vm7, $0x3F7E, v26;
	v27 =	vsel vm7, $0x1F7F, v27;
	v28 =	vsel vm7, $0x3F7F, v28  }
.LBB2_9:
0x88: {  	_ =	swait.ge [sflag:s8], $0x1000  }
0x89: {  	[sflag:s8] =	ssyncset.done $0x0  }
0x8a: {  	[sflag:s8] =	ssyncadd.s32 $0xFFFFF000  }
0x8b: {  	_ =	swait.ge [sflag:s8], $0x1000  }
0x8c: {  	[sflag:s8] =	ssyncset.done $0x0  }
0x8d: {  	[sflag:s8] =	ssyncadd.s32 $0xFFFFF000  }
0x8e: {  	_ =	swait.ge [sflag:s8], $0x1000  }
0x8f: {  	v29 =	vadd.s32 $0x1F8, v0;
	[sflag:s8] =	ssyncset.done $0x0  }
0x90: {  	[sflag:s8] =	ssyncadd.s32 $0xFFFFF000  }
0x91: {  	_ =	swait.ge [sflag:s8], $0x1000  }
0x92: {  	[sflag:s8] =	ssyncset.done $0x0  }
0x93: {  	[sflag:s8] =	ssyncadd.s32 $0xFFFFF000  }
0x94: {  	v29 =	vld.idx.msk [tilespmem:v29+s3+$0x0], $0xffff;
	_ =	sdelay $0x4  }
0x95: {  	(v2sf) =	vpush v29, $0x0;
	_ =	sdelay $0xe  }
0x96: {  	s13 =	spop (v2sf)  }
0x97: {  	s13 =	sand.u32 $0x7F, s13  }
0x98: {  	v30 =	vor.u32 s13, v5  }
0x99: {  	v31 =	vor.u32 s13, v6;
	_ =	sdelay $0x2  }
0x9a: {  	v29 =	vand.u32 $0x7F, v29  }
0x9b: {  	v32 =	vbroadcast v29, $0x1;
	v30 =	vld.idx.msk [tilespmem:v30+s10+$0x0], $0xffff  }
0x9c: {  	v31 =	vld.idx.msk [tilespmem:v31+s10+$0x0], $0xffff  }
0x9d: {  	v33 =	vor.u32 v7, v32  }
0x9e: {  	v32 =	vor.u32 v8, v32;
	_ =	sdelay $0x1  }
0x9f: {  	[tilespmem:v13+s4+$0x0] =	vst.idx.msk $0xffff, v30  }
0xa0: {  	[tilespmem:v14+s4+$0x0] =	vst.idx.msk $0xffff, v31  }
0xa1: {  	v31 =	vbroadcast v29, $0x2;
	v30 =	vld.idx.msk [tilespmem:v33+s10+$0x0], $0xffff  }
0xa2: {  	v32 =	vld.idx.msk [tilespmem:v32+s10+$0x0], $0xffff  }
0xa3: {  	v58 =	vor.u32 v9, v31  }
0xa4: {  	v31 =	vor.u32 v10, v31;
	_ =	sdelay $0x1  }
0xa5: {  	[tilespmem:v15+s4+$0x0] =	vst.idx.msk $0xffff, v30  }
0xa6: {  	[tilespmem:v16+s4+$0x0] =	vst.idx.msk $0xffff, v32  }
0xa7: {  	v29 =	vbroadcast v29, $0x3;
	v30 =	vld.idx.msk [tilespmem:v58+s10+$0x0], $0xffff  }
0xa8: {  	v31 =	vld.idx.msk [tilespmem:v31+s10+$0x0], $0xffff  }
0xa9: {  	v59 =	vor.u32 v11, v29  }
0xaa: {  	v29 =	vor.u32 v12, v29;
	_ =	sdelay $0x1  }
0xab: {  	[tilespmem:v17+s4+$0x0] =	vst.idx.msk $0xffff, v30  }
0xac: {  	[tilespmem:v18+s4+$0x0] =	vst.idx.msk $0xffff, v31  }
0xad: {  	v30 =	vld.idx.msk [tilespmem:v59+s10+$0x0], $0xffff  }
0xae: {  	v29 =	vld.idx.msk [tilespmem:v29+s10+$0x0], $0xffff;
	_ =	sdelay $0x3  }
0xaf: {  	[tilespmem:v19+s4+$0x0] =	vst.idx.msk $0xffff, v30  }
0xb0: {  	[tilespmem:v20+s4+$0x0] =	vst.idx.msk $0xffff, v29  }
0xb1: {  	_ =	swait.ge [sflag:s5], $0x1000  }
0xb2: {  	[sflag:s5] =	ssyncset.done $0x0  }
0xb3: {  	[sflag:s5] =	ssyncadd.s32 $0xFFFFF000  }
0xb4: {  	_ =	swait.ge [sflag:s5], $0x1000  }
0xb5: {  	[sflag:s5] =	ssyncset.done $0x0  }
0xb6: {  	[sflag:s5] =	ssyncadd.s32 $0xFFFFF000  }
0xb7: {  	_ =	swait.ge [sflag:s5], $0x1000  }
0xb8: {  	v29 =	vadd.s32 $0x1FC, v0;
	[sflag:s5] =	ssyncset.done $0x0  }
0xb9: {  	[sflag:s5] =	ssyncadd.s32 $0xFFFFF000  }
0xba: {  	_ =	swait.ge [sflag:s5], $0x1000  }
0xbb: {  	[sflag:s5] =	ssyncset.done $0x0  }
0xbc: {  	[sflag:s5] =	ssyncadd.s32 $0xFFFFF000  }
0xbd: {  	v29 =	vld.idx.msk [tilespmem:v29+s3+$0x0], $0xffff;
	_ =	sdelay $0x4  }
0xbe: {  	(v2sf) =	vpush v29, $0x0;
	_ =	sdelay $0xe  }
0xbf: {  	s19 =	spop (v2sf)  }
0xc0: {  	s13 =	sand.u32 $0x7F, s19  }
0xc1: {  	v30 =	vor.u32 s13, v5  }
0xc2: {  	v31 =	vor.u32 s13, v6;
	_ =	sdelay $0x2  }
0xc3: {  	v29 =	vand.u32 $0x7F, v29  }
0xc4: {  	v60 =	vbroadcast v29, $0x1;
	v30 =	vld.idx.msk [tilespmem:v30+s26+$0x0], $0xffff  }
0xc5: {  	v31 =	vld.idx.msk [tilespmem:v31+s26+$0x0], $0xffff  }
0xc6: {  	v61 =	vor.u32 v7, v60  }
0xc7: {  	v32 =	vor.u32 v8, v60;
	_ =	sdelay $0x1  }
0xc8: {  	[tilespmem:v21+s4+$0x0] =	vst.idx.msk $0xffff, v30  }
0xc9: {  	[tilespmem:v22+s4+$0x0] =	vst.idx.msk $0xffff, v31  }
0xca: {  	v31 =	vbroadcast v29, $0x2;
	v30 =	vld.idx.msk [tilespmem:v61+s26+$0x0], $0xffff  }
0xcb: {  	v32 =	vld.idx.msk [tilespmem:v32+s26+$0x0], $0xffff  }
0xcc: {  	v62 =	vor.u32 v9, v31  }
0xcd: {  	v31 =	vor.u32 v10, v31;
	_ =	sdelay $0x1  }
0xce: {  	[tilespmem:v23+s4+$0x0] =	vst.idx.msk $0xffff, v30  }
0xcf: {  	[tilespmem:v24+s4+$0x0] =	vst.idx.msk $0xffff, v32  }
0xd0: {  	v29 =	vbroadcast v29, $0x3;
	v30 =	vld.idx.msk [tilespmem:v62+s26+$0x0], $0xffff  }
0xd1: {  	v31 =	vld.idx.msk [tilespmem:v31+s26+$0x0], $0xffff  }
0xd2: {  	v63 =	vor.u32 v11, v29  }
0xd3: {  	v29 =	vor.u32 v12, v29;
	_ =	sdelay $0x1  }
0xd4: {  	[tilespmem:v25+s4+$0x0] =	vst.idx.msk $0xffff, v30  }
0xd5: {  	[tilespmem:v26+s4+$0x0] =	vst.idx.msk $0xffff, v31  }
0xd6: {  	v30 =	vld.idx.msk [tilespmem:v63+s26+$0x0], $0xffff  }
0xd7: {  	v29 =	vld.idx.msk [tilespmem:v29+s26+$0x0], $0xffff;
	_ =	sdelay $0x3  }
0xd8: {  	[tilespmem:v27+s4+$0x0] =	vst.idx.msk $0xffff, v30  }
0xd9: {  	s18 =	simm.s32 $0x1000;
	s20 =	rddreg [dreg:$0x5];
	s19 =	simm.s32 $0x20000;
	[tilespmem:v28+s4+$0x0] =	vst.idx.msk $0xffff, v29  }
0xda: {  	[hbm4b:s20+s18] =	stream.strided.scatter [tilespmem:s4], [sflag:$0x7], $0x4000, s19, s18, $0x38;
	[tilespmem:$0x1C280] =	vst v63  }
0xdb: {  	s20 =	simm.s32 $0x7  }
0xdc: {  	_ =	swait.ge [sflag:s20], $0x4000  }
0xdd: {  	s21 =	rddreg [dreg:$0x7]  }
0xde: {  	s22 =	rddreg [dreg:$0x6];
	s18 =	sadd.s32 $0x1, s21  }
0xdf: {  	p0 =	sne.s32 s18, s22  }
.Ltmp1:
0xe0: {  	_ = 	snop;
	(pc) =	sbr.rel @!p0 .LBB2_10-.Ltmp1, $3  }
0xe1: {  	_ =	sdelay $0x1  }
0xe2: {  	[sflag:s20] =	ssyncset.done $0x0  }
0xe3: {  	[sflag:s20] =	ssyncadd.s32 $0xFFFFC000  }
.LBB2_1:
0xe4: {  	[dreg:$0x7] =	wrdreg s18  }
0xe5: {  	s13 =	rddreg [dreg:$0x4];
	s22 =	simm.s32 $0x80;
	s19 =	simm.s32 $0x400  }
0xe6: {  	[tilespmem:s3], [sflag:$0x7] =	stream.strided.gather [hbm4b:s13+s22], $0x200, s19, s22, $0x38;
	[tilespmem:$0x1C280] =	vst v63  }
0xe7: {  	_ =	swait.ge [sflag:s20], $0x200  }
0xe8: {  	[sflag:s20] =	ssyncset.done $0x0  }
0xe9: {  	[sflag:s20] =	ssyncadd.s32 $0xFFFFFE00  }
0xea: {  	v29 =	vld.idx.msk [tilespmem:v0+s3+$0x0], $0xffff;
	_ =	sdelay $0x4  }
0xeb: {  	(v2sf) =	vpush v29, $0x0;
	_ =	sdelay $0x7  }
0xec: {  	(v2sf) =	vpush v29, $0x1;
	_ =	sdelay $0x6  }
0xed: {  	s20 =	spop (v2sf)  }
0xee: {  	s13 =	sand.u32 $0xFFFFF80, s20  }
0xef: {  	(v2sf) =	vpush v29, $0x2;
	s13 =	sadd.s32 s0, s13  }
0xf0: {  	[tilespmem:s10], [sflag:$0x1] =	stream.linear.gather [hbm4b:s13+s3], $0x400, $0x38;
	[tilespmem:$0x1C280] =	vst v63  }
0xf1: {  	s22 =	simm.s32 $0x1280;
	s21 =	sadd.s32 $0xF4280, s13  }
0xf2: {  	[tilespmem:s22], [sflag:$0x1] =	stream.linear.gather [hbm4b:s21+s3], $0x400, $0x38;
	[tilespmem:$0x1C280] =	vst v63  }
0xf3: {  	s20 =	sadd.s32 $0x1E8500, s13;
	s21 =	simm.s32 $0x2280  }
0xf4: {  	[tilespmem:s21], [sflag:$0x1] =	stream.linear.gather [hbm4b:s20+s3], $0x400, $0x38;
	[tilespmem:$0x1C280] =	vst v63  }
0xf5: {  	s19 =	spop (v2sf);
	s13 =	sadd.s32 $0x2DC780, s13;
	s22 =	simm.s32 $0x3280  }
0xf6: {  	[tilespmem:s22], [sflag:$0x1] =	stream.linear.gather [hbm4b:s13+s3], $0x400, $0x38;
	[tilespmem:$0x1C280] =	vst v63  }
0xf7: {  	s13 =	sand.u32 $0xFFFFF80, s19  }
0xf8: {  	(v2sf) =	vpush v29, $0x3;
	s20 =	simm.s32 $0x680;
	s13 =	sadd.s32 s0, s13  }
0xf9: {  	[tilespmem:s20], [sflag:$0x1] =	stream.linear.gather [hbm4b:s13+s3], $0x400, $0x38;
	[tilespmem:$0x1C280] =	vst v63  }
0xfa: {  	s22 =	simm.s32 $0x1680;
	s21 =	sadd.s32 $0xF4280, s13  }
0xfb: {  	[tilespmem:s22], [sflag:$0x1] =	stream.linear.gather [hbm4b:s21+s3], $0x400, $0x38;
	[tilespmem:$0x1C280] =	vst v63  }
0xfc: {  	s20 =	sadd.s32 $0x1E8500, s13;
	s21 =	simm.s32 $0x2680  }
0xfd: {  	[tilespmem:s21], [sflag:$0x1] =	stream.linear.gather [hbm4b:s20+s3], $0x400, $0x38;
	[tilespmem:$0x1C280] =	vst v63  }
0xfe: {  	s13 =	sadd.s32 $0x2DC780, s13;
	s22 =	simm.s32 $0x3680;
	s19 =	spop (v2sf)  }
0xff: {  	[tilespmem:s22], [sflag:$0x1] =	stream.linear.gather [hbm4b:s13+s3], $0x400, $0x38;
	[tilespmem:$0x1C280] =	vst v63  }
0x100: {  	s13 =	sand.u32 $0xFFFFF80, s19  }
0x101: {  	s20 =	simm.s32 $0xA80;
	s13 =	sadd.s32 s0, s13  }
0x102: {  	[tilespmem:s20], [sflag:$0x1] =	stream.linear.gather [hbm4b:s13+s3], $0x400, $0x38;
	[tilespmem:$0x1C280] =	vst v63  }
0x103: {  	s22 =	simm.s32 $0x1A80;
	s21 =	sadd.s32 $0xF4280, s13  }
0x104: {  	[tilespmem:s22], [sflag:$0x1] =	stream.linear.gather [hbm4b:s21+s3], $0x400, $0x38;
	[tilespmem:$0x1C280] =	vst v63  }
0x105: {  	s20 =	sadd.s32 $0x1E8500, s13;
	s21 =	simm.s32 $0x2A80  }
0x106: {  	[tilespmem:s21], [sflag:$0x1] =	stream.linear.gather [hbm4b:s20+s3], $0x400, $0x38;
	[tilespmem:$0x1C280] =	vst v63  }
0x107: {  	s19 =	spop (v2sf);
	s13 =	sadd.s32 $0x2DC780, s13;
	s22 =	simm.s32 $0x3A80  }
0x108: {  	[tilespmem:s22], [sflag:$0x1] =	stream.linear.gather [hbm4b:s13+s3], $0x400, $0x38;
	[tilespmem:$0x1C280] =	vst v63  }
0x109: {  	s13 =	sand.u32 $0xFFFFF80, s19  }
0x10a: {  	s20 =	simm.s32 $0xE80;
	s13 =	sadd.s32 s0, s13  }
0x10b: {  	[tilespmem:s20], [sflag:$0x1] =	stream.linear.gather [hbm4b:s13+s3], $0x400, $0x38;
	[tilespmem:$0x1C280] =	vst v63  }
0x10c: {  	s22 =	simm.s32 $0x1E80;
	s21 =	sadd.s32 $0xF4280, s13  }
0x10d: {  	[tilespmem:s22], [sflag:$0x1] =	stream.linear.gather [hbm4b:s21+s3], $0x400, $0x38;
	[tilespmem:$0x1C280] =	vst v63  }
0x10e: {  	s20 =	sadd.s32 $0x1E8500, s13;
	s21 =	simm.s32 $0x2E80  }
0x10f: {  	[tilespmem:s21], [sflag:$0x1] =	stream.linear.gather [hbm4b:s20+s3], $0x400, $0x38;
	[tilespmem:$0x1C280] =	vst v63  }
0x110: {  	s13 =	sadd.s32 $0x2DC780, s13;
	s22 =	simm.s32 $0x3E80  }
0x111: {  	[tilespmem:s22], [sflag:$0x1] =	stream.linear.gather [hbm4b:s13+s3], $0x400, $0x38;
	[tilespmem:$0x1C280] =	vst v63  }
0x112: {  	v29 =	vld.idx.msk [tilespmem:v1+s3+$0x0], $0xffff;
	_ =	sdelay $0x4  }
0x113: {  	(v2sf) =	vpush v29, $0x0;
	_ =	sdelay $0x7  }
0x114: {  	(v2sf) =	vpush v29, $0x1;
	_ =	sdelay $0x6  }
0x115: {  	s18 =	spop (v2sf)  }
0x116: {  	s13 =	sand.u32 $0xFFFFF80, s18  }
0x117: {  	(v2sf) =	vpush v29, $0x2;
	s13 =	sadd.s32 s0, s13  }
0x118: {  	[tilespmem:s26], [sflag:$0x2] =	stream.linear.gather [hbm4b:s13+s3], $0x400, $0x38;
	[tilespmem:$0x1C280] =	vst v63  }
0x119: {  	s20 =	simm.s32 $0x5280;
	s19 =	sadd.s32 $0xF4280, s13  }
0x11a: {  	[tilespmem:s20], [sflag:$0x2] =	stream.linear.gather [hbm4b:s19+s3], $0x400, $0x38;
	[tilespmem:$0x1C280] =	vst v63  }
0x11b: {  	s22 =	simm.s32 $0x6280;
	s21 =	sadd.s32 $0x1E8500, s13  }
0x11c: {  	[tilespmem:s22], [sflag:$0x2] =	stream.linear.gather [hbm4b:s21+s3], $0x400, $0x38;
	[tilespmem:$0x1C280] =	vst v63  }
0x11d: {  	s13 =	sadd.s32 $0x2DC780, s13;
	s20 =	simm.s32 $0x7280;
	s21 =	spop (v2sf)  }
0x11e: {  	[tilespmem:s20], [sflag:$0x2] =	stream.linear.gather [hbm4b:s13+s3], $0x400, $0x38;
	[tilespmem:$0x1C280] =	vst v63  }
0x11f: {  	s13 =	sand.u32 $0xFFFFF80, s21  }
0x120: {  	s22 =	simm.s32 $0x4680;
	(v2sf) =	vpush v29, $0x3;
	s13 =	sadd.s32 s0, s13  }
0x121: {  	[tilespmem:s22], [sflag:$0x2] =	stream.linear.gather [hbm4b:s13+s3], $0x400, $0x38;
	[tilespmem:$0x1C280] =	vst v63  }
0x122: {  	s20 =	simm.s32 $0x5680;
	s19 =	sadd.s32 $0xF4280, s13  }
0x123: {  	[tilespmem:s20], [sflag:$0x2] =	stream.linear.gather [hbm4b:s19+s3], $0x400, $0x38;
	[tilespmem:$0x1C280] =	vst v63  }
0x124: {  	s21 =	sadd.s32 $0x1E8500, s13;
	s22 =	simm.s32 $0x6680  }
0x125: {  	[tilespmem:s22], [sflag:$0x2] =	stream.linear.gather [hbm4b:s21+s3], $0x400, $0x38;
	[tilespmem:$0x1C280] =	vst v63  }
0x126: {  	s13 =	sadd.s32 $0x2DC780, s13;
	s20 =	simm.s32 $0x7680;
	s21 =	spop (v2sf)  }
0x127: {  	[tilespmem:s20], [sflag:$0x2] =	stream.linear.gather [hbm4b:s13+s3], $0x400, $0x38;
	[tilespmem:$0x1C280] =	vst v63  }
0x128: {  	s13 =	sand.u32 $0xFFFFF80, s21  }
0x129: {  	s22 =	simm.s32 $0x4A80;
	s13 =	sadd.s32 s0, s13  }
0x12a: {  	[tilespmem:s22], [sflag:$0x2] =	stream.linear.gather [hbm4b:s13+s3], $0x400, $0x38;
	[tilespmem:$0x1C280] =	vst v63  }
0x12b: {  	s20 =	simm.s32 $0x5A80;
	s19 =	sadd.s32 $0xF4280, s13  }
0x12c: {  	[tilespmem:s20], [sflag:$0x2] =	stream.linear.gather [hbm4b:s19+s3], $0x400, $0x38;
	[tilespmem:$0x1C280] =	vst v63  }
0x12d: {  	s21 =	sadd.s32 $0x1E8500, s13;
	s22 =	simm.s32 $0x6A80  }
0x12e: {  	[tilespmem:s22], [sflag:$0x2] =	stream.linear.gather [hbm4b:s21+s3], $0x400, $0x38;
	[tilespmem:$0x1C280] =	vst v63  }
0x12f: {  	s13 =	sadd.s32 $0x2DC780, s13;
	s20 =	simm.s32 $0x7A80;
	s21 =	spop (v2sf)  }
0x130: {  	[tilespmem:s20], [sflag:$0x2] =	stream.linear.gather [hbm4b:s13+s3], $0x400, $0x38;
	[tilespmem:$0x1C280] =	vst v63  }
0x131: {  	s13 =	sand.u32 $0xFFFFF80, s21  }
0x132: {  	s22 =	simm.s32 $0x4E80;
	s13 =	sadd.s32 s0, s13  }
0x133: {  	[tilespmem:s22], [sflag:$0x2] =	stream.linear.gather [hbm4b:s13+s3], $0x400, $0x38;
	[tilespmem:$0x1C280] =	vst v63  }
0x134: {  	s20 =	simm.s32 $0x5E80;
	s19 =	sadd.s32 $0xF4280, s13  }
0x135: {  	[tilespmem:s20], [sflag:$0x2] =	stream.linear.gather [hbm4b:s19+s3], $0x400, $0x38;
	[tilespmem:$0x1C280] =	vst v63  }
0x136: {  	s21 =	sadd.s32 $0x1E8500, s13;
	s22 =	simm.s32 $0x6E80  }
0x137: {  	[tilespmem:s22], [sflag:$0x2] =	stream.linear.gather [hbm4b:s21+s3], $0x400, $0x38;
	[tilespmem:$0x1C280] =	vst v63  }
0x138: {  	s13 =	sadd.s32 $0x2DC780, s13;
	s19 =	simm.s32 $0x7E80  }
0x139: {  	[tilespmem:s19], [sflag:$0x2] =	stream.linear.gather [hbm4b:s13+s3], $0x400, $0x38;
	[tilespmem:$0x1C280] =	vst v63  }
0x13a: {  	v29 =	vld.idx.msk [tilespmem:v2+s3+$0x0], $0xffff;
	_ =	sdelay $0x4  }
0x13b: {  	(v2sf) =	vpush v29, $0x0;
	_ =	sdelay $0x7  }
0x13c: {  	(v2sf) =	vpush v29, $0x1;
	_ =	sdelay $0x6  }
0x13d: {  	s20 =	spop (v2sf)  }
0x13e: {  	s13 =	sand.u32 $0xFFFFF80, s20  }
0x13f: {  	(v2sf) =	vpush v29, $0x2;
	s13 =	sadd.s32 s0, s13  }
0x140: {  	[tilespmem:s14], [sflag:$0x3] =	stream.linear.gather [hbm4b:s13+s3], $0x400, $0x38;
	[tilespmem:$0x1C280] =	vst v63  }
0x141: {  	s22 =	simm.s32 $0x9280;
	s21 =	sadd.s32 $0xF4280, s13  }
0x142: {  	[tilespmem:s22], [sflag:$0x3] =	stream.linear.gather [hbm4b:s21+s3], $0x400, $0x38;
	[tilespmem:$0x1C280] =	vst v63  }
0x143: {  	s20 =	sadd.s32 $0x1E8500, s13;
	s21 =	simm.s32 $0xA280  }
0x144: {  	[tilespmem:s21], [sflag:$0x3] =	stream.linear.gather [hbm4b:s20+s3], $0x400, $0x38;
	[tilespmem:$0x1C280] =	vst v63  }
0x145: {  	s19 =	spop (v2sf);
	s13 =	sadd.s32 $0x2DC780, s13;
	s22 =	simm.s32 $0xB280  }
0x146: {  	[tilespmem:s22], [sflag:$0x3] =	stream.linear.gather [hbm4b:s13+s3], $0x400, $0x38;
	[tilespmem:$0x1C280] =	vst v63  }
0x147: {  	s13 =	sand.u32 $0xFFFFF80, s19  }
0x148: {  	(v2sf) =	vpush v29, $0x3;
	s20 =	simm.s32 $0x8680;
	s13 =	sadd.s32 s0, s13  }
0x149: {  	[tilespmem:s20], [sflag:$0x3] =	stream.linear.gather [hbm4b:s13+s3], $0x400, $0x38;
	[tilespmem:$0x1C280] =	vst v63  }
0x14a: {  	s22 =	simm.s32 $0x9680;
	s21 =	sadd.s32 $0xF4280, s13  }
0x14b: {  	[tilespmem:s22], [sflag:$0x3] =	stream.linear.gather [hbm4b:s21+s3], $0x400, $0x38;
	[tilespmem:$0x1C280] =	vst v63  }
0x14c: {  	s20 =	sadd.s32 $0x1E8500, s13;
	s21 =	simm.s32 $0xA680  }
0x14d: {  	[tilespmem:s21], [sflag:$0x3] =	stream.linear.gather [hbm4b:s20+s3], $0x400, $0x38;
	[tilespmem:$0x1C280] =	vst v63  }
0x14e: {  	s13 =	sadd.s32 $0x2DC780, s13;
	s22 =	simm.s32 $0xB680;
	s19 =	spop (v2sf)  }
0x14f: {  	[tilespmem:s22], [sflag:$0x3] =	stream.linear.gather [hbm4b:s13+s3], $0x400, $0x38;
	[tilespmem:$0x1C280] =	vst v63  }
0x150: {  	s13 =	sand.u32 $0xFFFFF80, s19  }
0x151: {  	s20 =	simm.s32 $0x8A80;
	s13 =	sadd.s32 s0, s13  }
0x152: {  	[tilespmem:s20], [sflag:$0x3] =	stream.linear.gather [hbm4b:s13+s3], $0x400, $0x38;
	[tilespmem:$0x1C280] =	vst v63  }
0x153: {  	s22 =	simm.s32 $0x9A80;
	s21 =	sadd.s32 $0xF4280, s13  }
0x154: {  	[tilespmem:s22], [sflag:$0x3] =	stream.linear.gather [hbm4b:s21+s3], $0x400, $0x38;
	[tilespmem:$0x1C280] =	vst v63  }
0x155: {  	s20 =	sadd.s32 $0x1E8500, s13;
	s21 =	simm.s32 $0xAA80  }
0x156: {  	[tilespmem:s21], [sflag:$0x3] =	stream.linear.gather [hbm4b:s20+s3], $0x400, $0x38;
	[tilespmem:$0x1C280] =	vst v63  }
0x157: {  	s19 =	spop (v2sf);
	s13 =	sadd.s32 $0x2DC780, s13;
	s22 =	simm.s32 $0xBA80  }
0x158: {  	[tilespmem:s22], [sflag:$0x3] =	stream.linear.gather [hbm4b:s13+s3], $0x400, $0x38;
	[tilespmem:$0x1C280] =	vst v63  }
0x159: {  	s13 =	sand.u32 $0xFFFFF80, s19  }
0x15a: {  	s20 =	simm.s32 $0x8E80;
	s13 =	sadd.s32 s0, s13  }
0x15b: {  	[tilespmem:s20], [sflag:$0x3] =	stream.linear.gather [hbm4b:s13+s3], $0x400, $0x38;
	[tilespmem:$0x1C280] =	vst v63  }
0x15c: {  	s22 =	simm.s32 $0x9E80;
	s21 =	sadd.s32 $0xF4280, s13  }
0x15d: {  	[tilespmem:s22], [sflag:$0x3] =	stream.linear.gather [hbm4b:s21+s3], $0x400, $0x38;
	[tilespmem:$0x1C280] =	vst v63  }
0x15e: {  	s20 =	sadd.s32 $0x1E8500, s13;
	s21 =	simm.s32 $0xAE80  }
0x15f: {  	[tilespmem:s21], [sflag:$0x3] =	stream.linear.gather [hbm4b:s20+s3], $0x400, $0x38;
	[tilespmem:$0x1C280] =	vst v63  }
0x160: {  	s13 =	sadd.s32 $0x2DC780, s13;
	s22 =	simm.s32 $0xBE80  }
0x161: {  	[tilespmem:s22], [sflag:$0x3] =	stream.linear.gather [hbm4b:s13+s3], $0x400, $0x38;
	[tilespmem:$0x1C280] =	vst v63  }
0x162: {  	v29 =	vld.idx.msk [tilespmem:v3+s3+$0x0], $0xffff;
	_ =	sdelay $0x4  }
0x163: {  	(v2sf) =	vpush v29, $0x0;
	_ =	sdelay $0x7  }
0x164: {  	(v2sf) =	vpush v29, $0x1;
	_ =	sdelay $0x6  }
0x165: {  	s18 =	spop (v2sf)  }
0x166: {  	s13 =	sand.u32 $0xFFFFF80, s18  }
0x167: {  	(v2sf) =	vpush v29, $0x2;
	s13 =	sadd.s32 s0, s13  }
0x168: {  	[tilespmem:s15], [sflag:$0x4] =	stream.linear.gather [hbm4b:s13+s3], $0x400, $0x38;
	[tilespmem:$0x1C280] =	vst v63  }
0x169: {  	s20 =	simm.s32 $0xD280;
	s19 =	sadd.s32 $0xF4280, s13  }
0x16a: {  	[tilespmem:s20], [sflag:$0x4] =	stream.linear.gather [hbm4b:s19+s3], $0x400, $0x38;
	[tilespmem:$0x1C280] =	vst v63  }
0x16b: {  	s22 =	simm.s32 $0xE280;
	s21 =	sadd.s32 $0x1E8500, s13  }
0x16c: {  	[tilespmem:s22], [sflag:$0x4] =	stream.linear.gather [hbm4b:s21+s3], $0x400, $0x38;
	[tilespmem:$0x1C280] =	vst v63  }
0x16d: {  	s13 =	sadd.s32 $0x2DC780, s13;
	s20 =	simm.s32 $0xF280;
	s21 =	spop (v2sf)  }
0x16e: {  	[tilespmem:s20], [sflag:$0x4] =	stream.linear.gather [hbm4b:s13+s3], $0x400, $0x38;
	[tilespmem:$0x1C280] =	vst v63  }
0x16f: {  	s13 =	sand.u32 $0xFFFFF80, s21  }
0x170: {  	s22 =	simm.s32 $0xC680;
	(v2sf) =	vpush v29, $0x3;
	s13 =	sadd.s32 s0, s13  }
0x171: {  	[tilespmem:s22], [sflag:$0x4] =	stream.linear.gather [hbm4b:s13+s3], $0x400, $0x38;
	[tilespmem:$0x1C280] =	vst v63  }
0x172: {  	s20 =	simm.s32 $0xD680;
	s19 =	sadd.s32 $0xF4280, s13  }
0x173: {  	[tilespmem:s20], [sflag:$0x4] =	stream.linear.gather [hbm4b:s19+s3], $0x400, $0x38;
	[tilespmem:$0x1C280] =	vst v63  }
0x174: {  	s21 =	sadd.s32 $0x1E8500, s13;
	s22 =	simm.s32 $0xE680  }
0x175: {  	[tilespmem:s22], [sflag:$0x4] =	stream.linear.gather [hbm4b:s21+s3], $0x400, $0x38;
	[tilespmem:$0x1C280] =	vst v63  }
0x176: {  	s13 =	sadd.s32 $0x2DC780, s13;
	s20 =	simm.s32 $0xF680;
	s21 =	spop (v2sf)  }
0x177: {  	[tilespmem:s20], [sflag:$0x4] =	stream.linear.gather [hbm4b:s13+s3], $0x400, $0x38;
	[tilespmem:$0x1C280] =	vst v63  }
0x178: {  	s13 =	sand.u32 $0xFFFFF80, s21  }
0x179: {  	s22 =	simm.s32 $0xCA80;
	s13 =	sadd.s32 s0, s13  }
0x17a: {  	[tilespmem:s22], [sflag:$0x4] =	stream.linear.gather [hbm4b:s13+s3], $0x400, $0x38;
	[tilespmem:$0x1C280] =	vst v63  }
0x17b: {  	s20 =	simm.s32 $0xDA80;
	s19 =	sadd.s32 $0xF4280, s13  }
0x17c: {  	[tilespmem:s20], [sflag:$0x4] =	stream.linear.gather [hbm4b:s19+s3], $0x400, $0x38;
	[tilespmem:$0x1C280] =	vst v63  }
0x17d: {  	s21 =	sadd.s32 $0x1E8500, s13;
	s22 =	simm.s32 $0xEA80  }
0x17e: {  	[tilespmem:s22], [sflag:$0x4] =	stream.linear.gather [hbm4b:s21+s3], $0x400, $0x38;
	[tilespmem:$0x1C280] =	vst v63  }
0x17f: {  	s13 =	sadd.s32 $0x2DC780, s13;
	s20 =	simm.s32 $0xFA80;
	s21 =	spop (v2sf)  }
0x180: {  	[tilespmem:s20], [sflag:$0x4] =	stream.linear.gather [hbm4b:s13+s3], $0x400, $0x38;
	[tilespmem:$0x1C280] =	vst v63  }
0x181: {  	s13 =	sand.u32 $0xFFFFF80, s21  }
0x182: {  	s22 =	simm.s32 $0xCE80;
	s13 =	sadd.s32 s0, s13  }
0x183: {  	[tilespmem:s22], [sflag:$0x4] =	stream.linear.gather [hbm4b:s13+s3], $0x400, $0x38;
	[tilespmem:$0x1C280] =	vst v63  }
0x184: {  	s20 =	simm.s32 $0xDE80;
	s19 =	sadd.s32 $0xF4280, s13  }
0x185: {  	[tilespmem:s20], [sflag:$0x4] =	stream.linear.gather [hbm4b:s19+s3], $0x400, $0x38;
	[tilespmem:$0x1C280] =	vst v63  }
0x186: {  	s21 =	sadd.s32 $0x1E8500, s13;
	s22 =	simm.s32 $0xEE80  }
0x187: {  	[tilespmem:s22], [sflag:$0x4] =	stream.linear.gather [hbm4b:s21+s3], $0x400, $0x38;
	[tilespmem:$0x1C280] =	vst v63  }
0x188: {  	s13 =	sadd.s32 $0x2DC780, s13;
	s19 =	simm.s32 $0xFE80  }
0x189: {  	[tilespmem:s19], [sflag:$0x4] =	stream.linear.gather [hbm4b:s13+s3], $0x400, $0x38;
	[tilespmem:$0x1C280] =	vst v63  }
0x18a: {  	v29 =	vld.idx.msk [tilespmem:v4+s3+$0x0], $0xffff;
	_ =	sdelay $0x4  }
0x18b: {  	(v2sf) =	vpush v29, $0x0;
	_ =	sdelay $0x7  }
0x18c: {  	(v2sf) =	vpush v29, $0x1;
	_ =	sdelay $0x6  }
0x18d: {  	s20 =	spop (v2sf)  }
0x18e: {  	s13 =	sand.u32 $0xFFFFF80, s20  }
0x18f: {  	(v2sf) =	vpush v29, $0x2;
	s13 =	sadd.s32 s0, s13  }
0x190: {  	[tilespmem:s16], [sflag:$0x5] =	stream.linear.gather [hbm4b:s13+s3], $0x400, $0x38;
	[tilespmem:$0x1C280] =	vst v63  }
0x191: {  	s22 =	simm.s32 $0x11280;
	s21 =	sadd.s32 $0xF4280, s13  }
0x192: {  	[tilespmem:s22], [sflag:$0x5] =	stream.linear.gather [hbm4b:s21+s3], $0x400, $0x38;
	[tilespmem:$0x1C280] =	vst v63  }
0x193: {  	s20 =	sadd.s32 $0x1E8500, s13;
	s21 =	simm.s32 $0x12280  }
0x194: {  	[tilespmem:s21], [sflag:$0x5] =	stream.linear.gather [hbm4b:s20+s3], $0x400, $0x38;
	[tilespmem:$0x1C280] =	vst v63  }
0x195: {  	s19 =	spop (v2sf);
	s13 =	sadd.s32 $0x2DC780, s13;
	s22 =	simm.s32 $0x13280  }
0x196: {  	[tilespmem:s22], [sflag:$0x5] =	stream.linear.gather [hbm4b:s13+s3], $0x400, $0x38;
	[tilespmem:$0x1C280] =	vst v63  }
0x197: {  	s13 =	sand.u32 $0xFFFFF80, s19  }
0x198: {  	(v2sf) =	vpush v29, $0x3;
	s20 =	simm.s32 $0x10680;
	s13 =	sadd.s32 s0, s13  }
0x199: {  	[tilespmem:s20], [sflag:$0x5] =	stream.linear.gather [hbm4b:s13+s3], $0x400, $0x38;
	[tilespmem:$0x1C280] =	vst v63  }
0x19a: {  	s22 =	simm.s32 $0x11680;
	s21 =	sadd.s32 $0xF4280, s13  }
0x19b: {  	[tilespmem:s22], [sflag:$0x5] =	stream.linear.gather [hbm4b:s21+s3], $0x400, $0x38;
	[tilespmem:$0x1C280] =	vst v63  }
0x19c: {  	s19 =	sadd.s32 $0x1E8500, s13;
	s20 =	simm.s32 $0x12680  }
0x19d: {  	[tilespmem:s20], [sflag:$0x5] =	stream.linear.gather [hbm4b:s19+s3], $0x400, $0x38;
	[tilespmem:$0x1C280] =	vst v63  }
0x19e: {  	s13 =	sadd.s32 $0x2DC780, s13;
	s21 =	spop (v2sf)  }
0x19f: {  	s22 =	simm.s32 $0x13680;
	s19 =	sand.u32 $0xFFFFF80, s21  }
0x1a0: {  	[tilespmem:s22], [sflag:$0x5] =	stream.linear.gather [hbm4b:s13+s3], $0x400, $0x38;
	[tilespmem:$0x1C280] =	vst v63  }
0x1a1: {  	s20 =	simm.s32 $0x10A80;
	s13 =	sadd.s32 s0, s19  }
0x1a2: {  	[tilespmem:s20], [sflag:$0x5] =	stream.linear.gather [hbm4b:s13+s3], $0x400, $0x38;
	[tilespmem:$0x1C280] =	vst v63  }
0x1a3: {  	s22 =	simm.s32 $0x11A80;
	s21 =	sadd.s32 $0xF4280, s13  }
0x1a4: {  	[tilespmem:s22], [sflag:$0x5] =	stream.linear.gather [hbm4b:s21+s3], $0x400, $0x38;
	[tilespmem:$0x1C280] =	vst v63  }
0x1a5: {  	s20 =	sadd.s32 $0x1E8500, s13;
	s21 =	simm.s32 $0x12A80  }
0x1a6: {  	[tilespmem:s21], [sflag:$0x5] =	stream.linear.gather [hbm4b:s20+s3], $0x400, $0x38;
	[tilespmem:$0x1C280] =	vst v63  }
0x1a7: {  	s19 =	spop (v2sf);
	s13 =	sadd.s32 $0x2DC780, s13;
	s22 =	simm.s32 $0x13A80  }
0x1a8: {  	[tilespmem:s22], [sflag:$0x5] =	stream.linear.gather [hbm4b:s13+s3], $0x400, $0x38;
	[tilespmem:$0x1C280] =	vst v63  }
0x1a9: {  	s13 =	sand.u32 $0xFFFFF80, s19  }
0x1aa: {  	s20 =	simm.s32 $0x10E80;
	s13 =	sadd.s32 s0, s13  }
0x1ab: {  	[tilespmem:s20], [sflag:$0x5] =	stream.linear.gather [hbm4b:s13+s3], $0x400, $0x38;
	[tilespmem:$0x1C280] =	vst v63  }
0x1ac: {  	s22 =	simm.s32 $0x11E80;
	s21 =	sadd.s32 $0xF4280, s13  }
0x1ad: {  	[tilespmem:s22], [sflag:$0x5] =	stream.linear.gather [hbm4b:s21+s3], $0x400, $0x38;
	[tilespmem:$0x1C280] =	vst v63  }
.Ltmp2:
0x1ae: {  	s20 =	sadd.s32 $0x1E8500, s13;
	s21 =	simm.s32 $0x12E80;
	(pc) =	sbr.rel .LBB2_2-.Ltmp2, $4  }
0x1af: {  	[tilespmem:s21], [sflag:$0x5] =	stream.linear.gather [hbm4b:s20+s3], $0x400, $0x38;
	[tilespmem:$0x1C280] =	vst v63  }
0x1b0: {  	s13 =	sadd.s32 $0x2DC780, s13;
	s22 =	simm.s32 $0x13E80  }
0x1b1: {  	[tilespmem:s22], [sflag:$0x5] =	stream.linear.gather [hbm4b:s13+s3], $0x400, $0x38;
	[tilespmem:$0x1C280] =	vst v63  }
0x1b2: {  	s13 =	simm.s32 $0x0  }
.LBB2_8:
0x1b3: {  	_ =	swait.ge [sflag:s12], $0x1000  }
0x1b4: {  	[sflag:s12] =	ssyncset.done $0x0  }
0x1b5: {  	[sflag:s12] =	ssyncadd.s32 $0xFFFFF000  }
0x1b6: {  	_ =	swait.ge [sflag:s12], $0x1000  }
0x1b7: {  	[sflag:s12] =	ssyncset.done $0x0  }
0x1b8: {  	[sflag:s12] =	ssyncadd.s32 $0xFFFFF000  }
0x1b9: {  	_ =	swait.ge [sflag:s12], $0x1000  }
0x1ba: {  	[sflag:s12] =	ssyncset.done $0x0  }
0x1bb: {  	[sflag:s12] =	ssyncadd.s32 $0xFFFFF000  }
0x1bc: {  	_ =	swait.ge [sflag:s12], $0x1000  }
0x1bd: {  	[sflag:s12] =	ssyncset.done $0x0  }
0x1be: {  	[sflag:s12] =	ssyncadd.s32 $0xFFFFF000  }
0x1bf: {  	v29 =	vld.idx.msk [tilespmem:v29+s3+$0x0], $0xffff;
	_ =	sdelay $0x4  }
0x1c0: {  	(v2sf) =	vpush v29, $0x0;
	_ =	sdelay $0xe  }
0x1c1: {  	s20 =	spop (v2sf)  }
0x1c2: {  	s20 =	sand.u32 $0x7F, s20  }
0x1c3: {  	v30 =	vor.u32 s20, v5  }
0x1c4: {  	v31 =	vmov s18;
	v32 =	vor.u32 s20, v6  }
0x1c5: {  	v33 =	vshll.u32 v31, $0x3  }
0x1c6: {  	v31 =	vand.u32 $0x7C, v31;
	v33 =	vand.u32 $0x3C00, v33  }
0x1c7: {  	v31 =	vor.u32 v31, v33;
	v29 =	vand.u32 $0x7F, v29  }
0x1c8: {  	v33 =	vadd.s32 v5, v31;
	v34 =	vbroadcast v29, $0x1;
	v30 =	vld.idx.msk [tilespmem:v30+s17+$0x0], $0xffff  }
0x1c9: {  	v31 =	vadd.s32 v6, v31;
	v32 =	vld.idx.msk [tilespmem:v32+s17+$0x0], $0xffff  }
0x1ca: {  	v35 =	vor.u32 v7, v34;
	s20 =	sadd.s32 $0x15, s13  }
0x1cb: {  	v34 =	vor.u32 v8, v34;
	v36 =	vmov s20  }
0x1cc: {  	v37 =	vshll.u32 v36, $0x3  }
0x1cd: {  	v53 =	vand.u32 $0x7FFFFC00, v37;
	[tilespmem:v33+s4+$0x0] =	vst.idx.msk $0xffff, v30;
	v30 =	vand.u32 $0x7D, v36  }
0x1ce: {  	[tilespmem:v31+s4+$0x0] =	vst.idx.msk $0xffff, v32;
	v30 =	vor.u32 v30, v53  }
0x1cf: {  	v55 =	vbroadcast v29, $0x2;
	v31 =	vld.idx.msk [tilespmem:v35+s17+$0x0], $0xffff;
	v54 =	vadd.s32 v5, v30  }
0x1d0: {  	v34 =	vld.idx.msk [tilespmem:v34+s17+$0x0], $0xffff;
	v30 =	vadd.s32 v6, v30  }
0x1d1: {  	s21 =	sadd.s32 $0x16, s13;
	v56 =	vor.u32 v9, v55  }
0x1d2: {  	v57 =	vmov s21;
	v33 =	vor.u32 v10, v55  }
0x1d3: {  	v58 =	vshll.u32 v57, $0x3  }
0x1d4: {  	v59 =	vand.u32 $0x7FFFFC00, v58;
	[tilespmem:v54+s4+$0x0] =	vst.idx.msk $0xffff, v31;
	v31 =	vand.u32 $0x7E, v57  }
0x1d5: {  	[tilespmem:v30+s4+$0x0] =	vst.idx.msk $0xffff, v34;
	v30 =	vor.u32 v31, v59  }
0x1d6: {  	v29 =	vbroadcast v29, $0x3;
	v31 =	vld.idx.msk [tilespmem:v56+s17+$0x0], $0xffff;
	v32 =	vadd.s32 v5, v30  }
0x1d7: {  	v33 =	vld.idx.msk [tilespmem:v33+s17+$0x0], $0xffff;
	v30 =	vadd.s32 v6, v30  }
0x1d8: {  	s22 =	sadd.s32 $0x17, s13;
	v60 =	vor.u32 v11, v29  }
0x1d9: {  	v61 =	vmov s22;
	v29 =	vor.u32 v12, v29  }
0x1da: {  	v62 =	vshll.u32 v61, $0x3  }
0x1db: {  	v63 =	vand.u32 $0x7FFFFC00, v62;
	[tilespmem:v32+s4+$0x0] =	vst.idx.msk $0xffff, v31;
	v31 =	vand.u32 $0x7F, v61  }
0x1dc: {  	[tilespmem:v30+s4+$0x0] =	vst.idx.msk $0xffff, v33;
	v30 =	vor.u32 v31, v63  }
0x1dd: {  	v31 =	vld.idx.msk [tilespmem:v60+s17+$0x0], $0xffff;
	v32 =	vadd.s32 v5, v30  }
0x1de: {  	p0 =	sne.s32 s19, $0x1F8;
	v29 =	vld.idx.msk [tilespmem:v29+s17+$0x0], $0xffff;
	v30 =	vadd.s32 v6, v30  }
.Ltmp3:
0x1df: {  	_ = 	snop;
	(pc) =	sbr.rel @!p0 .LBB2_9-.Ltmp3, $3  }
0x1e0: {  	_ =	sdelay $0x1  }
0x1e1: {  	[tilespmem:v32+s4+$0x0] =	vst.idx.msk $0xffff, v31  }
0x1e2: {  	s13 =	smov.u32 s19;
	[tilespmem:v30+s4+$0x0] =	vst.idx.msk $0xffff, v29  }
.LBB2_2:
0x1e3: {  	s18 =	sadd.s32 $0x14, s13  }
0x1e4: {  	v29 =	vadd.s32 s18, v0;
	_ =	sdelay $0x4  }
0x1e5: {  	v30 =	vld.idx.msk [tilespmem:v29+s3+$0x0], $0xffff;
	_ =	sdelay $0x4  }
0x1e6: {  	(v2sf) =	vpush v30, $0x0;
	_ =	sdelay $0x7  }
0x1e7: {  	(v2sf) =	vpush v30, $0x1;
	_ =	sdelay $0x6  }
0x1e8: {  	s19 =	spop (v2sf)  }
0x1e9: {  	s19 =	sand.u32 $0xFFFFF80, s19  }
0x1ea: {  	(v2sf) =	vpush v30, $0x2;
	s19 =	sadd.s32 s0, s19  }
0x1eb: {  	[tilespmem:s17], [sflag:$0x6] =	stream.linear.gather [hbm4b:s19+s3], $0x400, $0x38;
	[tilespmem:$0x1C280] =	vst v63  }
0x1ec: {  	s21 =	simm.s32 $0x15280;
	s20 =	sadd.s32 $0xF4280, s19  }
0x1ed: {  	[tilespmem:s21], [sflag:$0x6] =	stream.linear.gather [hbm4b:s20+s3], $0x400, $0x38;
	[tilespmem:$0x1C280] =	vst v63  }
0x1ee: {  	s22 =	simm.s32 $0x16280;
	s21 =	sadd.s32 $0x1E8500, s19  }
0x1ef: {  	[tilespmem:s22], [sflag:$0x6] =	stream.linear.gather [hbm4b:s21+s3], $0x400, $0x38;
	[tilespmem:$0x1C280] =	vst v63  }
0x1f0: {  	s19 =	sadd.s32 $0x2DC780, s19;
	s22 =	simm.s32 $0x17280;
	s21 =	spop (v2sf)  }
0x1f1: {  	[tilespmem:s22], [sflag:$0x6] =	stream.linear.gather [hbm4b:s19+s3], $0x400, $0x38;
	[tilespmem:$0x1C280] =	vst v63  }
0x1f2: {  	s19 =	sand.u32 $0xFFFFF80, s21  }
0x1f3: {  	(v2sf) =	vpush v30, $0x3;
	s22 =	simm.s32 $0x14680;
	s19 =	sadd.s32 s0, s19  }
0x1f4: {  	[tilespmem:s22], [sflag:$0x6] =	stream.linear.gather [hbm4b:s19+s3], $0x400, $0x38;
	[tilespmem:$0x1C280] =	vst v63  }
0x1f5: {  	s21 =	sadd.s32 $0xF4280, s19;
	s22 =	simm.s32 $0x15680  }
0x1f6: {  	[tilespmem:s22], [sflag:$0x6] =	stream.linear.gather [hbm4b:s21+s3], $0x400, $0x38;
	[tilespmem:$0x1C280] =	vst v63  }
0x1f7: {  	s22 =	sadd.s32 $0x1E8500, s19  }
0x1f8: {  	[tilespmem:s23], [sflag:$0x6] =	stream.linear.gather [hbm4b:s22+s3], $0x400, $0x38;
	[tilespmem:$0x1C280] =	vst v63  }
0x1f9: {  	s19 =	sadd.s32 $0x2DC780, s19;
	s20 =	spop (v2sf)  }
0x1fa: {  	[tilespmem:s24], [sflag:$0x6] =	stream.linear.gather [hbm4b:s19+s3], $0x400, $0x38;
	[tilespmem:$0x1C280] =	vst v63  }
0x1fb: {  	s19 =	sand.u32 $0xFFFFF80, s20  }
0x1fc: {  	s19 =	sadd.s32 s0, s19  }
0x1fd: {  	[tilespmem:s25], [sflag:$0x6] =	stream.linear.gather [hbm4b:s19+s3], $0x400, $0x38;
	[tilespmem:$0x1C280] =	vst v63  }
0x1fe: {  	s21 =	sadd.s32 $0xF4280, s19  }
0x1ff: {  	[tilespmem:s28], [sflag:$0x6] =	stream.linear.gather [hbm4b:s21+s3], $0x400, $0x38;
	[tilespmem:$0x1C280] =	vst v63  }
0x200: {  	s22 =	sadd.s32 $0x1E8500, s19  }
0x201: {  	[tilespmem:s29], [sflag:$0x6] =	stream.linear.gather [hbm4b:s22+s3], $0x400, $0x38;
	[tilespmem:$0x1C280] =	vst v63  }
0x202: {  	s19 =	sadd.s32 $0x2DC780, s19;
	s20 =	spop (v2sf)  }
0x203: {  	[tilespmem:s30], [sflag:$0x6] =	stream.linear.gather [hbm4b:s19+s3], $0x400, $0x38;
	[tilespmem:$0x1C280] =	vst v63  }
0x204: {  	s19 =	sand.u32 $0xFFFFF80, s20  }
0x205: {  	s19 =	sadd.s32 s0, s19  }
0x206: {  	[tilespmem:s31], [sflag:$0x6] =	stream.linear.gather [hbm4b:s19+s3], $0x400, $0x38;
	[tilespmem:$0x1C280] =	vst v63  }
0x207: {  	s21 =	sadd.s32 $0xF4280, s19  }
0x208: {  	[tilespmem:s2], [sflag:$0x6] =	stream.linear.gather [hbm4b:s21+s3], $0x400, $0x38;
	[tilespmem:$0x1C280] =	vst v63  }
0x209: {  	s22 =	sadd.s32 $0x1E8500, s19  }
0x20a: {  	[tilespmem:s1], [sflag:$0x6] =	stream.linear.gather [hbm4b:s22+s3], $0x400, $0x38;
	[tilespmem:$0x1C280] =	vst v63  }
0x20b: {  	s19 =	sadd.s32 $0x2DC780, s19  }
0x20c: {  	[tilespmem:s7], [sflag:$0x6] =	stream.linear.gather [hbm4b:s19+s3], $0x400, $0x38;
	[tilespmem:$0x1C280] =	vst v63  }
0x20d: {  	_ =	swait.ge [sflag:s8], $0x1000  }
0x20e: {  	[sflag:s8] =	ssyncset.done $0x0  }
0x20f: {  	[sflag:s8] =	ssyncadd.s32 $0xFFFFF000  }
0x210: {  	_ =	swait.ge [sflag:s8], $0x1000  }
0x211: {  	[sflag:s8] =	ssyncset.done $0x0  }
0x212: {  	[sflag:s8] =	ssyncadd.s32 $0xFFFFF000  }
0x213: {  	_ =	swait.ge [sflag:s8], $0x1000  }
0x214: {  	v30 =	vadd.s32 s13, v0;
	[sflag:s8] =	ssyncset.done $0x0  }
0x215: {  	[sflag:s8] =	ssyncadd.s32 $0xFFFFF000  }
0x216: {  	_ =	swait.ge [sflag:s8], $0x1000  }
0x217: {  	[sflag:s8] =	ssyncset.done $0x0  }
0x218: {  	[sflag:s8] =	ssyncadd.s32 $0xFFFFF000  }
0x219: {  	v30 =	vld.idx.msk [tilespmem:v30+s3+$0x0], $0xffff;
	_ =	sdelay $0x4  }
0x21a: {  	(v2sf) =	vpush v30, $0x0;
	_ =	sdelay $0xe  }
0x21b: {  	s20 =	spop (v2sf)  }
0x21c: {  	s19 =	sand.u32 $0x7F, s20  }
0x21d: {  	v31 =	vor.u32 s19, v5  }
0x21e: {  	v32 =	vmov s13;
	v33 =	vor.u32 s19, v6  }
0x21f: {  	v34 =	vshll.u32 v32, $0x3  }
0x220: {  	v32 =	vand.u32 $0x78, v32;
	v34 =	vand.u32 $0x1C00, v34  }
0x221: {  	v32 =	vor.u32 v32, v34;
	v30 =	vand.u32 $0x7F, v30  }
0x222: {  	v34 =	vadd.s32 v5, v32;
	v35 =	vbroadcast v30, $0x1;
	v31 =	vld.idx.msk [tilespmem:v31+s10+$0x0], $0xffff  }
0x223: {  	v32 =	vadd.s32 v6, v32;
	v33 =	vld.idx.msk [tilespmem:v33+s10+$0x0], $0xffff  }
0x224: {  	s21 =	sadd.s32 $0x1, s13;
	v36 =	vor.u32 v7, v35  }
0x225: {  	v37 =	vmov s21;
	v35 =	vor.u32 v8, v35  }
0x226: {  	v38 =	vshll.u32 v37, $0x3  }
0x227: {  	v53 =	vand.u32 $0x1C00, v38;
	[tilespmem:v34+s4+$0x0] =	vst.idx.msk $0xffff, v31;
	v31 =	vand.u32 $0x79, v37  }
0x228: {  	[tilespmem:v32+s4+$0x0] =	vst.idx.msk $0xffff, v33;
	v31 =	vor.u32 v31, v53  }
0x229: {  	v55 =	vbroadcast v30, $0x2;
	v32 =	vld.idx.msk [tilespmem:v36+s10+$0x0], $0xffff;
	v54 =	vadd.s32 v5, v31  }
0x22a: {  	v35 =	vld.idx.msk [tilespmem:v35+s10+$0x0], $0xffff;
	v31 =	vadd.s32 v6, v31  }
0x22b: {  	s22 =	sadd.s32 $0x2, s13;
	v56 =	vor.u32 v9, v55  }
0x22c: {  	v57 =	vmov s22;
	v34 =	vor.u32 v10, v55  }
0x22d: {  	v58 =	vshll.u32 v57, $0x3  }
0x22e: {  	v59 =	vand.u32 $0x7A, v57;
	v60 =	vand.u32 $0x1C00, v58;
	[tilespmem:v54+s4+$0x0] =	vst.idx.msk $0xffff, v32  }
0x22f: {  	[tilespmem:v31+s4+$0x0] =	vst.idx.msk $0xffff, v35;
	v31 =	vor.u32 v59, v60  }
0x230: {  	v30 =	vbroadcast v30, $0x3;
	v61 =	vld.idx.msk [tilespmem:v56+s10+$0x0], $0xffff;
	v33 =	vadd.s32 v5, v31  }
0x231: {  	v34 =	vld.idx.msk [tilespmem:v34+s10+$0x0], $0xffff;
	v31 =	vadd.s32 v6, v31  }
0x232: {  	v62 =	vor.u32 v11, v30;
	s20 =	sadd.s32 $0x3, s13  }
0x233: {  	v30 =	vor.u32 v12, v30;
	v63 =	vmov s20  }
0x234: {  	v40 =	vshll.u32 v63, $0x3  }
0x235: {  	v41 =	vand.u32 $0x7B, v63;
	v42 =	vand.u32 $0x1C00, v40;
	[tilespmem:v33+s4+$0x0] =	vst.idx.msk $0xffff, v61  }
0x236: {  	[tilespmem:v31+s4+$0x0] =	vst.idx.msk $0xffff, v34;
	v31 =	vor.u32 v41, v42  }
0x237: {  	v43 =	vld.idx.msk [tilespmem:v62+s10+$0x0], $0xffff;
	v33 =	vadd.s32 v5, v31  }
0x238: {  	s19 =	sadd.s32 $0x18, s13;
	v30 =	vld.idx.msk [tilespmem:v30+s10+$0x0], $0xffff;
	v31 =	vadd.s32 v6, v31  }
0x239: {  	v44 =	vadd.s32 s19, v0;
	_ =	sdelay $0x2  }
0x23a: {  	[tilespmem:v33+s4+$0x0] =	vst.idx.msk $0xffff, v43  }
0x23b: {  	[tilespmem:v31+s4+$0x0] =	vst.idx.msk $0xffff, v30  }
0x23c: {  	v30 =	vld.idx.msk [tilespmem:v44+s3+$0x0], $0xffff;
	_ =	sdelay $0x4  }
0x23d: {  	(v2sf) =	vpush v30, $0x0;
	_ =	sdelay $0x7  }
0x23e: {  	(v2sf) =	vpush v30, $0x1;
	_ =	sdelay $0x6  }
0x23f: {  	s21 =	spop (v2sf)  }
0x240: {  	s20 =	sand.u32 $0xFFFFF80, s21  }
0x241: {  	(v2sf) =	vpush v30, $0x2;
	s20 =	sadd.s32 s0, s20  }
0x242: {  	[tilespmem:s10], [sflag:$0x1] =	stream.linear.gather [hbm4b:s20+s3], $0x400, $0x38;
	[tilespmem:$0x1C280] =	vst v63  }
0x243: {  	s22 =	simm.s32 $0x1280;
	s21 =	sadd.s32 $0xF4280, s20  }
0x244: {  	[tilespmem:s22], [sflag:$0x1] =	stream.linear.gather [hbm4b:s21+s3], $0x400, $0x38;
	[tilespmem:$0x1C280] =	vst v63  }
0x245: {  	s21 =	sadd.s32 $0x1E8500, s20;
	s22 =	simm.s32 $0x2280  }
0x246: {  	[tilespmem:s22], [sflag:$0x1] =	stream.linear.gather [hbm4b:s21+s3], $0x400, $0x38;
	[tilespmem:$0x1C280] =	vst v63  }
0x247: {  	s20 =	sadd.s32 $0x2DC780, s20;
	s22 =	simm.s32 $0x3280;
	s21 =	spop (v2sf)  }
0x248: {  	[tilespmem:s22], [sflag:$0x1] =	stream.linear.gather [hbm4b:s20+s3], $0x400, $0x38;
	[tilespmem:$0x1C280] =	vst v63  }
0x249: {  	s20 =	sand.u32 $0xFFFFF80, s21  }
0x24a: {  	(v2sf) =	vpush v30, $0x3;
	s22 =	simm.s32 $0x680;
	s20 =	sadd.s32 s0, s20  }
0x24b: {  	[tilespmem:s22], [sflag:$0x1] =	stream.linear.gather [hbm4b:s20+s3], $0x400, $0x38;
	[tilespmem:$0x1C280] =	vst v63  }
0x24c: {  	s21 =	sadd.s32 $0xF4280, s20;
	s22 =	simm.s32 $0x1680  }
0x24d: {  	[tilespmem:s22], [sflag:$0x1] =	stream.linear.gather [hbm4b:s21+s3], $0x400, $0x38;
	[tilespmem:$0x1C280] =	vst v63  }
0x24e: {  	s21 =	sadd.s32 $0x1E8500, s20;
	s22 =	simm.s32 $0x2680  }
0x24f: {  	[tilespmem:s22], [sflag:$0x1] =	stream.linear.gather [hbm4b:s21+s3], $0x400, $0x38;
	[tilespmem:$0x1C280] =	vst v63  }
0x250: {  	s20 =	sadd.s32 $0x2DC780, s20;
	s22 =	simm.s32 $0x3680;
	s21 =	spop (v2sf)  }
0x251: {  	[tilespmem:s22], [sflag:$0x1] =	stream.linear.gather [hbm4b:s20+s3], $0x400, $0x38;
	[tilespmem:$0x1C280] =	vst v63  }
0x252: {  	s20 =	sand.u32 $0xFFFFF80, s21  }
0x253: {  	s22 =	simm.s32 $0xA80;
	s20 =	sadd.s32 s0, s20  }
0x254: {  	[tilespmem:s22], [sflag:$0x1] =	stream.linear.gather [hbm4b:s20+s3], $0x400, $0x38;
	[tilespmem:$0x1C280] =	vst v63  }
0x255: {  	s21 =	sadd.s32 $0xF4280, s20;
	s22 =	simm.s32 $0x1A80  }
0x256: {  	[tilespmem:s22], [sflag:$0x1] =	stream.linear.gather [hbm4b:s21+s3], $0x400, $0x38;
	[tilespmem:$0x1C280] =	vst v63  }
0x257: {  	s21 =	sadd.s32 $0x1E8500, s20;
	s22 =	simm.s32 $0x2A80  }
0x258: {  	[tilespmem:s22], [sflag:$0x1] =	stream.linear.gather [hbm4b:s21+s3], $0x400, $0x38;
	[tilespmem:$0x1C280] =	vst v63  }
0x259: {  	s20 =	sadd.s32 $0x2DC780, s20;
	s22 =	simm.s32 $0x3A80;
	s21 =	spop (v2sf)  }
0x25a: {  	[tilespmem:s22], [sflag:$0x1] =	stream.linear.gather [hbm4b:s20+s3], $0x400, $0x38;
	[tilespmem:$0x1C280] =	vst v63  }
0x25b: {  	s20 =	sand.u32 $0xFFFFF80, s21  }
0x25c: {  	s22 =	simm.s32 $0xE80;
	s20 =	sadd.s32 s0, s20  }
0x25d: {  	[tilespmem:s22], [sflag:$0x1] =	stream.linear.gather [hbm4b:s20+s3], $0x400, $0x38;
	[tilespmem:$0x1C280] =	vst v63  }
0x25e: {  	s21 =	sadd.s32 $0xF4280, s20;
	s22 =	simm.s32 $0x1E80  }
0x25f: {  	[tilespmem:s22], [sflag:$0x1] =	stream.linear.gather [hbm4b:s21+s3], $0x400, $0x38;
	[tilespmem:$0x1C280] =	vst v63  }
0x260: {  	s21 =	sadd.s32 $0x1E8500, s20;
	s22 =	simm.s32 $0x2E80  }
0x261: {  	[tilespmem:s22], [sflag:$0x1] =	stream.linear.gather [hbm4b:s21+s3], $0x400, $0x38;
	[tilespmem:$0x1C280] =	vst v63  }
0x262: {  	s20 =	sadd.s32 $0x2DC780, s20;
	s22 =	simm.s32 $0x3E80  }
0x263: {  	[tilespmem:s22], [sflag:$0x1] =	stream.linear.gather [hbm4b:s20+s3], $0x400, $0x38;
	[tilespmem:$0x1C280] =	vst v63  }
0x264: {  	_ =	swait.ge [sflag:s5], $0x1000  }
0x265: {  	[sflag:s5] =	ssyncset.done $0x0  }
0x266: {  	[sflag:s5] =	ssyncadd.s32 $0xFFFFF000  }
0x267: {  	_ =	swait.ge [sflag:s5], $0x1000  }
0x268: {  	[sflag:s5] =	ssyncset.done $0x0  }
0x269: {  	[sflag:s5] =	ssyncadd.s32 $0xFFFFF000  }
0x26a: {  	s20 =	sadd.s32 $0x4, s13;
	_ =	swait.ge [sflag:s5], $0x1000  }
0x26b: {  	v30 =	vadd.s32 s20, v0;
	[sflag:s5] =	ssyncset.done $0x0  }
0x26c: {  	[sflag:s5] =	ssyncadd.s32 $0xFFFFF000  }
0x26d: {  	_ =	swait.ge [sflag:s5], $0x1000  }
0x26e: {  	[sflag:s5] =	ssyncset.done $0x0  }
0x26f: {  	[sflag:s5] =	ssyncadd.s32 $0xFFFFF000  }
0x270: {  	v30 =	vld.idx.msk [tilespmem:v30+s3+$0x0], $0xffff;
	_ =	sdelay $0x4  }
0x271: {  	(v2sf) =	vpush v30, $0x0;
	_ =	sdelay $0xe  }
0x272: {  	s22 =	spop (v2sf)  }
0x273: {  	s21 =	sand.u32 $0x7F, s22  }
0x274: {  	v31 =	vor.u32 s21, v5  }
0x275: {  	v45 =	vmov s20;
	v46 =	vor.u32 s21, v6  }
0x276: {  	v47 =	vshll.u32 v45, $0x3  }
0x277: {  	v32 =	vand.u32 $0x7C, v45;
	v34 =	vand.u32 $0x1C00, v47  }
0x278: {  	v32 =	vor.u32 v32, v34;
	v30 =	vand.u32 $0x7F, v30  }
0x279: {  	v34 =	vadd.s32 v5, v32;
	v48 =	vbroadcast v30, $0x1;
	v31 =	vld.idx.msk [tilespmem:v31+s26+$0x0], $0xffff  }
0x27a: {  	v32 =	vadd.s32 v6, v32;
	v33 =	vld.idx.msk [tilespmem:v46+s26+$0x0], $0xffff  }
0x27b: {  	v49 =	vor.u32 v7, v48;
	s21 =	sadd.s32 $0x5, s13  }
0x27c: {  	v35 =	vor.u32 v8, v48;
	v50 =	vmov s21  }
0x27d: {  	v51 =	vshll.u32 v50, $0x3  }
0x27e: {  	v52 =	vand.u32 $0x1C00, v51;
	[tilespmem:v34+s4+$0x0] =	vst.idx.msk $0xffff, v31;
	v31 =	vand.u32 $0x7D, v50  }
0x27f: {  	[tilespmem:v32+s4+$0x0] =	vst.idx.msk $0xffff, v33;
	v31 =	vor.u32 v31, v52  }
0x280: {  	v54 =	vbroadcast v30, $0x2;
	v32 =	vld.idx.msk [tilespmem:v49+s26+$0x0], $0xffff;
	v53 =	vadd.s32 v5, v31  }
0x281: {  	v35 =	vld.idx.msk [tilespmem:v35+s26+$0x0], $0xffff;
	v31 =	vadd.s32 v6, v31  }
0x282: {  	v55 =	vor.u32 v9, v54;
	s22 =	sadd.s32 $0x6, s13  }
0x283: {  	v56 =	vmov s22;
	v34 =	vor.u32 v10, v54  }
0x284: {  	v57 =	vshll.u32 v56, $0x3  }
0x285: {  	v58 =	vand.u32 $0x7E, v56;
	v59 =	vand.u32 $0x1C00, v57;
	[tilespmem:v53+s4+$0x0] =	vst.idx.msk $0xffff, v32  }
0x286: {  	[tilespmem:v31+s4+$0x0] =	vst.idx.msk $0xffff, v35;
	v31 =	vor.u32 v58, v59  }
0x287: {  	v30 =	vbroadcast v30, $0x3;
	v60 =	vld.idx.msk [tilespmem:v55+s26+$0x0], $0xffff;
	v33 =	vadd.s32 v5, v31  }
0x288: {  	v34 =	vld.idx.msk [tilespmem:v34+s26+$0x0], $0xffff;
	v31 =	vadd.s32 v6, v31  }
0x289: {  	v61 =	vor.u32 v11, v30;
	s21 =	sadd.s32 $0x7, s13  }
0x28a: {  	v30 =	vor.u32 v12, v30;
	v62 =	vmov s21  }
0x28b: {  	v63 =	vshll.u32 v62, $0x3  }
0x28c: {  	v38 =	vand.u32 $0x7F, v62;
	v39 =	vand.u32 $0x1C00, v63;
	[tilespmem:v33+s4+$0x0] =	vst.idx.msk $0xffff, v60  }
0x28d: {  	[tilespmem:v31+s4+$0x0] =	vst.idx.msk $0xffff, v34;
	v31 =	vor.u32 v38, v39  }
0x28e: {  	v40 =	vld.idx.msk [tilespmem:v61+s26+$0x0], $0xffff;
	v33 =	vadd.s32 v5, v31  }
0x28f: {  	s22 =	sadd.s32 $0x1C, s13;
	v30 =	vld.idx.msk [tilespmem:v30+s26+$0x0], $0xffff;
	v31 =	vadd.s32 v6, v31  }
0x290: {  	v41 =	vadd.s32 s22, v0;
	_ =	sdelay $0x2  }
0x291: {  	[tilespmem:v33+s4+$0x0] =	vst.idx.msk $0xffff, v40  }
0x292: {  	[tilespmem:v31+s4+$0x0] =	vst.idx.msk $0xffff, v30  }
0x293: {  	v30 =	vld.idx.msk [tilespmem:v41+s3+$0x0], $0xffff;
	_ =	sdelay $0x4  }
0x294: {  	(v2sf) =	vpush v30, $0x0;
	_ =	sdelay $0x7  }
0x295: {  	(v2sf) =	vpush v30, $0x1;
	_ =	sdelay $0x6  }
0x296: {  	s21 =	spop (v2sf)  }
0x297: {  	s20 =	sand.u32 $0xFFFFF80, s21  }
0x298: {  	(v2sf) =	vpush v30, $0x2;
	s20 =	sadd.s32 s0, s20  }
0x299: {  	[tilespmem:s26], [sflag:$0x2] =	stream.linear.gather [hbm4b:s20+s3], $0x400, $0x38;
	[tilespmem:$0x1C280] =	vst v63  }
0x29a: {  	s22 =	simm.s32 $0x5280;
	s21 =	sadd.s32 $0xF4280, s20  }
0x29b: {  	[tilespmem:s22], [sflag:$0x2] =	stream.linear.gather [hbm4b:s21+s3], $0x400, $0x38;
	[tilespmem:$0x1C280] =	vst v63  }
0x29c: {  	s21 =	sadd.s32 $0x1E8500, s20;
	s22 =	simm.s32 $0x6280  }
0x29d: {  	[tilespmem:s22], [sflag:$0x2] =	stream.linear.gather [hbm4b:s21+s3], $0x400, $0x38;
	[tilespmem:$0x1C280] =	vst v63  }
0x29e: {  	s20 =	sadd.s32 $0x2DC780, s20;
	s22 =	simm.s32 $0x7280;
	s21 =	spop (v2sf)  }
0x29f: {  	[tilespmem:s22], [sflag:$0x2] =	stream.linear.gather [hbm4b:s20+s3], $0x400, $0x38;
	[tilespmem:$0x1C280] =	vst v63  }
0x2a0: {  	s20 =	sand.u32 $0xFFFFF80, s21  }
0x2a1: {  	(v2sf) =	vpush v30, $0x3;
	s22 =	simm.s32 $0x4680;
	s20 =	sadd.s32 s0, s20  }
0x2a2: {  	[tilespmem:s22], [sflag:$0x2] =	stream.linear.gather [hbm4b:s20+s3], $0x400, $0x38;
	[tilespmem:$0x1C280] =	vst v63  }
0x2a3: {  	s21 =	sadd.s32 $0xF4280, s20;
	s22 =	simm.s32 $0x5680  }
0x2a4: {  	[tilespmem:s22], [sflag:$0x2] =	stream.linear.gather [hbm4b:s21+s3], $0x400, $0x38;
	[tilespmem:$0x1C280] =	vst v63  }
0x2a5: {  	s21 =	sadd.s32 $0x1E8500, s20;
	s22 =	simm.s32 $0x6680  }
0x2a6: {  	[tilespmem:s22], [sflag:$0x2] =	stream.linear.gather [hbm4b:s21+s3], $0x400, $0x38;
	[tilespmem:$0x1C280] =	vst v63  }
0x2a7: {  	s20 =	sadd.s32 $0x2DC780, s20;
	s21 =	spop (v2sf)  }
0x2a8: {  	s22 =	simm.s32 $0x7680;
	s21 =	sand.u32 $0xFFFFF80, s21  }
0x2a9: {  	[tilespmem:s22], [sflag:$0x2] =	stream.linear.gather [hbm4b:s20+s3], $0x400, $0x38;
	[tilespmem:$0x1C280] =	vst v63  }
0x2aa: {  	s20 =	sadd.s32 s0, s21;
	s22 =	simm.s32 $0x4A80  }
0x2ab: {  	[tilespmem:s22], [sflag:$0x2] =	stream.linear.gather [hbm4b:s20+s3], $0x400, $0x38;
	[tilespmem:$0x1C280] =	vst v63  }
0x2ac: {  	s21 =	sadd.s32 $0xF4280, s20;
	s22 =	simm.s32 $0x5A80  }
0x2ad: {  	[tilespmem:s22], [sflag:$0x2] =	stream.linear.gather [hbm4b:s21+s3], $0x400, $0x38;
	[tilespmem:$0x1C280] =	vst v63  }
0x2ae: {  	s21 =	sadd.s32 $0x1E8500, s20;
	s22 =	simm.s32 $0x6A80  }
0x2af: {  	[tilespmem:s22], [sflag:$0x2] =	stream.linear.gather [hbm4b:s21+s3], $0x400, $0x38;
	[tilespmem:$0x1C280] =	vst v63  }
0x2b0: {  	s20 =	sadd.s32 $0x2DC780, s20;
	s22 =	simm.s32 $0x7A80;
	s21 =	spop (v2sf)  }
0x2b1: {  	[tilespmem:s22], [sflag:$0x2] =	stream.linear.gather [hbm4b:s20+s3], $0x400, $0x38;
	[tilespmem:$0x1C280] =	vst v63  }
0x2b2: {  	s20 =	sand.u32 $0xFFFFF80, s21  }
0x2b3: {  	s22 =	simm.s32 $0x4E80;
	s20 =	sadd.s32 s0, s20  }
0x2b4: {  	[tilespmem:s22], [sflag:$0x2] =	stream.linear.gather [hbm4b:s20+s3], $0x400, $0x38;
	[tilespmem:$0x1C280] =	vst v63  }
0x2b5: {  	s21 =	sadd.s32 $0xF4280, s20;
	s22 =	simm.s32 $0x5E80  }
0x2b6: {  	[tilespmem:s22], [sflag:$0x2] =	stream.linear.gather [hbm4b:s21+s3], $0x400, $0x38;
	[tilespmem:$0x1C280] =	vst v63  }
0x2b7: {  	s21 =	sadd.s32 $0x1E8500, s20;
	s22 =	simm.s32 $0x6E80  }
0x2b8: {  	[tilespmem:s22], [sflag:$0x2] =	stream.linear.gather [hbm4b:s21+s3], $0x400, $0x38;
	[tilespmem:$0x1C280] =	vst v63  }
0x2b9: {  	s20 =	sadd.s32 $0x2DC780, s20;
	s22 =	simm.s32 $0x7E80  }
0x2ba: {  	[tilespmem:s22], [sflag:$0x2] =	stream.linear.gather [hbm4b:s20+s3], $0x400, $0x38;
	[tilespmem:$0x1C280] =	vst v63  }
0x2bb: {  	_ =	swait.ge [sflag:s6], $0x1000  }
0x2bc: {  	[sflag:s6] =	ssyncset.done $0x0  }
0x2bd: {  	[sflag:s6] =	ssyncadd.s32 $0xFFFFF000  }
0x2be: {  	_ =	swait.ge [sflag:s6], $0x1000  }
0x2bf: {  	[sflag:s6] =	ssyncset.done $0x0  }
0x2c0: {  	[sflag:s6] =	ssyncadd.s32 $0xFFFFF000  }
0x2c1: {  	s20 =	sadd.s32 $0x8, s13;
	_ =	swait.ge [sflag:s6], $0x1000  }
0x2c2: {  	v30 =	vadd.s32 s20, v0;
	[sflag:s6] =	ssyncset.done $0x0  }
0x2c3: {  	[sflag:s6] =	ssyncadd.s32 $0xFFFFF000  }
0x2c4: {  	_ =	swait.ge [sflag:s6], $0x1000  }
0x2c5: {  	[sflag:s6] =	ssyncset.done $0x0  }
0x2c6: {  	[sflag:s6] =	ssyncadd.s32 $0xFFFFF000  }
0x2c7: {  	v30 =	vld.idx.msk [tilespmem:v30+s3+$0x0], $0xffff;
	_ =	sdelay $0x4  }
0x2c8: {  	(v2sf) =	vpush v30, $0x0;
	_ =	sdelay $0xe  }
0x2c9: {  	s22 =	spop (v2sf)  }
0x2ca: {  	s21 =	sand.u32 $0x7F, s22  }
0x2cb: {  	v31 =	vor.u32 s21, v5  }
0x2cc: {  	v42 =	vmov s20;
	v43 =	vor.u32 s21, v6  }
0x2cd: {  	v44 =	vshll.u32 v42, $0x3  }
0x2ce: {  	v32 =	vand.u32 $0x78, v42;
	v34 =	vand.u32 $0x3C00, v44  }
0x2cf: {  	v32 =	vor.u32 v32, v34;
	v30 =	vand.u32 $0x7F, v30  }
0x2d0: {  	v34 =	vadd.s32 v5, v32;
	v45 =	vbroadcast v30, $0x1;
	v31 =	vld.idx.msk [tilespmem:v31+s14+$0x0], $0xffff  }
0x2d1: {  	v32 =	vadd.s32 v6, v32;
	v33 =	vld.idx.msk [tilespmem:v43+s14+$0x0], $0xffff  }
0x2d2: {  	v46 =	vor.u32 v7, v45;
	s22 =	sadd.s32 $0x9, s13  }
0x2d3: {  	v35 =	vor.u32 v8, v45;
	v47 =	vmov s22  }
0x2d4: {  	v48 =	vshll.u32 v47, $0x3  }
0x2d5: {  	v49 =	vand.u32 $0x3C00, v48;
	[tilespmem:v34+s4+$0x0] =	vst.idx.msk $0xffff, v31;
	v31 =	vand.u32 $0x79, v47  }
0x2d6: {  	[tilespmem:v32+s4+$0x0] =	vst.idx.msk $0xffff, v33;
	v31 =	vor.u32 v31, v49  }
0x2d7: {  	v51 =	vbroadcast v30, $0x2;
	v32 =	vld.idx.msk [tilespmem:v46+s14+$0x0], $0xffff;
	v50 =	vadd.s32 v5, v31  }
0x2d8: {  	v35 =	vld.idx.msk [tilespmem:v35+s14+$0x0], $0xffff;
	v31 =	vadd.s32 v6, v31  }
0x2d9: {  	v52 =	vor.u32 v9, v51;
	s21 =	sadd.s32 $0xA, s13  }
0x2da: {  	v53 =	vmov s21;
	v34 =	vor.u32 v10, v51  }
0x2db: {  	v54 =	vshll.u32 v53, $0x3  }
0x2dc: {  	v55 =	vand.u32 $0x7A, v53;
	v56 =	vand.u32 $0x3C00, v54;
	[tilespmem:v50+s4+$0x0] =	vst.idx.msk $0xffff, v32  }
0x2dd: {  	[tilespmem:v31+s4+$0x0] =	vst.idx.msk $0xffff, v35;
	v31 =	vor.u32 v55, v56  }
0x2de: {  	v30 =	vbroadcast v30, $0x3;
	v57 =	vld.idx.msk [tilespmem:v52+s14+$0x0], $0xffff;
	v33 =	vadd.s32 v5, v31  }
0x2df: {  	v34 =	vld.idx.msk [tilespmem:v34+s14+$0x0], $0xffff;
	v31 =	vadd.s32 v6, v31  }
0x2e0: {  	v58 =	vor.u32 v11, v30;
	s22 =	sadd.s32 $0xB, s13  }
0x2e1: {  	v30 =	vor.u32 v12, v30;
	v59 =	vmov s22  }
0x2e2: {  	v60 =	vshll.u32 v59, $0x3  }
0x2e3: {  	v61 =	vand.u32 $0x7B, v59;
	v62 =	vand.u32 $0x3C00, v60;
	[tilespmem:v33+s4+$0x0] =	vst.idx.msk $0xffff, v57  }
0x2e4: {  	[tilespmem:v31+s4+$0x0] =	vst.idx.msk $0xffff, v34;
	v31 =	vor.u32 v61, v62  }
0x2e5: {  	v63 =	vld.idx.msk [tilespmem:v58+s14+$0x0], $0xffff;
	v33 =	vadd.s32 v5, v31  }
0x2e6: {  	p0 =	seq.s32 s13, $0x1E0;
	v30 =	vld.idx.msk [tilespmem:v30+s14+$0x0], $0xffff;
	v31 =	vadd.s32 v6, v31  }
.Ltmp4:
0x2e7: {  	_ = 	snop;
	(pc) =	sbr.rel @p0 .LBB2_4-.Ltmp4, $3  }
0x2e8: {  	_ =	sdelay $0x1  }
0x2e9: {  	[tilespmem:v33+s4+$0x0] =	vst.idx.msk $0xffff, v63  }
0x2ea: {  	[tilespmem:v31+s4+$0x0] =	vst.idx.msk $0xffff, v30  }
0x2eb: {  	s20 =	sadd.s32 $0x20, s13  }
0x2ec: {  	v30 =	vadd.s32 s20, v0;
	_ =	sdelay $0x4  }
0x2ed: {  	v30 =	vld.idx.msk [tilespmem:v30+s3+$0x0], $0xffff;
	_ =	sdelay $0x4  }
0x2ee: {  	(v2sf) =	vpush v30, $0x0;
	_ =	sdelay $0x7  }
0x2ef: {  	(v2sf) =	vpush v30, $0x1;
	_ =	sdelay $0x6  }
0x2f0: {  	s21 =	spop (v2sf)  }
0x2f1: {  	s20 =	sand.u32 $0xFFFFF80, s21  }
0x2f2: {  	(v2sf) =	vpush v30, $0x2;
	s20 =	sadd.s32 s0, s20  }
0x2f3: {  	[tilespmem:s14], [sflag:$0x3] =	stream.linear.gather [hbm4b:s20+s3], $0x400, $0x38;
	[tilespmem:$0x1C280] =	vst v63  }
0x2f4: {  	s22 =	simm.s32 $0x9280;
	s21 =	sadd.s32 $0xF4280, s20  }
0x2f5: {  	[tilespmem:s22], [sflag:$0x3] =	stream.linear.gather [hbm4b:s21+s3], $0x400, $0x38;
	[tilespmem:$0x1C280] =	vst v63  }
0x2f6: {  	s21 =	sadd.s32 $0x1E8500, s20;
	s22 =	simm.s32 $0xA280  }
0x2f7: {  	[tilespmem:s22], [sflag:$0x3] =	stream.linear.gather [hbm4b:s21+s3], $0x400, $0x38;
	[tilespmem:$0x1C280] =	vst v63  }
0x2f8: {  	s20 =	sadd.s32 $0x2DC780, s20;
	s22 =	simm.s32 $0xB280;
	s21 =	spop (v2sf)  }
0x2f9: {  	[tilespmem:s22], [sflag:$0x3] =	stream.linear.gather [hbm4b:s20+s3], $0x400, $0x38;
	[tilespmem:$0x1C280] =	vst v63  }
0x2fa: {  	s20 =	sand.u32 $0xFFFFF80, s21  }
0x2fb: {  	(v2sf) =	vpush v30, $0x3;
	s22 =	simm.s32 $0x8680;
	s20 =	sadd.s32 s0, s20  }
0x2fc: {  	[tilespmem:s22], [sflag:$0x3] =	stream.linear.gather [hbm4b:s20+s3], $0x400, $0x38;
	[tilespmem:$0x1C280] =	vst v63  }
0x2fd: {  	s21 =	sadd.s32 $0xF4280, s20;
	s22 =	simm.s32 $0x9680  }
0x2fe: {  	[tilespmem:s22], [sflag:$0x3] =	stream.linear.gather [hbm4b:s21+s3], $0x400, $0x38;
	[tilespmem:$0x1C280] =	vst v63  }
0x2ff: {  	s21 =	sadd.s32 $0x1E8500, s20;
	s22 =	simm.s32 $0xA680  }
0x300: {  	[tilespmem:s22], [sflag:$0x3] =	stream.linear.gather [hbm4b:s21+s3], $0x400, $0x38;
	[tilespmem:$0x1C280] =	vst v63  }
0x301: {  	s20 =	sadd.s32 $0x2DC780, s20;
	s21 =	spop (v2sf)  }
0x302: {  	s22 =	simm.s32 $0xB680;
	s21 =	sand.u32 $0xFFFFF80, s21  }
0x303: {  	[tilespmem:s22], [sflag:$0x3] =	stream.linear.gather [hbm4b:s20+s3], $0x400, $0x38;
	[tilespmem:$0x1C280] =	vst v63  }
0x304: {  	s20 =	sadd.s32 s0, s21;
	s22 =	simm.s32 $0x8A80  }
0x305: {  	[tilespmem:s22], [sflag:$0x3] =	stream.linear.gather [hbm4b:s20+s3], $0x400, $0x38;
	[tilespmem:$0x1C280] =	vst v63  }
0x306: {  	s21 =	sadd.s32 $0xF4280, s20;
	s22 =	simm.s32 $0x9A80  }
0x307: {  	[tilespmem:s22], [sflag:$0x3] =	stream.linear.gather [hbm4b:s21+s3], $0x400, $0x38;
	[tilespmem:$0x1C280] =	vst v63  }
0x308: {  	s21 =	sadd.s32 $0x1E8500, s20;
	s22 =	simm.s32 $0xAA80  }
0x309: {  	[tilespmem:s22], [sflag:$0x3] =	stream.linear.gather [hbm4b:s21+s3], $0x400, $0x38;
	[tilespmem:$0x1C280] =	vst v63  }
0x30a: {  	s20 =	sadd.s32 $0x2DC780, s20;
	s22 =	simm.s32 $0xBA80;
	s21 =	spop (v2sf)  }
0x30b: {  	[tilespmem:s22], [sflag:$0x3] =	stream.linear.gather [hbm4b:s20+s3], $0x400, $0x38;
	[tilespmem:$0x1C280] =	vst v63  }
0x30c: {  	s20 =	sand.u32 $0xFFFFF80, s21  }
0x30d: {  	s22 =	simm.s32 $0x8E80;
	s20 =	sadd.s32 s0, s20  }
0x30e: {  	[tilespmem:s22], [sflag:$0x3] =	stream.linear.gather [hbm4b:s20+s3], $0x400, $0x38;
	[tilespmem:$0x1C280] =	vst v63  }
0x30f: {  	s21 =	sadd.s32 $0xF4280, s20;
	s22 =	simm.s32 $0x9E80  }
0x310: {  	[tilespmem:s22], [sflag:$0x3] =	stream.linear.gather [hbm4b:s21+s3], $0x400, $0x38;
	[tilespmem:$0x1C280] =	vst v63  }
0x311: {  	s21 =	sadd.s32 $0x1E8500, s20;
	s22 =	simm.s32 $0xAE80  }
0x312: {  	[tilespmem:s22], [sflag:$0x3] =	stream.linear.gather [hbm4b:s21+s3], $0x400, $0x38;
	[tilespmem:$0x1C280] =	vst v63  }
0x313: {  	s20 =	sadd.s32 $0x2DC780, s20;
	s22 =	simm.s32 $0xBE80  }
0x314: {  	[tilespmem:s22], [sflag:$0x3] =	stream.linear.gather [hbm4b:s20+s3], $0x400, $0x38;
	[tilespmem:$0x1C280] =	vst v63  }
.LBB2_4:
0x315: {  	_ =	swait.ge [sflag:s9], $0x1000  }
0x316: {  	[sflag:s9] =	ssyncset.done $0x0  }
0x317: {  	[sflag:s9] =	ssyncadd.s32 $0xFFFFF000  }
0x318: {  	_ =	swait.ge [sflag:s9], $0x1000  }
0x319: {  	[sflag:s9] =	ssyncset.done $0x0  }
0x31a: {  	[sflag:s9] =	ssyncadd.s32 $0xFFFFF000  }
0x31b: {  	s20 =	sadd.s32 $0xC, s13;
	_ =	swait.ge [sflag:s9], $0x1000  }
0x31c: {  	v30 =	vadd.s32 s20, v0;
	[sflag:s9] =	ssyncset.done $0x0  }
0x31d: {  	[sflag:s9] =	ssyncadd.s32 $0xFFFFF000  }
0x31e: {  	_ =	swait.ge [sflag:s9], $0x1000  }
0x31f: {  	[sflag:s9] =	ssyncset.done $0x0  }
0x320: {  	[sflag:s9] =	ssyncadd.s32 $0xFFFFF000  }
0x321: {  	v30 =	vld.idx.msk [tilespmem:v30+s3+$0x0], $0xffff;
	_ =	sdelay $0x4  }
0x322: {  	(v2sf) =	vpush v30, $0x0;
	_ =	sdelay $0xe  }
0x323: {  	s21 =	spop (v2sf)  }
0x324: {  	s21 =	sand.u32 $0x7F, s21  }
0x325: {  	v31 =	vor.u32 s21, v5  }
0x326: {  	v32 =	vmov s20;
	v33 =	vor.u32 s21, v6  }
0x327: {  	v34 =	vshll.u32 v32, $0x3  }
0x328: {  	v32 =	vand.u32 $0x7C, v32;
	v34 =	vand.u32 $0x3C00, v34  }
0x329: {  	v32 =	vor.u32 v32, v34;
	v30 =	vand.u32 $0x7F, v30  }
0x32a: {  	v34 =	vadd.s32 v5, v32;
	v35 =	vbroadcast v30, $0x1;
	v31 =	vld.idx.msk [tilespmem:v31+s15+$0x0], $0xffff  }
0x32b: {  	v32 =	vadd.s32 v6, v32;
	v33 =	vld.idx.msk [tilespmem:v33+s15+$0x0], $0xffff  }
0x32c: {  	s22 =	sadd.s32 $0xD, s13;
	v36 =	vor.u32 v7, v35  }
0x32d: {  	v37 =	vmov s22;
	v35 =	vor.u32 v8, v35  }
0x32e: {  	v38 =	vshll.u32 v37, $0x3  }
0x32f: {  	v49 =	vand.u32 $0x3C00, v38;
	[tilespmem:v34+s4+$0x0] =	vst.idx.msk $0xffff, v31;
	v31 =	vand.u32 $0x7D, v37  }
0x330: {  	[tilespmem:v32+s4+$0x0] =	vst.idx.msk $0xffff, v33;
	v31 =	vor.u32 v31, v49  }
0x331: {  	v51 =	vbroadcast v30, $0x2;
	v32 =	vld.idx.msk [tilespmem:v36+s15+$0x0], $0xffff;
	v50 =	vadd.s32 v5, v31  }
0x332: {  	v35 =	vld.idx.msk [tilespmem:v35+s15+$0x0], $0xffff;
	v31 =	vadd.s32 v6, v31  }
0x333: {  	v52 =	vor.u32 v9, v51;
	s21 =	sadd.s32 $0xE, s13  }
0x334: {  	v53 =	vmov s21;
	v34 =	vor.u32 v10, v51  }
0x335: {  	v54 =	vshll.u32 v53, $0x3  }
0x336: {  	v55 =	vand.u32 $0x7E, v53;
	v56 =	vand.u32 $0x3C00, v54;
	[tilespmem:v50+s4+$0x0] =	vst.idx.msk $0xffff, v32  }
0x337: {  	[tilespmem:v31+s4+$0x0] =	vst.idx.msk $0xffff, v35;
	v31 =	vor.u32 v55, v56  }
0x338: {  	v30 =	vbroadcast v30, $0x3;
	v57 =	vld.idx.msk [tilespmem:v52+s15+$0x0], $0xffff;
	v33 =	vadd.s32 v5, v31  }
0x339: {  	v34 =	vld.idx.msk [tilespmem:v34+s15+$0x0], $0xffff;
	v31 =	vadd.s32 v6, v31  }
0x33a: {  	s22 =	sadd.s32 $0xF, s13;
	v58 =	vor.u32 v11, v30  }
0x33b: {  	v59 =	vmov s22;
	v30 =	vor.u32 v12, v30  }
0x33c: {  	v60 =	vshll.u32 v59, $0x3  }
0x33d: {  	v61 =	vand.u32 $0x7F, v59;
	v62 =	vand.u32 $0x3C00, v60;
	[tilespmem:v33+s4+$0x0] =	vst.idx.msk $0xffff, v57  }
0x33e: {  	[tilespmem:v31+s4+$0x0] =	vst.idx.msk $0xffff, v34;
	v31 =	vor.u32 v61, v62  }
0x33f: {  	v63 =	vld.idx.msk [tilespmem:v58+s15+$0x0], $0xffff;
	v33 =	vadd.s32 v5, v31  }
0x340: {  	v30 =	vld.idx.msk [tilespmem:v30+s15+$0x0], $0xffff;
	v31 =	vadd.s32 v6, v31  }
.Ltmp5:
0x341: {  	_ = 	snop;
	(pc) =	sbr.rel @p0 .LBB2_6-.Ltmp5, $3  }
0x342: {  	_ =	sdelay $0x1  }
0x343: {  	[tilespmem:v33+s4+$0x0] =	vst.idx.msk $0xffff, v63  }
0x344: {  	[tilespmem:v31+s4+$0x0] =	vst.idx.msk $0xffff, v30  }
0x345: {  	s20 =	sadd.s32 $0x24, s13  }
0x346: {  	v30 =	vadd.s32 s20, v0;
	_ =	sdelay $0x4  }
0x347: {  	v30 =	vld.idx.msk [tilespmem:v30+s3+$0x0], $0xffff;
	_ =	sdelay $0x4  }
0x348: {  	(v2sf) =	vpush v30, $0x0;
	_ =	sdelay $0x7  }
0x349: {  	(v2sf) =	vpush v30, $0x1;
	_ =	sdelay $0x6  }
0x34a: {  	s21 =	spop (v2sf)  }
0x34b: {  	s20 =	sand.u32 $0xFFFFF80, s21  }
0x34c: {  	(v2sf) =	vpush v30, $0x2;
	s20 =	sadd.s32 s0, s20  }
0x34d: {  	[tilespmem:s15], [sflag:$0x4] =	stream.linear.gather [hbm4b:s20+s3], $0x400, $0x38;
	[tilespmem:$0x1C280] =	vst v63  }
0x34e: {  	s22 =	simm.s32 $0xD280;
	s21 =	sadd.s32 $0xF4280, s20  }
0x34f: {  	[tilespmem:s22], [sflag:$0x4] =	stream.linear.gather [hbm4b:s21+s3], $0x400, $0x38;
	[tilespmem:$0x1C280] =	vst v63  }
0x350: {  	s21 =	sadd.s32 $0x1E8500, s20;
	s22 =	simm.s32 $0xE280  }
0x351: {  	[tilespmem:s22], [sflag:$0x4] =	stream.linear.gather [hbm4b:s21+s3], $0x400, $0x38;
	[tilespmem:$0x1C280] =	vst v63  }
0x352: {  	s20 =	sadd.s32 $0x2DC780, s20;
	s22 =	simm.s32 $0xF280;
	s21 =	spop (v2sf)  }
0x353: {  	[tilespmem:s22], [sflag:$0x4] =	stream.linear.gather [hbm4b:s20+s3], $0x400, $0x38;
	[tilespmem:$0x1C280] =	vst v63  }
0x354: {  	s20 =	sand.u32 $0xFFFFF80, s21  }
0x355: {  	(v2sf) =	vpush v30, $0x3;
	s22 =	simm.s32 $0xC680;
	s20 =	sadd.s32 s0, s20  }
0x356: {  	[tilespmem:s22], [sflag:$0x4] =	stream.linear.gather [hbm4b:s20+s3], $0x400, $0x38;
	[tilespmem:$0x1C280] =	vst v63  }
0x357: {  	s21 =	sadd.s32 $0xF4280, s20;
	s22 =	simm.s32 $0xD680  }
0x358: {  	[tilespmem:s22], [sflag:$0x4] =	stream.linear.gather [hbm4b:s21+s3], $0x400, $0x38;
	[tilespmem:$0x1C280] =	vst v63  }
0x359: {  	s21 =	sadd.s32 $0x1E8500, s20;
	s22 =	simm.s32 $0xE680  }
0x35a: {  	[tilespmem:s22], [sflag:$0x4] =	stream.linear.gather [hbm4b:s21+s3], $0x400, $0x38;
	[tilespmem:$0x1C280] =	vst v63  }
0x35b: {  	s20 =	sadd.s32 $0x2DC780, s20;
	s21 =	spop (v2sf)  }
0x35c: {  	s22 =	simm.s32 $0xF680;
	s21 =	sand.u32 $0xFFFFF80, s21  }
0x35d: {  	[tilespmem:s22], [sflag:$0x4] =	stream.linear.gather [hbm4b:s20+s3], $0x400, $0x38;
	[tilespmem:$0x1C280] =	vst v63  }
0x35e: {  	s20 =	sadd.s32 s0, s21;
	s22 =	simm.s32 $0xCA80  }
0x35f: {  	[tilespmem:s22], [sflag:$0x4] =	stream.linear.gather [hbm4b:s20+s3], $0x400, $0x38;
	[tilespmem:$0x1C280] =	vst v63  }
0x360: {  	s21 =	sadd.s32 $0xF4280, s20;
	s22 =	simm.s32 $0xDA80  }
0x361: {  	[tilespmem:s22], [sflag:$0x4] =	stream.linear.gather [hbm4b:s21+s3], $0x400, $0x38;
	[tilespmem:$0x1C280] =	vst v63  }
0x362: {  	s21 =	sadd.s32 $0x1E8500, s20;
	s22 =	simm.s32 $0xEA80  }
0x363: {  	[tilespmem:s22], [sflag:$0x4] =	stream.linear.gather [hbm4b:s21+s3], $0x400, $0x38;
	[tilespmem:$0x1C280] =	vst v63  }
0x364: {  	s20 =	sadd.s32 $0x2DC780, s20;
	s22 =	simm.s32 $0xFA80;
	s21 =	spop (v2sf)  }
0x365: {  	[tilespmem:s22], [sflag:$0x4] =	stream.linear.gather [hbm4b:s20+s3], $0x400, $0x38;
	[tilespmem:$0x1C280] =	vst v63  }
0x366: {  	s20 =	sand.u32 $0xFFFFF80, s21  }
0x367: {  	s22 =	simm.s32 $0xCE80;
	s20 =	sadd.s32 s0, s20  }
0x368: {  	[tilespmem:s22], [sflag:$0x4] =	stream.linear.gather [hbm4b:s20+s3], $0x400, $0x38;
	[tilespmem:$0x1C280] =	vst v63  }
0x369: {  	s21 =	sadd.s32 $0xF4280, s20;
	s22 =	simm.s32 $0xDE80  }
0x36a: {  	[tilespmem:s22], [sflag:$0x4] =	stream.linear.gather [hbm4b:s21+s3], $0x400, $0x38;
	[tilespmem:$0x1C280] =	vst v63  }
0x36b: {  	s21 =	sadd.s32 $0x1E8500, s20;
	s22 =	simm.s32 $0xEE80  }
0x36c: {  	[tilespmem:s22], [sflag:$0x4] =	stream.linear.gather [hbm4b:s21+s3], $0x400, $0x38;
	[tilespmem:$0x1C280] =	vst v63  }
0x36d: {  	s20 =	sadd.s32 $0x2DC780, s20;
	s22 =	simm.s32 $0xFE80  }
0x36e: {  	[tilespmem:s22], [sflag:$0x4] =	stream.linear.gather [hbm4b:s20+s3], $0x400, $0x38;
	[tilespmem:$0x1C280] =	vst v63  }
.LBB2_6:
0x36f: {  	_ =	swait.ge [sflag:s11], $0x1000  }
0x370: {  	[sflag:s11] =	ssyncset.done $0x0  }
0x371: {  	[sflag:s11] =	ssyncadd.s32 $0xFFFFF000  }
0x372: {  	_ =	swait.ge [sflag:s11], $0x1000  }
0x373: {  	[sflag:s11] =	ssyncset.done $0x0  }
0x374: {  	[sflag:s11] =	ssyncadd.s32 $0xFFFFF000  }
0x375: {  	s20 =	sadd.s32 $0x10, s13;
	_ =	swait.ge [sflag:s11], $0x1000  }
0x376: {  	v30 =	vadd.s32 s20, v0;
	[sflag:s11] =	ssyncset.done $0x0  }
0x377: {  	[sflag:s11] =	ssyncadd.s32 $0xFFFFF000  }
0x378: {  	_ =	swait.ge [sflag:s11], $0x1000  }
0x379: {  	[sflag:s11] =	ssyncset.done $0x0  }
0x37a: {  	[sflag:s11] =	ssyncadd.s32 $0xFFFFF000  }
0x37b: {  	v30 =	vld.idx.msk [tilespmem:v30+s3+$0x0], $0xffff;
	_ =	sdelay $0x4  }
0x37c: {  	(v2sf) =	vpush v30, $0x0;
	_ =	sdelay $0xe  }
0x37d: {  	s21 =	spop (v2sf)  }
0x37e: {  	s21 =	sand.u32 $0x7F, s21  }
0x37f: {  	v31 =	vor.u32 s21, v5  }
0x380: {  	v32 =	vmov s20;
	v33 =	vor.u32 s21, v6  }
0x381: {  	v34 =	vshll.u32 v32, $0x3  }
0x382: {  	v32 =	vand.u32 $0x78, v32;
	v34 =	vand.u32 $0x3C00, v34  }
0x383: {  	v32 =	vor.u32 v32, v34;
	v30 =	vand.u32 $0x7F, v30  }
0x384: {  	v34 =	vadd.s32 v5, v32;
	v35 =	vbroadcast v30, $0x1;
	v31 =	vld.idx.msk [tilespmem:v31+s16+$0x0], $0xffff  }
0x385: {  	v32 =	vadd.s32 v6, v32;
	v33 =	vld.idx.msk [tilespmem:v33+s16+$0x0], $0xffff  }
0x386: {  	s22 =	sadd.s32 $0x11, s13;
	v36 =	vor.u32 v7, v35  }
0x387: {  	v37 =	vmov s22;
	v35 =	vor.u32 v8, v35  }
0x388: {  	v38 =	vshll.u32 v37, $0x3  }
0x389: {  	v49 =	vand.u32 $0x3C00, v38;
	[tilespmem:v34+s4+$0x0] =	vst.idx.msk $0xffff, v31;
	v31 =	vand.u32 $0x79, v37  }
0x38a: {  	[tilespmem:v32+s4+$0x0] =	vst.idx.msk $0xffff, v33;
	v31 =	vor.u32 v31, v49  }
0x38b: {  	v51 =	vbroadcast v30, $0x2;
	v32 =	vld.idx.msk [tilespmem:v36+s16+$0x0], $0xffff;
	v50 =	vadd.s32 v5, v31  }
0x38c: {  	v35 =	vld.idx.msk [tilespmem:v35+s16+$0x0], $0xffff;
	v31 =	vadd.s32 v6, v31  }
0x38d: {  	v52 =	vor.u32 v9, v51;
	s21 =	sadd.s32 $0x12, s13  }
0x38e: {  	v53 =	vmov s21;
	v34 =	vor.u32 v10, v51  }
0x38f: {  	v54 =	vshll.u32 v53, $0x3  }
0x390: {  	v55 =	vand.u32 $0x7A, v53;
	v56 =	vand.u32 $0x3C00, v54;
	[tilespmem:v50+s4+$0x0] =	vst.idx.msk $0xffff, v32  }
0x391: {  	[tilespmem:v31+s4+$0x0] =	vst.idx.msk $0xffff, v35;
	v31 =	vor.u32 v55, v56  }
0x392: {  	v30 =	vbroadcast v30, $0x3;
	v57 =	vld.idx.msk [tilespmem:v52+s16+$0x0], $0xffff;
	v33 =	vadd.s32 v5, v31  }
0x393: {  	v34 =	vld.idx.msk [tilespmem:v34+s16+$0x0], $0xffff;
	v31 =	vadd.s32 v6, v31  }
0x394: {  	s22 =	sadd.s32 $0x13, s13;
	v58 =	vor.u32 v11, v30  }
0x395: {  	v59 =	vmov s22;
	v30 =	vor.u32 v12, v30  }
0x396: {  	v60 =	vshll.u32 v59, $0x3  }
0x397: {  	v61 =	vand.u32 $0x7B, v59;
	v62 =	vand.u32 $0x3C00, v60;
	[tilespmem:v33+s4+$0x0] =	vst.idx.msk $0xffff, v57  }
0x398: {  	[tilespmem:v31+s4+$0x0] =	vst.idx.msk $0xffff, v34;
	v31 =	vor.u32 v61, v62  }
0x399: {  	v63 =	vld.idx.msk [tilespmem:v58+s16+$0x0], $0xffff;
	v33 =	vadd.s32 v5, v31  }
0x39a: {  	v30 =	vld.idx.msk [tilespmem:v30+s16+$0x0], $0xffff;
	v31 =	vadd.s32 v6, v31  }
.Ltmp6:
0x39b: {  	_ = 	snop;
	(pc) =	sbr.rel @p0 .LBB2_8-.Ltmp6, $3  }
0x39c: {  	_ =	sdelay $0x1  }
0x39d: {  	[tilespmem:v33+s4+$0x0] =	vst.idx.msk $0xffff, v63  }
0x39e: {  	[tilespmem:v31+s4+$0x0] =	vst.idx.msk $0xffff, v30  }
0x39f: {  	s20 =	sadd.s32 $0x28, s13  }
0x3a0: {  	v30 =	vadd.s32 s20, v0;
	_ =	sdelay $0x4  }
0x3a1: {  	v30 =	vld.idx.msk [tilespmem:v30+s3+$0x0], $0xffff;
	_ =	sdelay $0x4  }
0x3a2: {  	(v2sf) =	vpush v30, $0x0;
	_ =	sdelay $0x7  }
0x3a3: {  	(v2sf) =	vpush v30, $0x1;
	_ =	sdelay $0x6  }
0x3a4: {  	s21 =	spop (v2sf)  }
0x3a5: {  	s20 =	sand.u32 $0xFFFFF80, s21  }
0x3a6: {  	(v2sf) =	vpush v30, $0x2;
	s20 =	sadd.s32 s0, s20  }
0x3a7: {  	[tilespmem:s16], [sflag:$0x5] =	stream.linear.gather [hbm4b:s20+s3], $0x400, $0x38;
	[tilespmem:$0x1C280] =	vst v63  }
0x3a8: {  	s22 =	simm.s32 $0x11280;
	s21 =	sadd.s32 $0xF4280, s20  }
0x3a9: {  	[tilespmem:s22], [sflag:$0x5] =	stream.linear.gather [hbm4b:s21+s3], $0x400, $0x38;
	[tilespmem:$0x1C280] =	vst v63  }
0x3aa: {  	s21 =	sadd.s32 $0x1E8500, s20;
	s22 =	simm.s32 $0x12280  }
0x3ab: {  	[tilespmem:s22], [sflag:$0x5] =	stream.linear.gather [hbm4b:s21+s3], $0x400, $0x38;
	[tilespmem:$0x1C280] =	vst v63  }
0x3ac: {  	s20 =	sadd.s32 $0x2DC780, s20;
	s22 =	simm.s32 $0x13280;
	s21 =	spop (v2sf)  }
0x3ad: {  	[tilespmem:s22], [sflag:$0x5] =	stream.linear.gather [hbm4b:s20+s3], $0x400, $0x38;
	[tilespmem:$0x1C280] =	vst v63  }
0x3ae: {  	s20 =	sand.u32 $0xFFFFF80, s21  }
0x3af: {  	(v2sf) =	vpush v30, $0x3;
	s22 =	simm.s32 $0x10680;
	s20 =	sadd.s32 s0, s20  }
0x3b0: {  	[tilespmem:s22], [sflag:$0x5] =	stream.linear.gather [hbm4b:s20+s3], $0x400, $0x38;
	[tilespmem:$0x1C280] =	vst v63  }
0x3b1: {  	s21 =	sadd.s32 $0xF4280, s20;
	s22 =	simm.s32 $0x11680  }
0x3b2: {  	[tilespmem:s22], [sflag:$0x5] =	stream.linear.gather [hbm4b:s21+s3], $0x400, $0x38;
	[tilespmem:$0x1C280] =	vst v63  }
0x3b3: {  	s21 =	sadd.s32 $0x1E8500, s20;
	s22 =	simm.s32 $0x12680  }
0x3b4: {  	[tilespmem:s22], [sflag:$0x5] =	stream.linear.gather [hbm4b:s21+s3], $0x400, $0x38;
	[tilespmem:$0x1C280] =	vst v63  }
0x3b5: {  	s20 =	sadd.s32 $0x2DC780, s20;
	s21 =	spop (v2sf)  }
0x3b6: {  	s22 =	simm.s32 $0x13680;
	s21 =	sand.u32 $0xFFFFF80, s21  }
0x3b7: {  	[tilespmem:s22], [sflag:$0x5] =	stream.linear.gather [hbm4b:s20+s3], $0x400, $0x38;
	[tilespmem:$0x1C280] =	vst v63  }
0x3b8: {  	s20 =	sadd.s32 s0, s21;
	s22 =	simm.s32 $0x10A80  }
0x3b9: {  	[tilespmem:s22], [sflag:$0x5] =	stream.linear.gather [hbm4b:s20+s3], $0x400, $0x38;
	[tilespmem:$0x1C280] =	vst v63  }
0x3ba: {  	s21 =	sadd.s32 $0xF4280, s20;
	s22 =	simm.s32 $0x11A80  }
0x3bb: {  	[tilespmem:s22], [sflag:$0x5] =	stream.linear.gather [hbm4b:s21+s3], $0x400, $0x38;
	[tilespmem:$0x1C280] =	vst v63  }
0x3bc: {  	s21 =	sadd.s32 $0x1E8500, s20;
	s22 =	simm.s32 $0x12A80  }
0x3bd: {  	[tilespmem:s22], [sflag:$0x5] =	stream.linear.gather [hbm4b:s21+s3], $0x400, $0x38;
	[tilespmem:$0x1C280] =	vst v63  }
0x3be: {  	s20 =	sadd.s32 $0x2DC780, s20;
	s22 =	simm.s32 $0x13A80;
	s21 =	spop (v2sf)  }
0x3bf: {  	[tilespmem:s22], [sflag:$0x5] =	stream.linear.gather [hbm4b:s20+s3], $0x400, $0x38;
	[tilespmem:$0x1C280] =	vst v63  }
0x3c0: {  	s20 =	sand.u32 $0xFFFFF80, s21  }
0x3c1: {  	s22 =	simm.s32 $0x10E80;
	s20 =	sadd.s32 s0, s20  }
0x3c2: {  	[tilespmem:s22], [sflag:$0x5] =	stream.linear.gather [hbm4b:s20+s3], $0x400, $0x38;
	[tilespmem:$0x1C280] =	vst v63  }
0x3c3: {  	s21 =	sadd.s32 $0xF4280, s20;
	s22 =	simm.s32 $0x11E80  }
0x3c4: {  	[tilespmem:s22], [sflag:$0x5] =	stream.linear.gather [hbm4b:s21+s3], $0x400, $0x38;
	[tilespmem:$0x1C280] =	vst v63  }
.Ltmp7:
0x3c5: {  	_ = 	snop;
	(pc) =	sbr.rel .LBB2_8-.Ltmp7, $4  }
0x3c6: {  	s21 =	sadd.s32 $0x1E8500, s20;
	s22 =	simm.s32 $0x12E80  }
0x3c7: {  	[tilespmem:s22], [sflag:$0x5] =	stream.linear.gather [hbm4b:s21+s3], $0x400, $0x38;
	[tilespmem:$0x1C280] =	vst v63  }
0x3c8: {  	s20 =	sadd.s32 $0x2DC780, s20;
	s22 =	simm.s32 $0x13E80  }
0x3c9: {  	[tilespmem:s22], [sflag:$0x5] =	stream.linear.gather [hbm4b:s20+s3], $0x400, $0x38;
	[tilespmem:$0x1C280] =	vst v63  }
.LBB2_10:
0x3ca: {  	_ =	sfence.sel $0x180000  }
0x3cb: {  	[bflag:$0x0] =	sbarrier.arrive $0xFFFF  }
0x3cc: {  	_ =	strace $0x90000047  }
0x3cd: {  	s0 =	stileid.u32;
	[bflag:$0x2] =	sbarrier.arrive $0xFFFF  }
0x3ce: {  	p0 =	sne.s32 s0, $0x0;
	s0 =	rddreg [dreg:$0x3]  }
0x3cf: {  	s0 =	sadd.s32 @!p0 $0x100000, s0  }
0x3d0: {  	[sflag:s0] =	ssyncadd.tile.s32 @!p0 $0x1;
	_ =	shalt  }
.Lfunc_end2:
_tile_overlayer_lowered:
.L_overlay_start_2:
0x3d1: {  	(tag) =	ssettag $0x2  }
0x3d2: {  	s0 =	rddreg [dreg:$0x0];
	s2 =	stileid.u32  }
0x3d3: {  	s1 =	rddreg [dreg:$0x1];
	p0 =	sne.s32 s2, $0x0  }
0x3d4: {  	s3 =	rddreg [dreg:$0x2];
	[bflag:$0x3] =	sbarrier.arrive $0xFFFF;
	s2 =	simm.s32 @!p0 $0x1C07  }
0x3d5: {  	[timem:s3], [sflag:s2] =	dma.local @!p0 [hbm:s0], s1  }
0x3d6: {  	s0 =	simm.s32 @!p0 $0x7  }
0x3d7: {  	_ =	swait.ge @!p0 [sflag:s0], s1  }
0x3d8: {  	s1 =	ssub.s32 @!p0 $0x0, s1;
	[sflag:s0] =	ssyncset.done @!p0 $0x0  }
0x3d9: {  	[sflag:s0] =	ssyncadd.s32 @!p0 s1  }
0x3da: {  	[bflag:$0x3] =	sbarrier.arrive $0xFFFF  }
0x3db: {  	_ =	shalt  }

</sc_bundles>
